<compile_context>
chip_gen: v7x
topology: tpu7x:2x2x1
jax: 0.10.2.dev20260603
libtpu: 0.0.44.dev20260713+nightly
codegen_flags: <defaults>
</compile_context>

<pallas_src>
import functools

import jax
import jax.numpy as jnp
from jax import lax
from jax.experimental import pallas as pl
from jax.experimental.pallas import tpu as pltpu
from jax.experimental.pallas import tpu_sc as plsc

B, S, D = 4, 2048, 768
W = 5
NWIN = S // W
L = NWIN * W
LANES = 16
NBANDS = 8
RBAND = 256
IN_LO = 32
NIN = 312
MARG = 24
NOUT = RBAND + 2 * MARG
QBLKS = D // 128

_NET = ((0, 1), (3, 4), (2, 4), (2, 3), (0, 3), (0, 2), (1, 4), (1, 3), (1, 2))


def _sort_scatter(in_v, out_v, i_vec, lc, k, lin_off, lo_off):
    base = i_vec + W * k
    lin = base + lin_off
    lo = base + lo_off
    xs = [plsc.load_gather(in_v, [lin + j, lc]) for j in range(W)]
    for a, bb in _NET:
        lo_v = jnp.minimum(xs[a], xs[bb])
        hi_v = jnp.maximum(xs[a], xs[bb])
        xs[a], xs[bb] = lo_v, hi_v
    for r in range(W):
        plsc.store_scatter(out_v, [lo + r, lc], xs[r])


def _body(v_hbm, out_hbm, in_v, out_v):
    cid = lax.axis_index("c")
    sid = lax.axis_index("s")
    wid = sid * 2 + cid
    b = wid // NBANDS
    jband = wid - b * NBANDS
    t0 = jband * RBAND
    t1 = jnp.where(jband == NBANDS - 1, L, t0 + RBAND)
    lane = lax.broadcasted_iota(jnp.int32, (LANES,), 0)

    m1 = pl.multiple_of((t0 - IN_LO) & (S - 1), 8)
    t0a = pl.multiple_of(t0, 8)
    m3 = pl.multiple_of((t0 + RBAND) & (S - 1), 8)

    for q in range(QBLKS):
        c0 = 128 * q
        cs = pl.ds(c0, 128)
        pltpu.sync_copy(v_hbm.at[b, pl.ds(m1, IN_LO), cs],
                        in_v.at[pl.ds(0, IN_LO)])
        pltpu.sync_copy(v_hbm.at[b, pl.ds(t0a, RBAND), cs],
                        in_v.at[pl.ds(IN_LO, RBAND)])
        pltpu.sync_copy(v_hbm.at[b, pl.ds(m3, NIN - IN_LO - RBAND), cs],
                        in_v.at[pl.ds(IN_LO + RBAND, NIN - IN_LO - RBAND)])

        def per_group(g, carry, t0=t0, t1=t1, c0=c0):
            i0 = c0 + 16 * g
            i_vec = i0 + lane
            lc = 16 * g + lane
            k1_lo = jnp.maximum(0, (t0 - 19 - i0 + 4) // 5)
            k1_hi = jnp.minimum(NWIN, (t1 - 1 - i0) // 5 + 1)

            @plsc.parallel_loop(k1_lo, k1_hi, unroll=4)
            def fam1(k):
                _sort_scatter(in_v, out_v, i_vec, lc, k,
                              IN_LO - t0, MARG - t0)

            k2_lo = jnp.maximum(0, (2026 + t0 - i0 + 4) // 5)
            k2_hi = jnp.minimum(NWIN, (2044 + t1 - i0) // 5 + 1)

            @plsc.parallel_loop(k2_lo, k2_hi, unroll=4)
            def fam2(k):
                _sort_scatter(in_v, out_v, i_vec, lc, k,
                              IN_LO - S - t0, MARG - L - t0)

            return carry

        lax.fori_loop(0, 8, per_group, 0)

        pltpu.sync_copy(out_v.at[pl.ds(MARG, RBAND)],
                        out_hbm.at[b, pl.ds(t0a, RBAND), cs])


@jax.jit
def _run(v):
    kfn = functools.partial(
        pl.kernel,
        mesh=plsc.VectorSubcoreMesh(core_axis_name="c", subcore_axis_name="s"),
        out_type=jax.ShapeDtypeStruct((B, S, D), jnp.float32),
        scratch_types=[
            pltpu.VMEM((NIN, 128), jnp.float32),
            pltpu.VMEM((NOUT, 128), jnp.float32),
        ],
        compiler_params=pltpu.CompilerParams(
            use_tc_tiling_on_sc=True, needs_layout_passes=False
        ),
    )(_body)
    return kfn(v)[:, :L, :]


def kernel(q, k, v):
    del q, k
    return _run(v)

# --- scband reference (transcript-rebuilt; emitter-appended) ---
"""Pipeline reference for scband-swd18-28449863369562 (READ-ONLY COPY).

The authoritative reference and input builder live on the scoring server;
editing this copy changes nothing except your own understanding.
"""

import jax, jax.numpy as jnp
import numpy as np


def setup_inputs(seed: int = 0) -> dict:
    key = jax.random.key(seed)
    k1, k2, k3 = jax.random.split(key, 3)
    B, S, D = 4, 2048, 768
    q = jax.random.normal(k1, (B, S, D), dtype=jnp.float32)
    k = jax.random.normal(k2, (B, S, D), dtype=jnp.float32)
    v = jax.random.normal(k3, (B, S, D), dtype=jnp.float32)
    return {"q": q, "k": k, "v": v}


def reference(q, k, v):
    # Faithful vectorized translation of SWD18.forward.
    # Per channel i: roll v[:, :, i] left by i, sort within contiguous windows of 5
    # (truncating the trailing remainder), then roll the sorted sequence right by i.
    B, v_len, d_v = v.shape
    w = 5
    n = v_len // w
    L = n * w
    vt = jnp.transpose(v, (0, 2, 1))  # [B, d_v, v_len]
    t = jnp.arange(v_len)
    ch = jnp.arange(d_v)
    # left-roll by channel index: result[t] = v[(t + i) mod v_len]
    idx_shift = (t[None, :] + ch[:, None]) % v_len  # [d_v, v_len]
    shifted = jnp.take_along_axis(vt, idx_shift[None, :, :], axis=2)  # [B, d_v, v_len]
    # windowed sort over first L = (v_len // 5) * 5 elements
    trunc = shifted[:, :, :L].reshape(B, d_v, n, w)
    srt = jnp.sort(trunc, axis=3).reshape(B, d_v, L)
    # right-roll by channel index on length-L sequence: result[t] = s[(t - i) mod L]
    tL = jnp.arange(L)
    idx_back = (tL[None, :] - ch[:, None]) % L  # [d_v, L]
    rolled = jnp.take_along_axis(srt, idx_back[None, :, :], axis=2)  # [B, d_v, L]
    return jnp.transpose(rolled, (0, 2, 1))  # [B, L, d_v]

if __name__ == "__main__":
    import jax
    _d = setup_inputs()
    print(jax.jit(kernel)(*tuple(_d.values())))

</pallas_src>

<mosaic_0001>
#map = affine_map<(d0, d1) -> (0, 0, 0)>
module attributes {stable_mosaic.version = 14 : i64} {
  func.func @_body(%arg0: i32, %arg1: i32, %arg2: memref<4x2048x768xf32, #tpu.memory_space<hbm>>, %arg3: memref<4x2048x768xf32, #tpu.memory_space<hbm>>, %arg4: memref<312x128xf32, #tpu.memory_space<vmem>>, %arg5: memref<304x128xf32, #tpu.memory_space<vmem>>) attributes {dimension_semantics = [#tpu.dimension_semantics<core_parallel>, #tpu.dimension_semantics<subcore_parallel>], iteration_bounds = array<i64: 2, 16>, scalar_prefetch = 0 : i64, scratch_operands = 2 : i64, tpu.core_type = #tpu.core_type<sc_vector_subcore>, window_params = [{transform_indices = #map}, {transform_indices = #map}]} {
    %mul3A = arith.constant 2 : i32
    %mul3A_0 = arith.muli %arg1, %mul3A : i32
    %add3A = arith.addi %mul3A_0, %arg0 : i32
    %jit3A = arith.constant 8 : i32
    %div3A = arith.divsi %add3A, %jit3A : i32
    %sign3A = arith.constant 0 : i32
    %sign3A_1 = arith.cmpi sgt, %add3A, %sign3A : i32
    %sign3A_2 = arith.extui %sign3A_1 : i1 to i32
    %sign3A_3 = arith.constant 0 : i32
    %sign3A_4 = arith.cmpi slt, %add3A, %sign3A_3 : i32
    %sign3A_5 = arith.extui %sign3A_4 : i1 to i32
    %sign3A_6 = arith.subi %sign3A_2, %sign3A_5 : i32
    %sign3A_7 = arith.constant 0 : i32
    %sign3A_8 = arith.cmpi sgt, %jit3A, %sign3A_7 : i32
    %sign3A_9 = arith.extui %sign3A_8 : i1 to i32
    %sign3A_10 = arith.constant 0 : i32
    %sign3A_11 = arith.cmpi slt, %jit3A, %sign3A_10 : i32
    %sign3A_12 = arith.extui %sign3A_11 : i1 to i32
    %sign3A_13 = arith.subi %sign3A_9, %sign3A_12 : i32
    %ne3A = arith.cmpi ne, %sign3A_6, %sign3A_13 : i32
    %rem3A = arith.remsi %add3A, %jit3A : i32
    %ne3A_14 = arith.constant 0 : i32
    %ne3A_15 = arith.cmpi ne, %rem3A, %ne3A_14 : i32
    %and3A = arith.andi %ne3A, %ne3A_15 : i1
    %sub3A = arith.constant 1 : i32
    %sub3A_16 = arith.subi %div3A, %sub3A : i32
    %select_n3A = arith.select %and3A, %sub3A_16, %div3A : i32
    %mul3A_17 = arith.constant 8 : i32
    %mul3A_18 = arith.muli %select_n3A, %mul3A_17 : i32
    %sub3A_19 = arith.subi %add3A, %mul3A_18 : i32
    %mul3A_20 = arith.constant 256 : i32
    %mul3A_21 = arith.muli %sub3A_19, %mul3A_20 : i32
    %eq3A = arith.constant 7 : i32
    %eq3A_22 = arith.cmpi eq, %sub3A_19, %eq3A : i32
    %add3A_23 = arith.constant 256 : i32
    %add3A_24 = arith.addi %mul3A_21, %add3A_23 : i32
    %jit3A_25 = arith.constant 2045 : i32
    %select_n3A_26 = arith.select %eq3A_22, %jit3A_25, %add3A_24 : i32
    %iota3A = tpu.iota {dimensions = array<i32: 0>} : vector<16xi32>
    %sub3A_27 = arith.constant 32 : i32
    %sub3A_28 = arith.subi %mul3A_21, %sub3A_27 : i32
    %and3A_29 = arith.constant 2047 : i32
    %and3A_30 = arith.andi %sub3A_28, %and3A_29 : i32
    %multiple_of3A = tpu.assume_multiple %and3A_30, 8 : i32
    %multiple_of3A_31 = tpu.assume_multiple %mul3A_21, 8 : i32
    %add3A_32 = arith.constant 256 : i32
    %add3A_33 = arith.addi %mul3A_21, %add3A_32 : i32
    %and3A_34 = arith.constant 2047 : i32
    %and3A_35 = arith.andi %add3A_33, %and3A_34 : i32
    %multiple_of3A_36 = tpu.assume_multiple %and3A_35, 8 : i32
    "tpu.region"() ({
      %run_scoped3A = tpu.sem_alloc : memref<!tpu.dma_semaphore, #tpu.memory_space<semaphore_mem>>
      %dma_start3A = arith.constant 0 : i32
      %dma_start3A_72 = arith.constant 0 : i32
      %dma_start3A_73 = tpu.memref_slice %arg4[%dma_start3A, %dma_start3A_72] : memref<312x128xf32, #tpu.memory_space<vmem>> -> memref<32x128xf32, #tpu.memory_space<vmem>>
      %dma_start3A_74 = arith.constant 0 : i32
      %dma_start3A_75 = tpu.memref_slice %arg2[%select_n3A, %multiple_of3A, %dma_start3A_74] : memref<4x2048x768xf32, #tpu.memory_space<hbm>> -> memref<1x32x128xf32, #tpu.memory_space<hbm>>
      %dma_start3A_76 = tpu.memref_squeeze %dma_start3A_75 : memref<1x32x128xf32, #tpu.memory_space<hbm>> -> memref<32x128xf32, #tpu.memory_space<hbm>>
      %dma_start3A_77 = arith.constant 0 : i32
      %dma_start3A_78 = arith.constant 0 : i32
      %dma_start3A_79 = tpu.memref_slice %arg4[%dma_start3A_77, %dma_start3A_78] : memref<312x128xf32, #tpu.memory_space<vmem>> -> memref<32x128xf32, #tpu.memory_space<vmem>>
      %dma_start3A_80 = arith.constant 0 : i32
      %dma_start3A_81 = tpu.memref_slice %arg2[%select_n3A, %multiple_of3A, %dma_start3A_80] : memref<4x2048x768xf32, #tpu.memory_space<hbm>> -> memref<1x32x128xf32, #tpu.memory_space<hbm>>
      %dma_start3A_82 = tpu.memref_squeeze %dma_start3A_81 : memref<1x32x128xf32, #tpu.memory_space<hbm>> -> memref<32x128xf32, #tpu.memory_space<hbm>>
      tpu.enqueue_dma source(%dma_start3A_82 : memref<32x128xf32, #tpu.memory_space<hbm>>) target(%dma_start3A_79 : memref<32x128xf32, #tpu.memory_space<vmem>>) target_semaphore(%run_scoped3A : memref<!tpu.dma_semaphore, #tpu.memory_space<semaphore_mem>>)
      %dma_wait3A = arith.constant 0 : i32
      %dma_wait3A_83 = arith.constant 0 : i32
      %dma_wait3A_84 = tpu.memref_slice %arg4[%dma_wait3A, %dma_wait3A_83] : memref<312x128xf32, #tpu.memory_space<vmem>> -> memref<32x128xf32, #tpu.memory_space<vmem>>
      %dma_wait3A_85 = arith.constant 0 : i32
      %dma_wait3A_86 = tpu.memref_slice %arg2[%select_n3A, %multiple_of3A, %dma_wait3A_85] : memref<4x2048x768xf32, #tpu.memory_space<hbm>> -> memref<1x32x128xf32, #tpu.memory_space<hbm>>
      %dma_wait3A_87 = tpu.memref_squeeze %dma_wait3A_86 : memref<1x32x128xf32, #tpu.memory_space<hbm>> -> memref<32x128xf32, #tpu.memory_space<hbm>>
      %dma_wait3A_88 = arith.constant 0 : i32
      %dma_wait3A_89 = arith.constant 0 : i32
      %dma_wait3A_90 = tpu.memref_slice %arg4[%dma_wait3A_88, %dma_wait3A_89] : memref<312x128xf32, #tpu.memory_space<vmem>> -> memref<32x128xf32, #tpu.memory_space<vmem>>
      %dma_wait3A_91 = arith.constant 0 : i32
      %dma_wait3A_92 = tpu.memref_slice %arg2[%select_n3A, %multiple_of3A, %dma_wait3A_91] : memref<4x2048x768xf32, #tpu.memory_space<hbm>> -> memref<1x32x128xf32, #tpu.memory_space<hbm>>
      %dma_wait3A_93 = tpu.memref_squeeze %dma_wait3A_92 : memref<1x32x128xf32, #tpu.memory_space<hbm>> -> memref<32x128xf32, #tpu.memory_space<hbm>>
      tpu.wait_dma2 semaphore(%run_scoped3A : memref<!tpu.dma_semaphore, #tpu.memory_space<semaphore_mem>>) src(%dma_wait3A_93 : memref<32x128xf32, #tpu.memory_space<hbm>>) dst(%dma_wait3A_90 : memref<32x128xf32, #tpu.memory_space<vmem>>)
      tpu.yield
    }) : () -> ()
    "tpu.region"() ({
      %run_scoped3A = tpu.sem_alloc : memref<!tpu.dma_semaphore, #tpu.memory_space<semaphore_mem>>
      %dma_start3A = arith.constant 32 : i32
      %dma_start3A_72 = arith.constant 0 : i32
      %dma_start3A_73 = tpu.memref_slice %arg4[%dma_start3A, %dma_start3A_72] : memref<312x128xf32, #tpu.memory_space<vmem>> -> memref<256x128xf32, #tpu.memory_space<vmem>>
      %dma_start3A_74 = arith.constant 0 : i32
      %dma_start3A_75 = tpu.memref_slice %arg2[%select_n3A, %multiple_of3A_31, %dma_start3A_74] : memref<4x2048x768xf32, #tpu.memory_space<hbm>> -> memref<1x256x128xf32, #tpu.memory_space<hbm>>
      %dma_start3A_76 = tpu.memref_squeeze %dma_start3A_75 : memref<1x256x128xf32, #tpu.memory_space<hbm>> -> memref<256x128xf32, #tpu.memory_space<hbm>>
      %dma_start3A_77 = arith.constant 32 : i32
      %dma_start3A_78 = arith.constant 0 : i32
      %dma_start3A_79 = tpu.memref_slice %arg4[%dma_start3A_77, %dma_start3A_78] : memref<312x128xf32, #tpu.memory_space<vmem>> -> memref<256x128xf32, #tpu.memory_space<vmem>>
      %dma_start3A_80 = arith.constant 0 : i32
      %dma_start3A_81 = tpu.memref_slice %arg2[%select_n3A, %multiple_of3A_31, %dma_start3A_80] : memref<4x2048x768xf32, #tpu.memory_space<hbm>> -> memref<1x256x128xf32, #tpu.memory_space<hbm>>
      %dma_start3A_82 = tpu.memref_squeeze %dma_start3A_81 : memref<1x256x128xf32, #tpu.memory_space<hbm>> -> memref<256x128xf32, #tpu.memory_space<hbm>>
      tpu.enqueue_dma source(%dma_start3A_82 : memref<256x128xf32, #tpu.memory_space<hbm>>) target(%dma_start3A_79 : memref<256x128xf32, #tpu.memory_space<vmem>>) target_semaphore(%run_scoped3A : memref<!tpu.dma_semaphore, #tpu.memory_space<semaphore_mem>>)
      %dma_wait3A = arith.constant 32 : i32
      %dma_wait3A_83 = arith.constant 0 : i32
      %dma_wait3A_84 = tpu.memref_slice %arg4[%dma_wait3A, %dma_wait3A_83] : memref<312x128xf32, #tpu.memory_space<vmem>> -> memref<256x128xf32, #tpu.memory_space<vmem>>
      %dma_wait3A_85 = arith.constant 0 : i32
      %dma_wait3A_86 = tpu.memref_slice %arg2[%select_n3A, %multiple_of3A_31, %dma_wait3A_85] : memref<4x2048x768xf32, #tpu.memory_space<hbm>> -> memref<1x256x128xf32, #tpu.memory_space<hbm>>
      %dma_wait3A_87 = tpu.memref_squeeze %dma_wait3A_86 : memref<1x256x128xf32, #tpu.memory_space<hbm>> -> memref<256x128xf32, #tpu.memory_space<hbm>>
      %dma_wait3A_88 = arith.constant 32 : i32
      %dma_wait3A_89 = arith.constant 0 : i32
      %dma_wait3A_90 = tpu.memref_slice %arg4[%dma_wait3A_88, %dma_wait3A_89] : memref<312x128xf32, #tpu.memory_space<vmem>> -> memref<256x128xf32, #tpu.memory_space<vmem>>
      %dma_wait3A_91 = arith.constant 0 : i32
      %dma_wait3A_92 = tpu.memref_slice %arg2[%select_n3A, %multiple_of3A_31, %dma_wait3A_91] : memref<4x2048x768xf32, #tpu.memory_space<hbm>> -> memref<1x256x128xf32, #tpu.memory_space<hbm>>
      %dma_wait3A_93 = tpu.memref_squeeze %dma_wait3A_92 : memref<1x256x128xf32, #tpu.memory_space<hbm>> -> memref<256x128xf32, #tpu.memory_space<hbm>>
      tpu.wait_dma2 semaphore(%run_scoped3A : memref<!tpu.dma_semaphore, #tpu.memory_space<semaphore_mem>>) src(%dma_wait3A_93 : memref<256x128xf32, #tpu.memory_space<hbm>>) dst(%dma_wait3A_90 : memref<256x128xf32, #tpu.memory_space<vmem>>)
      tpu.yield
    }) : () -> ()
    "tpu.region"() ({
      %run_scoped3A = tpu.sem_alloc : memref<!tpu.dma_semaphore, #tpu.memory_space<semaphore_mem>>
      %dma_start3A = arith.constant 288 : i32
      %dma_start3A_72 = arith.constant 0 : i32
      %dma_start3A_73 = tpu.memref_slice %arg4[%dma_start3A, %dma_start3A_72] : memref<312x128xf32, #tpu.memory_space<vmem>> -> memref<24x128xf32, #tpu.memory_space<vmem>>
      %dma_start3A_74 = arith.constant 0 : i32
      %dma_start3A_75 = tpu.memref_slice %arg2[%select_n3A, %multiple_of3A_36, %dma_start3A_74] : memref<4x2048x768xf32, #tpu.memory_space<hbm>> -> memref<1x24x128xf32, #tpu.memory_space<hbm>>
      %dma_start3A_76 = tpu.memref_squeeze %dma_start3A_75 : memref<1x24x128xf32, #tpu.memory_space<hbm>> -> memref<24x128xf32, #tpu.memory_space<hbm>>
      %dma_start3A_77 = arith.constant 288 : i32
      %dma_start3A_78 = arith.constant 0 : i32
      %dma_start3A_79 = tpu.memref_slice %arg4[%dma_start3A_77, %dma_start3A_78] : memref<312x128xf32, #tpu.memory_space<vmem>> -> memref<24x128xf32, #tpu.memory_space<vmem>>
      %dma_start3A_80 = arith.constant 0 : i32
      %dma_start3A_81 = tpu.memref_slice %arg2[%select_n3A, %multiple_of3A_36, %dma_start3A_80] : memref<4x2048x768xf32, #tpu.memory_space<hbm>> -> memref<1x24x128xf32, #tpu.memory_space<hbm>>
      %dma_start3A_82 = tpu.memref_squeeze %dma_start3A_81 : memref<1x24x128xf32, #tpu.memory_space<hbm>> -> memref<24x128xf32, #tpu.memory_space<hbm>>
      tpu.enqueue_dma source(%dma_start3A_82 : memref<24x128xf32, #tpu.memory_space<hbm>>) target(%dma_start3A_79 : memref<24x128xf32, #tpu.memory_space<vmem>>) target_semaphore(%run_scoped3A : memref<!tpu.dma_semaphore, #tpu.memory_space<semaphore_mem>>)
      %dma_wait3A = arith.constant 288 : i32
      %dma_wait3A_83 = arith.constant 0 : i32
      %dma_wait3A_84 = tpu.memref_slice %arg4[%dma_wait3A, %dma_wait3A_83] : memref<312x128xf32, #tpu.memory_space<vmem>> -> memref<24x128xf32, #tpu.memory_space<vmem>>
      %dma_wait3A_85 = arith.constant 0 : i32
      %dma_wait3A_86 = tpu.memref_slice %arg2[%select_n3A, %multiple_of3A_36, %dma_wait3A_85] : memref<4x2048x768xf32, #tpu.memory_space<hbm>> -> memref<1x24x128xf32, #tpu.memory_space<hbm>>
      %dma_wait3A_87 = tpu.memref_squeeze %dma_wait3A_86 : memref<1x24x128xf32, #tpu.memory_space<hbm>> -> memref<24x128xf32, #tpu.memory_space<hbm>>
      %dma_wait3A_88 = arith.constant 288 : i32
      %dma_wait3A_89 = arith.constant 0 : i32
      %dma_wait3A_90 = tpu.memref_slice %arg4[%dma_wait3A_88, %dma_wait3A_89] : memref<312x128xf32, #tpu.memory_space<vmem>> -> memref<24x128xf32, #tpu.memory_space<vmem>>
      %dma_wait3A_91 = arith.constant 0 : i32
      %dma_wait3A_92 = tpu.memref_slice %arg2[%select_n3A, %multiple_of3A_36, %dma_wait3A_91] : memref<4x2048x768xf32, #tpu.memory_space<hbm>> -> memref<1x24x128xf32, #tpu.memory_space<hbm>>
      %dma_wait3A_93 = tpu.memref_squeeze %dma_wait3A_92 : memref<1x24x128xf32, #tpu.memory_space<hbm>> -> memref<24x128xf32, #tpu.memory_space<hbm>>
      tpu.wait_dma2 semaphore(%run_scoped3A : memref<!tpu.dma_semaphore, #tpu.memory_space<semaphore_mem>>) src(%dma_wait3A_93 : memref<24x128xf32, #tpu.memory_space<hbm>>) dst(%dma_wait3A_90 : memref<24x128xf32, #tpu.memory_space<vmem>>)
      tpu.yield
    }) : () -> ()
    %scan3A = arith.constant 0 : i32
    %scan3A_37 = arith.constant 0 : i32
    %scan3A_38 = arith.constant 8 : i32
    %scan3A_39 = arith.addi %scan3A_37, %scan3A_38 : i32
    %scan3A_40 = arith.constant 1 : i32
    scf.for %scan3A_72 = %scan3A_37 to %scan3A_39 step %scan3A_40  : i32 {
      %mul3A_73 = arith.constant 16 : i32
      %mul3A_74 = arith.muli %mul3A_73, %scan3A_72 : i32
      %add3A_75 = arith.constant 0 : i32
      %add3A_76 = arith.addi %add3A_75, %mul3A_74 : i32
      %add3A_77 = vector.broadcast %add3A_76 : i32 to vector<16xi32>
      %add3A_78 = arith.addi %add3A_77, %iota3A : vector<16xi32>
      %mul3A_79 = arith.constant 16 : i32
      %mul3A_80 = arith.muli %mul3A_79, %scan3A_72 : i32
      %add3A_81 = vector.broadcast %mul3A_80 : i32 to vector<16xi32>
      %add3A_82 = arith.addi %add3A_81, %iota3A : vector<16xi32>
      %sub3A_83 = arith.constant 19 : i32
      %sub3A_84 = arith.subi %mul3A_21, %sub3A_83 : i32
      %sub3A_85 = arith.subi %sub3A_84, %add3A_76 : i32
      %add3A_86 = arith.constant 4 : i32
      %add3A_87 = arith.addi %sub3A_85, %add3A_86 : i32
      %jit3A_88 = arith.constant 5 : i32
      %div3A_89 = arith.divsi %add3A_87, %jit3A_88 : i32
      %sign3A_90 = arith.constant 0 : i32
      %sign3A_91 = arith.cmpi sgt, %add3A_87, %sign3A_90 : i32
      %sign3A_92 = arith.extui %sign3A_91 : i1 to i32
      %sign3A_93 = arith.constant 0 : i32
      %sign3A_94 = arith.cmpi slt, %add3A_87, %sign3A_93 : i32
      %sign3A_95 = arith.extui %sign3A_94 : i1 to i32
      %sign3A_96 = arith.subi %sign3A_92, %sign3A_95 : i32
      %sign3A_97 = arith.constant 0 : i32
      %sign3A_98 = arith.cmpi sgt, %jit3A_88, %sign3A_97 : i32
      %sign3A_99 = arith.extui %sign3A_98 : i1 to i32
      %sign3A_100 = arith.constant 0 : i32
      %sign3A_101 = arith.cmpi slt, %jit3A_88, %sign3A_100 : i32
      %sign3A_102 = arith.extui %sign3A_101 : i1 to i32
      %sign3A_103 = arith.subi %sign3A_99, %sign3A_102 : i32
      %ne3A_104 = arith.cmpi ne, %sign3A_96, %sign3A_103 : i32
      %rem3A_105 = arith.remsi %add3A_87, %jit3A_88 : i32
      %ne3A_106 = arith.constant 0 : i32
      %ne3A_107 = arith.cmpi ne, %rem3A_105, %ne3A_106 : i32
      %and3A_108 = arith.andi %ne3A_104, %ne3A_107 : i1
      %sub3A_109 = arith.constant 1 : i32
      %sub3A_110 = arith.subi %div3A_89, %sub3A_109 : i32
      %select_n3A_111 = arith.select %and3A_108, %sub3A_110, %div3A_89 : i32
      %max3A = arith.constant 0 : i32
      %max3A_112 = arith.maxsi %max3A, %select_n3A_111 : i32
      %sub3A_113 = arith.constant 1 : i32
      %sub3A_114 = arith.subi %select_n3A_26, %sub3A_113 : i32
      %sub3A_115 = arith.subi %sub3A_114, %add3A_76 : i32
      %jit3A_116 = arith.constant 5 : i32
      %div3A_117 = arith.divsi %sub3A_115, %jit3A_116 : i32
      %sign3A_118 = arith.constant 0 : i32
      %sign3A_119 = arith.cmpi sgt, %sub3A_115, %sign3A_118 : i32
      %sign3A_120 = arith.extui %sign3A_119 : i1 to i32
      %sign3A_121 = arith.constant 0 : i32
      %sign3A_122 = arith.cmpi slt, %sub3A_115, %sign3A_121 : i32
      %sign3A_123 = arith.extui %sign3A_122 : i1 to i32
      %sign3A_124 = arith.subi %sign3A_120, %sign3A_123 : i32
      %sign3A_125 = arith.constant 0 : i32
      %sign3A_126 = arith.cmpi sgt, %jit3A_116, %sign3A_125 : i32
      %sign3A_127 = arith.extui %sign3A_126 : i1 to i32
      %sign3A_128 = arith.constant 0 : i32
      %sign3A_129 = arith.cmpi slt, %jit3A_116, %sign3A_128 : i32
      %sign3A_130 = arith.extui %sign3A_129 : i1 to i32
      %sign3A_131 = arith.subi %sign3A_127, %sign3A_130 : i32
      %ne3A_132 = arith.cmpi ne, %sign3A_124, %sign3A_131 : i32
      %rem3A_133 = arith.remsi %sub3A_115, %jit3A_116 : i32
      %ne3A_134 = arith.constant 0 : i32
      %ne3A_135 = arith.cmpi ne, %rem3A_133, %ne3A_134 : i32
      %and3A_136 = arith.andi %ne3A_132, %ne3A_135 : i1
      %sub3A_137 = arith.constant 1 : i32
      %sub3A_138 = arith.subi %div3A_117, %sub3A_137 : i32
      %select_n3A_139 = arith.select %and3A_136, %sub3A_138, %div3A_117 : i32
      %add3A_140 = arith.constant 1 : i32
      %add3A_141 = arith.addi %select_n3A_139, %add3A_140 : i32
      %min3A = arith.constant 409 : i32
      %min3A_142 = arith.minsi %min3A, %add3A_141 : i32
      %parallel_loop3A = arith.constant 1 : i32
      scf.for %parallel_loop3A_206 = %max3A_112 to %min3A_142 step %parallel_loop3A  : i32 {
        %parallel_loop3A_207 = arith.constant 32 : i32
        %parallel_loop3A_208 = arith.subi %parallel_loop3A_207, %mul3A_21 : i32
        %parallel_loop3A_209 = arith.constant 24 : i32
        %parallel_loop3A_210 = arith.subi %parallel_loop3A_209, %mul3A_21 : i32
        %parallel_loop3A_211 = arith.constant 5 : i32
        %parallel_loop3A_212 = arith.muli %parallel_loop3A_211, %parallel_loop3A_206 : i32
        %parallel_loop3A_213 = vector.broadcast %parallel_loop3A_212 : i32 to vector<16xi32>
        %parallel_loop3A_214 = arith.addi %add3A_78, %parallel_loop3A_213 : vector<16xi32>
        %parallel_loop3A_215 = vector.broadcast %parallel_loop3A_208 : i32 to vector<16xi32>
        %parallel_loop3A_216 = arith.addi %parallel_loop3A_214, %parallel_loop3A_215 : vector<16xi32>
        %parallel_loop3A_217 = vector.broadcast %parallel_loop3A_210 : i32 to vector<16xi32>
        %parallel_loop3A_218 = arith.addi %parallel_loop3A_214, %parallel_loop3A_217 : vector<16xi32>
        %parallel_loop3A_219 = arith.constant 0 : i32
        %parallel_loop3A_220 = vector.broadcast %parallel_loop3A_219 : i32 to vector<16xi32>
        %parallel_loop3A_221 = arith.addi %parallel_loop3A_216, %parallel_loop3A_220 : vector<16xi32>
        %parallel_loop3A_222 = tpu.vector_load_idx %arg4[%parallel_loop3A_221, %add3A_82] : memref<312x128xf32, #tpu.memory_space<vmem>>[vector<16xi32>, vector<16xi32>], vector<16xf32>,
        %parallel_loop3A_223 = arith.constant 1 : i32
        %parallel_loop3A_224 = vector.broadcast %parallel_loop3A_223 : i32 to vector<16xi32>
        %parallel_loop3A_225 = arith.addi %parallel_loop3A_216, %parallel_loop3A_224 : vector<16xi32>
        %parallel_loop3A_226 = tpu.vector_load_idx %arg4[%parallel_loop3A_225, %add3A_82] : memref<312x128xf32, #tpu.memory_space<vmem>>[vector<16xi32>, vector<16xi32>], vector<16xf32>,
        %parallel_loop3A_227 = arith.constant 2 : i32
        %parallel_loop3A_228 = vector.broadcast %parallel_loop3A_227 : i32 to vector<16xi32>
        %parallel_loop3A_229 = arith.addi %parallel_loop3A_216, %parallel_loop3A_228 : vector<16xi32>
        %parallel_loop3A_230 = tpu.vector_load_idx %arg4[%parallel_loop3A_229, %add3A_82] : memref<312x128xf32, #tpu.memory_space<vmem>>[vector<16xi32>, vector<16xi32>], vector<16xf32>,
        %parallel_loop3A_231 = arith.constant 3 : i32
        %parallel_loop3A_232 = vector.broadcast %parallel_loop3A_231 : i32 to vector<16xi32>
        %parallel_loop3A_233 = arith.addi %parallel_loop3A_216, %parallel_loop3A_232 : vector<16xi32>
        %parallel_loop3A_234 = tpu.vector_load_idx %arg4[%parallel_loop3A_233, %add3A_82] : memref<312x128xf32, #tpu.memory_space<vmem>>[vector<16xi32>, vector<16xi32>], vector<16xf32>,
        %parallel_loop3A_235 = arith.constant 4 : i32
        %parallel_loop3A_236 = vector.broadcast %parallel_loop3A_235 : i32 to vector<16xi32>
        %parallel_loop3A_237 = arith.addi %parallel_loop3A_216, %parallel_loop3A_236 : vector<16xi32>
        %parallel_loop3A_238 = tpu.vector_load_idx %arg4[%parallel_loop3A_237, %add3A_82] : memref<312x128xf32, #tpu.memory_space<vmem>>[vector<16xi32>, vector<16xi32>], vector<16xf32>,
        %parallel_loop3A_239 = arith.minimumf %parallel_loop3A_222, %parallel_loop3A_226 : vector<16xf32>
        %parallel_loop3A_240 = arith.maximumf %parallel_loop3A_222, %parallel_loop3A_226 : vector<16xf32>
        %parallel_loop3A_241 = arith.minimumf %parallel_loop3A_234, %parallel_loop3A_238 : vector<16xf32>
        %parallel_loop3A_242 = arith.maximumf %parallel_loop3A_234, %parallel_loop3A_238 : vector<16xf32>
        %parallel_loop3A_243 = arith.minimumf %parallel_loop3A_230, %parallel_loop3A_242 : vector<16xf32>
        %parallel_loop3A_244 = arith.maximumf %parallel_loop3A_230, %parallel_loop3A_242 : vector<16xf32>
        %parallel_loop3A_245 = arith.minimumf %parallel_loop3A_243, %parallel_loop3A_241 : vector<16xf32>
        %parallel_loop3A_246 = arith.maximumf %parallel_loop3A_243, %parallel_loop3A_241 : vector<16xf32>
        %parallel_loop3A_247 = arith.minimumf %parallel_loop3A_239, %parallel_loop3A_246 : vector<16xf32>
        %parallel_loop3A_248 = arith.maximumf %parallel_loop3A_239, %parallel_loop3A_246 : vector<16xf32>
        %parallel_loop3A_249 = arith.minimumf %parallel_loop3A_247, %parallel_loop3A_245 : vector<16xf32>
        %parallel_loop3A_250 = arith.maximumf %parallel_loop3A_247, %parallel_loop3A_245 : vector<16xf32>
        %parallel_loop3A_251 = arith.minimumf %parallel_loop3A_240, %parallel_loop3A_244 : vector<16xf32>
        %parallel_loop3A_252 = arith.maximumf %parallel_loop3A_240, %parallel_loop3A_244 : vector<16xf32>
        %parallel_loop3A_253 = arith.minimumf %parallel_loop3A_251, %parallel_loop3A_248 : vector<16xf32>
        %parallel_loop3A_254 = arith.maximumf %parallel_loop3A_251, %parallel_loop3A_248 : vector<16xf32>
        %parallel_loop3A_255 = arith.minimumf %parallel_loop3A_253, %parallel_loop3A_250 : vector<16xf32>
        %parallel_loop3A_256 = arith.maximumf %parallel_loop3A_253, %parallel_loop3A_250 : vector<16xf32>
        %parallel_loop3A_257 = arith.constant 0 : i32
        %parallel_loop3A_258 = vector.broadcast %parallel_loop3A_257 : i32 to vector<16xi32>
        %parallel_loop3A_259 = arith.addi %parallel_loop3A_218, %parallel_loop3A_258 : vector<16xi32>
        tpu.vector_store_idx %arg5[%parallel_loop3A_259, %add3A_82], %parallel_loop3A_249 : memref<304x128xf32, #tpu.memory_space<vmem>>[vector<16xi32>, vector<16xi32>], vector<16xf32>,
        %parallel_loop3A_260 = arith.constant 1 : i32
        %parallel_loop3A_261 = vector.broadcast %parallel_loop3A_260 : i32 to vector<16xi32>
        %parallel_loop3A_262 = arith.addi %parallel_loop3A_218, %parallel_loop3A_261 : vector<16xi32>
        tpu.vector_store_idx %arg5[%parallel_loop3A_262, %add3A_82], %parallel_loop3A_255 : memref<304x128xf32, #tpu.memory_space<vmem>>[vector<16xi32>, vector<16xi32>], vector<16xf32>,
        %parallel_loop3A_263 = arith.constant 2 : i32
        %parallel_loop3A_264 = vector.broadcast %parallel_loop3A_263 : i32 to vector<16xi32>
        %parallel_loop3A_265 = arith.addi %parallel_loop3A_218, %parallel_loop3A_264 : vector<16xi32>
        tpu.vector_store_idx %arg5[%parallel_loop3A_265, %add3A_82], %parallel_loop3A_256 : memref<304x128xf32, #tpu.memory_space<vmem>>[vector<16xi32>, vector<16xi32>], vector<16xf32>,
        %parallel_loop3A_266 = arith.constant 3 : i32
        %parallel_loop3A_267 = vector.broadcast %parallel_loop3A_266 : i32 to vector<16xi32>
        %parallel_loop3A_268 = arith.addi %parallel_loop3A_218, %parallel_loop3A_267 : vector<16xi32>
        tpu.vector_store_idx %arg5[%parallel_loop3A_268, %add3A_82], %parallel_loop3A_254 : memref<304x128xf32, #tpu.memory_space<vmem>>[vector<16xi32>, vector<16xi32>], vector<16xf32>,
        %parallel_loop3A_269 = arith.constant 4 : i32
        %parallel_loop3A_270 = vector.broadcast %parallel_loop3A_269 : i32 to vector<16xi32>
        %parallel_loop3A_271 = arith.addi %parallel_loop3A_218, %parallel_loop3A_270 : vector<16xi32>
        tpu.vector_store_idx %arg5[%parallel_loop3A_271, %add3A_82], %parallel_loop3A_252 : memref<304x128xf32, #tpu.memory_space<vmem>>[vector<16xi32>, vector<16xi32>], vector<16xf32>,
      } {sc.loop_unroll_factor = 4 : i64, sc.parallel_access}
      %add3A_143 = arith.constant 2026 : i32
      %add3A_144 = arith.addi %add3A_143, %mul3A_21 : i32
      %sub3A_145 = arith.subi %add3A_144, %add3A_76 : i32
      %add3A_146 = arith.constant 4 : i32
      %add3A_147 = arith.addi %sub3A_145, %add3A_146 : i32
      %jit3A_148 = arith.constant 5 : i32
      %div3A_149 = arith.divsi %add3A_147, %jit3A_148 : i32
      %sign3A_150 = arith.constant 0 : i32
      %sign3A_151 = arith.cmpi sgt, %add3A_147, %sign3A_150 : i32
      %sign3A_152 = arith.extui %sign3A_151 : i1 to i32
      %sign3A_153 = arith.constant 0 : i32
      %sign3A_154 = arith.cmpi slt, %add3A_147, %sign3A_153 : i32
      %sign3A_155 = arith.extui %sign3A_154 : i1 to i32
      %sign3A_156 = arith.subi %sign3A_152, %sign3A_155 : i32
      %sign3A_157 = arith.constant 0 : i32
      %sign3A_158 = arith.cmpi sgt, %jit3A_148, %sign3A_157 : i32
      %sign3A_159 = arith.extui %sign3A_158 : i1 to i32
      %sign3A_160 = arith.constant 0 : i32
      %sign3A_161 = arith.cmpi slt, %jit3A_148, %sign3A_160 : i32
      %sign3A_162 = arith.extui %sign3A_161 : i1 to i32
      %sign3A_163 = arith.subi %sign3A_159, %sign3A_162 : i32
      %ne3A_164 = arith.cmpi ne, %sign3A_156, %sign3A_163 : i32
      %rem3A_165 = arith.remsi %add3A_147, %jit3A_148 : i32
      %ne3A_166 = arith.constant 0 : i32
      %ne3A_167 = arith.cmpi ne, %rem3A_165, %ne3A_166 : i32
      %and3A_168 = arith.andi %ne3A_164, %ne3A_167 : i1
      %sub3A_169 = arith.constant 1 : i32
      %sub3A_170 = arith.subi %div3A_149, %sub3A_169 : i32
      %select_n3A_171 = arith.select %and3A_168, %sub3A_170, %div3A_149 : i32
      %max3A_172 = arith.constant 0 : i32
      %max3A_173 = arith.maxsi %max3A_172, %select_n3A_171 : i32
      %add3A_174 = arith.constant 2044 : i32
      %add3A_175 = arith.addi %add3A_174, %select_n3A_26 : i32
      %sub3A_176 = arith.subi %add3A_175, %add3A_76 : i32
      %jit3A_177 = arith.constant 5 : i32
      %div3A_178 = arith.divsi %sub3A_176, %jit3A_177 : i32
      %sign3A_179 = arith.constant 0 : i32
      %sign3A_180 = arith.cmpi sgt, %sub3A_176, %sign3A_179 : i32
      %sign3A_181 = arith.extui %sign3A_180 : i1 to i32
      %sign3A_182 = arith.constant 0 : i32
      %sign3A_183 = arith.cmpi slt, %sub3A_176, %sign3A_182 : i32
      %sign3A_184 = arith.extui %sign3A_183 : i1 to i32
      %sign3A_185 = arith.subi %sign3A_181, %sign3A_184 : i32
      %sign3A_186 = arith.constant 0 : i32
      %sign3A_187 = arith.cmpi sgt, %jit3A_177, %sign3A_186 : i32
      %sign3A_188 = arith.extui %sign3A_187 : i1 to i32
      %sign3A_189 = arith.constant 0 : i32
      %sign3A_190 = arith.cmpi slt, %jit3A_177, %sign3A_189 : i32
      %sign3A_191 = arith.extui %sign3A_190 : i1 to i32
      %sign3A_192 = arith.subi %sign3A_188, %sign3A_191 : i32
      %ne3A_193 = arith.cmpi ne, %sign3A_185, %sign3A_192 : i32
      %rem3A_194 = arith.remsi %sub3A_176, %jit3A_177 : i32
      %ne3A_195 = arith.constant 0 : i32
      %ne3A_196 = arith.cmpi ne, %rem3A_194, %ne3A_195 : i32
      %and3A_197 = arith.andi %ne3A_193, %ne3A_196 : i1
      %sub3A_198 = arith.constant 1 : i32
      %sub3A_199 = arith.subi %div3A_178, %sub3A_198 : i32
      %select_n3A_200 = arith.select %and3A_197, %sub3A_199, %div3A_178 : i32
      %add3A_201 = arith.constant 1 : i32
      %add3A_202 = arith.addi %select_n3A_200, %add3A_201 : i32
      %min3A_203 = arith.constant 409 : i32
      %min3A_204 = arith.minsi %min3A_203, %add3A_202 : i32
      %parallel_loop3A_205 = arith.constant 1 : i32
      scf.for %parallel_loop3A_206 = %max3A_173 to %min3A_204 step %parallel_loop3A_205  : i32 {
        %parallel_loop3A_207 = arith.constant -2016 : i32
        %parallel_loop3A_208 = arith.subi %parallel_loop3A_207, %mul3A_21 : i32
        %parallel_loop3A_209 = arith.constant -2021 : i32
        %parallel_loop3A_210 = arith.subi %parallel_loop3A_209, %mul3A_21 : i32
        %parallel_loop3A_211 = arith.constant 5 : i32
        %parallel_loop3A_212 = arith.muli %parallel_loop3A_211, %parallel_loop3A_206 : i32
        %parallel_loop3A_213 = vector.broadcast %parallel_loop3A_212 : i32 to vector<16xi32>
        %parallel_loop3A_214 = arith.addi %add3A_78, %parallel_loop3A_213 : vector<16xi32>
        %parallel_loop3A_215 = vector.broadcast %parallel_loop3A_208 : i32 to vector<16xi32>
        %parallel_loop3A_216 = arith.addi %parallel_loop3A_214, %parallel_loop3A_215 : vector<16xi32>
        %parallel_loop3A_217 = vector.broadcast %parallel_loop3A_210 : i32 to vector<16xi32>
        %parallel_loop3A_218 = arith.addi %parallel_loop3A_214, %parallel_loop3A_217 : vector<16xi32>
        %parallel_loop3A_219 = arith.constant 0 : i32
        %parallel_loop3A_220 = vector.broadcast %parallel_loop3A_219 : i32 to vector<16xi32>
        %parallel_loop3A_221 = arith.addi %parallel_loop3A_216, %parallel_loop3A_220 : vector<16xi32>
        %parallel_loop3A_222 = tpu.vector_load_idx %arg4[%parallel_loop3A_221, %add3A_82] : memref<312x128xf32, #tpu.memory_space<vmem>>[vector<16xi32>, vector<16xi32>], vector<16xf32>,
        %parallel_loop3A_223 = arith.constant 1 : i32
        %parallel_loop3A_224 = vector.broadcast %parallel_loop3A_223 : i32 to vector<16xi32>
        %parallel_loop3A_225 = arith.addi %parallel_loop3A_216, %parallel_loop3A_224 : vector<16xi32>
        %parallel_loop3A_226 = tpu.vector_load_idx %arg4[%parallel_loop3A_225, %add3A_82] : memref<312x128xf32, #tpu.memory_space<vmem>>[vector<16xi32>, vector<16xi32>], vector<16xf32>,
        %parallel_loop3A_227 = arith.constant 2 : i32
        %parallel_loop3A_228 = vector.broadcast %parallel_loop3A_227 : i32 to vector<16xi32>
        %parallel_loop3A_229 = arith.addi %parallel_loop3A_216, %parallel_loop3A_228 : vector<16xi32>
        %parallel_loop3A_230 = tpu.vector_load_idx %arg4[%parallel_loop3A_229, %add3A_82] : memref<312x128xf32, #tpu.memory_space<vmem>>[vector<16xi32>, vector<16xi32>], vector<16xf32>,
        %parallel_loop3A_231 = arith.constant 3 : i32
        %parallel_loop3A_232 = vector.broadcast %parallel_loop3A_231 : i32 to vector<16xi32>
        %parallel_loop3A_233 = arith.addi %parallel_loop3A_216, %parallel_loop3A_232 : vector<16xi32>
        %parallel_loop3A_234 = tpu.vector_load_idx %arg4[%parallel_loop3A_233, %add3A_82] : memref<312x128xf32, #tpu.memory_space<vmem>>[vector<16xi32>, vector<16xi32>], vector<16xf32>,
        %parallel_loop3A_235 = arith.constant 4 : i32
        %parallel_loop3A_236 = vector.broadcast %parallel_loop3A_235 : i32 to vector<16xi32>
        %parallel_loop3A_237 = arith.addi %parallel_loop3A_216, %parallel_loop3A_236 : vector<16xi32>
        %parallel_loop3A_238 = tpu.vector_load_idx %arg4[%parallel_loop3A_237, %add3A_82] : memref<312x128xf32, #tpu.memory_space<vmem>>[vector<16xi32>, vector<16xi32>], vector<16xf32>,
        %parallel_loop3A_239 = arith.minimumf %parallel_loop3A_222, %parallel_loop3A_226 : vector<16xf32>
        %parallel_loop3A_240 = arith.maximumf %parallel_loop3A_222, %parallel_loop3A_226 : vector<16xf32>
        %parallel_loop3A_241 = arith.minimumf %parallel_loop3A_234, %parallel_loop3A_238 : vector<16xf32>
        %parallel_loop3A_242 = arith.maximumf %parallel_loop3A_234, %parallel_loop3A_238 : vector<16xf32>
        %parallel_loop3A_243 = arith.minimumf %parallel_loop3A_230, %parallel_loop3A_242 : vector<16xf32>
        %parallel_loop3A_244 = arith.maximumf %parallel_loop3A_230, %parallel_loop3A_242 : vector<16xf32>
        %parallel_loop3A_245 = arith.minimumf %parallel_loop3A_243, %parallel_loop3A_241 : vector<16xf32>
        %parallel_loop3A_246 = arith.maximumf %parallel_loop3A_243, %parallel_loop3A_241 : vector<16xf32>
        %parallel_loop3A_247 = arith.minimumf %parallel_loop3A_239, %parallel_loop3A_246 : vector<16xf32>
        %parallel_loop3A_248 = arith.maximumf %parallel_loop3A_239, %parallel_loop3A_246 : vector<16xf32>
        %parallel_loop3A_249 = arith.minimumf %parallel_loop3A_247, %parallel_loop3A_245 : vector<16xf32>
        %parallel_loop3A_250 = arith.maximumf %parallel_loop3A_247, %parallel_loop3A_245 : vector<16xf32>
        %parallel_loop3A_251 = arith.minimumf %parallel_loop3A_240, %parallel_loop3A_244 : vector<16xf32>
        %parallel_loop3A_252 = arith.maximumf %parallel_loop3A_240, %parallel_loop3A_244 : vector<16xf32>
        %parallel_loop3A_253 = arith.minimumf %parallel_loop3A_251, %parallel_loop3A_248 : vector<16xf32>
        %parallel_loop3A_254 = arith.maximumf %parallel_loop3A_251, %parallel_loop3A_248 : vector<16xf32>
        %parallel_loop3A_255 = arith.minimumf %parallel_loop3A_253, %parallel_loop3A_250 : vector<16xf32>
        %parallel_loop3A_256 = arith.maximumf %parallel_loop3A_253, %parallel_loop3A_250 : vector<16xf32>
        %parallel_loop3A_257 = arith.constant 0 : i32
        %parallel_loop3A_258 = vector.broadcast %parallel_loop3A_257 : i32 to vector<16xi32>
        %parallel_loop3A_259 = arith.addi %parallel_loop3A_218, %parallel_loop3A_258 : vector<16xi32>
        tpu.vector_store_idx %arg5[%parallel_loop3A_259, %add3A_82], %parallel_loop3A_249 : memref<304x128xf32, #tpu.memory_space<vmem>>[vector<16xi32>, vector<16xi32>], vector<16xf32>,
        %parallel_loop3A_260 = arith.constant 1 : i32
        %parallel_loop3A_261 = vector.broadcast %parallel_loop3A_260 : i32 to vector<16xi32>
        %parallel_loop3A_262 = arith.addi %parallel_loop3A_218, %parallel_loop3A_261 : vector<16xi32>
        tpu.vector_store_idx %arg5[%parallel_loop3A_262, %add3A_82], %parallel_loop3A_255 : memref<304x128xf32, #tpu.memory_space<vmem>>[vector<16xi32>, vector<16xi32>], vector<16xf32>,
        %parallel_loop3A_263 = arith.constant 2 : i32
        %parallel_loop3A_264 = vector.broadcast %parallel_loop3A_263 : i32 to vector<16xi32>
        %parallel_loop3A_265 = arith.addi %parallel_loop3A_218, %parallel_loop3A_264 : vector<16xi32>
        tpu.vector_store_idx %arg5[%parallel_loop3A_265, %add3A_82], %parallel_loop3A_256 : memref<304x128xf32, #tpu.memory_space<vmem>>[vector<16xi32>, vector<16xi32>], vector<16xf32>,
        %parallel_loop3A_266 = arith.constant 3 : i32
        %parallel_loop3A_267 = vector.broadcast %parallel_loop3A_266 : i32 to vector<16xi32>
        %parallel_loop3A_268 = arith.addi %parallel_loop3A_218, %parallel_loop3A_267 : vector<16xi32>
        tpu.vector_store_idx %arg5[%parallel_loop3A_268, %add3A_82], %parallel_loop3A_254 : memref<304x128xf32, #tpu.memory_space<vmem>>[vector<16xi32>, vector<16xi32>], vector<16xf32>,
        %parallel_loop3A_269 = arith.constant 4 : i32
        %parallel_loop3A_270 = vector.broadcast %parallel_loop3A_269 : i32 to vector<16xi32>
        %parallel_loop3A_271 = arith.addi %parallel_loop3A_218, %parallel_loop3A_270 : vector<16xi32>
        tpu.vector_store_idx %arg5[%parallel_loop3A_271, %add3A_82], %parallel_loop3A_252 : memref<304x128xf32, #tpu.memory_space<vmem>>[vector<16xi32>, vector<16xi32>], vector<16xf32>,
      } {sc.loop_unroll_factor = 4 : i64, sc.parallel_access}
    }
    %scan3A_41 = arith.constant 8 : i32
    "tpu.region"() ({
      %run_scoped3A = tpu.sem_alloc : memref<!tpu.dma_semaphore, #tpu.memory_space<semaphore_mem>>
      %dma_start3A = arith.constant 24 : i32
      %dma_start3A_72 = arith.constant 0 : i32
      %dma_start3A_73 = tpu.memref_slice %arg5[%dma_start3A, %dma_start3A_72] : memref<304x128xf32, #tpu.memory_space<vmem>> -> memref<256x128xf32, #tpu.memory_space<vmem>>
      %dma_start3A_74 = arith.constant 0 : i32
      %dma_start3A_75 = tpu.memref_slice %arg3[%select_n3A, %multiple_of3A_31, %dma_start3A_74] : memref<4x2048x768xf32, #tpu.memory_space<hbm>> -> memref<1x256x128xf32, #tpu.memory_space<hbm>>
      %dma_start3A_76 = tpu.memref_squeeze %dma_start3A_75 : memref<1x256x128xf32, #tpu.memory_space<hbm>> -> memref<256x128xf32, #tpu.memory_space<hbm>>
      %dma_start3A_77 = arith.constant 0 : i32
      %dma_start3A_78 = tpu.memref_slice %arg3[%select_n3A, %multiple_of3A_31, %dma_start3A_77] : memref<4x2048x768xf32, #tpu.memory_space<hbm>> -> memref<1x256x128xf32, #tpu.memory_space<hbm>>
      %dma_start3A_79 = tpu.memref_squeeze %dma_start3A_78 : memref<1x256x128xf32, #tpu.memory_space<hbm>> -> memref<256x128xf32, #tpu.memory_space<hbm>>
      %dma_start3A_80 = arith.constant 24 : i32
      %dma_start3A_81 = arith.constant 0 : i32
      %dma_start3A_82 = tpu.memref_slice %arg5[%dma_start3A_80, %dma_start3A_81] : memref<304x128xf32, #tpu.memory_space<vmem>> -> memref<256x128xf32, #tpu.memory_space<vmem>>
      tpu.enqueue_dma source(%dma_start3A_82 : memref<256x128xf32, #tpu.memory_space<vmem>>) target(%dma_start3A_79 : memref<256x128xf32, #tpu.memory_space<hbm>>) target_semaphore(%run_scoped3A : memref<!tpu.dma_semaphore, #tpu.memory_space<semaphore_mem>>)
      %dma_wait3A = arith.constant 24 : i32
      %dma_wait3A_83 = arith.constant 0 : i32
      %dma_wait3A_84 = tpu.memref_slice %arg5[%dma_wait3A, %dma_wait3A_83] : memref<304x128xf32, #tpu.memory_space<vmem>> -> memref<256x128xf32, #tpu.memory_space<vmem>>
      %dma_wait3A_85 = arith.constant 0 : i32
      %dma_wait3A_86 = tpu.memref_slice %arg3[%select_n3A, %multiple_of3A_31, %dma_wait3A_85] : memref<4x2048x768xf32, #tpu.memory_space<hbm>> -> memref<1x256x128xf32, #tpu.memory_space<hbm>>
      %dma_wait3A_87 = tpu.memref_squeeze %dma_wait3A_86 : memref<1x256x128xf32, #tpu.memory_space<hbm>> -> memref<256x128xf32, #tpu.memory_space<hbm>>
      %dma_wait3A_88 = arith.constant 0 : i32
      %dma_wait3A_89 = tpu.memref_slice %arg3[%select_n3A, %multiple_of3A_31, %dma_wait3A_88] : memref<4x2048x768xf32, #tpu.memory_space<hbm>> -> memref<1x256x128xf32, #tpu.memory_space<hbm>>
      %dma_wait3A_90 = tpu.memref_squeeze %dma_wait3A_89 : memref<1x256x128xf32, #tpu.memory_space<hbm>> -> memref<256x128xf32, #tpu.memory_space<hbm>>
      %dma_wait3A_91 = arith.constant 24 : i32
      %dma_wait3A_92 = arith.constant 0 : i32
      %dma_wait3A_93 = tpu.memref_slice %arg5[%dma_wait3A_91, %dma_wait3A_92] : memref<304x128xf32, #tpu.memory_space<vmem>> -> memref<256x128xf32, #tpu.memory_space<vmem>>
      tpu.wait_dma2 semaphore(%run_scoped3A : memref<!tpu.dma_semaphore, #tpu.memory_space<semaphore_mem>>) src(%dma_wait3A_93 : memref<256x128xf32, #tpu.memory_space<vmem>>) dst(%dma_wait3A_90 : memref<256x128xf32, #tpu.memory_space<hbm>>)
      tpu.yield
    }) : () -> ()
    "tpu.region"() ({
      %run_scoped3A = tpu.sem_alloc : memref<!tpu.dma_semaphore, #tpu.memory_space<semaphore_mem>>
      %dma_start3A = arith.constant 0 : i32
      %dma_start3A_72 = arith.constant 0 : i32
      %dma_start3A_73 = tpu.memref_slice %arg4[%dma_start3A, %dma_start3A_72] : memref<312x128xf32, #tpu.memory_space<vmem>> -> memref<32x128xf32, #tpu.memory_space<vmem>>
      %dma_start3A_74 = arith.constant 128 : i32
      %dma_start3A_75 = tpu.memref_slice %arg2[%select_n3A, %multiple_of3A, %dma_start3A_74] : memref<4x2048x768xf32, #tpu.memory_space<hbm>> -> memref<1x32x128xf32, #tpu.memory_space<hbm>>
      %dma_start3A_76 = tpu.memref_squeeze %dma_start3A_75 : memref<1x32x128xf32, #tpu.memory_space<hbm>> -> memref<32x128xf32, #tpu.memory_space<hbm>>
      %dma_start3A_77 = arith.constant 0 : i32
      %dma_start3A_78 = arith.constant 0 : i32
      %dma_start3A_79 = tpu.memref_slice %arg4[%dma_start3A_77, %dma_start3A_78] : memref<312x128xf32, #tpu.memory_space<vmem>> -> memref<32x128xf32, #tpu.memory_space<vmem>>
      %dma_start3A_80 = arith.constant 128 : i32
      %dma_start3A_81 = tpu.memref_slice %arg2[%select_n3A, %multiple_of3A, %dma_start3A_80] : memref<4x2048x768xf32, #tpu.memory_space<hbm>> -> memref<1x32x128xf32, #tpu.memory_space<hbm>>
      %dma_start3A_82 = tpu.memref_squeeze %dma_start3A_81 : memref<1x32x128xf32, #tpu.memory_space<hbm>> -> memref<32x128xf32, #tpu.memory_space<hbm>>
      tpu.enqueue_dma source(%dma_start3A_82 : memref<32x128xf32, #tpu.memory_space<hbm>>) target(%dma_start3A_79 : memref<32x128xf32, #tpu.memory_space<vmem>>) target_semaphore(%run_scoped3A : memref<!tpu.dma_semaphore, #tpu.memory_space<semaphore_mem>>)
      %dma_wait3A = arith.constant 0 : i32
      %dma_wait3A_83 = arith.constant 0 : i32
      %dma_wait3A_84 = tpu.memref_slice %arg4[%dma_wait3A, %dma_wait3A_83] : memref<312x128xf32, #tpu.memory_space<vmem>> -> memref<32x128xf32, #tpu.memory_space<vmem>>
      %dma_wait3A_85 = arith.constant 128 : i32
      %dma_wait3A_86 = tpu.memref_slice %arg2[%select_n3A, %multiple_of3A, %dma_wait3A_85] : memref<4x2048x768xf32, #tpu.memory_space<hbm>> -> memref<1x32x128xf32, #tpu.memory_space<hbm>>
      %dma_wait3A_87 = tpu.memref_squeeze %dma_wait3A_86 : memref<1x32x128xf32, #tpu.memory_space<hbm>> -> memref<32x128xf32, #tpu.memory_space<hbm>>
      %dma_wait3A_88 = arith.constant 0 : i32
      %dma_wait3A_89 = arith.constant 0 : i32
      %dma_wait3A_90 = tpu.memref_slice %arg4[%dma_wait3A_88, %dma_wait3A_89] : memref<312x128xf32, #tpu.memory_space<vmem>> -> memref<32x128xf32, #tpu.memory_space<vmem>>
      %dma_wait3A_91 = arith.constant 128 : i32
      %dma_wait3A_92 = tpu.memref_slice %arg2[%select_n3A, %multiple_of3A, %dma_wait3A_91] : memref<4x2048x768xf32, #tpu.memory_space<hbm>> -> memref<1x32x128xf32, #tpu.memory_space<hbm>>
      %dma_wait3A_93 = tpu.memref_squeeze %dma_wait3A_92 : memref<1x32x128xf32, #tpu.memory_space<hbm>> -> memref<32x128xf32, #tpu.memory_space<hbm>>
      tpu.wait_dma2 semaphore(%run_scoped3A : memref<!tpu.dma_semaphore, #tpu.memory_space<semaphore_mem>>) src(%dma_wait3A_93 : memref<32x128xf32, #tpu.memory_space<hbm>>) dst(%dma_wait3A_90 : memref<32x128xf32, #tpu.memory_space<vmem>>)
      tpu.yield
    }) : () -> ()
    "tpu.region"() ({
      %run_scoped3A = tpu.sem_alloc : memref<!tpu.dma_semaphore, #tpu.memory_space<semaphore_mem>>
      %dma_start3A = arith.constant 32 : i32
      %dma_start3A_72 = arith.constant 0 : i32
      %dma_start3A_73 = tpu.memref_slice %arg4[%dma_start3A, %dma_start3A_72] : memref<312x128xf32, #tpu.memory_space<vmem>> -> memref<256x128xf32, #tpu.memory_space<vmem>>
      %dma_start3A_74 = arith.constant 128 : i32
      %dma_start3A_75 = tpu.memref_slice %arg2[%select_n3A, %multiple_of3A_31, %dma_start3A_74] : memref<4x2048x768xf32, #tpu.memory_space<hbm>> -> memref<1x256x128xf32, #tpu.memory_space<hbm>>
      %dma_start3A_76 = tpu.memref_squeeze %dma_start3A_75 : memref<1x256x128xf32, #tpu.memory_space<hbm>> -> memref<256x128xf32, #tpu.memory_space<hbm>>
      %dma_start3A_77 = arith.constant 32 : i32
      %dma_start3A_78 = arith.constant 0 : i32
      %dma_start3A_79 = tpu.memref_slice %arg4[%dma_start3A_77, %dma_start3A_78] : memref<312x128xf32, #tpu.memory_space<vmem>> -> memref<256x128xf32, #tpu.memory_space<vmem>>
      %dma_start3A_80 = arith.constant 128 : i32
      %dma_start3A_81 = tpu.memref_slice %arg2[%select_n3A, %multiple_of3A_31, %dma_start3A_80] : memref<4x2048x768xf32, #tpu.memory_space<hbm>> -> memref<1x256x128xf32, #tpu.memory_space<hbm>>
      %dma_start3A_82 = tpu.memref_squeeze %dma_start3A_81 : memref<1x256x128xf32, #tpu.memory_space<hbm>> -> memref<256x128xf32, #tpu.memory_space<hbm>>
      tpu.enqueue_dma source(%dma_start3A_82 : memref<256x128xf32, #tpu.memory_space<hbm>>) target(%dma_start3A_79 : memref<256x128xf32, #tpu.memory_space<vmem>>) target_semaphore(%run_scoped3A : memref<!tpu.dma_semaphore, #tpu.memory_space<semaphore_mem>>)
      %dma_wait3A = arith.constant 32 : i32
      %dma_wait3A_83 = arith.constant 0 : i32
      %dma_wait3A_84 = tpu.memref_slice %arg4[%dma_wait3A, %dma_wait3A_83] : memref<312x128xf32, #tpu.memory_space<vmem>> -> memref<256x128xf32, #tpu.memory_space<vmem>>
      %dma_wait3A_85 = arith.constant 128 : i32
      %dma_wait3A_86 = tpu.memref_slice %arg2[%select_n3A, %multiple_of3A_31, %dma_wait3A_85] : memref<4x2048x768xf32, #tpu.memory_space<hbm>> -> memref<1x256x128xf32, #tpu.memory_space<hbm>>
      %dma_wait3A_87 = tpu.memref_squeeze %dma_wait3A_86 : memref<1x256x128xf32, #tpu.memory_space<hbm>> -> memref<256x128xf32, #tpu.memory_space<hbm>>
      %dma_wait3A_88 = arith.constant 32 : i32
      %dma_wait3A_89 = arith.constant 0 : i32
      %dma_wait3A_90 = tpu.memref_slice %arg4[%dma_wait3A_88, %dma_wait3A_89] : memref<312x128xf32, #tpu.memory_space<vmem>> -> memref<256x128xf32, #tpu.memory_space<vmem>>
      %dma_wait3A_91 = arith.constant 128 : i32
      %dma_wait3A_92 = tpu.memref_slice %arg2[%select_n3A, %multiple_of3A_31, %dma_wait3A_91] : memref<4x2048x768xf32, #tpu.memory_space<hbm>> -> memref<1x256x128xf32, #tpu.memory_space<hbm>>
      %dma_wait3A_93 = tpu.memref_squeeze %dma_wait3A_92 : memref<1x256x128xf32, #tpu.memory_space<hbm>> -> memref<256x128xf32, #tpu.memory_space<hbm>>
      tpu.wait_dma2 semaphore(%run_scoped3A : memref<!tpu.dma_semaphore, #tpu.memory_space<semaphore_mem>>) src(%dma_wait3A_93 : memref<256x128xf32, #tpu.memory_space<hbm>>) dst(%dma_wait3A_90 : memref<256x128xf32, #tpu.memory_space<vmem>>)
      tpu.yield
    }) : () -> ()
    "tpu.region"() ({
      %run_scoped3A = tpu.sem_alloc : memref<!tpu.dma_semaphore, #tpu.memory_space<semaphore_mem>>
      %dma_start3A = arith.constant 288 : i32
      %dma_start3A_72 = arith.constant 0 : i32
      %dma_start3A_73 = tpu.memref_slice %arg4[%dma_start3A, %dma_start3A_72] : memref<312x128xf32, #tpu.memory_space<vmem>> -> memref<24x128xf32, #tpu.memory_space<vmem>>
      %dma_start3A_74 = arith.constant 128 : i32
      %dma_start3A_75 = tpu.memref_slice %arg2[%select_n3A, %multiple_of3A_36, %dma_start3A_74] : memref<4x2048x768xf32, #tpu.memory_space<hbm>> -> memref<1x24x128xf32, #tpu.memory_space<hbm>>
      %dma_start3A_76 = tpu.memref_squeeze %dma_start3A_75 : memref<1x24x128xf32, #tpu.memory_space<hbm>> -> memref<24x128xf32, #tpu.memory_space<hbm>>
      %dma_start3A_77 = arith.constant 288 : i32
      %dma_start3A_78 = arith.constant 0 : i32
      %dma_start3A_79 = tpu.memref_slice %arg4[%dma_start3A_77, %dma_start3A_78] : memref<312x128xf32, #tpu.memory_space<vmem>> -> memref<24x128xf32, #tpu.memory_space<vmem>>
      %dma_start3A_80 = arith.constant 128 : i32
      %dma_start3A_81 = tpu.memref_slice %arg2[%select_n3A, %multiple_of3A_36, %dma_start3A_80] : memref<4x2048x768xf32, #tpu.memory_space<hbm>> -> memref<1x24x128xf32, #tpu.memory_space<hbm>>
      %dma_start3A_82 = tpu.memref_squeeze %dma_start3A_81 : memref<1x24x128xf32, #tpu.memory_space<hbm>> -> memref<24x128xf32, #tpu.memory_space<hbm>>
      tpu.enqueue_dma source(%dma_start3A_82 : memref<24x128xf32, #tpu.memory_space<hbm>>) target(%dma_start3A_79 : memref<24x128xf32, #tpu.memory_space<vmem>>) target_semaphore(%run_scoped3A : memref<!tpu.dma_semaphore, #tpu.memory_space<semaphore_mem>>)
      %dma_wait3A = arith.constant 288 : i32
      %dma_wait3A_83 = arith.constant 0 : i32
      %dma_wait3A_84 = tpu.memref_slice %arg4[%dma_wait3A, %dma_wait3A_83] : memref<312x128xf32, #tpu.memory_space<vmem>> -> memref<24x128xf32, #tpu.memory_space<vmem>>
      %dma_wait3A_85 = arith.constant 128 : i32
      %dma_wait3A_86 = tpu.memref_slice %arg2[%select_n3A, %multiple_of3A_36, %dma_wait3A_85] : memref<4x2048x768xf32, #tpu.memory_space<hbm>> -> memref<1x24x128xf32, #tpu.memory_space<hbm>>
      %dma_wait3A_87 = tpu.memref_squeeze %dma_wait3A_86 : memref<1x24x128xf32, #tpu.memory_space<hbm>> -> memref<24x128xf32, #tpu.memory_space<hbm>>
      %dma_wait3A_88 = arith.constant 288 : i32
      %dma_wait3A_89 = arith.constant 0 : i32
      %dma_wait3A_90 = tpu.memref_slice %arg4[%dma_wait3A_88, %dma_wait3A_89] : memref<312x128xf32, #tpu.memory_space<vmem>> -> memref<24x128xf32, #tpu.memory_space<vmem>>
      %dma_wait3A_91 = arith.constant 128 : i32
      %dma_wait3A_92 = tpu.memref_slice %arg2[%select_n3A, %multiple_of3A_36, %dma_wait3A_91] : memref<4x2048x768xf32, #tpu.memory_space<hbm>> -> memref<1x24x128xf32, #tpu.memory_space<hbm>>
      %dma_wait3A_93 = tpu.memref_squeeze %dma_wait3A_92 : memref<1x24x128xf32, #tpu.memory_space<hbm>> -> memref<24x128xf32, #tpu.memory_space<hbm>>
      tpu.wait_dma2 semaphore(%run_scoped3A : memref<!tpu.dma_semaphore, #tpu.memory_space<semaphore_mem>>) src(%dma_wait3A_93 : memref<24x128xf32, #tpu.memory_space<hbm>>) dst(%dma_wait3A_90 : memref<24x128xf32, #tpu.memory_space<vmem>>)
      tpu.yield
    }) : () -> ()
    %scan3A_42 = arith.constant 0 : i32
    %scan3A_43 = arith.constant 0 : i32
    %scan3A_44 = arith.constant 8 : i32
    %scan3A_45 = arith.addi %scan3A_43, %scan3A_44 : i32
    %scan3A_46 = arith.constant 1 : i32
    scf.for %scan3A_72 = %scan3A_43 to %scan3A_45 step %scan3A_46  : i32 {
      %mul3A_73 = arith.constant 16 : i32
      %mul3A_74 = arith.muli %mul3A_73, %scan3A_72 : i32
      %add3A_75 = arith.constant 128 : i32
      %add3A_76 = arith.addi %add3A_75, %mul3A_74 : i32
      %add3A_77 = vector.broadcast %add3A_76 : i32 to vector<16xi32>
      %add3A_78 = arith.addi %add3A_77, %iota3A : vector<16xi32>
      %mul3A_79 = arith.constant 16 : i32
      %mul3A_80 = arith.muli %mul3A_79, %scan3A_72 : i32
      %add3A_81 = vector.broadcast %mul3A_80 : i32 to vector<16xi32>
      %add3A_82 = arith.addi %add3A_81, %iota3A : vector<16xi32>
      %sub3A_83 = arith.constant 19 : i32
      %sub3A_84 = arith.subi %mul3A_21, %sub3A_83 : i32
      %sub3A_85 = arith.subi %sub3A_84, %add3A_76 : i32
      %add3A_86 = arith.constant 4 : i32
      %add3A_87 = arith.addi %sub3A_85, %add3A_86 : i32
      %jit3A_88 = arith.constant 5 : i32
      %div3A_89 = arith.divsi %add3A_87, %jit3A_88 : i32
      %sign3A_90 = arith.constant 0 : i32
      %sign3A_91 = arith.cmpi sgt, %add3A_87, %sign3A_90 : i32
      %sign3A_92 = arith.extui %sign3A_91 : i1 to i32
      %sign3A_93 = arith.constant 0 : i32
      %sign3A_94 = arith.cmpi slt, %add3A_87, %sign3A_93 : i32
      %sign3A_95 = arith.extui %sign3A_94 : i1 to i32
      %sign3A_96 = arith.subi %sign3A_92, %sign3A_95 : i32
      %sign3A_97 = arith.constant 0 : i32
      %sign3A_98 = arith.cmpi sgt, %jit3A_88, %sign3A_97 : i32
      %sign3A_99 = arith.extui %sign3A_98 : i1 to i32
      %sign3A_100 = arith.constant 0 : i32
      %sign3A_101 = arith.cmpi slt, %jit3A_88, %sign3A_100 : i32
      %sign3A_102 = arith.extui %sign3A_101 : i1 to i32
      %sign3A_103 = arith.subi %sign3A_99, %sign3A_102 : i32
      %ne3A_104 = arith.cmpi ne, %sign3A_96, %sign3A_103 : i32
      %rem3A_105 = arith.remsi %add3A_87, %jit3A_88 : i32
      %ne3A_106 = arith.constant 0 : i32
      %ne3A_107 = arith.cmpi ne, %rem3A_105, %ne3A_106 : i32
      %and3A_108 = arith.andi %ne3A_104, %ne3A_107 : i1
      %sub3A_109 = arith.constant 1 : i32
      %sub3A_110 = arith.subi %div3A_89, %sub3A_109 : i32
      %select_n3A_111 = arith.select %and3A_108, %sub3A_110, %div3A_89 : i32
      %max3A = arith.constant 0 : i32
      %max3A_112 = arith.maxsi %max3A, %select_n3A_111 : i32
      %sub3A_113 = arith.constant 1 : i32
      %sub3A_114 = arith.subi %select_n3A_26, %sub3A_113 : i32
      %sub3A_115 = arith.subi %sub3A_114, %add3A_76 : i32
      %jit3A_116 = arith.constant 5 : i32
      %div3A_117 = arith.divsi %sub3A_115, %jit3A_116 : i32
      %sign3A_118 = arith.constant 0 : i32
      %sign3A_119 = arith.cmpi sgt, %sub3A_115, %sign3A_118 : i32
      %sign3A_120 = arith.extui %sign3A_119 : i1 to i32
      %sign3A_121 = arith.constant 0 : i32
      %sign3A_122 = arith.cmpi slt, %sub3A_115, %sign3A_121 : i32
      %sign3A_123 = arith.extui %sign3A_122 : i1 to i32
      %sign3A_124 = arith.subi %sign3A_120, %sign3A_123 : i32
      %sign3A_125 = arith.constant 0 : i32
      %sign3A_126 = arith.cmpi sgt, %jit3A_116, %sign3A_125 : i32
      %sign3A_127 = arith.extui %sign3A_126 : i1 to i32
      %sign3A_128 = arith.constant 0 : i32
      %sign3A_129 = arith.cmpi slt, %jit3A_116, %sign3A_128 : i32
      %sign3A_130 = arith.extui %sign3A_129 : i1 to i32
      %sign3A_131 = arith.subi %sign3A_127, %sign3A_130 : i32
      %ne3A_132 = arith.cmpi ne, %sign3A_124, %sign3A_131 : i32
      %rem3A_133 = arith.remsi %sub3A_115, %jit3A_116 : i32
      %ne3A_134 = arith.constant 0 : i32
      %ne3A_135 = arith.cmpi ne, %rem3A_133, %ne3A_134 : i32
      %and3A_136 = arith.andi %ne3A_132, %ne3A_135 : i1
      %sub3A_137 = arith.constant 1 : i32
      %sub3A_138 = arith.subi %div3A_117, %sub3A_137 : i32
      %select_n3A_139 = arith.select %and3A_136, %sub3A_138, %div3A_117 : i32
      %add3A_140 = arith.constant 1 : i32
      %add3A_141 = arith.addi %select_n3A_139, %add3A_140 : i32
      %min3A = arith.constant 409 : i32
      %min3A_142 = arith.minsi %min3A, %add3A_141 : i32
      %parallel_loop3A = arith.constant 1 : i32
      scf.for %parallel_loop3A_206 = %max3A_112 to %min3A_142 step %parallel_loop3A  : i32 {
        %parallel_loop3A_207 = arith.constant 32 : i32
        %parallel_loop3A_208 = arith.subi %parallel_loop3A_207, %mul3A_21 : i32
        %parallel_loop3A_209 = arith.constant 24 : i32
        %parallel_loop3A_210 = arith.subi %parallel_loop3A_209, %mul3A_21 : i32
        %parallel_loop3A_211 = arith.constant 5 : i32
        %parallel_loop3A_212 = arith.muli %parallel_loop3A_211, %parallel_loop3A_206 : i32
        %parallel_loop3A_213 = vector.broadcast %parallel_loop3A_212 : i32 to vector<16xi32>
        %parallel_loop3A_214 = arith.addi %add3A_78, %parallel_loop3A_213 : vector<16xi32>
        %parallel_loop3A_215 = vector.broadcast %parallel_loop3A_208 : i32 to vector<16xi32>
        %parallel_loop3A_216 = arith.addi %parallel_loop3A_214, %parallel_loop3A_215 : vector<16xi32>
        %parallel_loop3A_217 = vector.broadcast %parallel_loop3A_210 : i32 to vector<16xi32>
        %parallel_loop3A_218 = arith.addi %parallel_loop3A_214, %parallel_loop3A_217 : vector<16xi32>
        %parallel_loop3A_219 = arith.constant 0 : i32
        %parallel_loop3A_220 = vector.broadcast %parallel_loop3A_219 : i32 to vector<16xi32>
        %parallel_loop3A_221 = arith.addi %parallel_loop3A_216, %parallel_loop3A_220 : vector<16xi32>
        %parallel_loop3A_222 = tpu.vector_load_idx %arg4[%parallel_loop3A_221, %add3A_82] : memref<312x128xf32, #tpu.memory_space<vmem>>[vector<16xi32>, vector<16xi32>], vector<16xf32>,
        %parallel_loop3A_223 = arith.constant 1 : i32
        %parallel_loop3A_224 = vector.broadcast %parallel_loop3A_223 : i32 to vector<16xi32>
        %parallel_loop3A_225 = arith.addi %parallel_loop3A_216, %parallel_loop3A_224 : vector<16xi32>
        %parallel_loop3A_226 = tpu.vector_load_idx %arg4[%parallel_loop3A_225, %add3A_82] : memref<312x128xf32, #tpu.memory_space<vmem>>[vector<16xi32>, vector<16xi32>], vector<16xf32>,
        %parallel_loop3A_227 = arith.constant 2 : i32
        %parallel_loop3A_228 = vector.broadcast %parallel_loop3A_227 : i32 to vector<16xi32>
        %parallel_loop3A_229 = arith.addi %parallel_loop3A_216, %parallel_loop3A_228 : vector<16xi32>
        %parallel_loop3A_230 = tpu.vector_load_idx %arg4[%parallel_loop3A_229, %add3A_82] : memref<312x128xf32, #tpu.memory_space<vmem>>[vector<16xi32>, vector<16xi32>], vector<16xf32>,
        %parallel_loop3A_231 = arith.constant 3 : i32
        %parallel_loop3A_232 = vector.broadcast %parallel_loop3A_231 : i32 to vector<16xi32>
        %parallel_loop3A_233 = arith.addi %parallel_loop3A_216, %parallel_loop3A_232 : vector<16xi32>
        %parallel_loop3A_234 = tpu.vector_load_idx %arg4[%parallel_loop3A_233, %add3A_82] : memref<312x128xf32, #tpu.memory_space<vmem>>[vector<16xi32>, vector<16xi32>], vector<16xf32>,
        %parallel_loop3A_235 = arith.constant 4 : i32
        %parallel_loop3A_236 = vector.broadcast %parallel_loop3A_235 : i32 to vector<16xi32>
        %parallel_loop3A_237 = arith.addi %parallel_loop3A_216, %parallel_loop3A_236 : vector<16xi32>
        %parallel_loop3A_238 = tpu.vector_load_idx %arg4[%parallel_loop3A_237, %add3A_82] : memref<312x128xf32, #tpu.memory_space<vmem>>[vector<16xi32>, vector<16xi32>], vector<16xf32>,
        %parallel_loop3A_239 = arith.minimumf %parallel_loop3A_222, %parallel_loop3A_226 : vector<16xf32>
        %parallel_loop3A_240 = arith.maximumf %parallel_loop3A_222, %parallel_loop3A_226 : vector<16xf32>
        %parallel_loop3A_241 = arith.minimumf %parallel_loop3A_234, %parallel_loop3A_238 : vector<16xf32>
        %parallel_loop3A_242 = arith.maximumf %parallel_loop3A_234, %parallel_loop3A_238 : vector<16xf32>
        %parallel_loop3A_243 = arith.minimumf %parallel_loop3A_230, %parallel_loop3A_242 : vector<16xf32>
        %parallel_loop3A_244 = arith.maximumf %parallel_loop3A_230, %parallel_loop3A_242 : vector<16xf32>
        %parallel_loop3A_245 = arith.minimumf %parallel_loop3A_243, %parallel_loop3A_241 : vector<16xf32>
        %parallel_loop3A_246 = arith.maximumf %parallel_loop3A_243, %parallel_loop3A_241 : vector<16xf32>
        %parallel_loop3A_247 = arith.minimumf %parallel_loop3A_239, %parallel_loop3A_246 : vector<16xf32>
        %parallel_loop3A_248 = arith.maximumf %parallel_loop3A_239, %parallel_loop3A_246 : vector<16xf32>
        %parallel_loop3A_249 = arith.minimumf %parallel_loop3A_247, %parallel_loop3A_245 : vector<16xf32>
        %parallel_loop3A_250 = arith.maximumf %parallel_loop3A_247, %parallel_loop3A_245 : vector<16xf32>
        %parallel_loop3A_251 = arith.minimumf %parallel_loop3A_240, %parallel_loop3A_244 : vector<16xf32>
        %parallel_loop3A_252 = arith.maximumf %parallel_loop3A_240, %parallel_loop3A_244 : vector<16xf32>
        %parallel_loop3A_253 = arith.minimumf %parallel_loop3A_251, %parallel_loop3A_248 : vector<16xf32>
        %parallel_loop3A_254 = arith.maximumf %parallel_loop3A_251, %parallel_loop3A_248 : vector<16xf32>
        %parallel_loop3A_255 = arith.minimumf %parallel_loop3A_253, %parallel_loop3A_250 : vector<16xf32>
        %parallel_loop3A_256 = arith.maximumf %parallel_loop3A_253, %parallel_loop3A_250 : vector<16xf32>
        %parallel_loop3A_257 = arith.constant 0 : i32
        %parallel_loop3A_258 = vector.broadcast %parallel_loop3A_257 : i32 to vector<16xi32>
        %parallel_loop3A_259 = arith.addi %parallel_loop3A_218, %parallel_loop3A_258 : vector<16xi32>
        tpu.vector_store_idx %arg5[%parallel_loop3A_259, %add3A_82], %parallel_loop3A_249 : memref<304x128xf32, #tpu.memory_space<vmem>>[vector<16xi32>, vector<16xi32>], vector<16xf32>,
        %parallel_loop3A_260 = arith.constant 1 : i32
        %parallel_loop3A_261 = vector.broadcast %parallel_loop3A_260 : i32 to vector<16xi32>
        %parallel_loop3A_262 = arith.addi %parallel_loop3A_218, %parallel_loop3A_261 : vector<16xi32>
        tpu.vector_store_idx %arg5[%parallel_loop3A_262, %add3A_82], %parallel_loop3A_255 : memref<304x128xf32, #tpu.memory_space<vmem>>[vector<16xi32>, vector<16xi32>], vector<16xf32>,
        %parallel_loop3A_263 = arith.constant 2 : i32
        %parallel_loop3A_264 = vector.broadcast %parallel_loop3A_263 : i32 to vector<16xi32>
        %parallel_loop3A_265 = arith.addi %parallel_loop3A_218, %parallel_loop3A_264 : vector<16xi32>
        tpu.vector_store_idx %arg5[%parallel_loop3A_265, %add3A_82], %parallel_loop3A_256 : memref<304x128xf32, #tpu.memory_space<vmem>>[vector<16xi32>, vector<16xi32>], vector<16xf32>,
        %parallel_loop3A_266 = arith.constant 3 : i32
        %parallel_loop3A_267 = vector.broadcast %parallel_loop3A_266 : i32 to vector<16xi32>
        %parallel_loop3A_268 = arith.addi %parallel_loop3A_218, %parallel_loop3A_267 : vector<16xi32>
        tpu.vector_store_idx %arg5[%parallel_loop3A_268, %add3A_82], %parallel_loop3A_254 : memref<304x128xf32, #tpu.memory_space<vmem>>[vector<16xi32>, vector<16xi32>], vector<16xf32>,
        %parallel_loop3A_269 = arith.constant 4 : i32
        %parallel_loop3A_270 = vector.broadcast %parallel_loop3A_269 : i32 to vector<16xi32>
        %parallel_loop3A_271 = arith.addi %parallel_loop3A_218, %parallel_loop3A_270 : vector<16xi32>
        tpu.vector_store_idx %arg5[%parallel_loop3A_271, %add3A_82], %parallel_loop3A_252 : memref<304x128xf32, #tpu.memory_space<vmem>>[vector<16xi32>, vector<16xi32>], vector<16xf32>,
      } {sc.loop_unroll_factor = 4 : i64, sc.parallel_access}
      %add3A_143 = arith.constant 2026 : i32
      %add3A_144 = arith.addi %add3A_143, %mul3A_21 : i32
      %sub3A_145 = arith.subi %add3A_144, %add3A_76 : i32
      %add3A_146 = arith.constant 4 : i32
      %add3A_147 = arith.addi %sub3A_145, %add3A_146 : i32
      %jit3A_148 = arith.constant 5 : i32
      %div3A_149 = arith.divsi %add3A_147, %jit3A_148 : i32
      %sign3A_150 = arith.constant 0 : i32
      %sign3A_151 = arith.cmpi sgt, %add3A_147, %sign3A_150 : i32
      %sign3A_152 = arith.extui %sign3A_151 : i1 to i32
      %sign3A_153 = arith.constant 0 : i32
      %sign3A_154 = arith.cmpi slt, %add3A_147, %sign3A_153 : i32
      %sign3A_155 = arith.extui %sign3A_154 : i1 to i32
      %sign3A_156 = arith.subi %sign3A_152, %sign3A_155 : i32
      %sign3A_157 = arith.constant 0 : i32
      %sign3A_158 = arith.cmpi sgt, %jit3A_148, %sign3A_157 : i32
      %sign3A_159 = arith.extui %sign3A_158 : i1 to i32
      %sign3A_160 = arith.constant 0 : i32
      %sign3A_161 = arith.cmpi slt, %jit3A_148, %sign3A_160 : i32
      %sign3A_162 = arith.extui %sign3A_161 : i1 to i32
      %sign3A_163 = arith.subi %sign3A_159, %sign3A_162 : i32
      %ne3A_164 = arith.cmpi ne, %sign3A_156, %sign3A_163 : i32
      %rem3A_165 = arith.remsi %add3A_147, %jit3A_148 : i32
      %ne3A_166 = arith.constant 0 : i32
      %ne3A_167 = arith.cmpi ne, %rem3A_165, %ne3A_166 : i32
      %and3A_168 = arith.andi %ne3A_164, %ne3A_167 : i1
      %sub3A_169 = arith.constant 1 : i32
      %sub3A_170 = arith.subi %div3A_149, %sub3A_169 : i32
      %select_n3A_171 = arith.select %and3A_168, %sub3A_170, %div3A_149 : i32
      %max3A_172 = arith.constant 0 : i32
      %max3A_173 = arith.maxsi %max3A_172, %select_n3A_171 : i32
      %add3A_174 = arith.constant 2044 : i32
      %add3A_175 = arith.addi %add3A_174, %select_n3A_26 : i32
      %sub3A_176 = arith.subi %add3A_175, %add3A_76 : i32
      %jit3A_177 = arith.constant 5 : i32
      %div3A_178 = arith.divsi %sub3A_176, %jit3A_177 : i32
      %sign3A_179 = arith.constant 0 : i32
      %sign3A_180 = arith.cmpi sgt, %sub3A_176, %sign3A_179 : i32
      %sign3A_181 = arith.extui %sign3A_180 : i1 to i32
      %sign3A_182 = arith.constant 0 : i32
      %sign3A_183 = arith.cmpi slt, %sub3A_176, %sign3A_182 : i32
      %sign3A_184 = arith.extui %sign3A_183 : i1 to i32
      %sign3A_185 = arith.subi %sign3A_181, %sign3A_184 : i32
      %sign3A_186 = arith.constant 0 : i32
      %sign3A_187 = arith.cmpi sgt, %jit3A_177, %sign3A_186 : i32
      %sign3A_188 = arith.extui %sign3A_187 : i1 to i32
      %sign3A_189 = arith.constant 0 : i32
      %sign3A_190 = arith.cmpi slt, %jit3A_177, %sign3A_189 : i32
      %sign3A_191 = arith.extui %sign3A_190 : i1 to i32
      %sign3A_192 = arith.subi %sign3A_188, %sign3A_191 : i32
      %ne3A_193 = arith.cmpi ne, %sign3A_185, %sign3A_192 : i32
      %rem3A_194 = arith.remsi %sub3A_176, %jit3A_177 : i32
      %ne3A_195 = arith.constant 0 : i32
      %ne3A_196 = arith.cmpi ne, %rem3A_194, %ne3A_195 : i32
      %and3A_197 = arith.andi %ne3A_193, %ne3A_196 : i1
      %sub3A_198 = arith.constant 1 : i32
      %sub3A_199 = arith.subi %div3A_178, %sub3A_198 : i32
      %select_n3A_200 = arith.select %and3A_197, %sub3A_199, %div3A_178 : i32
      %add3A_201 = arith.constant 1 : i32
      %add3A_202 = arith.addi %select_n3A_200, %add3A_201 : i32
      %min3A_203 = arith.constant 409 : i32
      %min3A_204 = arith.minsi %min3A_203, %add3A_202 : i32
      %parallel_loop3A_205 = arith.constant 1 : i32
      scf.for %parallel_loop3A_206 = %max3A_173 to %min3A_204 step %parallel_loop3A_205  : i32 {
        %parallel_loop3A_207 = arith.constant -2016 : i32
        %parallel_loop3A_208 = arith.subi %parallel_loop3A_207, %mul3A_21 : i32
        %parallel_loop3A_209 = arith.constant -2021 : i32
        %parallel_loop3A_210 = arith.subi %parallel_loop3A_209, %mul3A_21 : i32
        %parallel_loop3A_211 = arith.constant 5 : i32
        %parallel_loop3A_212 = arith.muli %parallel_loop3A_211, %parallel_loop3A_206 : i32
        %parallel_loop3A_213 = vector.broadcast %parallel_loop3A_212 : i32 to vector<16xi32>
        %parallel_loop3A_214 = arith.addi %add3A_78, %parallel_loop3A_213 : vector<16xi32>
        %parallel_loop3A_215 = vector.broadcast %parallel_loop3A_208 : i32 to vector<16xi32>
        %parallel_loop3A_216 = arith.addi %parallel_loop3A_214, %parallel_loop3A_215 : vector<16xi32>
        %parallel_loop3A_217 = vector.broadcast %parallel_loop3A_210 : i32 to vector<16xi32>
        %parallel_loop3A_218 = arith.addi %parallel_loop3A_214, %parallel_loop3A_217 : vector<16xi32>
        %parallel_loop3A_219 = arith.constant 0 : i32
        %parallel_loop3A_220 = vector.broadcast %parallel_loop3A_219 : i32 to vector<16xi32>
        %parallel_loop3A_221 = arith.addi %parallel_loop3A_216, %parallel_loop3A_220 : vector<16xi32>
        %parallel_loop3A_222 = tpu.vector_load_idx %arg4[%parallel_loop3A_221, %add3A_82] : memref<312x128xf32, #tpu.memory_space<vmem>>[vector<16xi32>, vector<16xi32>], vector<16xf32>,
        %parallel_loop3A_223 = arith.constant 1 : i32
        %parallel_loop3A_224 = vector.broadcast %parallel_loop3A_223 : i32 to vector<16xi32>
        %parallel_loop3A_225 = arith.addi %parallel_loop3A_216, %parallel_loop3A_224 : vector<16xi32>
        %parallel_loop3A_226 = tpu.vector_load_idx %arg4[%parallel_loop3A_225, %add3A_82] : memref<312x128xf32, #tpu.memory_space<vmem>>[vector<16xi32>, vector<16xi32>], vector<16xf32>,
        %parallel_loop3A_227 = arith.constant 2 : i32
        %parallel_loop3A_228 = vector.broadcast %parallel_loop3A_227 : i32 to vector<16xi32>
        %parallel_loop3A_229 = arith.addi %parallel_loop3A_216, %parallel_loop3A_228 : vector<16xi32>
        %parallel_loop3A_230 = tpu.vector_load_idx %arg4[%parallel_loop3A_229, %add3A_82] : memref<312x128xf32, #tpu.memory_space<vmem>>[vector<16xi32>, vector<16xi32>], vector<16xf32>,
        %parallel_loop3A_231 = arith.constant 3 : i32
        %parallel_loop3A_232 = vector.broadcast %parallel_loop3A_231 : i32 to vector<16xi32>
        %parallel_loop3A_233 = arith.addi %parallel_loop3A_216, %parallel_loop3A_232 : vector<16xi32>
        %parallel_loop3A_234 = tpu.vector_load_idx %arg4[%parallel_loop3A_233, %add3A_82] : memref<312x128xf32, #tpu.memory_space<vmem>>[vector<16xi32>, vector<16xi32>], vector<16xf32>,
        %parallel_loop3A_235 = arith.constant 4 : i32
        %parallel_loop3A_236 = vector.broadcast %parallel_loop3A_235 : i32 to vector<16xi32>
        %parallel_loop3A_237 = arith.addi %parallel_loop3A_216, %parallel_loop3A_236 : vector<16xi32>
        %parallel_loop3A_238 = tpu.vector_load_idx %arg4[%parallel_loop3A_237, %add3A_82] : memref<312x128xf32, #tpu.memory_space<vmem>>[vector<16xi32>, vector<16xi32>], vector<16xf32>,
        %parallel_loop3A_239 = arith.minimumf %parallel_loop3A_222, %parallel_loop3A_226 : vector<16xf32>
        %parallel_loop3A_240 = arith.maximumf %parallel_loop3A_222, %parallel_loop3A_226 : vector<16xf32>
        %parallel_loop3A_241 = arith.minimumf %parallel_loop3A_234, %parallel_loop3A_238 : vector<16xf32>
        %parallel_loop3A_242 = arith.maximumf %parallel_loop3A_234, %parallel_loop3A_238 : vector<16xf32>
        %parallel_loop3A_243 = arith.minimumf %parallel_loop3A_230, %parallel_loop3A_242 : vector<16xf32>
        %parallel_loop3A_244 = arith.maximumf %parallel_loop3A_230, %parallel_loop3A_242 : vector<16xf32>
        %parallel_loop3A_245 = arith.minimumf %parallel_loop3A_243, %parallel_loop3A_241 : vector<16xf32>
        %parallel_loop3A_246 = arith.maximumf %parallel_loop3A_243, %parallel_loop3A_241 : vector<16xf32>
        %parallel_loop3A_247 = arith.minimumf %parallel_loop3A_239, %parallel_loop3A_246 : vector<16xf32>
        %parallel_loop3A_248 = arith.maximumf %parallel_loop3A_239, %parallel_loop3A_246 : vector<16xf32>
        %parallel_loop3A_249 = arith.minimumf %parallel_loop3A_247, %parallel_loop3A_245 : vector<16xf32>
        %parallel_loop3A_250 = arith.maximumf %parallel_loop3A_247, %parallel_loop3A_245 : vector<16xf32>
        %parallel_loop3A_251 = arith.minimumf %parallel_loop3A_240, %parallel_loop3A_244 : vector<16xf32>
        %parallel_loop3A_252 = arith.maximumf %parallel_loop3A_240, %parallel_loop3A_244 : vector<16xf32>
        %parallel_loop3A_253 = arith.minimumf %parallel_loop3A_251, %parallel_loop3A_248 : vector<16xf32>
        %parallel_loop3A_254 = arith.maximumf %parallel_loop3A_251, %parallel_loop3A_248 : vector<16xf32>
        %parallel_loop3A_255 = arith.minimumf %parallel_loop3A_253, %parallel_loop3A_250 : vector<16xf32>
        %parallel_loop3A_256 = arith.maximumf %parallel_loop3A_253, %parallel_loop3A_250 : vector<16xf32>
        %parallel_loop3A_257 = arith.constant 0 : i32
        %parallel_loop3A_258 = vector.broadcast %parallel_loop3A_257 : i32 to vector<16xi32>
        %parallel_loop3A_259 = arith.addi %parallel_loop3A_218, %parallel_loop3A_258 : vector<16xi32>
        tpu.vector_store_idx %arg5[%parallel_loop3A_259, %add3A_82], %parallel_loop3A_249 : memref<304x128xf32, #tpu.memory_space<vmem>>[vector<16xi32>, vector<16xi32>], vector<16xf32>,
        %parallel_loop3A_260 = arith.constant 1 : i32
        %parallel_loop3A_261 = vector.broadcast %parallel_loop3A_260 : i32 to vector<16xi32>
        %parallel_loop3A_262 = arith.addi %parallel_loop3A_218, %parallel_loop3A_261 : vector<16xi32>
        tpu.vector_store_idx %arg5[%parallel_loop3A_262, %add3A_82], %parallel_loop3A_255 : memref<304x128xf32, #tpu.memory_space<vmem>>[vector<16xi32>, vector<16xi32>], vector<16xf32>,
        %parallel_loop3A_263 = arith.constant 2 : i32
        %parallel_loop3A_264 = vector.broadcast %parallel_loop3A_263 : i32 to vector<16xi32>
        %parallel_loop3A_265 = arith.addi %parallel_loop3A_218, %parallel_loop3A_264 : vector<16xi32>
        tpu.vector_store_idx %arg5[%parallel_loop3A_265, %add3A_82], %parallel_loop3A_256 : memref<304x128xf32, #tpu.memory_space<vmem>>[vector<16xi32>, vector<16xi32>], vector<16xf32>,
        %parallel_loop3A_266 = arith.constant 3 : i32
        %parallel_loop3A_267 = vector.broadcast %parallel_loop3A_266 : i32 to vector<16xi32>
        %parallel_loop3A_268 = arith.addi %parallel_loop3A_218, %parallel_loop3A_267 : vector<16xi32>
        tpu.vector_store_idx %arg5[%parallel_loop3A_268, %add3A_82], %parallel_loop3A_254 : memref<304x128xf32, #tpu.memory_space<vmem>>[vector<16xi32>, vector<16xi32>], vector<16xf32>,
        %parallel_loop3A_269 = arith.constant 4 : i32
        %parallel_loop3A_270 = vector.broadcast %parallel_loop3A_269 : i32 to vector<16xi32>
        %parallel_loop3A_271 = arith.addi %parallel_loop3A_218, %parallel_loop3A_270 : vector<16xi32>
        tpu.vector_store_idx %arg5[%parallel_loop3A_271, %add3A_82], %parallel_loop3A_252 : memref<304x128xf32, #tpu.memory_space<vmem>>[vector<16xi32>, vector<16xi32>], vector<16xf32>,
      } {sc.loop_unroll_factor = 4 : i64, sc.parallel_access}
    }
    %scan3A_47 = arith.constant 8 : i32
    "tpu.region"() ({
      %run_scoped3A = tpu.sem_alloc : memref<!tpu.dma_semaphore, #tpu.memory_space<semaphore_mem>>
      %dma_start3A = arith.constant 24 : i32
      %dma_start3A_72 = arith.constant 0 : i32
      %dma_start3A_73 = tpu.memref_slice %arg5[%dma_start3A, %dma_start3A_72] : memref<304x128xf32, #tpu.memory_space<vmem>> -> memref<256x128xf32, #tpu.memory_space<vmem>>
      %dma_start3A_74 = arith.constant 128 : i32
      %dma_start3A_75 = tpu.memref_slice %arg3[%select_n3A, %multiple_of3A_31, %dma_start3A_74] : memref<4x2048x768xf32, #tpu.memory_space<hbm>> -> memref<1x256x128xf32, #tpu.memory_space<hbm>>
      %dma_start3A_76 = tpu.memref_squeeze %dma_start3A_75 : memref<1x256x128xf32, #tpu.memory_space<hbm>> -> memref<256x128xf32, #tpu.memory_space<hbm>>
      %dma_start3A_77 = arith.constant 128 : i32
      %dma_start3A_78 = tpu.memref_slice %arg3[%select_n3A, %multiple_of3A_31, %dma_start3A_77] : memref<4x2048x768xf32, #tpu.memory_space<hbm>> -> memref<1x256x128xf32, #tpu.memory_space<hbm>>
      %dma_start3A_79 = tpu.memref_squeeze %dma_start3A_78 : memref<1x256x128xf32, #tpu.memory_space<hbm>> -> memref<256x128xf32, #tpu.memory_space<hbm>>
      %dma_start3A_80 = arith.constant 24 : i32
      %dma_start3A_81 = arith.constant 0 : i32
      %dma_start3A_82 = tpu.memref_slice %arg5[%dma_start3A_80, %dma_start3A_81] : memref<304x128xf32, #tpu.memory_space<vmem>> -> memref<256x128xf32, #tpu.memory_space<vmem>>
      tpu.enqueue_dma source(%dma_start3A_82 : memref<256x128xf32, #tpu.memory_space<vmem>>) target(%dma_start3A_79 : memref<256x128xf32, #tpu.memory_space<hbm>>) target_semaphore(%run_scoped3A : memref<!tpu.dma_semaphore, #tpu.memory_space<semaphore_mem>>)
      %dma_wait3A = arith.constant 24 : i32
      %dma_wait3A_83 = arith.constant 0 : i32
      %dma_wait3A_84 = tpu.memref_slice %arg5[%dma_wait3A, %dma_wait3A_83] : memref<304x128xf32, #tpu.memory_space<vmem>> -> memref<256x128xf32, #tpu.memory_space<vmem>>
      %dma_wait3A_85 = arith.constant 128 : i32
      %dma_wait3A_86 = tpu.memref_slice %arg3[%select_n3A, %multiple_of3A_31, %dma_wait3A_85] : memref<4x2048x768xf32, #tpu.memory_space<hbm>> -> memref<1x256x128xf32, #tpu.memory_space<hbm>>
      %dma_wait3A_87 = tpu.memref_squeeze %dma_wait3A_86 : memref<1x256x128xf32, #tpu.memory_space<hbm>> -> memref<256x128xf32, #tpu.memory_space<hbm>>
      %dma_wait3A_88 = arith.constant 128 : i32
      %dma_wait3A_89 = tpu.memref_slice %arg3[%select_n3A, %multiple_of3A_31, %dma_wait3A_88] : memref<4x2048x768xf32, #tpu.memory_space<hbm>> -> memref<1x256x128xf32, #tpu.memory_space<hbm>>
      %dma_wait3A_90 = tpu.memref_squeeze %dma_wait3A_89 : memref<1x256x128xf32, #tpu.memory_space<hbm>> -> memref<256x128xf32, #tpu.memory_space<hbm>>
      %dma_wait3A_91 = arith.constant 24 : i32
      %dma_wait3A_92 = arith.constant 0 : i32
      %dma_wait3A_93 = tpu.memref_slice %arg5[%dma_wait3A_91, %dma_wait3A_92] : memref<304x128xf32, #tpu.memory_space<vmem>> -> memref<256x128xf32, #tpu.memory_space<vmem>>
      tpu.wait_dma2 semaphore(%run_scoped3A : memref<!tpu.dma_semaphore, #tpu.memory_space<semaphore_mem>>) src(%dma_wait3A_93 : memref<256x128xf32, #tpu.memory_space<vmem>>) dst(%dma_wait3A_90 : memref<256x128xf32, #tpu.memory_space<hbm>>)
      tpu.yield
    }) : () -> ()
    "tpu.region"() ({
      %run_scoped3A = tpu.sem_alloc : memref<!tpu.dma_semaphore, #tpu.memory_space<semaphore_mem>>
      %dma_start3A = arith.constant 0 : i32
      %dma_start3A_72 = arith.constant 0 : i32
      %dma_start3A_73 = tpu.memref_slice %arg4[%dma_start3A, %dma_start3A_72] : memref<312x128xf32, #tpu.memory_space<vmem>> -> memref<32x128xf32, #tpu.memory_space<vmem>>
      %dma_start3A_74 = arith.constant 256 : i32
      %dma_start3A_75 = tpu.memref_slice %arg2[%select_n3A, %multiple_of3A, %dma_start3A_74] : memref<4x2048x768xf32, #tpu.memory_space<hbm>> -> memref<1x32x128xf32, #tpu.memory_space<hbm>>
      %dma_start3A_76 = tpu.memref_squeeze %dma_start3A_75 : memref<1x32x128xf32, #tpu.memory_space<hbm>> -> memref<32x128xf32, #tpu.memory_space<hbm>>
      %dma_start3A_77 = arith.constant 0 : i32
      %dma_start3A_78 = arith.constant 0 : i32
      %dma_start3A_79 = tpu.memref_slice %arg4[%dma_start3A_77, %dma_start3A_78] : memref<312x128xf32, #tpu.memory_space<vmem>> -> memref<32x128xf32, #tpu.memory_space<vmem>>
      %dma_start3A_80 = arith.constant 256 : i32
      %dma_start3A_81 = tpu.memref_slice %arg2[%select_n3A, %multiple_of3A, %dma_start3A_80] : memref<4x2048x768xf32, #tpu.memory_space<hbm>> -> memref<1x32x128xf32, #tpu.memory_space<hbm>>
      %dma_start3A_82 = tpu.memref_squeeze %dma_start3A_81 : memref<1x32x128xf32, #tpu.memory_space<hbm>> -> memref<32x128xf32, #tpu.memory_space<hbm>>
      tpu.enqueue_dma source(%dma_start3A_82 : memref<32x128xf32, #tpu.memory_space<hbm>>) target(%dma_start3A_79 : memref<32x128xf32, #tpu.memory_space<vmem>>) target_semaphore(%run_scoped3A : memref<!tpu.dma_semaphore, #tpu.memory_space<semaphore_mem>>)
      %dma_wait3A = arith.constant 0 : i32
      %dma_wait3A_83 = arith.constant 0 : i32
      %dma_wait3A_84 = tpu.memref_slice %arg4[%dma_wait3A, %dma_wait3A_83] : memref<312x128xf32, #tpu.memory_space<vmem>> -> memref<32x128xf32, #tpu.memory_space<vmem>>
      %dma_wait3A_85 = arith.constant 256 : i32
      %dma_wait3A_86 = tpu.memref_slice %arg2[%select_n3A, %multiple_of3A, %dma_wait3A_85] : memref<4x2048x768xf32, #tpu.memory_space<hbm>> -> memref<1x32x128xf32, #tpu.memory_space<hbm>>
      %dma_wait3A_87 = tpu.memref_squeeze %dma_wait3A_86 : memref<1x32x128xf32, #tpu.memory_space<hbm>> -> memref<32x128xf32, #tpu.memory_space<hbm>>
      %dma_wait3A_88 = arith.constant 0 : i32
      %dma_wait3A_89 = arith.constant 0 : i32
      %dma_wait3A_90 = tpu.memref_slice %arg4[%dma_wait3A_88, %dma_wait3A_89] : memref<312x128xf32, #tpu.memory_space<vmem>> -> memref<32x128xf32, #tpu.memory_space<vmem>>
      %dma_wait3A_91 = arith.constant 256 : i32
      %dma_wait3A_92 = tpu.memref_slice %arg2[%select_n3A, %multiple_of3A, %dma_wait3A_91] : memref<4x2048x768xf32, #tpu.memory_space<hbm>> -> memref<1x32x128xf32, #tpu.memory_space<hbm>>
      %dma_wait3A_93 = tpu.memref_squeeze %dma_wait3A_92 : memref<1x32x128xf32, #tpu.memory_space<hbm>> -> memref<32x128xf32, #tpu.memory_space<hbm>>
      tpu.wait_dma2 semaphore(%run_scoped3A : memref<!tpu.dma_semaphore, #tpu.memory_space<semaphore_mem>>) src(%dma_wait3A_93 : memref<32x128xf32, #tpu.memory_space<hbm>>) dst(%dma_wait3A_90 : memref<32x128xf32, #tpu.memory_space<vmem>>)
      tpu.yield
    }) : () -> ()
    "tpu.region"() ({
      %run_scoped3A = tpu.sem_alloc : memref<!tpu.dma_semaphore, #tpu.memory_space<semaphore_mem>>
      %dma_start3A = arith.constant 32 : i32
      %dma_start3A_72 = arith.constant 0 : i32
      %dma_start3A_73 = tpu.memref_slice %arg4[%dma_start3A, %dma_start3A_72] : memref<312x128xf32, #tpu.memory_space<vmem>> -> memref<256x128xf32, #tpu.memory_space<vmem>>
      %dma_start3A_74 = arith.constant 256 : i32
      %dma_start3A_75 = tpu.memref_slice %arg2[%select_n3A, %multiple_of3A_31, %dma_start3A_74] : memref<4x2048x768xf32, #tpu.memory_space<hbm>> -> memref<1x256x128xf32, #tpu.memory_space<hbm>>
      %dma_start3A_76 = tpu.memref_squeeze %dma_start3A_75 : memref<1x256x128xf32, #tpu.memory_space<hbm>> -> memref<256x128xf32, #tpu.memory_space<hbm>>
      %dma_start3A_77 = arith.constant 32 : i32
      %dma_start3A_78 = arith.constant 0 : i32
      %dma_start3A_79 = tpu.memref_slice %arg4[%dma_start3A_77, %dma_start3A_78] : memref<312x128xf32, #tpu.memory_space<vmem>> -> memref<256x128xf32, #tpu.memory_space<vmem>>
      %dma_start3A_80 = arith.constant 256 : i32
      %dma_start3A_81 = tpu.memref_slice %arg2[%select_n3A, %multiple_of3A_31, %dma_start3A_80] : memref<4x2048x768xf32, #tpu.memory_space<hbm>> -> memref<1x256x128xf32, #tpu.memory_space<hbm>>
      %dma_start3A_82 = tpu.memref_squeeze %dma_start3A_81 : memref<1x256x128xf32, #tpu.memory_space<hbm>> -> memref<256x128xf32, #tpu.memory_space<hbm>>
      tpu.enqueue_dma source(%dma_start3A_82 : memref<256x128xf32, #tpu.memory_space<hbm>>) target(%dma_start3A_79 : memref<256x128xf32, #tpu.memory_space<vmem>>) target_semaphore(%run_scoped3A : memref<!tpu.dma_semaphore, #tpu.memory_space<semaphore_mem>>)
      %dma_wait3A = arith.constant 32 : i32
      %dma_wait3A_83 = arith.constant 0 : i32
      %dma_wait3A_84 = tpu.memref_slice %arg4[%dma_wait3A, %dma_wait3A_83] : memref<312x128xf32, #tpu.memory_space<vmem>> -> memref<256x128xf32, #tpu.memory_space<vmem>>
      %dma_wait3A_85 = arith.constant 256 : i32
      %dma_wait3A_86 = tpu.memref_slice %arg2[%select_n3A, %multiple_of3A_31, %dma_wait3A_85] : memref<4x2048x768xf32, #tpu.memory_space<hbm>> -> memref<1x256x128xf32, #tpu.memory_space<hbm>>
      %dma_wait3A_87 = tpu.memref_squeeze %dma_wait3A_86 : memref<1x256x128xf32, #tpu.memory_space<hbm>> -> memref<256x128xf32, #tpu.memory_space<hbm>>
      %dma_wait3A_88 = arith.constant 32 : i32
      %dma_wait3A_89 = arith.constant 0 : i32
      %dma_wait3A_90 = tpu.memref_slice %arg4[%dma_wait3A_88, %dma_wait3A_89] : memref<312x128xf32, #tpu.memory_space<vmem>> -> memref<256x128xf32, #tpu.memory_space<vmem>>
      %dma_wait3A_91 = arith.constant 256 : i32
      %dma_wait3A_92 = tpu.memref_slice %arg2[%select_n3A, %multiple_of3A_31, %dma_wait3A_91] : memref<4x2048x768xf32, #tpu.memory_space<hbm>> -> memref<1x256x128xf32, #tpu.memory_space<hbm>>
      %dma_wait3A_93 = tpu.memref_squeeze %dma_wait3A_92 : memref<1x256x128xf32, #tpu.memory_space<hbm>> -> memref<256x128xf32, #tpu.memory_space<hbm>>
      tpu.wait_dma2 semaphore(%run_scoped3A : memref<!tpu.dma_semaphore, #tpu.memory_space<semaphore_mem>>) src(%dma_wait3A_93 : memref<256x128xf32, #tpu.memory_space<hbm>>) dst(%dma_wait3A_90 : memref<256x128xf32, #tpu.memory_space<vmem>>)
      tpu.yield
    }) : () -> ()
    "tpu.region"() ({
      %run_scoped3A = tpu.sem_alloc : memref<!tpu.dma_semaphore, #tpu.memory_space<semaphore_mem>>
      %dma_start3A = arith.constant 288 : i32
      %dma_start3A_72 = arith.constant 0 : i32
      %dma_start3A_73 = tpu.memref_slice %arg4[%dma_start3A, %dma_start3A_72] : memref<312x128xf32, #tpu.memory_space<vmem>> -> memref<24x128xf32, #tpu.memory_space<vmem>>
      %dma_start3A_74 = arith.constant 256 : i32
      %dma_start3A_75 = tpu.memref_slice %arg2[%select_n3A, %multiple_of3A_36, %dma_start3A_74] : memref<4x2048x768xf32, #tpu.memory_space<hbm>> -> memref<1x24x128xf32, #tpu.memory_space<hbm>>
      %dma_start3A_76 = tpu.memref_squeeze %dma_start3A_75 : memref<1x24x128xf32, #tpu.memory_space<hbm>> -> memref<24x128xf32, #tpu.memory_space<hbm>>
      %dma_start3A_77 = arith.constant 288 : i32
      %dma_start3A_78 = arith.constant 0 : i32
      %dma_start3A_79 = tpu.memref_slice %arg4[%dma_start3A_77, %dma_start3A_78] : memref<312x128xf32, #tpu.memory_space<vmem>> -> memref<24x128xf32, #tpu.memory_space<vmem>>
      %dma_start3A_80 = arith.constant 256 : i32
      %dma_start3A_81 = tpu.memref_slice %arg2[%select_n3A, %multiple_of3A_36, %dma_start3A_80] : memref<4x2048x768xf32, #tpu.memory_space<hbm>> -> memref<1x24x128xf32, #tpu.memory_space<hbm>>
      %dma_start3A_82 = tpu.memref_squeeze %dma_start3A_81 : memref<1x24x128xf32, #tpu.memory_space<hbm>> -> memref<24x128xf32, #tpu.memory_space<hbm>>
      tpu.enqueue_dma source(%dma_start3A_82 : memref<24x128xf32, #tpu.memory_space<hbm>>) target(%dma_start3A_79 : memref<24x128xf32, #tpu.memory_space<vmem>>) target_semaphore(%run_scoped3A : memref<!tpu.dma_semaphore, #tpu.memory_space<semaphore_mem>>)
      %dma_wait3A = arith.constant 288 : i32
      %dma_wait3A_83 = arith.constant 0 : i32
      %dma_wait3A_84 = tpu.memref_slice %arg4[%dma_wait3A, %dma_wait3A_83] : memref<312x128xf32, #tpu.memory_space<vmem>> -> memref<24x128xf32, #tpu.memory_space<vmem>>
      %dma_wait3A_85 = arith.constant 256 : i32
      %dma_wait3A_86 = tpu.memref_slice %arg2[%select_n3A, %multiple_of3A_36, %dma_wait3A_85] : memref<4x2048x768xf32, #tpu.memory_space<hbm>> -> memref<1x24x128xf32, #tpu.memory_space<hbm>>
      %dma_wait3A_87 = tpu.memref_squeeze %dma_wait3A_86 : memref<1x24x128xf32, #tpu.memory_space<hbm>> -> memref<24x128xf32, #tpu.memory_space<hbm>>
      %dma_wait3A_88 = arith.constant 288 : i32
      %dma_wait3A_89 = arith.constant 0 : i32
      %dma_wait3A_90 = tpu.memref_slice %arg4[%dma_wait3A_88, %dma_wait3A_89] : memref<312x128xf32, #tpu.memory_space<vmem>> -> memref<24x128xf32, #tpu.memory_space<vmem>>
      %dma_wait3A_91 = arith.constant 256 : i32
      %dma_wait3A_92 = tpu.memref_slice %arg2[%select_n3A, %multiple_of3A_36, %dma_wait3A_91] : memref<4x2048x768xf32, #tpu.memory_space<hbm>> -> memref<1x24x128xf32, #tpu.memory_space<hbm>>
      %dma_wait3A_93 = tpu.memref_squeeze %dma_wait3A_92 : memref<1x24x128xf32, #tpu.memory_space<hbm>> -> memref<24x128xf32, #tpu.memory_space<hbm>>
      tpu.wait_dma2 semaphore(%run_scoped3A : memref<!tpu.dma_semaphore, #tpu.memory_space<semaphore_mem>>) src(%dma_wait3A_93 : memref<24x128xf32, #tpu.memory_space<hbm>>) dst(%dma_wait3A_90 : memref<24x128xf32, #tpu.memory_space<vmem>>)
      tpu.yield
    }) : () -> ()
    %scan3A_48 = arith.constant 0 : i32
    %scan3A_49 = arith.constant 0 : i32
    %scan3A_50 = arith.constant 8 : i32
    %scan3A_51 = arith.addi %scan3A_49, %scan3A_50 : i32
    %scan3A_52 = arith.constant 1 : i32
    scf.for %scan3A_72 = %scan3A_49 to %scan3A_51 step %scan3A_52  : i32 {
      %mul3A_73 = arith.constant 16 : i32
      %mul3A_74 = arith.muli %mul3A_73, %scan3A_72 : i32
      %add3A_75 = arith.constant 256 : i32
      %add3A_76 = arith.addi %add3A_75, %mul3A_74 : i32
      %add3A_77 = vector.broadcast %add3A_76 : i32 to vector<16xi32>
      %add3A_78 = arith.addi %add3A_77, %iota3A : vector<16xi32>
      %mul3A_79 = arith.constant 16 : i32
      %mul3A_80 = arith.muli %mul3A_79, %scan3A_72 : i32
      %add3A_81 = vector.broadcast %mul3A_80 : i32 to vector<16xi32>
      %add3A_82 = arith.addi %add3A_81, %iota3A : vector<16xi32>
      %sub3A_83 = arith.constant 19 : i32
      %sub3A_84 = arith.subi %mul3A_21, %sub3A_83 : i32
      %sub3A_85 = arith.subi %sub3A_84, %add3A_76 : i32
      %add3A_86 = arith.constant 4 : i32
      %add3A_87 = arith.addi %sub3A_85, %add3A_86 : i32
      %jit3A_88 = arith.constant 5 : i32
      %div3A_89 = arith.divsi %add3A_87, %jit3A_88 : i32
      %sign3A_90 = arith.constant 0 : i32
      %sign3A_91 = arith.cmpi sgt, %add3A_87, %sign3A_90 : i32
      %sign3A_92 = arith.extui %sign3A_91 : i1 to i32
      %sign3A_93 = arith.constant 0 : i32
      %sign3A_94 = arith.cmpi slt, %add3A_87, %sign3A_93 : i32
      %sign3A_95 = arith.extui %sign3A_94 : i1 to i32
      %sign3A_96 = arith.subi %sign3A_92, %sign3A_95 : i32
      %sign3A_97 = arith.constant 0 : i32
      %sign3A_98 = arith.cmpi sgt, %jit3A_88, %sign3A_97 : i32
      %sign3A_99 = arith.extui %sign3A_98 : i1 to i32
      %sign3A_100 = arith.constant 0 : i32
      %sign3A_101 = arith.cmpi slt, %jit3A_88, %sign3A_100 : i32
      %sign3A_102 = arith.extui %sign3A_101 : i1 to i32
      %sign3A_103 = arith.subi %sign3A_99, %sign3A_102 : i32
      %ne3A_104 = arith.cmpi ne, %sign3A_96, %sign3A_103 : i32
      %rem3A_105 = arith.remsi %add3A_87, %jit3A_88 : i32
      %ne3A_106 = arith.constant 0 : i32
      %ne3A_107 = arith.cmpi ne, %rem3A_105, %ne3A_106 : i32
      %and3A_108 = arith.andi %ne3A_104, %ne3A_107 : i1
      %sub3A_109 = arith.constant 1 : i32
      %sub3A_110 = arith.subi %div3A_89, %sub3A_109 : i32
      %select_n3A_111 = arith.select %and3A_108, %sub3A_110, %div3A_89 : i32
      %max3A = arith.constant 0 : i32
      %max3A_112 = arith.maxsi %max3A, %select_n3A_111 : i32
      %sub3A_113 = arith.constant 1 : i32
      %sub3A_114 = arith.subi %select_n3A_26, %sub3A_113 : i32
      %sub3A_115 = arith.subi %sub3A_114, %add3A_76 : i32
      %jit3A_116 = arith.constant 5 : i32
      %div3A_117 = arith.divsi %sub3A_115, %jit3A_116 : i32
      %sign3A_118 = arith.constant 0 : i32
      %sign3A_119 = arith.cmpi sgt, %sub3A_115, %sign3A_118 : i32
      %sign3A_120 = arith.extui %sign3A_119 : i1 to i32
      %sign3A_121 = arith.constant 0 : i32
      %sign3A_122 = arith.cmpi slt, %sub3A_115, %sign3A_121 : i32
      %sign3A_123 = arith.extui %sign3A_122 : i1 to i32
      %sign3A_124 = arith.subi %sign3A_120, %sign3A_123 : i32
      %sign3A_125 = arith.constant 0 : i32
      %sign3A_126 = arith.cmpi sgt, %jit3A_116, %sign3A_125 : i32
      %sign3A_127 = arith.extui %sign3A_126 : i1 to i32
      %sign3A_128 = arith.constant 0 : i32
      %sign3A_129 = arith.cmpi slt, %jit3A_116, %sign3A_128 : i32
      %sign3A_130 = arith.extui %sign3A_129 : i1 to i32
      %sign3A_131 = arith.subi %sign3A_127, %sign3A_130 : i32
      %ne3A_132 = arith.cmpi ne, %sign3A_124, %sign3A_131 : i32
      %rem3A_133 = arith.remsi %sub3A_115, %jit3A_116 : i32
      %ne3A_134 = arith.constant 0 : i32
      %ne3A_135 = arith.cmpi ne, %rem3A_133, %ne3A_134 : i32
      %and3A_136 = arith.andi %ne3A_132, %ne3A_135 : i1
      %sub3A_137 = arith.constant 1 : i32
      %sub3A_138 = arith.subi %div3A_117, %sub3A_137 : i32
      %select_n3A_139 = arith.select %and3A_136, %sub3A_138, %div3A_117 : i32
      %add3A_140 = arith.constant 1 : i32
      %add3A_141 = arith.addi %select_n3A_139, %add3A_140 : i32
      %min3A = arith.constant 409 : i32
      %min3A_142 = arith.minsi %min3A, %add3A_141 : i32
      %parallel_loop3A = arith.constant 1 : i32
      scf.for %parallel_loop3A_206 = %max3A_112 to %min3A_142 step %parallel_loop3A  : i32 {
        %parallel_loop3A_207 = arith.constant 32 : i32
        %parallel_loop3A_208 = arith.subi %parallel_loop3A_207, %mul3A_21 : i32
        %parallel_loop3A_209 = arith.constant 24 : i32
        %parallel_loop3A_210 = arith.subi %parallel_loop3A_209, %mul3A_21 : i32
        %parallel_loop3A_211 = arith.constant 5 : i32
        %parallel_loop3A_212 = arith.muli %parallel_loop3A_211, %parallel_loop3A_206 : i32
        %parallel_loop3A_213 = vector.broadcast %parallel_loop3A_212 : i32 to vector<16xi32>
        %parallel_loop3A_214 = arith.addi %add3A_78, %parallel_loop3A_213 : vector<16xi32>
        %parallel_loop3A_215 = vector.broadcast %parallel_loop3A_208 : i32 to vector<16xi32>
        %parallel_loop3A_216 = arith.addi %parallel_loop3A_214, %parallel_loop3A_215 : vector<16xi32>
        %parallel_loop3A_217 = vector.broadcast %parallel_loop3A_210 : i32 to vector<16xi32>
        %parallel_loop3A_218 = arith.addi %parallel_loop3A_214, %parallel_loop3A_217 : vector<16xi32>
        %parallel_loop3A_219 = arith.constant 0 : i32
        %parallel_loop3A_220 = vector.broadcast %parallel_loop3A_219 : i32 to vector<16xi32>
        %parallel_loop3A_221 = arith.addi %parallel_loop3A_216, %parallel_loop3A_220 : vector<16xi32>
        %parallel_loop3A_222 = tpu.vector_load_idx %arg4[%parallel_loop3A_221, %add3A_82] : memref<312x128xf32, #tpu.memory_space<vmem>>[vector<16xi32>, vector<16xi32>], vector<16xf32>,
        %parallel_loop3A_223 = arith.constant 1 : i32
        %parallel_loop3A_224 = vector.broadcast %parallel_loop3A_223 : i32 to vector<16xi32>
        %parallel_loop3A_225 = arith.addi %parallel_loop3A_216, %parallel_loop3A_224 : vector<16xi32>
        %parallel_loop3A_226 = tpu.vector_load_idx %arg4[%parallel_loop3A_225, %add3A_82] : memref<312x128xf32, #tpu.memory_space<vmem>>[vector<16xi32>, vector<16xi32>], vector<16xf32>,
        %parallel_loop3A_227 = arith.constant 2 : i32
        %parallel_loop3A_228 = vector.broadcast %parallel_loop3A_227 : i32 to vector<16xi32>
        %parallel_loop3A_229 = arith.addi %parallel_loop3A_216, %parallel_loop3A_228 : vector<16xi32>
        %parallel_loop3A_230 = tpu.vector_load_idx %arg4[%parallel_loop3A_229, %add3A_82] : memref<312x128xf32, #tpu.memory_space<vmem>>[vector<16xi32>, vector<16xi32>], vector<16xf32>,
        %parallel_loop3A_231 = arith.constant 3 : i32
        %parallel_loop3A_232 = vector.broadcast %parallel_loop3A_231 : i32 to vector<16xi32>
        %parallel_loop3A_233 = arith.addi %parallel_loop3A_216, %parallel_loop3A_232 : vector<16xi32>
        %parallel_loop3A_234 = tpu.vector_load_idx %arg4[%parallel_loop3A_233, %add3A_82] : memref<312x128xf32, #tpu.memory_space<vmem>>[vector<16xi32>, vector<16xi32>], vector<16xf32>,
        %parallel_loop3A_235 = arith.constant 4 : i32
        %parallel_loop3A_236 = vector.broadcast %parallel_loop3A_235 : i32 to vector<16xi32>
        %parallel_loop3A_237 = arith.addi %parallel_loop3A_216, %parallel_loop3A_236 : vector<16xi32>
        %parallel_loop3A_238 = tpu.vector_load_idx %arg4[%parallel_loop3A_237, %add3A_82] : memref<312x128xf32, #tpu.memory_space<vmem>>[vector<16xi32>, vector<16xi32>], vector<16xf32>,
        %parallel_loop3A_239 = arith.minimumf %parallel_loop3A_222, %parallel_loop3A_226 : vector<16xf32>
        %parallel_loop3A_240 = arith.maximumf %parallel_loop3A_222, %parallel_loop3A_226 : vector<16xf32>
        %parallel_loop3A_241 = arith.minimumf %parallel_loop3A_234, %parallel_loop3A_238 : vector<16xf32>
        %parallel_loop3A_242 = arith.maximumf %parallel_loop3A_234, %parallel_loop3A_238 : vector<16xf32>
        %parallel_loop3A_243 = arith.minimumf %parallel_loop3A_230, %parallel_loop3A_242 : vector<16xf32>
        %parallel_loop3A_244 = arith.maximumf %parallel_loop3A_230, %parallel_loop3A_242 : vector<16xf32>
        %parallel_loop3A_245 = arith.minimumf %parallel_loop3A_243, %parallel_loop3A_241 : vector<16xf32>
        %parallel_loop3A_246 = arith.maximumf %parallel_loop3A_243, %parallel_loop3A_241 : vector<16xf32>
        %parallel_loop3A_247 = arith.minimumf %parallel_loop3A_239, %parallel_loop3A_246 : vector<16xf32>
        %parallel_loop3A_248 = arith.maximumf %parallel_loop3A_239, %parallel_loop3A_246 : vector<16xf32>
        %parallel_loop3A_249 = arith.minimumf %parallel_loop3A_247, %parallel_loop3A_245 : vector<16xf32>
        %parallel_loop3A_250 = arith.maximumf %parallel_loop3A_247, %parallel_loop3A_245 : vector<16xf32>
        %parallel_loop3A_251 = arith.minimumf %parallel_loop3A_240, %parallel_loop3A_244 : vector<16xf32>
        %parallel_loop3A_252 = arith.maximumf %parallel_loop3A_240, %parallel_loop3A_244 : vector<16xf32>
        %parallel_loop3A_253 = arith.minimumf %parallel_loop3A_251, %parallel_loop3A_248 : vector<16xf32>
        %parallel_loop3A_254 = arith.maximumf %parallel_loop3A_251, %parallel_loop3A_248 : vector<16xf32>
        %parallel_loop3A_255 = arith.minimumf %parallel_loop3A_253, %parallel_loop3A_250 : vector<16xf32>
        %parallel_loop3A_256 = arith.maximumf %parallel_loop3A_253, %parallel_loop3A_250 : vector<16xf32>
        %parallel_loop3A_257 = arith.constant 0 : i32
        %parallel_loop3A_258 = vector.broadcast %parallel_loop3A_257 : i32 to vector<16xi32>
        %parallel_loop3A_259 = arith.addi %parallel_loop3A_218, %parallel_loop3A_258 : vector<16xi32>
        tpu.vector_store_idx %arg5[%parallel_loop3A_259, %add3A_82], %parallel_loop3A_249 : memref<304x128xf32, #tpu.memory_space<vmem>>[vector<16xi32>, vector<16xi32>], vector<16xf32>,
        %parallel_loop3A_260 = arith.constant 1 : i32
        %parallel_loop3A_261 = vector.broadcast %parallel_loop3A_260 : i32 to vector<16xi32>
        %parallel_loop3A_262 = arith.addi %parallel_loop3A_218, %parallel_loop3A_261 : vector<16xi32>
        tpu.vector_store_idx %arg5[%parallel_loop3A_262, %add3A_82], %parallel_loop3A_255 : memref<304x128xf32, #tpu.memory_space<vmem>>[vector<16xi32>, vector<16xi32>], vector<16xf32>,
        %parallel_loop3A_263 = arith.constant 2 : i32
        %parallel_loop3A_264 = vector.broadcast %parallel_loop3A_263 : i32 to vector<16xi32>
        %parallel_loop3A_265 = arith.addi %parallel_loop3A_218, %parallel_loop3A_264 : vector<16xi32>
        tpu.vector_store_idx %arg5[%parallel_loop3A_265, %add3A_82], %parallel_loop3A_256 : memref<304x128xf32, #tpu.memory_space<vmem>>[vector<16xi32>, vector<16xi32>], vector<16xf32>,
        %parallel_loop3A_266 = arith.constant 3 : i32
        %parallel_loop3A_267 = vector.broadcast %parallel_loop3A_266 : i32 to vector<16xi32>
        %parallel_loop3A_268 = arith.addi %parallel_loop3A_218, %parallel_loop3A_267 : vector<16xi32>
        tpu.vector_store_idx %arg5[%parallel_loop3A_268, %add3A_82], %parallel_loop3A_254 : memref<304x128xf32, #tpu.memory_space<vmem>>[vector<16xi32>, vector<16xi32>], vector<16xf32>,
        %parallel_loop3A_269 = arith.constant 4 : i32
        %parallel_loop3A_270 = vector.broadcast %parallel_loop3A_269 : i32 to vector<16xi32>
        %parallel_loop3A_271 = arith.addi %parallel_loop3A_218, %parallel_loop3A_270 : vector<16xi32>
        tpu.vector_store_idx %arg5[%parallel_loop3A_271, %add3A_82], %parallel_loop3A_252 : memref<304x128xf32, #tpu.memory_space<vmem>>[vector<16xi32>, vector<16xi32>], vector<16xf32>,
      } {sc.loop_unroll_factor = 4 : i64, sc.parallel_access}
      %add3A_143 = arith.constant 2026 : i32
      %add3A_144 = arith.addi %add3A_143, %mul3A_21 : i32
      %sub3A_145 = arith.subi %add3A_144, %add3A_76 : i32
      %add3A_146 = arith.constant 4 : i32
      %add3A_147 = arith.addi %sub3A_145, %add3A_146 : i32
      %jit3A_148 = arith.constant 5 : i32
      %div3A_149 = arith.divsi %add3A_147, %jit3A_148 : i32
      %sign3A_150 = arith.constant 0 : i32
      %sign3A_151 = arith.cmpi sgt, %add3A_147, %sign3A_150 : i32
      %sign3A_152 = arith.extui %sign3A_151 : i1 to i32
      %sign3A_153 = arith.constant 0 : i32
      %sign3A_154 = arith.cmpi slt, %add3A_147, %sign3A_153 : i32
      %sign3A_155 = arith.extui %sign3A_154 : i1 to i32
      %sign3A_156 = arith.subi %sign3A_152, %sign3A_155 : i32
      %sign3A_157 = arith.constant 0 : i32
      %sign3A_158 = arith.cmpi sgt, %jit3A_148, %sign3A_157 : i32
      %sign3A_159 = arith.extui %sign3A_158 : i1 to i32
      %sign3A_160 = arith.constant 0 : i32
      %sign3A_161 = arith.cmpi slt, %jit3A_148, %sign3A_160 : i32
      %sign3A_162 = arith.extui %sign3A_161 : i1 to i32
      %sign3A_163 = arith.subi %sign3A_159, %sign3A_162 : i32
      %ne3A_164 = arith.cmpi ne, %sign3A_156, %sign3A_163 : i32
      %rem3A_165 = arith.remsi %add3A_147, %jit3A_148 : i32
      %ne3A_166 = arith.constant 0 : i32
      %ne3A_167 = arith.cmpi ne, %rem3A_165, %ne3A_166 : i32
      %and3A_168 = arith.andi %ne3A_164, %ne3A_167 : i1
      %sub3A_169 = arith.constant 1 : i32
      %sub3A_170 = arith.subi %div3A_149, %sub3A_169 : i32
      %select_n3A_171 = arith.select %and3A_168, %sub3A_170, %div3A_149 : i32
      %max3A_172 = arith.constant 0 : i32
      %max3A_173 = arith.maxsi %max3A_172, %select_n3A_171 : i32
      %add3A_174 = arith.constant 2044 : i32
      %add3A_175 = arith.addi %add3A_174, %select_n3A_26 : i32
      %sub3A_176 = arith.subi %add3A_175, %add3A_76 : i32
      %jit3A_177 = arith.constant 5 : i32
      %div3A_178 = arith.divsi %sub3A_176, %jit3A_177 : i32
      %sign3A_179 = arith.constant 0 : i32
      %sign3A_180 = arith.cmpi sgt, %sub3A_176, %sign3A_179 : i32
      %sign3A_181 = arith.extui %sign3A_180 : i1 to i32
      %sign3A_182 = arith.constant 0 : i32
      %sign3A_183 = arith.cmpi slt, %sub3A_176, %sign3A_182 : i32
      %sign3A_184 = arith.extui %sign3A_183 : i1 to i32
      %sign3A_185 = arith.subi %sign3A_181, %sign3A_184 : i32
      %sign3A_186 = arith.constant 0 : i32
      %sign3A_187 = arith.cmpi sgt, %jit3A_177, %sign3A_186 : i32
      %sign3A_188 = arith.extui %sign3A_187 : i1 to i32
      %sign3A_189 = arith.constant 0 : i32
      %sign3A_190 = arith.cmpi slt, %jit3A_177, %sign3A_189 : i32
      %sign3A_191 = arith.extui %sign3A_190 : i1 to i32
      %sign3A_192 = arith.subi %sign3A_188, %sign3A_191 : i32
      %ne3A_193 = arith.cmpi ne, %sign3A_185, %sign3A_192 : i32
      %rem3A_194 = arith.remsi %sub3A_176, %jit3A_177 : i32
      %ne3A_195 = arith.constant 0 : i32
      %ne3A_196 = arith.cmpi ne, %rem3A_194, %ne3A_195 : i32
      %and3A_197 = arith.andi %ne3A_193, %ne3A_196 : i1
      %sub3A_198 = arith.constant 1 : i32
      %sub3A_199 = arith.subi %div3A_178, %sub3A_198 : i32
      %select_n3A_200 = arith.select %and3A_197, %sub3A_199, %div3A_178 : i32
      %add3A_201 = arith.constant 1 : i32
      %add3A_202 = arith.addi %select_n3A_200, %add3A_201 : i32
      %min3A_203 = arith.constant 409 : i32
      %min3A_204 = arith.minsi %min3A_203, %add3A_202 : i32
      %parallel_loop3A_205 = arith.constant 1 : i32
      scf.for %parallel_loop3A_206 = %max3A_173 to %min3A_204 step %parallel_loop3A_205  : i32 {
        %parallel_loop3A_207 = arith.constant -2016 : i32
        %parallel_loop3A_208 = arith.subi %parallel_loop3A_207, %mul3A_21 : i32
        %parallel_loop3A_209 = arith.constant -2021 : i32
        %parallel_loop3A_210 = arith.subi %parallel_loop3A_209, %mul3A_21 : i32
        %parallel_loop3A_211 = arith.constant 5 : i32
        %parallel_loop3A_212 = arith.muli %parallel_loop3A_211, %parallel_loop3A_206 : i32
        %parallel_loop3A_213 = vector.broadcast %parallel_loop3A_212 : i32 to vector<16xi32>
        %parallel_loop3A_214 = arith.addi %add3A_78, %parallel_loop3A_213 : vector<16xi32>
        %parallel_loop3A_215 = vector.broadcast %parallel_loop3A_208 : i32 to vector<16xi32>
        %parallel_loop3A_216 = arith.addi %parallel_loop3A_214, %parallel_loop3A_215 : vector<16xi32>
        %parallel_loop3A_217 = vector.broadcast %parallel_loop3A_210 : i32 to vector<16xi32>
        %parallel_loop3A_218 = arith.addi %parallel_loop3A_214, %parallel_loop3A_217 : vector<16xi32>
        %parallel_loop3A_219 = arith.constant 0 : i32
        %parallel_loop3A_220 = vector.broadcast %parallel_loop3A_219 : i32 to vector<16xi32>
        %parallel_loop3A_221 = arith.addi %parallel_loop3A_216, %parallel_loop3A_220 : vector<16xi32>
        %parallel_loop3A_222 = tpu.vector_load_idx %arg4[%parallel_loop3A_221, %add3A_82] : memref<312x128xf32, #tpu.memory_space<vmem>>[vector<16xi32>, vector<16xi32>], vector<16xf32>,
        %parallel_loop3A_223 = arith.constant 1 : i32
        %parallel_loop3A_224 = vector.broadcast %parallel_loop3A_223 : i32 to vector<16xi32>
        %parallel_loop3A_225 = arith.addi %parallel_loop3A_216, %parallel_loop3A_224 : vector<16xi32>
        %parallel_loop3A_226 = tpu.vector_load_idx %arg4[%parallel_loop3A_225, %add3A_82] : memref<312x128xf32, #tpu.memory_space<vmem>>[vector<16xi32>, vector<16xi32>], vector<16xf32>,
        %parallel_loop3A_227 = arith.constant 2 : i32
        %parallel_loop3A_228 = vector.broadcast %parallel_loop3A_227 : i32 to vector<16xi32>
        %parallel_loop3A_229 = arith.addi %parallel_loop3A_216, %parallel_loop3A_228 : vector<16xi32>
        %parallel_loop3A_230 = tpu.vector_load_idx %arg4[%parallel_loop3A_229, %add3A_82] : memref<312x128xf32, #tpu.memory_space<vmem>>[vector<16xi32>, vector<16xi32>], vector<16xf32>,
        %parallel_loop3A_231 = arith.constant 3 : i32
        %parallel_loop3A_232 = vector.broadcast %parallel_loop3A_231 : i32 to vector<16xi32>
        %parallel_loop3A_233 = arith.addi %parallel_loop3A_216, %parallel_loop3A_232 : vector<16xi32>
        %parallel_loop3A_234 = tpu.vector_load_idx %arg4[%parallel_loop3A_233, %add3A_82] : memref<312x128xf32, #tpu.memory_space<vmem>>[vector<16xi32>, vector<16xi32>], vector<16xf32>,
        %parallel_loop3A_235 = arith.constant 4 : i32
        %parallel_loop3A_236 = vector.broadcast %parallel_loop3A_235 : i32 to vector<16xi32>
        %parallel_loop3A_237 = arith.addi %parallel_loop3A_216, %parallel_loop3A_236 : vector<16xi32>
        %parallel_loop3A_238 = tpu.vector_load_idx %arg4[%parallel_loop3A_237, %add3A_82] : memref<312x128xf32, #tpu.memory_space<vmem>>[vector<16xi32>, vector<16xi32>], vector<16xf32>,
        %parallel_loop3A_239 = arith.minimumf %parallel_loop3A_222, %parallel_loop3A_226 : vector<16xf32>
        %parallel_loop3A_240 = arith.maximumf %parallel_loop3A_222, %parallel_loop3A_226 : vector<16xf32>
        %parallel_loop3A_241 = arith.minimumf %parallel_loop3A_234, %parallel_loop3A_238 : vector<16xf32>
        %parallel_loop3A_242 = arith.maximumf %parallel_loop3A_234, %parallel_loop3A_238 : vector<16xf32>
        %parallel_loop3A_243 = arith.minimumf %parallel_loop3A_230, %parallel_loop3A_242 : vector<16xf32>
        %parallel_loop3A_244 = arith.maximumf %parallel_loop3A_230, %parallel_loop3A_242 : vector<16xf32>
        %parallel_loop3A_245 = arith.minimumf %parallel_loop3A_243, %parallel_loop3A_241 : vector<16xf32>
        %parallel_loop3A_246 = arith.maximumf %parallel_loop3A_243, %parallel_loop3A_241 : vector<16xf32>
        %parallel_loop3A_247 = arith.minimumf %parallel_loop3A_239, %parallel_loop3A_246 : vector<16xf32>
        %parallel_loop3A_248 = arith.maximumf %parallel_loop3A_239, %parallel_loop3A_246 : vector<16xf32>
        %parallel_loop3A_249 = arith.minimumf %parallel_loop3A_247, %parallel_loop3A_245 : vector<16xf32>
        %parallel_loop3A_250 = arith.maximumf %parallel_loop3A_247, %parallel_loop3A_245 : vector<16xf32>
        %parallel_loop3A_251 = arith.minimumf %parallel_loop3A_240, %parallel_loop3A_244 : vector<16xf32>
        %parallel_loop3A_252 = arith.maximumf %parallel_loop3A_240, %parallel_loop3A_244 : vector<16xf32>
        %parallel_loop3A_253 = arith.minimumf %parallel_loop3A_251, %parallel_loop3A_248 : vector<16xf32>
        %parallel_loop3A_254 = arith.maximumf %parallel_loop3A_251, %parallel_loop3A_248 : vector<16xf32>
        %parallel_loop3A_255 = arith.minimumf %parallel_loop3A_253, %parallel_loop3A_250 : vector<16xf32>
        %parallel_loop3A_256 = arith.maximumf %parallel_loop3A_253, %parallel_loop3A_250 : vector<16xf32>
        %parallel_loop3A_257 = arith.constant 0 : i32
        %parallel_loop3A_258 = vector.broadcast %parallel_loop3A_257 : i32 to vector<16xi32>
        %parallel_loop3A_259 = arith.addi %parallel_loop3A_218, %parallel_loop3A_258 : vector<16xi32>
        tpu.vector_store_idx %arg5[%parallel_loop3A_259, %add3A_82], %parallel_loop3A_249 : memref<304x128xf32, #tpu.memory_space<vmem>>[vector<16xi32>, vector<16xi32>], vector<16xf32>,
        %parallel_loop3A_260 = arith.constant 1 : i32
        %parallel_loop3A_261 = vector.broadcast %parallel_loop3A_260 : i32 to vector<16xi32>
        %parallel_loop3A_262 = arith.addi %parallel_loop3A_218, %parallel_loop3A_261 : vector<16xi32>
        tpu.vector_store_idx %arg5[%parallel_loop3A_262, %add3A_82], %parallel_loop3A_255 : memref<304x128xf32, #tpu.memory_space<vmem>>[vector<16xi32>, vector<16xi32>], vector<16xf32>,
        %parallel_loop3A_263 = arith.constant 2 : i32
        %parallel_loop3A_264 = vector.broadcast %parallel_loop3A_263 : i32 to vector<16xi32>
        %parallel_loop3A_265 = arith.addi %parallel_loop3A_218, %parallel_loop3A_264 : vector<16xi32>
        tpu.vector_store_idx %arg5[%parallel_loop3A_265, %add3A_82], %parallel_loop3A_256 : memref<304x128xf32, #tpu.memory_space<vmem>>[vector<16xi32>, vector<16xi32>], vector<16xf32>,
        %parallel_loop3A_266 = arith.constant 3 : i32
        %parallel_loop3A_267 = vector.broadcast %parallel_loop3A_266 : i32 to vector<16xi32>
        %parallel_loop3A_268 = arith.addi %parallel_loop3A_218, %parallel_loop3A_267 : vector<16xi32>
        tpu.vector_store_idx %arg5[%parallel_loop3A_268, %add3A_82], %parallel_loop3A_254 : memref<304x128xf32, #tpu.memory_space<vmem>>[vector<16xi32>, vector<16xi32>], vector<16xf32>,
        %parallel_loop3A_269 = arith.constant 4 : i32
        %parallel_loop3A_270 = vector.broadcast %parallel_loop3A_269 : i32 to vector<16xi32>
        %parallel_loop3A_271 = arith.addi %parallel_loop3A_218, %parallel_loop3A_270 : vector<16xi32>
        tpu.vector_store_idx %arg5[%parallel_loop3A_271, %add3A_82], %parallel_loop3A_252 : memref<304x128xf32, #tpu.memory_space<vmem>>[vector<16xi32>, vector<16xi32>], vector<16xf32>,
      } {sc.loop_unroll_factor = 4 : i64, sc.parallel_access}
    }
    %scan3A_53 = arith.constant 8 : i32
    "tpu.region"() ({
      %run_scoped3A = tpu.sem_alloc : memref<!tpu.dma_semaphore, #tpu.memory_space<semaphore_mem>>
      %dma_start3A = arith.constant 24 : i32
      %dma_start3A_72 = arith.constant 0 : i32
      %dma_start3A_73 = tpu.memref_slice %arg5[%dma_start3A, %dma_start3A_72] : memref<304x128xf32, #tpu.memory_space<vmem>> -> memref<256x128xf32, #tpu.memory_space<vmem>>
      %dma_start3A_74 = arith.constant 256 : i32
      %dma_start3A_75 = tpu.memref_slice %arg3[%select_n3A, %multiple_of3A_31, %dma_start3A_74] : memref<4x2048x768xf32, #tpu.memory_space<hbm>> -> memref<1x256x128xf32, #tpu.memory_space<hbm>>
      %dma_start3A_76 = tpu.memref_squeeze %dma_start3A_75 : memref<1x256x128xf32, #tpu.memory_space<hbm>> -> memref<256x128xf32, #tpu.memory_space<hbm>>
      %dma_start3A_77 = arith.constant 256 : i32
      %dma_start3A_78 = tpu.memref_slice %arg3[%select_n3A, %multiple_of3A_31, %dma_start3A_77] : memref<4x2048x768xf32, #tpu.memory_space<hbm>> -> memref<1x256x128xf32, #tpu.memory_space<hbm>>
      %dma_start3A_79 = tpu.memref_squeeze %dma_start3A_78 : memref<1x256x128xf32, #tpu.memory_space<hbm>> -> memref<256x128xf32, #tpu.memory_space<hbm>>
      %dma_start3A_80 = arith.constant 24 : i32
      %dma_start3A_81 = arith.constant 0 : i32
      %dma_start3A_82 = tpu.memref_slice %arg5[%dma_start3A_80, %dma_start3A_81] : memref<304x128xf32, #tpu.memory_space<vmem>> -> memref<256x128xf32, #tpu.memory_space<vmem>>
      tpu.enqueue_dma source(%dma_start3A_82 : memref<256x128xf32, #tpu.memory_space<vmem>>) target(%dma_start3A_79 : memref<256x128xf32, #tpu.memory_space<hbm>>) target_semaphore(%run_scoped3A : memref<!tpu.dma_semaphore, #tpu.memory_space<semaphore_mem>>)
      %dma_wait3A = arith.constant 24 : i32
      %dma_wait3A_83 = arith.constant 0 : i32
      %dma_wait3A_84 = tpu.memref_slice %arg5[%dma_wait3A, %dma_wait3A_83] : memref<304x128xf32, #tpu.memory_space<vmem>> -> memref<256x128xf32, #tpu.memory_space<vmem>>
      %dma_wait3A_85 = arith.constant 256 : i32
      %dma_wait3A_86 = tpu.memref_slice %arg3[%select_n3A, %multiple_of3A_31, %dma_wait3A_85] : memref<4x2048x768xf32, #tpu.memory_space<hbm>> -> memref<1x256x128xf32, #tpu.memory_space<hbm>>
      %dma_wait3A_87 = tpu.memref_squeeze %dma_wait3A_86 : memref<1x256x128xf32, #tpu.memory_space<hbm>> -> memref<256x128xf32, #tpu.memory_space<hbm>>
      %dma_wait3A_88 = arith.constant 256 : i32
      %dma_wait3A_89 = tpu.memref_slice %arg3[%select_n3A, %multiple_of3A_31, %dma_wait3A_88] : memref<4x2048x768xf32, #tpu.memory_space<hbm>> -> memref<1x256x128xf32, #tpu.memory_space<hbm>>
      %dma_wait3A_90 = tpu.memref_squeeze %dma_wait3A_89 : memref<1x256x128xf32, #tpu.memory_space<hbm>> -> memref<256x128xf32, #tpu.memory_space<hbm>>
      %dma_wait3A_91 = arith.constant 24 : i32
      %dma_wait3A_92 = arith.constant 0 : i32
      %dma_wait3A_93 = tpu.memref_slice %arg5[%dma_wait3A_91, %dma_wait3A_92] : memref<304x128xf32, #tpu.memory_space<vmem>> -> memref<256x128xf32, #tpu.memory_space<vmem>>
      tpu.wait_dma2 semaphore(%run_scoped3A : memref<!tpu.dma_semaphore, #tpu.memory_space<semaphore_mem>>) src(%dma_wait3A_93 : memref<256x128xf32, #tpu.memory_space<vmem>>) dst(%dma_wait3A_90 : memref<256x128xf32, #tpu.memory_space<hbm>>)
      tpu.yield
    }) : () -> ()
    "tpu.region"() ({
      %run_scoped3A = tpu.sem_alloc : memref<!tpu.dma_semaphore, #tpu.memory_space<semaphore_mem>>
      %dma_start3A = arith.constant 0 : i32
      %dma_start3A_72 = arith.constant 0 : i32
      %dma_start3A_73 = tpu.memref_slice %arg4[%dma_start3A, %dma_start3A_72] : memref<312x128xf32, #tpu.memory_space<vmem>> -> memref<32x128xf32, #tpu.memory_space<vmem>>
      %dma_start3A_74 = arith.constant 384 : i32
      %dma_start3A_75 = tpu.memref_slice %arg2[%select_n3A, %multiple_of3A, %dma_start3A_74] : memref<4x2048x768xf32, #tpu.memory_space<hbm>> -> memref<1x32x128xf32, #tpu.memory_space<hbm>>
      %dma_start3A_76 = tpu.memref_squeeze %dma_start3A_75 : memref<1x32x128xf32, #tpu.memory_space<hbm>> -> memref<32x128xf32, #tpu.memory_space<hbm>>
      %dma_start3A_77 = arith.constant 0 : i32
      %dma_start3A_78 = arith.constant 0 : i32
      %dma_start3A_79 = tpu.memref_slice %arg4[%dma_start3A_77, %dma_start3A_78] : memref<312x128xf32, #tpu.memory_space<vmem>> -> memref<32x128xf32, #tpu.memory_space<vmem>>
      %dma_start3A_80 = arith.constant 384 : i32
      %dma_start3A_81 = tpu.memref_slice %arg2[%select_n3A, %multiple_of3A, %dma_start3A_80] : memref<4x2048x768xf32, #tpu.memory_space<hbm>> -> memref<1x32x128xf32, #tpu.memory_space<hbm>>
      %dma_start3A_82 = tpu.memref_squeeze %dma_start3A_81 : memref<1x32x128xf32, #tpu.memory_space<hbm>> -> memref<32x128xf32, #tpu.memory_space<hbm>>
      tpu.enqueue_dma source(%dma_start3A_82 : memref<32x128xf32, #tpu.memory_space<hbm>>) target(%dma_start3A_79 : memref<32x128xf32, #tpu.memory_space<vmem>>) target_semaphore(%run_scoped3A : memref<!tpu.dma_semaphore, #tpu.memory_space<semaphore_mem>>)
      %dma_wait3A = arith.constant 0 : i32
      %dma_wait3A_83 = arith.constant 0 : i32
      %dma_wait3A_84 = tpu.memref_slice %arg4[%dma_wait3A, %dma_wait3A_83] : memref<312x128xf32, #tpu.memory_space<vmem>> -> memref<32x128xf32, #tpu.memory_space<vmem>>
      %dma_wait3A_85 = arith.constant 384 : i32
      %dma_wait3A_86 = tpu.memref_slice %arg2[%select_n3A, %multiple_of3A, %dma_wait3A_85] : memref<4x2048x768xf32, #tpu.memory_space<hbm>> -> memref<1x32x128xf32, #tpu.memory_space<hbm>>
      %dma_wait3A_87 = tpu.memref_squeeze %dma_wait3A_86 : memref<1x32x128xf32, #tpu.memory_space<hbm>> -> memref<32x128xf32, #tpu.memory_space<hbm>>
      %dma_wait3A_88 = arith.constant 0 : i32
      %dma_wait3A_89 = arith.constant 0 : i32
      %dma_wait3A_90 = tpu.memref_slice %arg4[%dma_wait3A_88, %dma_wait3A_89] : memref<312x128xf32, #tpu.memory_space<vmem>> -> memref<32x128xf32, #tpu.memory_space<vmem>>
      %dma_wait3A_91 = arith.constant 384 : i32
      %dma_wait3A_92 = tpu.memref_slice %arg2[%select_n3A, %multiple_of3A, %dma_wait3A_91] : memref<4x2048x768xf32, #tpu.memory_space<hbm>> -> memref<1x32x128xf32, #tpu.memory_space<hbm>>
      %dma_wait3A_93 = tpu.memref_squeeze %dma_wait3A_92 : memref<1x32x128xf32, #tpu.memory_space<hbm>> -> memref<32x128xf32, #tpu.memory_space<hbm>>
      tpu.wait_dma2 semaphore(%run_scoped3A : memref<!tpu.dma_semaphore, #tpu.memory_space<semaphore_mem>>) src(%dma_wait3A_93 : memref<32x128xf32, #tpu.memory_space<hbm>>) dst(%dma_wait3A_90 : memref<32x128xf32, #tpu.memory_space<vmem>>)
      tpu.yield
    }) : () -> ()
    "tpu.region"() ({
      %run_scoped3A = tpu.sem_alloc : memref<!tpu.dma_semaphore, #tpu.memory_space<semaphore_mem>>
      %dma_start3A = arith.constant 32 : i32
      %dma_start3A_72 = arith.constant 0 : i32
      %dma_start3A_73 = tpu.memref_slice %arg4[%dma_start3A, %dma_start3A_72] : memref<312x128xf32, #tpu.memory_space<vmem>> -> memref<256x128xf32, #tpu.memory_space<vmem>>
      %dma_start3A_74 = arith.constant 384 : i32
      %dma_start3A_75 = tpu.memref_slice %arg2[%select_n3A, %multiple_of3A_31, %dma_start3A_74] : memref<4x2048x768xf32, #tpu.memory_space<hbm>> -> memref<1x256x128xf32, #tpu.memory_space<hbm>>
      %dma_start3A_76 = tpu.memref_squeeze %dma_start3A_75 : memref<1x256x128xf32, #tpu.memory_space<hbm>> -> memref<256x128xf32, #tpu.memory_space<hbm>>
      %dma_start3A_77 = arith.constant 32 : i32
      %dma_start3A_78 = arith.constant 0 : i32
      %dma_start3A_79 = tpu.memref_slice %arg4[%dma_start3A_77, %dma_start3A_78] : memref<312x128xf32, #tpu.memory_space<vmem>> -> memref<256x128xf32, #tpu.memory_space<vmem>>
      %dma_start3A_80 = arith.constant 384 : i32
      %dma_start3A_81 = tpu.memref_slice %arg2[%select_n3A, %multiple_of3A_31, %dma_start3A_80] : memref<4x2048x768xf32, #tpu.memory_space<hbm>> -> memref<1x256x128xf32, #tpu.memory_space<hbm>>
      %dma_start3A_82 = tpu.memref_squeeze %dma_start3A_81 : memref<1x256x128xf32, #tpu.memory_space<hbm>> -> memref<256x128xf32, #tpu.memory_space<hbm>>
      tpu.enqueue_dma source(%dma_start3A_82 : memref<256x128xf32, #tpu.memory_space<hbm>>) target(%dma_start3A_79 : memref<256x128xf32, #tpu.memory_space<vmem>>) target_semaphore(%run_scoped3A : memref<!tpu.dma_semaphore, #tpu.memory_space<semaphore_mem>>)
      %dma_wait3A = arith.constant 32 : i32
      %dma_wait3A_83 = arith.constant 0 : i32
      %dma_wait3A_84 = tpu.memref_slice %arg4[%dma_wait3A, %dma_wait3A_83] : memref<312x128xf32, #tpu.memory_space<vmem>> -> memref<256x128xf32, #tpu.memory_space<vmem>>
      %dma_wait3A_85 = arith.constant 384 : i32
      %dma_wait3A_86 = tpu.memref_slice %arg2[%select_n3A, %multiple_of3A_31, %dma_wait3A_85] : memref<4x2048x768xf32, #tpu.memory_space<hbm>> -> memref<1x256x128xf32, #tpu.memory_space<hbm>>
      %dma_wait3A_87 = tpu.memref_squeeze %dma_wait3A_86 : memref<1x256x128xf32, #tpu.memory_space<hbm>> -> memref<256x128xf32, #tpu.memory_space<hbm>>
      %dma_wait3A_88 = arith.constant 32 : i32
      %dma_wait3A_89 = arith.constant 0 : i32
      %dma_wait3A_90 = tpu.memref_slice %arg4[%dma_wait3A_88, %dma_wait3A_89] : memref<312x128xf32, #tpu.memory_space<vmem>> -> memref<256x128xf32, #tpu.memory_space<vmem>>
      %dma_wait3A_91 = arith.constant 384 : i32
      %dma_wait3A_92 = tpu.memref_slice %arg2[%select_n3A, %multiple_of3A_31, %dma_wait3A_91] : memref<4x2048x768xf32, #tpu.memory_space<hbm>> -> memref<1x256x128xf32, #tpu.memory_space<hbm>>
      %dma_wait3A_93 = tpu.memref_squeeze %dma_wait3A_92 : memref<1x256x128xf32, #tpu.memory_space<hbm>> -> memref<256x128xf32, #tpu.memory_space<hbm>>
      tpu.wait_dma2 semaphore(%run_scoped3A : memref<!tpu.dma_semaphore, #tpu.memory_space<semaphore_mem>>) src(%dma_wait3A_93 : memref<256x128xf32, #tpu.memory_space<hbm>>) dst(%dma_wait3A_90 : memref<256x128xf32, #tpu.memory_space<vmem>>)
      tpu.yield
    }) : () -> ()
    "tpu.region"() ({
      %run_scoped3A = tpu.sem_alloc : memref<!tpu.dma_semaphore, #tpu.memory_space<semaphore_mem>>
      %dma_start3A = arith.constant 288 : i32
      %dma_start3A_72 = arith.constant 0 : i32
      %dma_start3A_73 = tpu.memref_slice %arg4[%dma_start3A, %dma_start3A_72] : memref<312x128xf32, #tpu.memory_space<vmem>> -> memref<24x128xf32, #tpu.memory_space<vmem>>
      %dma_start3A_74 = arith.constant 384 : i32
      %dma_start3A_75 = tpu.memref_slice %arg2[%select_n3A, %multiple_of3A_36, %dma_start3A_74] : memref<4x2048x768xf32, #tpu.memory_space<hbm>> -> memref<1x24x128xf32, #tpu.memory_space<hbm>>
      %dma_start3A_76 = tpu.memref_squeeze %dma_start3A_75 : memref<1x24x128xf32, #tpu.memory_space<hbm>> -> memref<24x128xf32, #tpu.memory_space<hbm>>
      %dma_start3A_77 = arith.constant 288 : i32
      %dma_start3A_78 = arith.constant 0 : i32
      %dma_start3A_79 = tpu.memref_slice %arg4[%dma_start3A_77, %dma_start3A_78] : memref<312x128xf32, #tpu.memory_space<vmem>> -> memref<24x128xf32, #tpu.memory_space<vmem>>
      %dma_start3A_80 = arith.constant 384 : i32
      %dma_start3A_81 = tpu.memref_slice %arg2[%select_n3A, %multiple_of3A_36, %dma_start3A_80] : memref<4x2048x768xf32, #tpu.memory_space<hbm>> -> memref<1x24x128xf32, #tpu.memory_space<hbm>>
      %dma_start3A_82 = tpu.memref_squeeze %dma_start3A_81 : memref<1x24x128xf32, #tpu.memory_space<hbm>> -> memref<24x128xf32, #tpu.memory_space<hbm>>
      tpu.enqueue_dma source(%dma_start3A_82 : memref<24x128xf32, #tpu.memory_space<hbm>>) target(%dma_start3A_79 : memref<24x128xf32, #tpu.memory_space<vmem>>) target_semaphore(%run_scoped3A : memref<!tpu.dma_semaphore, #tpu.memory_space<semaphore_mem>>)
      %dma_wait3A = arith.constant 288 : i32
      %dma_wait3A_83 = arith.constant 0 : i32
      %dma_wait3A_84 = tpu.memref_slice %arg4[%dma_wait3A, %dma_wait3A_83] : memref<312x128xf32, #tpu.memory_space<vmem>> -> memref<24x128xf32, #tpu.memory_space<vmem>>
      %dma_wait3A_85 = arith.constant 384 : i32
      %dma_wait3A_86 = tpu.memref_slice %arg2[%select_n3A, %multiple_of3A_36, %dma_wait3A_85] : memref<4x2048x768xf32, #tpu.memory_space<hbm>> -> memref<1x24x128xf32, #tpu.memory_space<hbm>>
      %dma_wait3A_87 = tpu.memref_squeeze %dma_wait3A_86 : memref<1x24x128xf32, #tpu.memory_space<hbm>> -> memref<24x128xf32, #tpu.memory_space<hbm>>
      %dma_wait3A_88 = arith.constant 288 : i32
      %dma_wait3A_89 = arith.constant 0 : i32
      %dma_wait3A_90 = tpu.memref_slice %arg4[%dma_wait3A_88, %dma_wait3A_89] : memref<312x128xf32, #tpu.memory_space<vmem>> -> memref<24x128xf32, #tpu.memory_space<vmem>>
      %dma_wait3A_91 = arith.constant 384 : i32
      %dma_wait3A_92 = tpu.memref_slice %arg2[%select_n3A, %multiple_of3A_36, %dma_wait3A_91] : memref<4x2048x768xf32, #tpu.memory_space<hbm>> -> memref<1x24x128xf32, #tpu.memory_space<hbm>>
      %dma_wait3A_93 = tpu.memref_squeeze %dma_wait3A_92 : memref<1x24x128xf32, #tpu.memory_space<hbm>> -> memref<24x128xf32, #tpu.memory_space<hbm>>
      tpu.wait_dma2 semaphore(%run_scoped3A : memref<!tpu.dma_semaphore, #tpu.memory_space<semaphore_mem>>) src(%dma_wait3A_93 : memref<24x128xf32, #tpu.memory_space<hbm>>) dst(%dma_wait3A_90 : memref<24x128xf32, #tpu.memory_space<vmem>>)
      tpu.yield
    }) : () -> ()
    %scan3A_54 = arith.constant 0 : i32
    %scan3A_55 = arith.constant 0 : i32
    %scan3A_56 = arith.constant 8 : i32
    %scan3A_57 = arith.addi %scan3A_55, %scan3A_56 : i32
    %scan3A_58 = arith.constant 1 : i32
    scf.for %scan3A_72 = %scan3A_55 to %scan3A_57 step %scan3A_58  : i32 {
      %mul3A_73 = arith.constant 16 : i32
      %mul3A_74 = arith.muli %mul3A_73, %scan3A_72 : i32
      %add3A_75 = arith.constant 384 : i32
      %add3A_76 = arith.addi %add3A_75, %mul3A_74 : i32
      %add3A_77 = vector.broadcast %add3A_76 : i32 to vector<16xi32>
      %add3A_78 = arith.addi %add3A_77, %iota3A : vector<16xi32>
      %mul3A_79 = arith.constant 16 : i32
      %mul3A_80 = arith.muli %mul3A_79, %scan3A_72 : i32
      %add3A_81 = vector.broadcast %mul3A_80 : i32 to vector<16xi32>
      %add3A_82 = arith.addi %add3A_81, %iota3A : vector<16xi32>
      %sub3A_83 = arith.constant 19 : i32
      %sub3A_84 = arith.subi %mul3A_21, %sub3A_83 : i32
      %sub3A_85 = arith.subi %sub3A_84, %add3A_76 : i32
      %add3A_86 = arith.constant 4 : i32
      %add3A_87 = arith.addi %sub3A_85, %add3A_86 : i32
      %jit3A_88 = arith.constant 5 : i32
      %div3A_89 = arith.divsi %add3A_87, %jit3A_88 : i32
      %sign3A_90 = arith.constant 0 : i32
      %sign3A_91 = arith.cmpi sgt, %add3A_87, %sign3A_90 : i32
      %sign3A_92 = arith.extui %sign3A_91 : i1 to i32
      %sign3A_93 = arith.constant 0 : i32
      %sign3A_94 = arith.cmpi slt, %add3A_87, %sign3A_93 : i32
      %sign3A_95 = arith.extui %sign3A_94 : i1 to i32
      %sign3A_96 = arith.subi %sign3A_92, %sign3A_95 : i32
      %sign3A_97 = arith.constant 0 : i32
      %sign3A_98 = arith.cmpi sgt, %jit3A_88, %sign3A_97 : i32
      %sign3A_99 = arith.extui %sign3A_98 : i1 to i32
      %sign3A_100 = arith.constant 0 : i32
      %sign3A_101 = arith.cmpi slt, %jit3A_88, %sign3A_100 : i32
      %sign3A_102 = arith.extui %sign3A_101 : i1 to i32
      %sign3A_103 = arith.subi %sign3A_99, %sign3A_102 : i32
      %ne3A_104 = arith.cmpi ne, %sign3A_96, %sign3A_103 : i32
      %rem3A_105 = arith.remsi %add3A_87, %jit3A_88 : i32
      %ne3A_106 = arith.constant 0 : i32
      %ne3A_107 = arith.cmpi ne, %rem3A_105, %ne3A_106 : i32
      %and3A_108 = arith.andi %ne3A_104, %ne3A_107 : i1
      %sub3A_109 = arith.constant 1 : i32
      %sub3A_110 = arith.subi %div3A_89, %sub3A_109 : i32
      %select_n3A_111 = arith.select %and3A_108, %sub3A_110, %div3A_89 : i32
      %max3A = arith.constant 0 : i32
      %max3A_112 = arith.maxsi %max3A, %select_n3A_111 : i32
      %sub3A_113 = arith.constant 1 : i32
      %sub3A_114 = arith.subi %select_n3A_26, %sub3A_113 : i32
      %sub3A_115 = arith.subi %sub3A_114, %add3A_76 : i32
      %jit3A_116 = arith.constant 5 : i32
      %div3A_117 = arith.divsi %sub3A_115, %jit3A_116 : i32
      %sign3A_118 = arith.constant 0 : i32
      %sign3A_119 = arith.cmpi sgt, %sub3A_115, %sign3A_118 : i32
      %sign3A_120 = arith.extui %sign3A_119 : i1 to i32
      %sign3A_121 = arith.constant 0 : i32
      %sign3A_122 = arith.cmpi slt, %sub3A_115, %sign3A_121 : i32
      %sign3A_123 = arith.extui %sign3A_122 : i1 to i32
      %sign3A_124 = arith.subi %sign3A_120, %sign3A_123 : i32
      %sign3A_125 = arith.constant 0 : i32
      %sign3A_126 = arith.cmpi sgt, %jit3A_116, %sign3A_125 : i32
      %sign3A_127 = arith.extui %sign3A_126 : i1 to i32
      %sign3A_128 = arith.constant 0 : i32
      %sign3A_129 = arith.cmpi slt, %jit3A_116, %sign3A_128 : i32
      %sign3A_130 = arith.extui %sign3A_129 : i1 to i32
      %sign3A_131 = arith.subi %sign3A_127, %sign3A_130 : i32
      %ne3A_132 = arith.cmpi ne, %sign3A_124, %sign3A_131 : i32
      %rem3A_133 = arith.remsi %sub3A_115, %jit3A_116 : i32
      %ne3A_134 = arith.constant 0 : i32
      %ne3A_135 = arith.cmpi ne, %rem3A_133, %ne3A_134 : i32
      %and3A_136 = arith.andi %ne3A_132, %ne3A_135 : i1
      %sub3A_137 = arith.constant 1 : i32
      %sub3A_138 = arith.subi %div3A_117, %sub3A_137 : i32
      %select_n3A_139 = arith.select %and3A_136, %sub3A_138, %div3A_117 : i32
      %add3A_140 = arith.constant 1 : i32
      %add3A_141 = arith.addi %select_n3A_139, %add3A_140 : i32
      %min3A = arith.constant 409 : i32
      %min3A_142 = arith.minsi %min3A, %add3A_141 : i32
      %parallel_loop3A = arith.constant 1 : i32
      scf.for %parallel_loop3A_206 = %max3A_112 to %min3A_142 step %parallel_loop3A  : i32 {
        %parallel_loop3A_207 = arith.constant 32 : i32
        %parallel_loop3A_208 = arith.subi %parallel_loop3A_207, %mul3A_21 : i32
        %parallel_loop3A_209 = arith.constant 24 : i32
        %parallel_loop3A_210 = arith.subi %parallel_loop3A_209, %mul3A_21 : i32
        %parallel_loop3A_211 = arith.constant 5 : i32
        %parallel_loop3A_212 = arith.muli %parallel_loop3A_211, %parallel_loop3A_206 : i32
        %parallel_loop3A_213 = vector.broadcast %parallel_loop3A_212 : i32 to vector<16xi32>
        %parallel_loop3A_214 = arith.addi %add3A_78, %parallel_loop3A_213 : vector<16xi32>
        %parallel_loop3A_215 = vector.broadcast %parallel_loop3A_208 : i32 to vector<16xi32>
        %parallel_loop3A_216 = arith.addi %parallel_loop3A_214, %parallel_loop3A_215 : vector<16xi32>
        %parallel_loop3A_217 = vector.broadcast %parallel_loop3A_210 : i32 to vector<16xi32>
        %parallel_loop3A_218 = arith.addi %parallel_loop3A_214, %parallel_loop3A_217 : vector<16xi32>
        %parallel_loop3A_219 = arith.constant 0 : i32
        %parallel_loop3A_220 = vector.broadcast %parallel_loop3A_219 : i32 to vector<16xi32>
        %parallel_loop3A_221 = arith.addi %parallel_loop3A_216, %parallel_loop3A_220 : vector<16xi32>
        %parallel_loop3A_222 = tpu.vector_load_idx %arg4[%parallel_loop3A_221, %add3A_82] : memref<312x128xf32, #tpu.memory_space<vmem>>[vector<16xi32>, vector<16xi32>], vector<16xf32>,
        %parallel_loop3A_223 = arith.constant 1 : i32
        %parallel_loop3A_224 = vector.broadcast %parallel_loop3A_223 : i32 to vector<16xi32>
        %parallel_loop3A_225 = arith.addi %parallel_loop3A_216, %parallel_loop3A_224 : vector<16xi32>
        %parallel_loop3A_226 = tpu.vector_load_idx %arg4[%parallel_loop3A_225, %add3A_82] : memref<312x128xf32, #tpu.memory_space<vmem>>[vector<16xi32>, vector<16xi32>], vector<16xf32>,
        %parallel_loop3A_227 = arith.constant 2 : i32
        %parallel_loop3A_228 = vector.broadcast %parallel_loop3A_227 : i32 to vector<16xi32>
        %parallel_loop3A_229 = arith.addi %parallel_loop3A_216, %parallel_loop3A_228 : vector<16xi32>
        %parallel_loop3A_230 = tpu.vector_load_idx %arg4[%parallel_loop3A_229, %add3A_82] : memref<312x128xf32, #tpu.memory_space<vmem>>[vector<16xi32>, vector<16xi32>], vector<16xf32>,
        %parallel_loop3A_231 = arith.constant 3 : i32
        %parallel_loop3A_232 = vector.broadcast %parallel_loop3A_231 : i32 to vector<16xi32>
        %parallel_loop3A_233 = arith.addi %parallel_loop3A_216, %parallel_loop3A_232 : vector<16xi32>
        %parallel_loop3A_234 = tpu.vector_load_idx %arg4[%parallel_loop3A_233, %add3A_82] : memref<312x128xf32, #tpu.memory_space<vmem>>[vector<16xi32>, vector<16xi32>], vector<16xf32>,
        %parallel_loop3A_235 = arith.constant 4 : i32
        %parallel_loop3A_236 = vector.broadcast %parallel_loop3A_235 : i32 to vector<16xi32>
        %parallel_loop3A_237 = arith.addi %parallel_loop3A_216, %parallel_loop3A_236 : vector<16xi32>
        %parallel_loop3A_238 = tpu.vector_load_idx %arg4[%parallel_loop3A_237, %add3A_82] : memref<312x128xf32, #tpu.memory_space<vmem>>[vector<16xi32>, vector<16xi32>], vector<16xf32>,
        %parallel_loop3A_239 = arith.minimumf %parallel_loop3A_222, %parallel_loop3A_226 : vector<16xf32>
        %parallel_loop3A_240 = arith.maximumf %parallel_loop3A_222, %parallel_loop3A_226 : vector<16xf32>
        %parallel_loop3A_241 = arith.minimumf %parallel_loop3A_234, %parallel_loop3A_238 : vector<16xf32>
        %parallel_loop3A_242 = arith.maximumf %parallel_loop3A_234, %parallel_loop3A_238 : vector<16xf32>
        %parallel_loop3A_243 = arith.minimumf %parallel_loop3A_230, %parallel_loop3A_242 : vector<16xf32>
        %parallel_loop3A_244 = arith.maximumf %parallel_loop3A_230, %parallel_loop3A_242 : vector<16xf32>
        %parallel_loop3A_245 = arith.minimumf %parallel_loop3A_243, %parallel_loop3A_241 : vector<16xf32>
        %parallel_loop3A_246 = arith.maximumf %parallel_loop3A_243, %parallel_loop3A_241 : vector<16xf32>
        %parallel_loop3A_247 = arith.minimumf %parallel_loop3A_239, %parallel_loop3A_246 : vector<16xf32>
        %parallel_loop3A_248 = arith.maximumf %parallel_loop3A_239, %parallel_loop3A_246 : vector<16xf32>
        %parallel_loop3A_249 = arith.minimumf %parallel_loop3A_247, %parallel_loop3A_245 : vector<16xf32>
        %parallel_loop3A_250 = arith.maximumf %parallel_loop3A_247, %parallel_loop3A_245 : vector<16xf32>
        %parallel_loop3A_251 = arith.minimumf %parallel_loop3A_240, %parallel_loop3A_244 : vector<16xf32>
        %parallel_loop3A_252 = arith.maximumf %parallel_loop3A_240, %parallel_loop3A_244 : vector<16xf32>
        %parallel_loop3A_253 = arith.minimumf %parallel_loop3A_251, %parallel_loop3A_248 : vector<16xf32>
        %parallel_loop3A_254 = arith.maximumf %parallel_loop3A_251, %parallel_loop3A_248 : vector<16xf32>
        %parallel_loop3A_255 = arith.minimumf %parallel_loop3A_253, %parallel_loop3A_250 : vector<16xf32>
        %parallel_loop3A_256 = arith.maximumf %parallel_loop3A_253, %parallel_loop3A_250 : vector<16xf32>
        %parallel_loop3A_257 = arith.constant 0 : i32
        %parallel_loop3A_258 = vector.broadcast %parallel_loop3A_257 : i32 to vector<16xi32>
        %parallel_loop3A_259 = arith.addi %parallel_loop3A_218, %parallel_loop3A_258 : vector<16xi32>
        tpu.vector_store_idx %arg5[%parallel_loop3A_259, %add3A_82], %parallel_loop3A_249 : memref<304x128xf32, #tpu.memory_space<vmem>>[vector<16xi32>, vector<16xi32>], vector<16xf32>,
        %parallel_loop3A_260 = arith.constant 1 : i32
        %parallel_loop3A_261 = vector.broadcast %parallel_loop3A_260 : i32 to vector<16xi32>
        %parallel_loop3A_262 = arith.addi %parallel_loop3A_218, %parallel_loop3A_261 : vector<16xi32>
        tpu.vector_store_idx %arg5[%parallel_loop3A_262, %add3A_82], %parallel_loop3A_255 : memref<304x128xf32, #tpu.memory_space<vmem>>[vector<16xi32>, vector<16xi32>], vector<16xf32>,
        %parallel_loop3A_263 = arith.constant 2 : i32
        %parallel_loop3A_264 = vector.broadcast %parallel_loop3A_263 : i32 to vector<16xi32>
        %parallel_loop3A_265 = arith.addi %parallel_loop3A_218, %parallel_loop3A_264 : vector<16xi32>
        tpu.vector_store_idx %arg5[%parallel_loop3A_265, %add3A_82], %parallel_loop3A_256 : memref<304x128xf32, #tpu.memory_space<vmem>>[vector<16xi32>, vector<16xi32>], vector<16xf32>,
        %parallel_loop3A_266 = arith.constant 3 : i32
        %parallel_loop3A_267 = vector.broadcast %parallel_loop3A_266 : i32 to vector<16xi32>
        %parallel_loop3A_268 = arith.addi %parallel_loop3A_218, %parallel_loop3A_267 : vector<16xi32>
        tpu.vector_store_idx %arg5[%parallel_loop3A_268, %add3A_82], %parallel_loop3A_254 : memref<304x128xf32, #tpu.memory_space<vmem>>[vector<16xi32>, vector<16xi32>], vector<16xf32>,
        %parallel_loop3A_269 = arith.constant 4 : i32
        %parallel_loop3A_270 = vector.broadcast %parallel_loop3A_269 : i32 to vector<16xi32>
        %parallel_loop3A_271 = arith.addi %parallel_loop3A_218, %parallel_loop3A_270 : vector<16xi32>
        tpu.vector_store_idx %arg5[%parallel_loop3A_271, %add3A_82], %parallel_loop3A_252 : memref<304x128xf32, #tpu.memory_space<vmem>>[vector<16xi32>, vector<16xi32>], vector<16xf32>,
      } {sc.loop_unroll_factor = 4 : i64, sc.parallel_access}
      %add3A_143 = arith.constant 2026 : i32
      %add3A_144 = arith.addi %add3A_143, %mul3A_21 : i32
      %sub3A_145 = arith.subi %add3A_144, %add3A_76 : i32
      %add3A_146 = arith.constant 4 : i32
      %add3A_147 = arith.addi %sub3A_145, %add3A_146 : i32
      %jit3A_148 = arith.constant 5 : i32
      %div3A_149 = arith.divsi %add3A_147, %jit3A_148 : i32
      %sign3A_150 = arith.constant 0 : i32
      %sign3A_151 = arith.cmpi sgt, %add3A_147, %sign3A_150 : i32
      %sign3A_152 = arith.extui %sign3A_151 : i1 to i32
      %sign3A_153 = arith.constant 0 : i32
      %sign3A_154 = arith.cmpi slt, %add3A_147, %sign3A_153 : i32
      %sign3A_155 = arith.extui %sign3A_154 : i1 to i32
      %sign3A_156 = arith.subi %sign3A_152, %sign3A_155 : i32
      %sign3A_157 = arith.constant 0 : i32
      %sign3A_158 = arith.cmpi sgt, %jit3A_148, %sign3A_157 : i32
      %sign3A_159 = arith.extui %sign3A_158 : i1 to i32
      %sign3A_160 = arith.constant 0 : i32
      %sign3A_161 = arith.cmpi slt, %jit3A_148, %sign3A_160 : i32
      %sign3A_162 = arith.extui %sign3A_161 : i1 to i32
      %sign3A_163 = arith.subi %sign3A_159, %sign3A_162 : i32
      %ne3A_164 = arith.cmpi ne, %sign3A_156, %sign3A_163 : i32
      %rem3A_165 = arith.remsi %add3A_147, %jit3A_148 : i32
      %ne3A_166 = arith.constant 0 : i32
      %ne3A_167 = arith.cmpi ne, %rem3A_165, %ne3A_166 : i32
      %and3A_168 = arith.andi %ne3A_164, %ne3A_167 : i1
      %sub3A_169 = arith.constant 1 : i32
      %sub3A_170 = arith.subi %div3A_149, %sub3A_169 : i32
      %select_n3A_171 = arith.select %and3A_168, %sub3A_170, %div3A_149 : i32
      %max3A_172 = arith.constant 0 : i32
      %max3A_173 = arith.maxsi %max3A_172, %select_n3A_171 : i32
      %add3A_174 = arith.constant 2044 : i32
      %add3A_175 = arith.addi %add3A_174, %select_n3A_26 : i32
      %sub3A_176 = arith.subi %add3A_175, %add3A_76 : i32
      %jit3A_177 = arith.constant 5 : i32
      %div3A_178 = arith.divsi %sub3A_176, %jit3A_177 : i32
      %sign3A_179 = arith.constant 0 : i32
      %sign3A_180 = arith.cmpi sgt, %sub3A_176, %sign3A_179 : i32
      %sign3A_181 = arith.extui %sign3A_180 : i1 to i32
      %sign3A_182 = arith.constant 0 : i32
      %sign3A_183 = arith.cmpi slt, %sub3A_176, %sign3A_182 : i32
      %sign3A_184 = arith.extui %sign3A_183 : i1 to i32
      %sign3A_185 = arith.subi %sign3A_181, %sign3A_184 : i32
      %sign3A_186 = arith.constant 0 : i32
      %sign3A_187 = arith.cmpi sgt, %jit3A_177, %sign3A_186 : i32
      %sign3A_188 = arith.extui %sign3A_187 : i1 to i32
      %sign3A_189 = arith.constant 0 : i32
      %sign3A_190 = arith.cmpi slt, %jit3A_177, %sign3A_189 : i32
      %sign3A_191 = arith.extui %sign3A_190 : i1 to i32
      %sign3A_192 = arith.subi %sign3A_188, %sign3A_191 : i32
      %ne3A_193 = arith.cmpi ne, %sign3A_185, %sign3A_192 : i32
      %rem3A_194 = arith.remsi %sub3A_176, %jit3A_177 : i32
      %ne3A_195 = arith.constant 0 : i32
      %ne3A_196 = arith.cmpi ne, %rem3A_194, %ne3A_195 : i32
      %and3A_197 = arith.andi %ne3A_193, %ne3A_196 : i1
      %sub3A_198 = arith.constant 1 : i32
      %sub3A_199 = arith.subi %div3A_178, %sub3A_198 : i32
      %select_n3A_200 = arith.select %and3A_197, %sub3A_199, %div3A_178 : i32
      %add3A_201 = arith.constant 1 : i32
      %add3A_202 = arith.addi %select_n3A_200, %add3A_201 : i32
      %min3A_203 = arith.constant 409 : i32
      %min3A_204 = arith.minsi %min3A_203, %add3A_202 : i32
      %parallel_loop3A_205 = arith.constant 1 : i32
      scf.for %parallel_loop3A_206 = %max3A_173 to %min3A_204 step %parallel_loop3A_205  : i32 {
        %parallel_loop3A_207 = arith.constant -2016 : i32
        %parallel_loop3A_208 = arith.subi %parallel_loop3A_207, %mul3A_21 : i32
        %parallel_loop3A_209 = arith.constant -2021 : i32
        %parallel_loop3A_210 = arith.subi %parallel_loop3A_209, %mul3A_21 : i32
        %parallel_loop3A_211 = arith.constant 5 : i32
        %parallel_loop3A_212 = arith.muli %parallel_loop3A_211, %parallel_loop3A_206 : i32
        %parallel_loop3A_213 = vector.broadcast %parallel_loop3A_212 : i32 to vector<16xi32>
        %parallel_loop3A_214 = arith.addi %add3A_78, %parallel_loop3A_213 : vector<16xi32>
        %parallel_loop3A_215 = vector.broadcast %parallel_loop3A_208 : i32 to vector<16xi32>
        %parallel_loop3A_216 = arith.addi %parallel_loop3A_214, %parallel_loop3A_215 : vector<16xi32>
        %parallel_loop3A_217 = vector.broadcast %parallel_loop3A_210 : i32 to vector<16xi32>
        %parallel_loop3A_218 = arith.addi %parallel_loop3A_214, %parallel_loop3A_217 : vector<16xi32>
        %parallel_loop3A_219 = arith.constant 0 : i32
        %parallel_loop3A_220 = vector.broadcast %parallel_loop3A_219 : i32 to vector<16xi32>
        %parallel_loop3A_221 = arith.addi %parallel_loop3A_216, %parallel_loop3A_220 : vector<16xi32>
        %parallel_loop3A_222 = tpu.vector_load_idx %arg4[%parallel_loop3A_221, %add3A_82] : memref<312x128xf32, #tpu.memory_space<vmem>>[vector<16xi32>, vector<16xi32>], vector<16xf32>,
        %parallel_loop3A_223 = arith.constant 1 : i32
        %parallel_loop3A_224 = vector.broadcast %parallel_loop3A_223 : i32 to vector<16xi32>
        %parallel_loop3A_225 = arith.addi %parallel_loop3A_216, %parallel_loop3A_224 : vector<16xi32>
        %parallel_loop3A_226 = tpu.vector_load_idx %arg4[%parallel_loop3A_225, %add3A_82] : memref<312x128xf32, #tpu.memory_space<vmem>>[vector<16xi32>, vector<16xi32>], vector<16xf32>,
        %parallel_loop3A_227 = arith.constant 2 : i32
        %parallel_loop3A_228 = vector.broadcast %parallel_loop3A_227 : i32 to vector<16xi32>
        %parallel_loop3A_229 = arith.addi %parallel_loop3A_216, %parallel_loop3A_228 : vector<16xi32>
        %parallel_loop3A_230 = tpu.vector_load_idx %arg4[%parallel_loop3A_229, %add3A_82] : memref<312x128xf32, #tpu.memory_space<vmem>>[vector<16xi32>, vector<16xi32>], vector<16xf32>,
        %parallel_loop3A_231 = arith.constant 3 : i32
        %parallel_loop3A_232 = vector.broadcast %parallel_loop3A_231 : i32 to vector<16xi32>
        %parallel_loop3A_233 = arith.addi %parallel_loop3A_216, %parallel_loop3A_232 : vector<16xi32>
        %parallel_loop3A_234 = tpu.vector_load_idx %arg4[%parallel_loop3A_233, %add3A_82] : memref<312x128xf32, #tpu.memory_space<vmem>>[vector<16xi32>, vector<16xi32>], vector<16xf32>,
        %parallel_loop3A_235 = arith.constant 4 : i32
        %parallel_loop3A_236 = vector.broadcast %parallel_loop3A_235 : i32 to vector<16xi32>
        %parallel_loop3A_237 = arith.addi %parallel_loop3A_216, %parallel_loop3A_236 : vector<16xi32>
        %parallel_loop3A_238 = tpu.vector_load_idx %arg4[%parallel_loop3A_237, %add3A_82] : memref<312x128xf32, #tpu.memory_space<vmem>>[vector<16xi32>, vector<16xi32>], vector<16xf32>,
        %parallel_loop3A_239 = arith.minimumf %parallel_loop3A_222, %parallel_loop3A_226 : vector<16xf32>
        %parallel_loop3A_240 = arith.maximumf %parallel_loop3A_222, %parallel_loop3A_226 : vector<16xf32>
        %parallel_loop3A_241 = arith.minimumf %parallel_loop3A_234, %parallel_loop3A_238 : vector<16xf32>
        %parallel_loop3A_242 = arith.maximumf %parallel_loop3A_234, %parallel_loop3A_238 : vector<16xf32>
        %parallel_loop3A_243 = arith.minimumf %parallel_loop3A_230, %parallel_loop3A_242 : vector<16xf32>
        %parallel_loop3A_244 = arith.maximumf %parallel_loop3A_230, %parallel_loop3A_242 : vector<16xf32>
        %parallel_loop3A_245 = arith.minimumf %parallel_loop3A_243, %parallel_loop3A_241 : vector<16xf32>
        %parallel_loop3A_246 = arith.maximumf %parallel_loop3A_243, %parallel_loop3A_241 : vector<16xf32>
        %parallel_loop3A_247 = arith.minimumf %parallel_loop3A_239, %parallel_loop3A_246 : vector<16xf32>
        %parallel_loop3A_248 = arith.maximumf %parallel_loop3A_239, %parallel_loop3A_246 : vector<16xf32>
        %parallel_loop3A_249 = arith.minimumf %parallel_loop3A_247, %parallel_loop3A_245 : vector<16xf32>
        %parallel_loop3A_250 = arith.maximumf %parallel_loop3A_247, %parallel_loop3A_245 : vector<16xf32>
        %parallel_loop3A_251 = arith.minimumf %parallel_loop3A_240, %parallel_loop3A_244 : vector<16xf32>
        %parallel_loop3A_252 = arith.maximumf %parallel_loop3A_240, %parallel_loop3A_244 : vector<16xf32>
        %parallel_loop3A_253 = arith.minimumf %parallel_loop3A_251, %parallel_loop3A_248 : vector<16xf32>
        %parallel_loop3A_254 = arith.maximumf %parallel_loop3A_251, %parallel_loop3A_248 : vector<16xf32>
        %parallel_loop3A_255 = arith.minimumf %parallel_loop3A_253, %parallel_loop3A_250 : vector<16xf32>
        %parallel_loop3A_256 = arith.maximumf %parallel_loop3A_253, %parallel_loop3A_250 : vector<16xf32>
        %parallel_loop3A_257 = arith.constant 0 : i32
        %parallel_loop3A_258 = vector.broadcast %parallel_loop3A_257 : i32 to vector<16xi32>
        %parallel_loop3A_259 = arith.addi %parallel_loop3A_218, %parallel_loop3A_258 : vector<16xi32>
        tpu.vector_store_idx %arg5[%parallel_loop3A_259, %add3A_82], %parallel_loop3A_249 : memref<304x128xf32, #tpu.memory_space<vmem>>[vector<16xi32>, vector<16xi32>], vector<16xf32>,
        %parallel_loop3A_260 = arith.constant 1 : i32
        %parallel_loop3A_261 = vector.broadcast %parallel_loop3A_260 : i32 to vector<16xi32>
        %parallel_loop3A_262 = arith.addi %parallel_loop3A_218, %parallel_loop3A_261 : vector<16xi32>
        tpu.vector_store_idx %arg5[%parallel_loop3A_262, %add3A_82], %parallel_loop3A_255 : memref<304x128xf32, #tpu.memory_space<vmem>>[vector<16xi32>, vector<16xi32>], vector<16xf32>,
        %parallel_loop3A_263 = arith.constant 2 : i32
        %parallel_loop3A_264 = vector.broadcast %parallel_loop3A_263 : i32 to vector<16xi32>
        %parallel_loop3A_265 = arith.addi %parallel_loop3A_218, %parallel_loop3A_264 : vector<16xi32>
        tpu.vector_store_idx %arg5[%parallel_loop3A_265, %add3A_82], %parallel_loop3A_256 : memref<304x128xf32, #tpu.memory_space<vmem>>[vector<16xi32>, vector<16xi32>], vector<16xf32>,
        %parallel_loop3A_266 = arith.constant 3 : i32
        %parallel_loop3A_267 = vector.broadcast %parallel_loop3A_266 : i32 to vector<16xi32>
        %parallel_loop3A_268 = arith.addi %parallel_loop3A_218, %parallel_loop3A_267 : vector<16xi32>
        tpu.vector_store_idx %arg5[%parallel_loop3A_268, %add3A_82], %parallel_loop3A_254 : memref<304x128xf32, #tpu.memory_space<vmem>>[vector<16xi32>, vector<16xi32>], vector<16xf32>,
        %parallel_loop3A_269 = arith.constant 4 : i32
        %parallel_loop3A_270 = vector.broadcast %parallel_loop3A_269 : i32 to vector<16xi32>
        %parallel_loop3A_271 = arith.addi %parallel_loop3A_218, %parallel_loop3A_270 : vector<16xi32>
        tpu.vector_store_idx %arg5[%parallel_loop3A_271, %add3A_82], %parallel_loop3A_252 : memref<304x128xf32, #tpu.memory_space<vmem>>[vector<16xi32>, vector<16xi32>], vector<16xf32>,
      } {sc.loop_unroll_factor = 4 : i64, sc.parallel_access}
    }
    %scan3A_59 = arith.constant 8 : i32
    "tpu.region"() ({
      %run_scoped3A = tpu.sem_alloc : memref<!tpu.dma_semaphore, #tpu.memory_space<semaphore_mem>>
      %dma_start3A = arith.constant 24 : i32
      %dma_start3A_72 = arith.constant 0 : i32
      %dma_start3A_73 = tpu.memref_slice %arg5[%dma_start3A, %dma_start3A_72] : memref<304x128xf32, #tpu.memory_space<vmem>> -> memref<256x128xf32, #tpu.memory_space<vmem>>
      %dma_start3A_74 = arith.constant 384 : i32
      %dma_start3A_75 = tpu.memref_slice %arg3[%select_n3A, %multiple_of3A_31, %dma_start3A_74] : memref<4x2048x768xf32, #tpu.memory_space<hbm>> -> memref<1x256x128xf32, #tpu.memory_space<hbm>>
      %dma_start3A_76 = tpu.memref_squeeze %dma_start3A_75 : memref<1x256x128xf32, #tpu.memory_space<hbm>> -> memref<256x128xf32, #tpu.memory_space<hbm>>
      %dma_start3A_77 = arith.constant 384 : i32
      %dma_start3A_78 = tpu.memref_slice %arg3[%select_n3A, %multiple_of3A_31, %dma_start3A_77] : memref<4x2048x768xf32, #tpu.memory_space<hbm>> -> memref<1x256x128xf32, #tpu.memory_space<hbm>>
      %dma_start3A_79 = tpu.memref_squeeze %dma_start3A_78 : memref<1x256x128xf32, #tpu.memory_space<hbm>> -> memref<256x128xf32, #tpu.memory_space<hbm>>
      %dma_start3A_80 = arith.constant 24 : i32
      %dma_start3A_81 = arith.constant 0 : i32
      %dma_start3A_82 = tpu.memref_slice %arg5[%dma_start3A_80, %dma_start3A_81] : memref<304x128xf32, #tpu.memory_space<vmem>> -> memref<256x128xf32, #tpu.memory_space<vmem>>
      tpu.enqueue_dma source(%dma_start3A_82 : memref<256x128xf32, #tpu.memory_space<vmem>>) target(%dma_start3A_79 : memref<256x128xf32, #tpu.memory_space<hbm>>) target_semaphore(%run_scoped3A : memref<!tpu.dma_semaphore, #tpu.memory_space<semaphore_mem>>)
      %dma_wait3A = arith.constant 24 : i32
      %dma_wait3A_83 = arith.constant 0 : i32
      %dma_wait3A_84 = tpu.memref_slice %arg5[%dma_wait3A, %dma_wait3A_83] : memref<304x128xf32, #tpu.memory_space<vmem>> -> memref<256x128xf32, #tpu.memory_space<vmem>>
      %dma_wait3A_85 = arith.constant 384 : i32
      %dma_wait3A_86 = tpu.memref_slice %arg3[%select_n3A, %multiple_of3A_31, %dma_wait3A_85] : memref<4x2048x768xf32, #tpu.memory_space<hbm>> -> memref<1x256x128xf32, #tpu.memory_space<hbm>>
      %dma_wait3A_87 = tpu.memref_squeeze %dma_wait3A_86 : memref<1x256x128xf32, #tpu.memory_space<hbm>> -> memref<256x128xf32, #tpu.memory_space<hbm>>
      %dma_wait3A_88 = arith.constant 384 : i32
      %dma_wait3A_89 = tpu.memref_slice %arg3[%select_n3A, %multiple_of3A_31, %dma_wait3A_88] : memref<4x2048x768xf32, #tpu.memory_space<hbm>> -> memref<1x256x128xf32, #tpu.memory_space<hbm>>
      %dma_wait3A_90 = tpu.memref_squeeze %dma_wait3A_89 : memref<1x256x128xf32, #tpu.memory_space<hbm>> -> memref<256x128xf32, #tpu.memory_space<hbm>>
      %dma_wait3A_91 = arith.constant 24 : i32
      %dma_wait3A_92 = arith.constant 0 : i32
      %dma_wait3A_93 = tpu.memref_slice %arg5[%dma_wait3A_91, %dma_wait3A_92] : memref<304x128xf32, #tpu.memory_space<vmem>> -> memref<256x128xf32, #tpu.memory_space<vmem>>
      tpu.wait_dma2 semaphore(%run_scoped3A : memref<!tpu.dma_semaphore, #tpu.memory_space<semaphore_mem>>) src(%dma_wait3A_93 : memref<256x128xf32, #tpu.memory_space<vmem>>) dst(%dma_wait3A_90 : memref<256x128xf32, #tpu.memory_space<hbm>>)
      tpu.yield
    }) : () -> ()
    "tpu.region"() ({
      %run_scoped3A = tpu.sem_alloc : memref<!tpu.dma_semaphore, #tpu.memory_space<semaphore_mem>>
      %dma_start3A = arith.constant 0 : i32
      %dma_start3A_72 = arith.constant 0 : i32
      %dma_start3A_73 = tpu.memref_slice %arg4[%dma_start3A, %dma_start3A_72] : memref<312x128xf32, #tpu.memory_space<vmem>> -> memref<32x128xf32, #tpu.memory_space<vmem>>
      %dma_start3A_74 = arith.constant 512 : i32
      %dma_start3A_75 = tpu.memref_slice %arg2[%select_n3A, %multiple_of3A, %dma_start3A_74] : memref<4x2048x768xf32, #tpu.memory_space<hbm>> -> memref<1x32x128xf32, #tpu.memory_space<hbm>>
      %dma_start3A_76 = tpu.memref_squeeze %dma_start3A_75 : memref<1x32x128xf32, #tpu.memory_space<hbm>> -> memref<32x128xf32, #tpu.memory_space<hbm>>
      %dma_start3A_77 = arith.constant 0 : i32
      %dma_start3A_78 = arith.constant 0 : i32
      %dma_start3A_79 = tpu.memref_slice %arg4[%dma_start3A_77, %dma_start3A_78] : memref<312x128xf32, #tpu.memory_space<vmem>> -> memref<32x128xf32, #tpu.memory_space<vmem>>
      %dma_start3A_80 = arith.constant 512 : i32
      %dma_start3A_81 = tpu.memref_slice %arg2[%select_n3A, %multiple_of3A, %dma_start3A_80] : memref<4x2048x768xf32, #tpu.memory_space<hbm>> -> memref<1x32x128xf32, #tpu.memory_space<hbm>>
      %dma_start3A_82 = tpu.memref_squeeze %dma_start3A_81 : memref<1x32x128xf32, #tpu.memory_space<hbm>> -> memref<32x128xf32, #tpu.memory_space<hbm>>
      tpu.enqueue_dma source(%dma_start3A_82 : memref<32x128xf32, #tpu.memory_space<hbm>>) target(%dma_start3A_79 : memref<32x128xf32, #tpu.memory_space<vmem>>) target_semaphore(%run_scoped3A : memref<!tpu.dma_semaphore, #tpu.memory_space<semaphore_mem>>)
      %dma_wait3A = arith.constant 0 : i32
      %dma_wait3A_83 = arith.constant 0 : i32
      %dma_wait3A_84 = tpu.memref_slice %arg4[%dma_wait3A, %dma_wait3A_83] : memref<312x128xf32, #tpu.memory_space<vmem>> -> memref<32x128xf32, #tpu.memory_space<vmem>>
      %dma_wait3A_85 = arith.constant 512 : i32
      %dma_wait3A_86 = tpu.memref_slice %arg2[%select_n3A, %multiple_of3A, %dma_wait3A_85] : memref<4x2048x768xf32, #tpu.memory_space<hbm>> -> memref<1x32x128xf32, #tpu.memory_space<hbm>>
      %dma_wait3A_87 = tpu.memref_squeeze %dma_wait3A_86 : memref<1x32x128xf32, #tpu.memory_space<hbm>> -> memref<32x128xf32, #tpu.memory_space<hbm>>
      %dma_wait3A_88 = arith.constant 0 : i32
      %dma_wait3A_89 = arith.constant 0 : i32
      %dma_wait3A_90 = tpu.memref_slice %arg4[%dma_wait3A_88, %dma_wait3A_89] : memref<312x128xf32, #tpu.memory_space<vmem>> -> memref<32x128xf32, #tpu.memory_space<vmem>>
      %dma_wait3A_91 = arith.constant 512 : i32
      %dma_wait3A_92 = tpu.memref_slice %arg2[%select_n3A, %multiple_of3A, %dma_wait3A_91] : memref<4x2048x768xf32, #tpu.memory_space<hbm>> -> memref<1x32x128xf32, #tpu.memory_space<hbm>>
      %dma_wait3A_93 = tpu.memref_squeeze %dma_wait3A_92 : memref<1x32x128xf32, #tpu.memory_space<hbm>> -> memref<32x128xf32, #tpu.memory_space<hbm>>
      tpu.wait_dma2 semaphore(%run_scoped3A : memref<!tpu.dma_semaphore, #tpu.memory_space<semaphore_mem>>) src(%dma_wait3A_93 : memref<32x128xf32, #tpu.memory_space<hbm>>) dst(%dma_wait3A_90 : memref<32x128xf32, #tpu.memory_space<vmem>>)
      tpu.yield
    }) : () -> ()
    "tpu.region"() ({
      %run_scoped3A = tpu.sem_alloc : memref<!tpu.dma_semaphore, #tpu.memory_space<semaphore_mem>>
      %dma_start3A = arith.constant 32 : i32
      %dma_start3A_72 = arith.constant 0 : i32
      %dma_start3A_73 = tpu.memref_slice %arg4[%dma_start3A, %dma_start3A_72] : memref<312x128xf32, #tpu.memory_space<vmem>> -> memref<256x128xf32, #tpu.memory_space<vmem>>
      %dma_start3A_74 = arith.constant 512 : i32
      %dma_start3A_75 = tpu.memref_slice %arg2[%select_n3A, %multiple_of3A_31, %dma_start3A_74] : memref<4x2048x768xf32, #tpu.memory_space<hbm>> -> memref<1x256x128xf32, #tpu.memory_space<hbm>>
      %dma_start3A_76 = tpu.memref_squeeze %dma_start3A_75 : memref<1x256x128xf32, #tpu.memory_space<hbm>> -> memref<256x128xf32, #tpu.memory_space<hbm>>
      %dma_start3A_77 = arith.constant 32 : i32
      %dma_start3A_78 = arith.constant 0 : i32
      %dma_start3A_79 = tpu.memref_slice %arg4[%dma_start3A_77, %dma_start3A_78] : memref<312x128xf32, #tpu.memory_space<vmem>> -> memref<256x128xf32, #tpu.memory_space<vmem>>
      %dma_start3A_80 = arith.constant 512 : i32
      %dma_start3A_81 = tpu.memref_slice %arg2[%select_n3A, %multiple_of3A_31, %dma_start3A_80] : memref<4x2048x768xf32, #tpu.memory_space<hbm>> -> memref<1x256x128xf32, #tpu.memory_space<hbm>>
      %dma_start3A_82 = tpu.memref_squeeze %dma_start3A_81 : memref<1x256x128xf32, #tpu.memory_space<hbm>> -> memref<256x128xf32, #tpu.memory_space<hbm>>
      tpu.enqueue_dma source(%dma_start3A_82 : memref<256x128xf32, #tpu.memory_space<hbm>>) target(%dma_start3A_79 : memref<256x128xf32, #tpu.memory_space<vmem>>) target_semaphore(%run_scoped3A : memref<!tpu.dma_semaphore, #tpu.memory_space<semaphore_mem>>)
      %dma_wait3A = arith.constant 32 : i32
      %dma_wait3A_83 = arith.constant 0 : i32
      %dma_wait3A_84 = tpu.memref_slice %arg4[%dma_wait3A, %dma_wait3A_83] : memref<312x128xf32, #tpu.memory_space<vmem>> -> memref<256x128xf32, #tpu.memory_space<vmem>>
      %dma_wait3A_85 = arith.constant 512 : i32
      %dma_wait3A_86 = tpu.memref_slice %arg2[%select_n3A, %multiple_of3A_31, %dma_wait3A_85] : memref<4x2048x768xf32, #tpu.memory_space<hbm>> -> memref<1x256x128xf32, #tpu.memory_space<hbm>>
      %dma_wait3A_87 = tpu.memref_squeeze %dma_wait3A_86 : memref<1x256x128xf32, #tpu.memory_space<hbm>> -> memref<256x128xf32, #tpu.memory_space<hbm>>
      %dma_wait3A_88 = arith.constant 32 : i32
      %dma_wait3A_89 = arith.constant 0 : i32
      %dma_wait3A_90 = tpu.memref_slice %arg4[%dma_wait3A_88, %dma_wait3A_89] : memref<312x128xf32, #tpu.memory_space<vmem>> -> memref<256x128xf32, #tpu.memory_space<vmem>>
      %dma_wait3A_91 = arith.constant 512 : i32
      %dma_wait3A_92 = tpu.memref_slice %arg2[%select_n3A, %multiple_of3A_31, %dma_wait3A_91] : memref<4x2048x768xf32, #tpu.memory_space<hbm>> -> memref<1x256x128xf32, #tpu.memory_space<hbm>>
      %dma_wait3A_93 = tpu.memref_squeeze %dma_wait3A_92 : memref<1x256x128xf32, #tpu.memory_space<hbm>> -> memref<256x128xf32, #tpu.memory_space<hbm>>
      tpu.wait_dma2 semaphore(%run_scoped3A : memref<!tpu.dma_semaphore, #tpu.memory_space<semaphore_mem>>) src(%dma_wait3A_93 : memref<256x128xf32, #tpu.memory_space<hbm>>) dst(%dma_wait3A_90 : memref<256x128xf32, #tpu.memory_space<vmem>>)
      tpu.yield
    }) : () -> ()
    "tpu.region"() ({
      %run_scoped3A = tpu.sem_alloc : memref<!tpu.dma_semaphore, #tpu.memory_space<semaphore_mem>>
      %dma_start3A = arith.constant 288 : i32
      %dma_start3A_72 = arith.constant 0 : i32
      %dma_start3A_73 = tpu.memref_slice %arg4[%dma_start3A, %dma_start3A_72] : memref<312x128xf32, #tpu.memory_space<vmem>> -> memref<24x128xf32, #tpu.memory_space<vmem>>
      %dma_start3A_74 = arith.constant 512 : i32
      %dma_start3A_75 = tpu.memref_slice %arg2[%select_n3A, %multiple_of3A_36, %dma_start3A_74] : memref<4x2048x768xf32, #tpu.memory_space<hbm>> -> memref<1x24x128xf32, #tpu.memory_space<hbm>>
      %dma_start3A_76 = tpu.memref_squeeze %dma_start3A_75 : memref<1x24x128xf32, #tpu.memory_space<hbm>> -> memref<24x128xf32, #tpu.memory_space<hbm>>
      %dma_start3A_77 = arith.constant 288 : i32
      %dma_start3A_78 = arith.constant 0 : i32
      %dma_start3A_79 = tpu.memref_slice %arg4[%dma_start3A_77, %dma_start3A_78] : memref<312x128xf32, #tpu.memory_space<vmem>> -> memref<24x128xf32, #tpu.memory_space<vmem>>
      %dma_start3A_80 = arith.constant 512 : i32
      %dma_start3A_81 = tpu.memref_slice %arg2[%select_n3A, %multiple_of3A_36, %dma_start3A_80] : memref<4x2048x768xf32, #tpu.memory_space<hbm>> -> memref<1x24x128xf32, #tpu.memory_space<hbm>>
      %dma_start3A_82 = tpu.memref_squeeze %dma_start3A_81 : memref<1x24x128xf32, #tpu.memory_space<hbm>> -> memref<24x128xf32, #tpu.memory_space<hbm>>
      tpu.enqueue_dma source(%dma_start3A_82 : memref<24x128xf32, #tpu.memory_space<hbm>>) target(%dma_start3A_79 : memref<24x128xf32, #tpu.memory_space<vmem>>) target_semaphore(%run_scoped3A : memref<!tpu.dma_semaphore, #tpu.memory_space<semaphore_mem>>)
      %dma_wait3A = arith.constant 288 : i32
      %dma_wait3A_83 = arith.constant 0 : i32
      %dma_wait3A_84 = tpu.memref_slice %arg4[%dma_wait3A, %dma_wait3A_83] : memref<312x128xf32, #tpu.memory_space<vmem>> -> memref<24x128xf32, #tpu.memory_space<vmem>>
      %dma_wait3A_85 = arith.constant 512 : i32
      %dma_wait3A_86 = tpu.memref_slice %arg2[%select_n3A, %multiple_of3A_36, %dma_wait3A_85] : memref<4x2048x768xf32, #tpu.memory_space<hbm>> -> memref<1x24x128xf32, #tpu.memory_space<hbm>>
      %dma_wait3A_87 = tpu.memref_squeeze %dma_wait3A_86 : memref<1x24x128xf32, #tpu.memory_space<hbm>> -> memref<24x128xf32, #tpu.memory_space<hbm>>
      %dma_wait3A_88 = arith.constant 288 : i32
      %dma_wait3A_89 = arith.constant 0 : i32
      %dma_wait3A_90 = tpu.memref_slice %arg4[%dma_wait3A_88, %dma_wait3A_89] : memref<312x128xf32, #tpu.memory_space<vmem>> -> memref<24x128xf32, #tpu.memory_space<vmem>>
      %dma_wait3A_91 = arith.constant 512 : i32
      %dma_wait3A_92 = tpu.memref_slice %arg2[%select_n3A, %multiple_of3A_36, %dma_wait3A_91] : memref<4x2048x768xf32, #tpu.memory_space<hbm>> -> memref<1x24x128xf32, #tpu.memory_space<hbm>>
      %dma_wait3A_93 = tpu.memref_squeeze %dma_wait3A_92 : memref<1x24x128xf32, #tpu.memory_space<hbm>> -> memref<24x128xf32, #tpu.memory_space<hbm>>
      tpu.wait_dma2 semaphore(%run_scoped3A : memref<!tpu.dma_semaphore, #tpu.memory_space<semaphore_mem>>) src(%dma_wait3A_93 : memref<24x128xf32, #tpu.memory_space<hbm>>) dst(%dma_wait3A_90 : memref<24x128xf32, #tpu.memory_space<vmem>>)
      tpu.yield
    }) : () -> ()
    %scan3A_60 = arith.constant 0 : i32
    %scan3A_61 = arith.constant 0 : i32
    %scan3A_62 = arith.constant 8 : i32
    %scan3A_63 = arith.addi %scan3A_61, %scan3A_62 : i32
    %scan3A_64 = arith.constant 1 : i32
    scf.for %scan3A_72 = %scan3A_61 to %scan3A_63 step %scan3A_64  : i32 {
      %mul3A_73 = arith.constant 16 : i32
      %mul3A_74 = arith.muli %mul3A_73, %scan3A_72 : i32
      %add3A_75 = arith.constant 512 : i32
      %add3A_76 = arith.addi %add3A_75, %mul3A_74 : i32
      %add3A_77 = vector.broadcast %add3A_76 : i32 to vector<16xi32>
      %add3A_78 = arith.addi %add3A_77, %iota3A : vector<16xi32>
      %mul3A_79 = arith.constant 16 : i32
      %mul3A_80 = arith.muli %mul3A_79, %scan3A_72 : i32
      %add3A_81 = vector.broadcast %mul3A_80 : i32 to vector<16xi32>
      %add3A_82 = arith.addi %add3A_81, %iota3A : vector<16xi32>
      %sub3A_83 = arith.constant 19 : i32
      %sub3A_84 = arith.subi %mul3A_21, %sub3A_83 : i32
      %sub3A_85 = arith.subi %sub3A_84, %add3A_76 : i32
      %add3A_86 = arith.constant 4 : i32
      %add3A_87 = arith.addi %sub3A_85, %add3A_86 : i32
      %jit3A_88 = arith.constant 5 : i32
      %div3A_89 = arith.divsi %add3A_87, %jit3A_88 : i32
      %sign3A_90 = arith.constant 0 : i32
      %sign3A_91 = arith.cmpi sgt, %add3A_87, %sign3A_90 : i32
      %sign3A_92 = arith.extui %sign3A_91 : i1 to i32
      %sign3A_93 = arith.constant 0 : i32
      %sign3A_94 = arith.cmpi slt, %add3A_87, %sign3A_93 : i32
      %sign3A_95 = arith.extui %sign3A_94 : i1 to i32
      %sign3A_96 = arith.subi %sign3A_92, %sign3A_95 : i32
      %sign3A_97 = arith.constant 0 : i32
      %sign3A_98 = arith.cmpi sgt, %jit3A_88, %sign3A_97 : i32
      %sign3A_99 = arith.extui %sign3A_98 : i1 to i32
      %sign3A_100 = arith.constant 0 : i32
      %sign3A_101 = arith.cmpi slt, %jit3A_88, %sign3A_100 : i32
      %sign3A_102 = arith.extui %sign3A_101 : i1 to i32
      %sign3A_103 = arith.subi %sign3A_99, %sign3A_102 : i32
      %ne3A_104 = arith.cmpi ne, %sign3A_96, %sign3A_103 : i32
      %rem3A_105 = arith.remsi %add3A_87, %jit3A_88 : i32
      %ne3A_106 = arith.constant 0 : i32
      %ne3A_107 = arith.cmpi ne, %rem3A_105, %ne3A_106 : i32
      %and3A_108 = arith.andi %ne3A_104, %ne3A_107 : i1
      %sub3A_109 = arith.constant 1 : i32
      %sub3A_110 = arith.subi %div3A_89, %sub3A_109 : i32
      %select_n3A_111 = arith.select %and3A_108, %sub3A_110, %div3A_89 : i32
      %max3A = arith.constant 0 : i32
      %max3A_112 = arith.maxsi %max3A, %select_n3A_111 : i32
      %sub3A_113 = arith.constant 1 : i32
      %sub3A_114 = arith.subi %select_n3A_26, %sub3A_113 : i32
      %sub3A_115 = arith.subi %sub3A_114, %add3A_76 : i32
      %jit3A_116 = arith.constant 5 : i32
      %div3A_117 = arith.divsi %sub3A_115, %jit3A_116 : i32
      %sign3A_118 = arith.constant 0 : i32
      %sign3A_119 = arith.cmpi sgt, %sub3A_115, %sign3A_118 : i32
      %sign3A_120 = arith.extui %sign3A_119 : i1 to i32
      %sign3A_121 = arith.constant 0 : i32
      %sign3A_122 = arith.cmpi slt, %sub3A_115, %sign3A_121 : i32
      %sign3A_123 = arith.extui %sign3A_122 : i1 to i32
      %sign3A_124 = arith.subi %sign3A_120, %sign3A_123 : i32
      %sign3A_125 = arith.constant 0 : i32
      %sign3A_126 = arith.cmpi sgt, %jit3A_116, %sign3A_125 : i32
      %sign3A_127 = arith.extui %sign3A_126 : i1 to i32
      %sign3A_128 = arith.constant 0 : i32
      %sign3A_129 = arith.cmpi slt, %jit3A_116, %sign3A_128 : i32
      %sign3A_130 = arith.extui %sign3A_129 : i1 to i32
      %sign3A_131 = arith.subi %sign3A_127, %sign3A_130 : i32
      %ne3A_132 = arith.cmpi ne, %sign3A_124, %sign3A_131 : i32
      %rem3A_133 = arith.remsi %sub3A_115, %jit3A_116 : i32
      %ne3A_134 = arith.constant 0 : i32
      %ne3A_135 = arith.cmpi ne, %rem3A_133, %ne3A_134 : i32
      %and3A_136 = arith.andi %ne3A_132, %ne3A_135 : i1
      %sub3A_137 = arith.constant 1 : i32
      %sub3A_138 = arith.subi %div3A_117, %sub3A_137 : i32
      %select_n3A_139 = arith.select %and3A_136, %sub3A_138, %div3A_117 : i32
      %add3A_140 = arith.constant 1 : i32
      %add3A_141 = arith.addi %select_n3A_139, %add3A_140 : i32
      %min3A = arith.constant 409 : i32
      %min3A_142 = arith.minsi %min3A, %add3A_141 : i32
      %parallel_loop3A = arith.constant 1 : i32
      scf.for %parallel_loop3A_206 = %max3A_112 to %min3A_142 step %parallel_loop3A  : i32 {
        %parallel_loop3A_207 = arith.constant 32 : i32
        %parallel_loop3A_208 = arith.subi %parallel_loop3A_207, %mul3A_21 : i32
        %parallel_loop3A_209 = arith.constant 24 : i32
        %parallel_loop3A_210 = arith.subi %parallel_loop3A_209, %mul3A_21 : i32
        %parallel_loop3A_211 = arith.constant 5 : i32
        %parallel_loop3A_212 = arith.muli %parallel_loop3A_211, %parallel_loop3A_206 : i32
        %parallel_loop3A_213 = vector.broadcast %parallel_loop3A_212 : i32 to vector<16xi32>
        %parallel_loop3A_214 = arith.addi %add3A_78, %parallel_loop3A_213 : vector<16xi32>
        %parallel_loop3A_215 = vector.broadcast %parallel_loop3A_208 : i32 to vector<16xi32>
        %parallel_loop3A_216 = arith.addi %parallel_loop3A_214, %parallel_loop3A_215 : vector<16xi32>
        %parallel_loop3A_217 = vector.broadcast %parallel_loop3A_210 : i32 to vector<16xi32>
        %parallel_loop3A_218 = arith.addi %parallel_loop3A_214, %parallel_loop3A_217 : vector<16xi32>
        %parallel_loop3A_219 = arith.constant 0 : i32
        %parallel_loop3A_220 = vector.broadcast %parallel_loop3A_219 : i32 to vector<16xi32>
        %parallel_loop3A_221 = arith.addi %parallel_loop3A_216, %parallel_loop3A_220 : vector<16xi32>
        %parallel_loop3A_222 = tpu.vector_load_idx %arg4[%parallel_loop3A_221, %add3A_82] : memref<312x128xf32, #tpu.memory_space<vmem>>[vector<16xi32>, vector<16xi32>], vector<16xf32>,
        %parallel_loop3A_223 = arith.constant 1 : i32
        %parallel_loop3A_224 = vector.broadcast %parallel_loop3A_223 : i32 to vector<16xi32>
        %parallel_loop3A_225 = arith.addi %parallel_loop3A_216, %parallel_loop3A_224 : vector<16xi32>
        %parallel_loop3A_226 = tpu.vector_load_idx %arg4[%parallel_loop3A_225, %add3A_82] : memref<312x128xf32, #tpu.memory_space<vmem>>[vector<16xi32>, vector<16xi32>], vector<16xf32>,
        %parallel_loop3A_227 = arith.constant 2 : i32
        %parallel_loop3A_228 = vector.broadcast %parallel_loop3A_227 : i32 to vector<16xi32>
        %parallel_loop3A_229 = arith.addi %parallel_loop3A_216, %parallel_loop3A_228 : vector<16xi32>
        %parallel_loop3A_230 = tpu.vector_load_idx %arg4[%parallel_loop3A_229, %add3A_82] : memref<312x128xf32, #tpu.memory_space<vmem>>[vector<16xi32>, vector<16xi32>], vector<16xf32>,
        %parallel_loop3A_231 = arith.constant 3 : i32
        %parallel_loop3A_232 = vector.broadcast %parallel_loop3A_231 : i32 to vector<16xi32>
        %parallel_loop3A_233 = arith.addi %parallel_loop3A_216, %parallel_loop3A_232 : vector<16xi32>
        %parallel_loop3A_234 = tpu.vector_load_idx %arg4[%parallel_loop3A_233, %add3A_82] : memref<312x128xf32, #tpu.memory_space<vmem>>[vector<16xi32>, vector<16xi32>], vector<16xf32>,
        %parallel_loop3A_235 = arith.constant 4 : i32
        %parallel_loop3A_236 = vector.broadcast %parallel_loop3A_235 : i32 to vector<16xi32>
        %parallel_loop3A_237 = arith.addi %parallel_loop3A_216, %parallel_loop3A_236 : vector<16xi32>
        %parallel_loop3A_238 = tpu.vector_load_idx %arg4[%parallel_loop3A_237, %add3A_82] : memref<312x128xf32, #tpu.memory_space<vmem>>[vector<16xi32>, vector<16xi32>], vector<16xf32>,
        %parallel_loop3A_239 = arith.minimumf %parallel_loop3A_222, %parallel_loop3A_226 : vector<16xf32>
        %parallel_loop3A_240 = arith.maximumf %parallel_loop3A_222, %parallel_loop3A_226 : vector<16xf32>
        %parallel_loop3A_241 = arith.minimumf %parallel_loop3A_234, %parallel_loop3A_238 : vector<16xf32>
        %parallel_loop3A_242 = arith.maximumf %parallel_loop3A_234, %parallel_loop3A_238 : vector<16xf32>
        %parallel_loop3A_243 = arith.minimumf %parallel_loop3A_230, %parallel_loop3A_242 : vector<16xf32>
        %parallel_loop3A_244 = arith.maximumf %parallel_loop3A_230, %parallel_loop3A_242 : vector<16xf32>
        %parallel_loop3A_245 = arith.minimumf %parallel_loop3A_243, %parallel_loop3A_241 : vector<16xf32>
        %parallel_loop3A_246 = arith.maximumf %parallel_loop3A_243, %parallel_loop3A_241 : vector<16xf32>
        %parallel_loop3A_247 = arith.minimumf %parallel_loop3A_239, %parallel_loop3A_246 : vector<16xf32>
        %parallel_loop3A_248 = arith.maximumf %parallel_loop3A_239, %parallel_loop3A_246 : vector<16xf32>
        %parallel_loop3A_249 = arith.minimumf %parallel_loop3A_247, %parallel_loop3A_245 : vector<16xf32>
        %parallel_loop3A_250 = arith.maximumf %parallel_loop3A_247, %parallel_loop3A_245 : vector<16xf32>
        %parallel_loop3A_251 = arith.minimumf %parallel_loop3A_240, %parallel_loop3A_244 : vector<16xf32>
        %parallel_loop3A_252 = arith.maximumf %parallel_loop3A_240, %parallel_loop3A_244 : vector<16xf32>
        %parallel_loop3A_253 = arith.minimumf %parallel_loop3A_251, %parallel_loop3A_248 : vector<16xf32>
        %parallel_loop3A_254 = arith.maximumf %parallel_loop3A_251, %parallel_loop3A_248 : vector<16xf32>
        %parallel_loop3A_255 = arith.minimumf %parallel_loop3A_253, %parallel_loop3A_250 : vector<16xf32>
        %parallel_loop3A_256 = arith.maximumf %parallel_loop3A_253, %parallel_loop3A_250 : vector<16xf32>
        %parallel_loop3A_257 = arith.constant 0 : i32
        %parallel_loop3A_258 = vector.broadcast %parallel_loop3A_257 : i32 to vector<16xi32>
        %parallel_loop3A_259 = arith.addi %parallel_loop3A_218, %parallel_loop3A_258 : vector<16xi32>
        tpu.vector_store_idx %arg5[%parallel_loop3A_259, %add3A_82], %parallel_loop3A_249 : memref<304x128xf32, #tpu.memory_space<vmem>>[vector<16xi32>, vector<16xi32>], vector<16xf32>,
        %parallel_loop3A_260 = arith.constant 1 : i32
        %parallel_loop3A_261 = vector.broadcast %parallel_loop3A_260 : i32 to vector<16xi32>
        %parallel_loop3A_262 = arith.addi %parallel_loop3A_218, %parallel_loop3A_261 : vector<16xi32>
        tpu.vector_store_idx %arg5[%parallel_loop3A_262, %add3A_82], %parallel_loop3A_255 : memref<304x128xf32, #tpu.memory_space<vmem>>[vector<16xi32>, vector<16xi32>], vector<16xf32>,
        %parallel_loop3A_263 = arith.constant 2 : i32
        %parallel_loop3A_264 = vector.broadcast %parallel_loop3A_263 : i32 to vector<16xi32>
        %parallel_loop3A_265 = arith.addi %parallel_loop3A_218, %parallel_loop3A_264 : vector<16xi32>
        tpu.vector_store_idx %arg5[%parallel_loop3A_265, %add3A_82], %parallel_loop3A_256 : memref<304x128xf32, #tpu.memory_space<vmem>>[vector<16xi32>, vector<16xi32>], vector<16xf32>,
        %parallel_loop3A_266 = arith.constant 3 : i32
        %parallel_loop3A_267 = vector.broadcast %parallel_loop3A_266 : i32 to vector<16xi32>
        %parallel_loop3A_268 = arith.addi %parallel_loop3A_218, %parallel_loop3A_267 : vector<16xi32>
        tpu.vector_store_idx %arg5[%parallel_loop3A_268, %add3A_82], %parallel_loop3A_254 : memref<304x128xf32, #tpu.memory_space<vmem>>[vector<16xi32>, vector<16xi32>], vector<16xf32>,
        %parallel_loop3A_269 = arith.constant 4 : i32
        %parallel_loop3A_270 = vector.broadcast %parallel_loop3A_269 : i32 to vector<16xi32>
        %parallel_loop3A_271 = arith.addi %parallel_loop3A_218, %parallel_loop3A_270 : vector<16xi32>
        tpu.vector_store_idx %arg5[%parallel_loop3A_271, %add3A_82], %parallel_loop3A_252 : memref<304x128xf32, #tpu.memory_space<vmem>>[vector<16xi32>, vector<16xi32>], vector<16xf32>,
      } {sc.loop_unroll_factor = 4 : i64, sc.parallel_access}
      %add3A_143 = arith.constant 2026 : i32
      %add3A_144 = arith.addi %add3A_143, %mul3A_21 : i32
      %sub3A_145 = arith.subi %add3A_144, %add3A_76 : i32
      %add3A_146 = arith.constant 4 : i32
      %add3A_147 = arith.addi %sub3A_145, %add3A_146 : i32
      %jit3A_148 = arith.constant 5 : i32
      %div3A_149 = arith.divsi %add3A_147, %jit3A_148 : i32
      %sign3A_150 = arith.constant 0 : i32
      %sign3A_151 = arith.cmpi sgt, %add3A_147, %sign3A_150 : i32
      %sign3A_152 = arith.extui %sign3A_151 : i1 to i32
      %sign3A_153 = arith.constant 0 : i32
      %sign3A_154 = arith.cmpi slt, %add3A_147, %sign3A_153 : i32
      %sign3A_155 = arith.extui %sign3A_154 : i1 to i32
      %sign3A_156 = arith.subi %sign3A_152, %sign3A_155 : i32
      %sign3A_157 = arith.constant 0 : i32
      %sign3A_158 = arith.cmpi sgt, %jit3A_148, %sign3A_157 : i32
      %sign3A_159 = arith.extui %sign3A_158 : i1 to i32
      %sign3A_160 = arith.constant 0 : i32
      %sign3A_161 = arith.cmpi slt, %jit3A_148, %sign3A_160 : i32
      %sign3A_162 = arith.extui %sign3A_161 : i1 to i32
      %sign3A_163 = arith.subi %sign3A_159, %sign3A_162 : i32
      %ne3A_164 = arith.cmpi ne, %sign3A_156, %sign3A_163 : i32
      %rem3A_165 = arith.remsi %add3A_147, %jit3A_148 : i32
      %ne3A_166 = arith.constant 0 : i32
      %ne3A_167 = arith.cmpi ne, %rem3A_165, %ne3A_166 : i32
      %and3A_168 = arith.andi %ne3A_164, %ne3A_167 : i1
      %sub3A_169 = arith.constant 1 : i32
      %sub3A_170 = arith.subi %div3A_149, %sub3A_169 : i32
      %select_n3A_171 = arith.select %and3A_168, %sub3A_170, %div3A_149 : i32
      %max3A_172 = arith.constant 0 : i32
      %max3A_173 = arith.maxsi %max3A_172, %select_n3A_171 : i32
      %add3A_174 = arith.constant 2044 : i32
      %add3A_175 = arith.addi %add3A_174, %select_n3A_26 : i32
      %sub3A_176 = arith.subi %add3A_175, %add3A_76 : i32
      %jit3A_177 = arith.constant 5 : i32
      %div3A_178 = arith.divsi %sub3A_176, %jit3A_177 : i32
      %sign3A_179 = arith.constant 0 : i32
      %sign3A_180 = arith.cmpi sgt, %sub3A_176, %sign3A_179 : i32
      %sign3A_181 = arith.extui %sign3A_180 : i1 to i32
      %sign3A_182 = arith.constant 0 : i32
      %sign3A_183 = arith.cmpi slt, %sub3A_176, %sign3A_182 : i32
      %sign3A_184 = arith.extui %sign3A_183 : i1 to i32
      %sign3A_185 = arith.subi %sign3A_181, %sign3A_184 : i32
      %sign3A_186 = arith.constant 0 : i32
      %sign3A_187 = arith.cmpi sgt, %jit3A_177, %sign3A_186 : i32
      %sign3A_188 = arith.extui %sign3A_187 : i1 to i32
      %sign3A_189 = arith.constant 0 : i32
      %sign3A_190 = arith.cmpi slt, %jit3A_177, %sign3A_189 : i32
      %sign3A_191 = arith.extui %sign3A_190 : i1 to i32
      %sign3A_192 = arith.subi %sign3A_188, %sign3A_191 : i32
      %ne3A_193 = arith.cmpi ne, %sign3A_185, %sign3A_192 : i32
      %rem3A_194 = arith.remsi %sub3A_176, %jit3A_177 : i32
      %ne3A_195 = arith.constant 0 : i32
      %ne3A_196 = arith.cmpi ne, %rem3A_194, %ne3A_195 : i32
      %and3A_197 = arith.andi %ne3A_193, %ne3A_196 : i1
      %sub3A_198 = arith.constant 1 : i32
      %sub3A_199 = arith.subi %div3A_178, %sub3A_198 : i32
      %select_n3A_200 = arith.select %and3A_197, %sub3A_199, %div3A_178 : i32
      %add3A_201 = arith.constant 1 : i32
      %add3A_202 = arith.addi %select_n3A_200, %add3A_201 : i32
      %min3A_203 = arith.constant 409 : i32
      %min3A_204 = arith.minsi %min3A_203, %add3A_202 : i32
      %parallel_loop3A_205 = arith.constant 1 : i32
      scf.for %parallel_loop3A_206 = %max3A_173 to %min3A_204 step %parallel_loop3A_205  : i32 {
        %parallel_loop3A_207 = arith.constant -2016 : i32
        %parallel_loop3A_208 = arith.subi %parallel_loop3A_207, %mul3A_21 : i32
        %parallel_loop3A_209 = arith.constant -2021 : i32
        %parallel_loop3A_210 = arith.subi %parallel_loop3A_209, %mul3A_21 : i32
        %parallel_loop3A_211 = arith.constant 5 : i32
        %parallel_loop3A_212 = arith.muli %parallel_loop3A_211, %parallel_loop3A_206 : i32
        %parallel_loop3A_213 = vector.broadcast %parallel_loop3A_212 : i32 to vector<16xi32>
        %parallel_loop3A_214 = arith.addi %add3A_78, %parallel_loop3A_213 : vector<16xi32>
        %parallel_loop3A_215 = vector.broadcast %parallel_loop3A_208 : i32 to vector<16xi32>
        %parallel_loop3A_216 = arith.addi %parallel_loop3A_214, %parallel_loop3A_215 : vector<16xi32>
        %parallel_loop3A_217 = vector.broadcast %parallel_loop3A_210 : i32 to vector<16xi32>
        %parallel_loop3A_218 = arith.addi %parallel_loop3A_214, %parallel_loop3A_217 : vector<16xi32>
        %parallel_loop3A_219 = arith.constant 0 : i32
        %parallel_loop3A_220 = vector.broadcast %parallel_loop3A_219 : i32 to vector<16xi32>
        %parallel_loop3A_221 = arith.addi %parallel_loop3A_216, %parallel_loop3A_220 : vector<16xi32>
        %parallel_loop3A_222 = tpu.vector_load_idx %arg4[%parallel_loop3A_221, %add3A_82] : memref<312x128xf32, #tpu.memory_space<vmem>>[vector<16xi32>, vector<16xi32>], vector<16xf32>,
        %parallel_loop3A_223 = arith.constant 1 : i32
        %parallel_loop3A_224 = vector.broadcast %parallel_loop3A_223 : i32 to vector<16xi32>
        %parallel_loop3A_225 = arith.addi %parallel_loop3A_216, %parallel_loop3A_224 : vector<16xi32>
        %parallel_loop3A_226 = tpu.vector_load_idx %arg4[%parallel_loop3A_225, %add3A_82] : memref<312x128xf32, #tpu.memory_space<vmem>>[vector<16xi32>, vector<16xi32>], vector<16xf32>,
        %parallel_loop3A_227 = arith.constant 2 : i32
        %parallel_loop3A_228 = vector.broadcast %parallel_loop3A_227 : i32 to vector<16xi32>
        %parallel_loop3A_229 = arith.addi %parallel_loop3A_216, %parallel_loop3A_228 : vector<16xi32>
        %parallel_loop3A_230 = tpu.vector_load_idx %arg4[%parallel_loop3A_229, %add3A_82] : memref<312x128xf32, #tpu.memory_space<vmem>>[vector<16xi32>, vector<16xi32>], vector<16xf32>,
        %parallel_loop3A_231 = arith.constant 3 : i32
        %parallel_loop3A_232 = vector.broadcast %parallel_loop3A_231 : i32 to vector<16xi32>
        %parallel_loop3A_233 = arith.addi %parallel_loop3A_216, %parallel_loop3A_232 : vector<16xi32>
        %parallel_loop3A_234 = tpu.vector_load_idx %arg4[%parallel_loop3A_233, %add3A_82] : memref<312x128xf32, #tpu.memory_space<vmem>>[vector<16xi32>, vector<16xi32>], vector<16xf32>,
        %parallel_loop3A_235 = arith.constant 4 : i32
        %parallel_loop3A_236 = vector.broadcast %parallel_loop3A_235 : i32 to vector<16xi32>
        %parallel_loop3A_237 = arith.addi %parallel_loop3A_216, %parallel_loop3A_236 : vector<16xi32>
        %parallel_loop3A_238 = tpu.vector_load_idx %arg4[%parallel_loop3A_237, %add3A_82] : memref<312x128xf32, #tpu.memory_space<vmem>>[vector<16xi32>, vector<16xi32>], vector<16xf32>,
        %parallel_loop3A_239 = arith.minimumf %parallel_loop3A_222, %parallel_loop3A_226 : vector<16xf32>
        %parallel_loop3A_240 = arith.maximumf %parallel_loop3A_222, %parallel_loop3A_226 : vector<16xf32>
        %parallel_loop3A_241 = arith.minimumf %parallel_loop3A_234, %parallel_loop3A_238 : vector<16xf32>
        %parallel_loop3A_242 = arith.maximumf %parallel_loop3A_234, %parallel_loop3A_238 : vector<16xf32>
        %parallel_loop3A_243 = arith.minimumf %parallel_loop3A_230, %parallel_loop3A_242 : vector<16xf32>
        %parallel_loop3A_244 = arith.maximumf %parallel_loop3A_230, %parallel_loop3A_242 : vector<16xf32>
        %parallel_loop3A_245 = arith.minimumf %parallel_loop3A_243, %parallel_loop3A_241 : vector<16xf32>
        %parallel_loop3A_246 = arith.maximumf %parallel_loop3A_243, %parallel_loop3A_241 : vector<16xf32>
        %parallel_loop3A_247 = arith.minimumf %parallel_loop3A_239, %parallel_loop3A_246 : vector<16xf32>
        %parallel_loop3A_248 = arith.maximumf %parallel_loop3A_239, %parallel_loop3A_246 : vector<16xf32>
        %parallel_loop3A_249 = arith.minimumf %parallel_loop3A_247, %parallel_loop3A_245 : vector<16xf32>
        %parallel_loop3A_250 = arith.maximumf %parallel_loop3A_247, %parallel_loop3A_245 : vector<16xf32>
        %parallel_loop3A_251 = arith.minimumf %parallel_loop3A_240, %parallel_loop3A_244 : vector<16xf32>
        %parallel_loop3A_252 = arith.maximumf %parallel_loop3A_240, %parallel_loop3A_244 : vector<16xf32>
        %parallel_loop3A_253 = arith.minimumf %parallel_loop3A_251, %parallel_loop3A_248 : vector<16xf32>
        %parallel_loop3A_254 = arith.maximumf %parallel_loop3A_251, %parallel_loop3A_248 : vector<16xf32>
        %parallel_loop3A_255 = arith.minimumf %parallel_loop3A_253, %parallel_loop3A_250 : vector<16xf32>
        %parallel_loop3A_256 = arith.maximumf %parallel_loop3A_253, %parallel_loop3A_250 : vector<16xf32>
        %parallel_loop3A_257 = arith.constant 0 : i32
        %parallel_loop3A_258 = vector.broadcast %parallel_loop3A_257 : i32 to vector<16xi32>
        %parallel_loop3A_259 = arith.addi %parallel_loop3A_218, %parallel_loop3A_258 : vector<16xi32>
        tpu.vector_store_idx %arg5[%parallel_loop3A_259, %add3A_82], %parallel_loop3A_249 : memref<304x128xf32, #tpu.memory_space<vmem>>[vector<16xi32>, vector<16xi32>], vector<16xf32>,
        %parallel_loop3A_260 = arith.constant 1 : i32
        %parallel_loop3A_261 = vector.broadcast %parallel_loop3A_260 : i32 to vector<16xi32>
        %parallel_loop3A_262 = arith.addi %parallel_loop3A_218, %parallel_loop3A_261 : vector<16xi32>
        tpu.vector_store_idx %arg5[%parallel_loop3A_262, %add3A_82], %parallel_loop3A_255 : memref<304x128xf32, #tpu.memory_space<vmem>>[vector<16xi32>, vector<16xi32>], vector<16xf32>,
        %parallel_loop3A_263 = arith.constant 2 : i32
        %parallel_loop3A_264 = vector.broadcast %parallel_loop3A_263 : i32 to vector<16xi32>
        %parallel_loop3A_265 = arith.addi %parallel_loop3A_218, %parallel_loop3A_264 : vector<16xi32>
        tpu.vector_store_idx %arg5[%parallel_loop3A_265, %add3A_82], %parallel_loop3A_256 : memref<304x128xf32, #tpu.memory_space<vmem>>[vector<16xi32>, vector<16xi32>], vector<16xf32>,
        %parallel_loop3A_266 = arith.constant 3 : i32
        %parallel_loop3A_267 = vector.broadcast %parallel_loop3A_266 : i32 to vector<16xi32>
        %parallel_loop3A_268 = arith.addi %parallel_loop3A_218, %parallel_loop3A_267 : vector<16xi32>
        tpu.vector_store_idx %arg5[%parallel_loop3A_268, %add3A_82], %parallel_loop3A_254 : memref<304x128xf32, #tpu.memory_space<vmem>>[vector<16xi32>, vector<16xi32>], vector<16xf32>,
        %parallel_loop3A_269 = arith.constant 4 : i32
        %parallel_loop3A_270 = vector.broadcast %parallel_loop3A_269 : i32 to vector<16xi32>
        %parallel_loop3A_271 = arith.addi %parallel_loop3A_218, %parallel_loop3A_270 : vector<16xi32>
        tpu.vector_store_idx %arg5[%parallel_loop3A_271, %add3A_82], %parallel_loop3A_252 : memref<304x128xf32, #tpu.memory_space<vmem>>[vector<16xi32>, vector<16xi32>], vector<16xf32>,
      } {sc.loop_unroll_factor = 4 : i64, sc.parallel_access}
    }
    %scan3A_65 = arith.constant 8 : i32
    "tpu.region"() ({
      %run_scoped3A = tpu.sem_alloc : memref<!tpu.dma_semaphore, #tpu.memory_space<semaphore_mem>>
      %dma_start3A = arith.constant 24 : i32
      %dma_start3A_72 = arith.constant 0 : i32
      %dma_start3A_73 = tpu.memref_slice %arg5[%dma_start3A, %dma_start3A_72] : memref<304x128xf32, #tpu.memory_space<vmem>> -> memref<256x128xf32, #tpu.memory_space<vmem>>
      %dma_start3A_74 = arith.constant 512 : i32
      %dma_start3A_75 = tpu.memref_slice %arg3[%select_n3A, %multiple_of3A_31, %dma_start3A_74] : memref<4x2048x768xf32, #tpu.memory_space<hbm>> -> memref<1x256x128xf32, #tpu.memory_space<hbm>>
      %dma_start3A_76 = tpu.memref_squeeze %dma_start3A_75 : memref<1x256x128xf32, #tpu.memory_space<hbm>> -> memref<256x128xf32, #tpu.memory_space<hbm>>
      %dma_start3A_77 = arith.constant 512 : i32
      %dma_start3A_78 = tpu.memref_slice %arg3[%select_n3A, %multiple_of3A_31, %dma_start3A_77] : memref<4x2048x768xf32, #tpu.memory_space<hbm>> -> memref<1x256x128xf32, #tpu.memory_space<hbm>>
      %dma_start3A_79 = tpu.memref_squeeze %dma_start3A_78 : memref<1x256x128xf32, #tpu.memory_space<hbm>> -> memref<256x128xf32, #tpu.memory_space<hbm>>
      %dma_start3A_80 = arith.constant 24 : i32
      %dma_start3A_81 = arith.constant 0 : i32
      %dma_start3A_82 = tpu.memref_slice %arg5[%dma_start3A_80, %dma_start3A_81] : memref<304x128xf32, #tpu.memory_space<vmem>> -> memref<256x128xf32, #tpu.memory_space<vmem>>
      tpu.enqueue_dma source(%dma_start3A_82 : memref<256x128xf32, #tpu.memory_space<vmem>>) target(%dma_start3A_79 : memref<256x128xf32, #tpu.memory_space<hbm>>) target_semaphore(%run_scoped3A : memref<!tpu.dma_semaphore, #tpu.memory_space<semaphore_mem>>)
      %dma_wait3A = arith.constant 24 : i32
      %dma_wait3A_83 = arith.constant 0 : i32
      %dma_wait3A_84 = tpu.memref_slice %arg5[%dma_wait3A, %dma_wait3A_83] : memref<304x128xf32, #tpu.memory_space<vmem>> -> memref<256x128xf32, #tpu.memory_space<vmem>>
      %dma_wait3A_85 = arith.constant 512 : i32
      %dma_wait3A_86 = tpu.memref_slice %arg3[%select_n3A, %multiple_of3A_31, %dma_wait3A_85] : memref<4x2048x768xf32, #tpu.memory_space<hbm>> -> memref<1x256x128xf32, #tpu.memory_space<hbm>>
      %dma_wait3A_87 = tpu.memref_squeeze %dma_wait3A_86 : memref<1x256x128xf32, #tpu.memory_space<hbm>> -> memref<256x128xf32, #tpu.memory_space<hbm>>
      %dma_wait3A_88 = arith.constant 512 : i32
      %dma_wait3A_89 = tpu.memref_slice %arg3[%select_n3A, %multiple_of3A_31, %dma_wait3A_88] : memref<4x2048x768xf32, #tpu.memory_space<hbm>> -> memref<1x256x128xf32, #tpu.memory_space<hbm>>
      %dma_wait3A_90 = tpu.memref_squeeze %dma_wait3A_89 : memref<1x256x128xf32, #tpu.memory_space<hbm>> -> memref<256x128xf32, #tpu.memory_space<hbm>>
      %dma_wait3A_91 = arith.constant 24 : i32
      %dma_wait3A_92 = arith.constant 0 : i32
      %dma_wait3A_93 = tpu.memref_slice %arg5[%dma_wait3A_91, %dma_wait3A_92] : memref<304x128xf32, #tpu.memory_space<vmem>> -> memref<256x128xf32, #tpu.memory_space<vmem>>
      tpu.wait_dma2 semaphore(%run_scoped3A : memref<!tpu.dma_semaphore, #tpu.memory_space<semaphore_mem>>) src(%dma_wait3A_93 : memref<256x128xf32, #tpu.memory_space<vmem>>) dst(%dma_wait3A_90 : memref<256x128xf32, #tpu.memory_space<hbm>>)
      tpu.yield
    }) : () -> ()
    "tpu.region"() ({
      %run_scoped3A = tpu.sem_alloc : memref<!tpu.dma_semaphore, #tpu.memory_space<semaphore_mem>>
      %dma_start3A = arith.constant 0 : i32
      %dma_start3A_72 = arith.constant 0 : i32
      %dma_start3A_73 = tpu.memref_slice %arg4[%dma_start3A, %dma_start3A_72] : memref<312x128xf32, #tpu.memory_space<vmem>> -> memref<32x128xf32, #tpu.memory_space<vmem>>
      %dma_start3A_74 = arith.constant 640 : i32
      %dma_start3A_75 = tpu.memref_slice %arg2[%select_n3A, %multiple_of3A, %dma_start3A_74] : memref<4x2048x768xf32, #tpu.memory_space<hbm>> -> memref<1x32x128xf32, #tpu.memory_space<hbm>>
      %dma_start3A_76 = tpu.memref_squeeze %dma_start3A_75 : memref<1x32x128xf32, #tpu.memory_space<hbm>> -> memref<32x128xf32, #tpu.memory_space<hbm>>
      %dma_start3A_77 = arith.constant 0 : i32
      %dma_start3A_78 = arith.constant 0 : i32
      %dma_start3A_79 = tpu.memref_slice %arg4[%dma_start3A_77, %dma_start3A_78] : memref<312x128xf32, #tpu.memory_space<vmem>> -> memref<32x128xf32, #tpu.memory_space<vmem>>
      %dma_start3A_80 = arith.constant 640 : i32
      %dma_start3A_81 = tpu.memref_slice %arg2[%select_n3A, %multiple_of3A, %dma_start3A_80] : memref<4x2048x768xf32, #tpu.memory_space<hbm>> -> memref<1x32x128xf32, #tpu.memory_space<hbm>>
      %dma_start3A_82 = tpu.memref_squeeze %dma_start3A_81 : memref<1x32x128xf32, #tpu.memory_space<hbm>> -> memref<32x128xf32, #tpu.memory_space<hbm>>
      tpu.enqueue_dma source(%dma_start3A_82 : memref<32x128xf32, #tpu.memory_space<hbm>>) target(%dma_start3A_79 : memref<32x128xf32, #tpu.memory_space<vmem>>) target_semaphore(%run_scoped3A : memref<!tpu.dma_semaphore, #tpu.memory_space<semaphore_mem>>)
      %dma_wait3A = arith.constant 0 : i32
      %dma_wait3A_83 = arith.constant 0 : i32
      %dma_wait3A_84 = tpu.memref_slice %arg4[%dma_wait3A, %dma_wait3A_83] : memref<312x128xf32, #tpu.memory_space<vmem>> -> memref<32x128xf32, #tpu.memory_space<vmem>>
      %dma_wait3A_85 = arith.constant 640 : i32
      %dma_wait3A_86 = tpu.memref_slice %arg2[%select_n3A, %multiple_of3A, %dma_wait3A_85] : memref<4x2048x768xf32, #tpu.memory_space<hbm>> -> memref<1x32x128xf32, #tpu.memory_space<hbm>>
      %dma_wait3A_87 = tpu.memref_squeeze %dma_wait3A_86 : memref<1x32x128xf32, #tpu.memory_space<hbm>> -> memref<32x128xf32, #tpu.memory_space<hbm>>
      %dma_wait3A_88 = arith.constant 0 : i32
      %dma_wait3A_89 = arith.constant 0 : i32
      %dma_wait3A_90 = tpu.memref_slice %arg4[%dma_wait3A_88, %dma_wait3A_89] : memref<312x128xf32, #tpu.memory_space<vmem>> -> memref<32x128xf32, #tpu.memory_space<vmem>>
      %dma_wait3A_91 = arith.constant 640 : i32
      %dma_wait3A_92 = tpu.memref_slice %arg2[%select_n3A, %multiple_of3A, %dma_wait3A_91] : memref<4x2048x768xf32, #tpu.memory_space<hbm>> -> memref<1x32x128xf32, #tpu.memory_space<hbm>>
      %dma_wait3A_93 = tpu.memref_squeeze %dma_wait3A_92 : memref<1x32x128xf32, #tpu.memory_space<hbm>> -> memref<32x128xf32, #tpu.memory_space<hbm>>
      tpu.wait_dma2 semaphore(%run_scoped3A : memref<!tpu.dma_semaphore, #tpu.memory_space<semaphore_mem>>) src(%dma_wait3A_93 : memref<32x128xf32, #tpu.memory_space<hbm>>) dst(%dma_wait3A_90 : memref<32x128xf32, #tpu.memory_space<vmem>>)
      tpu.yield
    }) : () -> ()
    "tpu.region"() ({
      %run_scoped3A = tpu.sem_alloc : memref<!tpu.dma_semaphore, #tpu.memory_space<semaphore_mem>>
      %dma_start3A = arith.constant 32 : i32
      %dma_start3A_72 = arith.constant 0 : i32
      %dma_start3A_73 = tpu.memref_slice %arg4[%dma_start3A, %dma_start3A_72] : memref<312x128xf32, #tpu.memory_space<vmem>> -> memref<256x128xf32, #tpu.memory_space<vmem>>
      %dma_start3A_74 = arith.constant 640 : i32
      %dma_start3A_75 = tpu.memref_slice %arg2[%select_n3A, %multiple_of3A_31, %dma_start3A_74] : memref<4x2048x768xf32, #tpu.memory_space<hbm>> -> memref<1x256x128xf32, #tpu.memory_space<hbm>>
      %dma_start3A_76 = tpu.memref_squeeze %dma_start3A_75 : memref<1x256x128xf32, #tpu.memory_space<hbm>> -> memref<256x128xf32, #tpu.memory_space<hbm>>
      %dma_start3A_77 = arith.constant 32 : i32
      %dma_start3A_78 = arith.constant 0 : i32
      %dma_start3A_79 = tpu.memref_slice %arg4[%dma_start3A_77, %dma_start3A_78] : memref<312x128xf32, #tpu.memory_space<vmem>> -> memref<256x128xf32, #tpu.memory_space<vmem>>
      %dma_start3A_80 = arith.constant 640 : i32
      %dma_start3A_81 = tpu.memref_slice %arg2[%select_n3A, %multiple_of3A_31, %dma_start3A_80] : memref<4x2048x768xf32, #tpu.memory_space<hbm>> -> memref<1x256x128xf32, #tpu.memory_space<hbm>>
      %dma_start3A_82 = tpu.memref_squeeze %dma_start3A_81 : memref<1x256x128xf32, #tpu.memory_space<hbm>> -> memref<256x128xf32, #tpu.memory_space<hbm>>
      tpu.enqueue_dma source(%dma_start3A_82 : memref<256x128xf32, #tpu.memory_space<hbm>>) target(%dma_start3A_79 : memref<256x128xf32, #tpu.memory_space<vmem>>) target_semaphore(%run_scoped3A : memref<!tpu.dma_semaphore, #tpu.memory_space<semaphore_mem>>)
      %dma_wait3A = arith.constant 32 : i32
      %dma_wait3A_83 = arith.constant 0 : i32
      %dma_wait3A_84 = tpu.memref_slice %arg4[%dma_wait3A, %dma_wait3A_83] : memref<312x128xf32, #tpu.memory_space<vmem>> -> memref<256x128xf32, #tpu.memory_space<vmem>>
      %dma_wait3A_85 = arith.constant 640 : i32
      %dma_wait3A_86 = tpu.memref_slice %arg2[%select_n3A, %multiple_of3A_31, %dma_wait3A_85] : memref<4x2048x768xf32, #tpu.memory_space<hbm>> -> memref<1x256x128xf32, #tpu.memory_space<hbm>>
      %dma_wait3A_87 = tpu.memref_squeeze %dma_wait3A_86 : memref<1x256x128xf32, #tpu.memory_space<hbm>> -> memref<256x128xf32, #tpu.memory_space<hbm>>
      %dma_wait3A_88 = arith.constant 32 : i32
      %dma_wait3A_89 = arith.constant 0 : i32
      %dma_wait3A_90 = tpu.memref_slice %arg4[%dma_wait3A_88, %dma_wait3A_89] : memref<312x128xf32, #tpu.memory_space<vmem>> -> memref<256x128xf32, #tpu.memory_space<vmem>>
      %dma_wait3A_91 = arith.constant 640 : i32
      %dma_wait3A_92 = tpu.memref_slice %arg2[%select_n3A, %multiple_of3A_31, %dma_wait3A_91] : memref<4x2048x768xf32, #tpu.memory_space<hbm>> -> memref<1x256x128xf32, #tpu.memory_space<hbm>>
      %dma_wait3A_93 = tpu.memref_squeeze %dma_wait3A_92 : memref<1x256x128xf32, #tpu.memory_space<hbm>> -> memref<256x128xf32, #tpu.memory_space<hbm>>
      tpu.wait_dma2 semaphore(%run_scoped3A : memref<!tpu.dma_semaphore, #tpu.memory_space<semaphore_mem>>) src(%dma_wait3A_93 : memref<256x128xf32, #tpu.memory_space<hbm>>) dst(%dma_wait3A_90 : memref<256x128xf32, #tpu.memory_space<vmem>>)
      tpu.yield
    }) : () -> ()
    "tpu.region"() ({
      %run_scoped3A = tpu.sem_alloc : memref<!tpu.dma_semaphore, #tpu.memory_space<semaphore_mem>>
      %dma_start3A = arith.constant 288 : i32
      %dma_start3A_72 = arith.constant 0 : i32
      %dma_start3A_73 = tpu.memref_slice %arg4[%dma_start3A, %dma_start3A_72] : memref<312x128xf32, #tpu.memory_space<vmem>> -> memref<24x128xf32, #tpu.memory_space<vmem>>
      %dma_start3A_74 = arith.constant 640 : i32
      %dma_start3A_75 = tpu.memref_slice %arg2[%select_n3A, %multiple_of3A_36, %dma_start3A_74] : memref<4x2048x768xf32, #tpu.memory_space<hbm>> -> memref<1x24x128xf32, #tpu.memory_space<hbm>>
      %dma_start3A_76 = tpu.memref_squeeze %dma_start3A_75 : memref<1x24x128xf32, #tpu.memory_space<hbm>> -> memref<24x128xf32, #tpu.memory_space<hbm>>
      %dma_start3A_77 = arith.constant 288 : i32
      %dma_start3A_78 = arith.constant 0 : i32
      %dma_start3A_79 = tpu.memref_slice %arg4[%dma_start3A_77, %dma_start3A_78] : memref<312x128xf32, #tpu.memory_space<vmem>> -> memref<24x128xf32, #tpu.memory_space<vmem>>
      %dma_start3A_80 = arith.constant 640 : i32
      %dma_start3A_81 = tpu.memref_slice %arg2[%select_n3A, %multiple_of3A_36, %dma_start3A_80] : memref<4x2048x768xf32, #tpu.memory_space<hbm>> -> memref<1x24x128xf32, #tpu.memory_space<hbm>>
      %dma_start3A_82 = tpu.memref_squeeze %dma_start3A_81 : memref<1x24x128xf32, #tpu.memory_space<hbm>> -> memref<24x128xf32, #tpu.memory_space<hbm>>
      tpu.enqueue_dma source(%dma_start3A_82 : memref<24x128xf32, #tpu.memory_space<hbm>>) target(%dma_start3A_79 : memref<24x128xf32, #tpu.memory_space<vmem>>) target_semaphore(%run_scoped3A : memref<!tpu.dma_semaphore, #tpu.memory_space<semaphore_mem>>)
      %dma_wait3A = arith.constant 288 : i32
      %dma_wait3A_83 = arith.constant 0 : i32
      %dma_wait3A_84 = tpu.memref_slice %arg4[%dma_wait3A, %dma_wait3A_83] : memref<312x128xf32, #tpu.memory_space<vmem>> -> memref<24x128xf32, #tpu.memory_space<vmem>>
      %dma_wait3A_85 = arith.constant 640 : i32
      %dma_wait3A_86 = tpu.memref_slice %arg2[%select_n3A, %multiple_of3A_36, %dma_wait3A_85] : memref<4x2048x768xf32, #tpu.memory_space<hbm>> -> memref<1x24x128xf32, #tpu.memory_space<hbm>>
      %dma_wait3A_87 = tpu.memref_squeeze %dma_wait3A_86 : memref<1x24x128xf32, #tpu.memory_space<hbm>> -> memref<24x128xf32, #tpu.memory_space<hbm>>
      %dma_wait3A_88 = arith.constant 288 : i32
      %dma_wait3A_89 = arith.constant 0 : i32
      %dma_wait3A_90 = tpu.memref_slice %arg4[%dma_wait3A_88, %dma_wait3A_89] : memref<312x128xf32, #tpu.memory_space<vmem>> -> memref<24x128xf32, #tpu.memory_space<vmem>>
      %dma_wait3A_91 = arith.constant 640 : i32
      %dma_wait3A_92 = tpu.memref_slice %arg2[%select_n3A, %multiple_of3A_36, %dma_wait3A_91] : memref<4x2048x768xf32, #tpu.memory_space<hbm>> -> memref<1x24x128xf32, #tpu.memory_space<hbm>>
      %dma_wait3A_93 = tpu.memref_squeeze %dma_wait3A_92 : memref<1x24x128xf32, #tpu.memory_space<hbm>> -> memref<24x128xf32, #tpu.memory_space<hbm>>
      tpu.wait_dma2 semaphore(%run_scoped3A : memref<!tpu.dma_semaphore, #tpu.memory_space<semaphore_mem>>) src(%dma_wait3A_93 : memref<24x128xf32, #tpu.memory_space<hbm>>) dst(%dma_wait3A_90 : memref<24x128xf32, #tpu.memory_space<vmem>>)
      tpu.yield
    }) : () -> ()
    %scan3A_66 = arith.constant 0 : i32
    %scan3A_67 = arith.constant 0 : i32
    %scan3A_68 = arith.constant 8 : i32
    %scan3A_69 = arith.addi %scan3A_67, %scan3A_68 : i32
    %scan3A_70 = arith.constant 1 : i32
    scf.for %scan3A_72 = %scan3A_67 to %scan3A_69 step %scan3A_70  : i32 {
      %mul3A_73 = arith.constant 16 : i32
      %mul3A_74 = arith.muli %mul3A_73, %scan3A_72 : i32
      %add3A_75 = arith.constant 640 : i32
      %add3A_76 = arith.addi %add3A_75, %mul3A_74 : i32
      %add3A_77 = vector.broadcast %add3A_76 : i32 to vector<16xi32>
      %add3A_78 = arith.addi %add3A_77, %iota3A : vector<16xi32>
      %mul3A_79 = arith.constant 16 : i32
      %mul3A_80 = arith.muli %mul3A_79, %scan3A_72 : i32
      %add3A_81 = vector.broadcast %mul3A_80 : i32 to vector<16xi32>
      %add3A_82 = arith.addi %add3A_81, %iota3A : vector<16xi32>
      %sub3A_83 = arith.constant 19 : i32
      %sub3A_84 = arith.subi %mul3A_21, %sub3A_83 : i32
      %sub3A_85 = arith.subi %sub3A_84, %add3A_76 : i32
      %add3A_86 = arith.constant 4 : i32
      %add3A_87 = arith.addi %sub3A_85, %add3A_86 : i32
      %jit3A_88 = arith.constant 5 : i32
      %div3A_89 = arith.divsi %add3A_87, %jit3A_88 : i32
      %sign3A_90 = arith.constant 0 : i32
      %sign3A_91 = arith.cmpi sgt, %add3A_87, %sign3A_90 : i32
      %sign3A_92 = arith.extui %sign3A_91 : i1 to i32
      %sign3A_93 = arith.constant 0 : i32
      %sign3A_94 = arith.cmpi slt, %add3A_87, %sign3A_93 : i32
      %sign3A_95 = arith.extui %sign3A_94 : i1 to i32
      %sign3A_96 = arith.subi %sign3A_92, %sign3A_95 : i32
      %sign3A_97 = arith.constant 0 : i32
      %sign3A_98 = arith.cmpi sgt, %jit3A_88, %sign3A_97 : i32
      %sign3A_99 = arith.extui %sign3A_98 : i1 to i32
      %sign3A_100 = arith.constant 0 : i32
      %sign3A_101 = arith.cmpi slt, %jit3A_88, %sign3A_100 : i32
      %sign3A_102 = arith.extui %sign3A_101 : i1 to i32
      %sign3A_103 = arith.subi %sign3A_99, %sign3A_102 : i32
      %ne3A_104 = arith.cmpi ne, %sign3A_96, %sign3A_103 : i32
      %rem3A_105 = arith.remsi %add3A_87, %jit3A_88 : i32
      %ne3A_106 = arith.constant 0 : i32
      %ne3A_107 = arith.cmpi ne, %rem3A_105, %ne3A_106 : i32
      %and3A_108 = arith.andi %ne3A_104, %ne3A_107 : i1
      %sub3A_109 = arith.constant 1 : i32
      %sub3A_110 = arith.subi %div3A_89, %sub3A_109 : i32
      %select_n3A_111 = arith.select %and3A_108, %sub3A_110, %div3A_89 : i32
      %max3A = arith.constant 0 : i32
      %max3A_112 = arith.maxsi %max3A, %select_n3A_111 : i32
      %sub3A_113 = arith.constant 1 : i32
      %sub3A_114 = arith.subi %select_n3A_26, %sub3A_113 : i32
      %sub3A_115 = arith.subi %sub3A_114, %add3A_76 : i32
      %jit3A_116 = arith.constant 5 : i32
      %div3A_117 = arith.divsi %sub3A_115, %jit3A_116 : i32
      %sign3A_118 = arith.constant 0 : i32
      %sign3A_119 = arith.cmpi sgt, %sub3A_115, %sign3A_118 : i32
      %sign3A_120 = arith.extui %sign3A_119 : i1 to i32
      %sign3A_121 = arith.constant 0 : i32
      %sign3A_122 = arith.cmpi slt, %sub3A_115, %sign3A_121 : i32
      %sign3A_123 = arith.extui %sign3A_122 : i1 to i32
      %sign3A_124 = arith.subi %sign3A_120, %sign3A_123 : i32
      %sign3A_125 = arith.constant 0 : i32
      %sign3A_126 = arith.cmpi sgt, %jit3A_116, %sign3A_125 : i32
      %sign3A_127 = arith.extui %sign3A_126 : i1 to i32
      %sign3A_128 = arith.constant 0 : i32
      %sign3A_129 = arith.cmpi slt, %jit3A_116, %sign3A_128 : i32
      %sign3A_130 = arith.extui %sign3A_129 : i1 to i32
      %sign3A_131 = arith.subi %sign3A_127, %sign3A_130 : i32
      %ne3A_132 = arith.cmpi ne, %sign3A_124, %sign3A_131 : i32
      %rem3A_133 = arith.remsi %sub3A_115, %jit3A_116 : i32
      %ne3A_134 = arith.constant 0 : i32
      %ne3A_135 = arith.cmpi ne, %rem3A_133, %ne3A_134 : i32
      %and3A_136 = arith.andi %ne3A_132, %ne3A_135 : i1
      %sub3A_137 = arith.constant 1 : i32
      %sub3A_138 = arith.subi %div3A_117, %sub3A_137 : i32
      %select_n3A_139 = arith.select %and3A_136, %sub3A_138, %div3A_117 : i32
      %add3A_140 = arith.constant 1 : i32
      %add3A_141 = arith.addi %select_n3A_139, %add3A_140 : i32
      %min3A = arith.constant 409 : i32
      %min3A_142 = arith.minsi %min3A, %add3A_141 : i32
      %parallel_loop3A = arith.constant 1 : i32
      scf.for %parallel_loop3A_206 = %max3A_112 to %min3A_142 step %parallel_loop3A  : i32 {
        %parallel_loop3A_207 = arith.constant 32 : i32
        %parallel_loop3A_208 = arith.subi %parallel_loop3A_207, %mul3A_21 : i32
        %parallel_loop3A_209 = arith.constant 24 : i32
        %parallel_loop3A_210 = arith.subi %parallel_loop3A_209, %mul3A_21 : i32
        %parallel_loop3A_211 = arith.constant 5 : i32
        %parallel_loop3A_212 = arith.muli %parallel_loop3A_211, %parallel_loop3A_206 : i32
        %parallel_loop3A_213 = vector.broadcast %parallel_loop3A_212 : i32 to vector<16xi32>
        %parallel_loop3A_214 = arith.addi %add3A_78, %parallel_loop3A_213 : vector<16xi32>
        %parallel_loop3A_215 = vector.broadcast %parallel_loop3A_208 : i32 to vector<16xi32>
        %parallel_loop3A_216 = arith.addi %parallel_loop3A_214, %parallel_loop3A_215 : vector<16xi32>
        %parallel_loop3A_217 = vector.broadcast %parallel_loop3A_210 : i32 to vector<16xi32>
        %parallel_loop3A_218 = arith.addi %parallel_loop3A_214, %parallel_loop3A_217 : vector<16xi32>
        %parallel_loop3A_219 = arith.constant 0 : i32
        %parallel_loop3A_220 = vector.broadcast %parallel_loop3A_219 : i32 to vector<16xi32>
        %parallel_loop3A_221 = arith.addi %parallel_loop3A_216, %parallel_loop3A_220 : vector<16xi32>
        %parallel_loop3A_222 = tpu.vector_load_idx %arg4[%parallel_loop3A_221, %add3A_82] : memref<312x128xf32, #tpu.memory_space<vmem>>[vector<16xi32>, vector<16xi32>], vector<16xf32>,
        %parallel_loop3A_223 = arith.constant 1 : i32
        %parallel_loop3A_224 = vector.broadcast %parallel_loop3A_223 : i32 to vector<16xi32>
        %parallel_loop3A_225 = arith.addi %parallel_loop3A_216, %parallel_loop3A_224 : vector<16xi32>
        %parallel_loop3A_226 = tpu.vector_load_idx %arg4[%parallel_loop3A_225, %add3A_82] : memref<312x128xf32, #tpu.memory_space<vmem>>[vector<16xi32>, vector<16xi32>], vector<16xf32>,
        %parallel_loop3A_227 = arith.constant 2 : i32
        %parallel_loop3A_228 = vector.broadcast %parallel_loop3A_227 : i32 to vector<16xi32>
        %parallel_loop3A_229 = arith.addi %parallel_loop3A_216, %parallel_loop3A_228 : vector<16xi32>
        %parallel_loop3A_230 = tpu.vector_load_idx %arg4[%parallel_loop3A_229, %add3A_82] : memref<312x128xf32, #tpu.memory_space<vmem>>[vector<16xi32>, vector<16xi32>], vector<16xf32>,
        %parallel_loop3A_231 = arith.constant 3 : i32
        %parallel_loop3A_232 = vector.broadcast %parallel_loop3A_231 : i32 to vector<16xi32>
        %parallel_loop3A_233 = arith.addi %parallel_loop3A_216, %parallel_loop3A_232 : vector<16xi32>
        %parallel_loop3A_234 = tpu.vector_load_idx %arg4[%parallel_loop3A_233, %add3A_82] : memref<312x128xf32, #tpu.memory_space<vmem>>[vector<16xi32>, vector<16xi32>], vector<16xf32>,
        %parallel_loop3A_235 = arith.constant 4 : i32
        %parallel_loop3A_236 = vector.broadcast %parallel_loop3A_235 : i32 to vector<16xi32>
        %parallel_loop3A_237 = arith.addi %parallel_loop3A_216, %parallel_loop3A_236 : vector<16xi32>
        %parallel_loop3A_238 = tpu.vector_load_idx %arg4[%parallel_loop3A_237, %add3A_82] : memref<312x128xf32, #tpu.memory_space<vmem>>[vector<16xi32>, vector<16xi32>], vector<16xf32>,
        %parallel_loop3A_239 = arith.minimumf %parallel_loop3A_222, %parallel_loop3A_226 : vector<16xf32>
        %parallel_loop3A_240 = arith.maximumf %parallel_loop3A_222, %parallel_loop3A_226 : vector<16xf32>
        %parallel_loop3A_241 = arith.minimumf %parallel_loop3A_234, %parallel_loop3A_238 : vector<16xf32>
        %parallel_loop3A_242 = arith.maximumf %parallel_loop3A_234, %parallel_loop3A_238 : vector<16xf32>
        %parallel_loop3A_243 = arith.minimumf %parallel_loop3A_230, %parallel_loop3A_242 : vector<16xf32>
        %parallel_loop3A_244 = arith.maximumf %parallel_loop3A_230, %parallel_loop3A_242 : vector<16xf32>
        %parallel_loop3A_245 = arith.minimumf %parallel_loop3A_243, %parallel_loop3A_241 : vector<16xf32>
        %parallel_loop3A_246 = arith.maximumf %parallel_loop3A_243, %parallel_loop3A_241 : vector<16xf32>
        %parallel_loop3A_247 = arith.minimumf %parallel_loop3A_239, %parallel_loop3A_246 : vector<16xf32>
        %parallel_loop3A_248 = arith.maximumf %parallel_loop3A_239, %parallel_loop3A_246 : vector<16xf32>
        %parallel_loop3A_249 = arith.minimumf %parallel_loop3A_247, %parallel_loop3A_245 : vector<16xf32>
        %parallel_loop3A_250 = arith.maximumf %parallel_loop3A_247, %parallel_loop3A_245 : vector<16xf32>
        %parallel_loop3A_251 = arith.minimumf %parallel_loop3A_240, %parallel_loop3A_244 : vector<16xf32>
        %parallel_loop3A_252 = arith.maximumf %parallel_loop3A_240, %parallel_loop3A_244 : vector<16xf32>
        %parallel_loop3A_253 = arith.minimumf %parallel_loop3A_251, %parallel_loop3A_248 : vector<16xf32>
        %parallel_loop3A_254 = arith.maximumf %parallel_loop3A_251, %parallel_loop3A_248 : vector<16xf32>
        %parallel_loop3A_255 = arith.minimumf %parallel_loop3A_253, %parallel_loop3A_250 : vector<16xf32>
        %parallel_loop3A_256 = arith.maximumf %parallel_loop3A_253, %parallel_loop3A_250 : vector<16xf32>
        %parallel_loop3A_257 = arith.constant 0 : i32
        %parallel_loop3A_258 = vector.broadcast %parallel_loop3A_257 : i32 to vector<16xi32>
        %parallel_loop3A_259 = arith.addi %parallel_loop3A_218, %parallel_loop3A_258 : vector<16xi32>
        tpu.vector_store_idx %arg5[%parallel_loop3A_259, %add3A_82], %parallel_loop3A_249 : memref<304x128xf32, #tpu.memory_space<vmem>>[vector<16xi32>, vector<16xi32>], vector<16xf32>,
        %parallel_loop3A_260 = arith.constant 1 : i32
        %parallel_loop3A_261 = vector.broadcast %parallel_loop3A_260 : i32 to vector<16xi32>
        %parallel_loop3A_262 = arith.addi %parallel_loop3A_218, %parallel_loop3A_261 : vector<16xi32>
        tpu.vector_store_idx %arg5[%parallel_loop3A_262, %add3A_82], %parallel_loop3A_255 : memref<304x128xf32, #tpu.memory_space<vmem>>[vector<16xi32>, vector<16xi32>], vector<16xf32>,
        %parallel_loop3A_263 = arith.constant 2 : i32
        %parallel_loop3A_264 = vector.broadcast %parallel_loop3A_263 : i32 to vector<16xi32>
        %parallel_loop3A_265 = arith.addi %parallel_loop3A_218, %parallel_loop3A_264 : vector<16xi32>
        tpu.vector_store_idx %arg5[%parallel_loop3A_265, %add3A_82], %parallel_loop3A_256 : memref<304x128xf32, #tpu.memory_space<vmem>>[vector<16xi32>, vector<16xi32>], vector<16xf32>,
        %parallel_loop3A_266 = arith.constant 3 : i32
        %parallel_loop3A_267 = vector.broadcast %parallel_loop3A_266 : i32 to vector<16xi32>
        %parallel_loop3A_268 = arith.addi %parallel_loop3A_218, %parallel_loop3A_267 : vector<16xi32>
        tpu.vector_store_idx %arg5[%parallel_loop3A_268, %add3A_82], %parallel_loop3A_254 : memref<304x128xf32, #tpu.memory_space<vmem>>[vector<16xi32>, vector<16xi32>], vector<16xf32>,
        %parallel_loop3A_269 = arith.constant 4 : i32
        %parallel_loop3A_270 = vector.broadcast %parallel_loop3A_269 : i32 to vector<16xi32>
        %parallel_loop3A_271 = arith.addi %parallel_loop3A_218, %parallel_loop3A_270 : vector<16xi32>
        tpu.vector_store_idx %arg5[%parallel_loop3A_271, %add3A_82], %parallel_loop3A_252 : memref<304x128xf32, #tpu.memory_space<vmem>>[vector<16xi32>, vector<16xi32>], vector<16xf32>,
      } {sc.loop_unroll_factor = 4 : i64, sc.parallel_access}
      %add3A_143 = arith.constant 2026 : i32
      %add3A_144 = arith.addi %add3A_143, %mul3A_21 : i32
      %sub3A_145 = arith.subi %add3A_144, %add3A_76 : i32
      %add3A_146 = arith.constant 4 : i32
      %add3A_147 = arith.addi %sub3A_145, %add3A_146 : i32
      %jit3A_148 = arith.constant 5 : i32
      %div3A_149 = arith.divsi %add3A_147, %jit3A_148 : i32
      %sign3A_150 = arith.constant 0 : i32
      %sign3A_151 = arith.cmpi sgt, %add3A_147, %sign3A_150 : i32
      %sign3A_152 = arith.extui %sign3A_151 : i1 to i32
      %sign3A_153 = arith.constant 0 : i32
      %sign3A_154 = arith.cmpi slt, %add3A_147, %sign3A_153 : i32
      %sign3A_155 = arith.extui %sign3A_154 : i1 to i32
      %sign3A_156 = arith.subi %sign3A_152, %sign3A_155 : i32
      %sign3A_157 = arith.constant 0 : i32
      %sign3A_158 = arith.cmpi sgt, %jit3A_148, %sign3A_157 : i32
      %sign3A_159 = arith.extui %sign3A_158 : i1 to i32
      %sign3A_160 = arith.constant 0 : i32
      %sign3A_161 = arith.cmpi slt, %jit3A_148, %sign3A_160 : i32
      %sign3A_162 = arith.extui %sign3A_161 : i1 to i32
      %sign3A_163 = arith.subi %sign3A_159, %sign3A_162 : i32
      %ne3A_164 = arith.cmpi ne, %sign3A_156, %sign3A_163 : i32
      %rem3A_165 = arith.remsi %add3A_147, %jit3A_148 : i32
      %ne3A_166 = arith.constant 0 : i32
      %ne3A_167 = arith.cmpi ne, %rem3A_165, %ne3A_166 : i32
      %and3A_168 = arith.andi %ne3A_164, %ne3A_167 : i1
      %sub3A_169 = arith.constant 1 : i32
      %sub3A_170 = arith.subi %div3A_149, %sub3A_169 : i32
      %select_n3A_171 = arith.select %and3A_168, %sub3A_170, %div3A_149 : i32
      %max3A_172 = arith.constant 0 : i32
      %max3A_173 = arith.maxsi %max3A_172, %select_n3A_171 : i32
      %add3A_174 = arith.constant 2044 : i32
      %add3A_175 = arith.addi %add3A_174, %select_n3A_26 : i32
      %sub3A_176 = arith.subi %add3A_175, %add3A_76 : i32
      %jit3A_177 = arith.constant 5 : i32
      %div3A_178 = arith.divsi %sub3A_176, %jit3A_177 : i32
      %sign3A_179 = arith.constant 0 : i32
      %sign3A_180 = arith.cmpi sgt, %sub3A_176, %sign3A_179 : i32
      %sign3A_181 = arith.extui %sign3A_180 : i1 to i32
      %sign3A_182 = arith.constant 0 : i32
      %sign3A_183 = arith.cmpi slt, %sub3A_176, %sign3A_182 : i32
      %sign3A_184 = arith.extui %sign3A_183 : i1 to i32
      %sign3A_185 = arith.subi %sign3A_181, %sign3A_184 : i32
      %sign3A_186 = arith.constant 0 : i32
      %sign3A_187 = arith.cmpi sgt, %jit3A_177, %sign3A_186 : i32
      %sign3A_188 = arith.extui %sign3A_187 : i1 to i32
      %sign3A_189 = arith.constant 0 : i32
      %sign3A_190 = arith.cmpi slt, %jit3A_177, %sign3A_189 : i32
      %sign3A_191 = arith.extui %sign3A_190 : i1 to i32
      %sign3A_192 = arith.subi %sign3A_188, %sign3A_191 : i32
      %ne3A_193 = arith.cmpi ne, %sign3A_185, %sign3A_192 : i32
      %rem3A_194 = arith.remsi %sub3A_176, %jit3A_177 : i32
      %ne3A_195 = arith.constant 0 : i32
      %ne3A_196 = arith.cmpi ne, %rem3A_194, %ne3A_195 : i32
      %and3A_197 = arith.andi %ne3A_193, %ne3A_196 : i1
      %sub3A_198 = arith.constant 1 : i32
      %sub3A_199 = arith.subi %div3A_178, %sub3A_198 : i32
      %select_n3A_200 = arith.select %and3A_197, %sub3A_199, %div3A_178 : i32
      %add3A_201 = arith.constant 1 : i32
      %add3A_202 = arith.addi %select_n3A_200, %add3A_201 : i32
      %min3A_203 = arith.constant 409 : i32
      %min3A_204 = arith.minsi %min3A_203, %add3A_202 : i32
      %parallel_loop3A_205 = arith.constant 1 : i32
      scf.for %parallel_loop3A_206 = %max3A_173 to %min3A_204 step %parallel_loop3A_205  : i32 {
        %parallel_loop3A_207 = arith.constant -2016 : i32
        %parallel_loop3A_208 = arith.subi %parallel_loop3A_207, %mul3A_21 : i32
        %parallel_loop3A_209 = arith.constant -2021 : i32
        %parallel_loop3A_210 = arith.subi %parallel_loop3A_209, %mul3A_21 : i32
        %parallel_loop3A_211 = arith.constant 5 : i32
        %parallel_loop3A_212 = arith.muli %parallel_loop3A_211, %parallel_loop3A_206 : i32
        %parallel_loop3A_213 = vector.broadcast %parallel_loop3A_212 : i32 to vector<16xi32>
        %parallel_loop3A_214 = arith.addi %add3A_78, %parallel_loop3A_213 : vector<16xi32>
        %parallel_loop3A_215 = vector.broadcast %parallel_loop3A_208 : i32 to vector<16xi32>
        %parallel_loop3A_216 = arith.addi %parallel_loop3A_214, %parallel_loop3A_215 : vector<16xi32>
        %parallel_loop3A_217 = vector.broadcast %parallel_loop3A_210 : i32 to vector<16xi32>
        %parallel_loop3A_218 = arith.addi %parallel_loop3A_214, %parallel_loop3A_217 : vector<16xi32>
        %parallel_loop3A_219 = arith.constant 0 : i32
        %parallel_loop3A_220 = vector.broadcast %parallel_loop3A_219 : i32 to vector<16xi32>
        %parallel_loop3A_221 = arith.addi %parallel_loop3A_216, %parallel_loop3A_220 : vector<16xi32>
        %parallel_loop3A_222 = tpu.vector_load_idx %arg4[%parallel_loop3A_221, %add3A_82] : memref<312x128xf32, #tpu.memory_space<vmem>>[vector<16xi32>, vector<16xi32>], vector<16xf32>,
        %parallel_loop3A_223 = arith.constant 1 : i32
        %parallel_loop3A_224 = vector.broadcast %parallel_loop3A_223 : i32 to vector<16xi32>
        %parallel_loop3A_225 = arith.addi %parallel_loop3A_216, %parallel_loop3A_224 : vector<16xi32>
        %parallel_loop3A_226 = tpu.vector_load_idx %arg4[%parallel_loop3A_225, %add3A_82] : memref<312x128xf32, #tpu.memory_space<vmem>>[vector<16xi32>, vector<16xi32>], vector<16xf32>,
        %parallel_loop3A_227 = arith.constant 2 : i32
        %parallel_loop3A_228 = vector.broadcast %parallel_loop3A_227 : i32 to vector<16xi32>
        %parallel_loop3A_229 = arith.addi %parallel_loop3A_216, %parallel_loop3A_228 : vector<16xi32>
        %parallel_loop3A_230 = tpu.vector_load_idx %arg4[%parallel_loop3A_229, %add3A_82] : memref<312x128xf32, #tpu.memory_space<vmem>>[vector<16xi32>, vector<16xi32>], vector<16xf32>,
        %parallel_loop3A_231 = arith.constant 3 : i32
        %parallel_loop3A_232 = vector.broadcast %parallel_loop3A_231 : i32 to vector<16xi32>
        %parallel_loop3A_233 = arith.addi %parallel_loop3A_216, %parallel_loop3A_232 : vector<16xi32>
        %parallel_loop3A_234 = tpu.vector_load_idx %arg4[%parallel_loop3A_233, %add3A_82] : memref<312x128xf32, #tpu.memory_space<vmem>>[vector<16xi32>, vector<16xi32>], vector<16xf32>,
        %parallel_loop3A_235 = arith.constant 4 : i32
        %parallel_loop3A_236 = vector.broadcast %parallel_loop3A_235 : i32 to vector<16xi32>
        %parallel_loop3A_237 = arith.addi %parallel_loop3A_216, %parallel_loop3A_236 : vector<16xi32>
        %parallel_loop3A_238 = tpu.vector_load_idx %arg4[%parallel_loop3A_237, %add3A_82] : memref<312x128xf32, #tpu.memory_space<vmem>>[vector<16xi32>, vector<16xi32>], vector<16xf32>,
        %parallel_loop3A_239 = arith.minimumf %parallel_loop3A_222, %parallel_loop3A_226 : vector<16xf32>
        %parallel_loop3A_240 = arith.maximumf %parallel_loop3A_222, %parallel_loop3A_226 : vector<16xf32>
        %parallel_loop3A_241 = arith.minimumf %parallel_loop3A_234, %parallel_loop3A_238 : vector<16xf32>
        %parallel_loop3A_242 = arith.maximumf %parallel_loop3A_234, %parallel_loop3A_238 : vector<16xf32>
        %parallel_loop3A_243 = arith.minimumf %parallel_loop3A_230, %parallel_loop3A_242 : vector<16xf32>
        %parallel_loop3A_244 = arith.maximumf %parallel_loop3A_230, %parallel_loop3A_242 : vector<16xf32>
        %parallel_loop3A_245 = arith.minimumf %parallel_loop3A_243, %parallel_loop3A_241 : vector<16xf32>
        %parallel_loop3A_246 = arith.maximumf %parallel_loop3A_243, %parallel_loop3A_241 : vector<16xf32>
        %parallel_loop3A_247 = arith.minimumf %parallel_loop3A_239, %parallel_loop3A_246 : vector<16xf32>
        %parallel_loop3A_248 = arith.maximumf %parallel_loop3A_239, %parallel_loop3A_246 : vector<16xf32>
        %parallel_loop3A_249 = arith.minimumf %parallel_loop3A_247, %parallel_loop3A_245 : vector<16xf32>
        %parallel_loop3A_250 = arith.maximumf %parallel_loop3A_247, %parallel_loop3A_245 : vector<16xf32>
        %parallel_loop3A_251 = arith.minimumf %parallel_loop3A_240, %parallel_loop3A_244 : vector<16xf32>
        %parallel_loop3A_252 = arith.maximumf %parallel_loop3A_240, %parallel_loop3A_244 : vector<16xf32>
        %parallel_loop3A_253 = arith.minimumf %parallel_loop3A_251, %parallel_loop3A_248 : vector<16xf32>
        %parallel_loop3A_254 = arith.maximumf %parallel_loop3A_251, %parallel_loop3A_248 : vector<16xf32>
        %parallel_loop3A_255 = arith.minimumf %parallel_loop3A_253, %parallel_loop3A_250 : vector<16xf32>
        %parallel_loop3A_256 = arith.maximumf %parallel_loop3A_253, %parallel_loop3A_250 : vector<16xf32>
        %parallel_loop3A_257 = arith.constant 0 : i32
        %parallel_loop3A_258 = vector.broadcast %parallel_loop3A_257 : i32 to vector<16xi32>
        %parallel_loop3A_259 = arith.addi %parallel_loop3A_218, %parallel_loop3A_258 : vector<16xi32>
        tpu.vector_store_idx %arg5[%parallel_loop3A_259, %add3A_82], %parallel_loop3A_249 : memref<304x128xf32, #tpu.memory_space<vmem>>[vector<16xi32>, vector<16xi32>], vector<16xf32>,
        %parallel_loop3A_260 = arith.constant 1 : i32
        %parallel_loop3A_261 = vector.broadcast %parallel_loop3A_260 : i32 to vector<16xi32>
        %parallel_loop3A_262 = arith.addi %parallel_loop3A_218, %parallel_loop3A_261 : vector<16xi32>
        tpu.vector_store_idx %arg5[%parallel_loop3A_262, %add3A_82], %parallel_loop3A_255 : memref<304x128xf32, #tpu.memory_space<vmem>>[vector<16xi32>, vector<16xi32>], vector<16xf32>,
        %parallel_loop3A_263 = arith.constant 2 : i32
        %parallel_loop3A_264 = vector.broadcast %parallel_loop3A_263 : i32 to vector<16xi32>
        %parallel_loop3A_265 = arith.addi %parallel_loop3A_218, %parallel_loop3A_264 : vector<16xi32>
        tpu.vector_store_idx %arg5[%parallel_loop3A_265, %add3A_82], %parallel_loop3A_256 : memref<304x128xf32, #tpu.memory_space<vmem>>[vector<16xi32>, vector<16xi32>], vector<16xf32>,
        %parallel_loop3A_266 = arith.constant 3 : i32
        %parallel_loop3A_267 = vector.broadcast %parallel_loop3A_266 : i32 to vector<16xi32>
        %parallel_loop3A_268 = arith.addi %parallel_loop3A_218, %parallel_loop3A_267 : vector<16xi32>
        tpu.vector_store_idx %arg5[%parallel_loop3A_268, %add3A_82], %parallel_loop3A_254 : memref<304x128xf32, #tpu.memory_space<vmem>>[vector<16xi32>, vector<16xi32>], vector<16xf32>,
        %parallel_loop3A_269 = arith.constant 4 : i32
        %parallel_loop3A_270 = vector.broadcast %parallel_loop3A_269 : i32 to vector<16xi32>
        %parallel_loop3A_271 = arith.addi %parallel_loop3A_218, %parallel_loop3A_270 : vector<16xi32>
        tpu.vector_store_idx %arg5[%parallel_loop3A_271, %add3A_82], %parallel_loop3A_252 : memref<304x128xf32, #tpu.memory_space<vmem>>[vector<16xi32>, vector<16xi32>], vector<16xf32>,
      } {sc.loop_unroll_factor = 4 : i64, sc.parallel_access}
    }
    %scan3A_71 = arith.constant 8 : i32
    "tpu.region"() ({
      %run_scoped3A = tpu.sem_alloc : memref<!tpu.dma_semaphore, #tpu.memory_space<semaphore_mem>>
      %dma_start3A = arith.constant 24 : i32
      %dma_start3A_72 = arith.constant 0 : i32
      %dma_start3A_73 = tpu.memref_slice %arg5[%dma_start3A, %dma_start3A_72] : memref<304x128xf32, #tpu.memory_space<vmem>> -> memref<256x128xf32, #tpu.memory_space<vmem>>
      %dma_start3A_74 = arith.constant 640 : i32
      %dma_start3A_75 = tpu.memref_slice %arg3[%select_n3A, %multiple_of3A_31, %dma_start3A_74] : memref<4x2048x768xf32, #tpu.memory_space<hbm>> -> memref<1x256x128xf32, #tpu.memory_space<hbm>>
      %dma_start3A_76 = tpu.memref_squeeze %dma_start3A_75 : memref<1x256x128xf32, #tpu.memory_space<hbm>> -> memref<256x128xf32, #tpu.memory_space<hbm>>
      %dma_start3A_77 = arith.constant 640 : i32
      %dma_start3A_78 = tpu.memref_slice %arg3[%select_n3A, %multiple_of3A_31, %dma_start3A_77] : memref<4x2048x768xf32, #tpu.memory_space<hbm>> -> memref<1x256x128xf32, #tpu.memory_space<hbm>>
      %dma_start3A_79 = tpu.memref_squeeze %dma_start3A_78 : memref<1x256x128xf32, #tpu.memory_space<hbm>> -> memref<256x128xf32, #tpu.memory_space<hbm>>
      %dma_start3A_80 = arith.constant 24 : i32
      %dma_start3A_81 = arith.constant 0 : i32
      %dma_start3A_82 = tpu.memref_slice %arg5[%dma_start3A_80, %dma_start3A_81] : memref<304x128xf32, #tpu.memory_space<vmem>> -> memref<256x128xf32, #tpu.memory_space<vmem>>
      tpu.enqueue_dma source(%dma_start3A_82 : memref<256x128xf32, #tpu.memory_space<vmem>>) target(%dma_start3A_79 : memref<256x128xf32, #tpu.memory_space<hbm>>) target_semaphore(%run_scoped3A : memref<!tpu.dma_semaphore, #tpu.memory_space<semaphore_mem>>)
      %dma_wait3A = arith.constant 24 : i32
      %dma_wait3A_83 = arith.constant 0 : i32
      %dma_wait3A_84 = tpu.memref_slice %arg5[%dma_wait3A, %dma_wait3A_83] : memref<304x128xf32, #tpu.memory_space<vmem>> -> memref<256x128xf32, #tpu.memory_space<vmem>>
      %dma_wait3A_85 = arith.constant 640 : i32
      %dma_wait3A_86 = tpu.memref_slice %arg3[%select_n3A, %multiple_of3A_31, %dma_wait3A_85] : memref<4x2048x768xf32, #tpu.memory_space<hbm>> -> memref<1x256x128xf32, #tpu.memory_space<hbm>>
      %dma_wait3A_87 = tpu.memref_squeeze %dma_wait3A_86 : memref<1x256x128xf32, #tpu.memory_space<hbm>> -> memref<256x128xf32, #tpu.memory_space<hbm>>
      %dma_wait3A_88 = arith.constant 640 : i32
      %dma_wait3A_89 = tpu.memref_slice %arg3[%select_n3A, %multiple_of3A_31, %dma_wait3A_88] : memref<4x2048x768xf32, #tpu.memory_space<hbm>> -> memref<1x256x128xf32, #tpu.memory_space<hbm>>
      %dma_wait3A_90 = tpu.memref_squeeze %dma_wait3A_89 : memref<1x256x128xf32, #tpu.memory_space<hbm>> -> memref<256x128xf32, #tpu.memory_space<hbm>>
      %dma_wait3A_91 = arith.constant 24 : i32
      %dma_wait3A_92 = arith.constant 0 : i32
      %dma_wait3A_93 = tpu.memref_slice %arg5[%dma_wait3A_91, %dma_wait3A_92] : memref<304x128xf32, #tpu.memory_space<vmem>> -> memref<256x128xf32, #tpu.memory_space<vmem>>
      tpu.wait_dma2 semaphore(%run_scoped3A : memref<!tpu.dma_semaphore, #tpu.memory_space<semaphore_mem>>) src(%dma_wait3A_93 : memref<256x128xf32, #tpu.memory_space<vmem>>) dst(%dma_wait3A_90 : memref<256x128xf32, #tpu.memory_space<hbm>>)
      tpu.yield
    }) : () -> ()
    return
  }
}

</mosaic_0001>

<sc_bundles>
// kernel: _run.3.cloned.1.call-start
scs
__scs_entry_jumppad:
0x0: {  	(pc) =	sbr.rel $0x88, $3  }
0x1: {  	(tag) =	ssettag $0x0;
	lr =	simm.s32 $0x1  }
0x2: {  	[smem:$0x3FA0] =	sst lr;
	_ =	strace $0xD0000000  }
0x3: {  	_ = 	snop  }
0x4: {  	_ = 	snop  }
0x5: {  	_ = 	snop  }
0x6: {  	_ = 	snop  }
0x7: {  	_ = 	snop  }
__scs_overlays_trampoline_lowered:
0x8: {  	[smem:$0x3FAF] =	sst s0  }
0x9: {  	[smem:$0x3FB0] =	sst s1  }
0xa: {  	[smem:$0x3FB1] =	sst s2  }
0xb: {  	[smem:$0x3FB2] =	sst s3  }
0xc: {  	[smem:$0x3FB3] =	sst s4  }
0xd: {  	[smem:$0x3FB4] =	sst s5  }
0xe: {  	[smem:$0x3FB5] =	sst s6  }
0xf: {  	[smem:$0x3FB6] =	sst s7  }
0x10: {  	[smem:$0x3FB7] =	sst s8  }
0x11: {  	[smem:$0x3FB8] =	sst s9;
	s0 =	simm.s32 @!p0 $0x0  }
0x12: {  	s1 =	sld [smem:$0x3F9E];
	s0 =	simm.s32 @p0 $0x1  }
0x13: {  	[smem:$0x3FB9] =	sst s0;
	s0 =	simm.s32 @!p1 $0x0  }
0x14: {  	s2 =	sld [smem:$0x3F9D];
	s0 =	simm.s32 @p1 $0x1  }
0x15: {  	[smem:$0x3FBA] =	sst s0;
	s0 =	simm.s32 @!p2 $0x0  }
0x16: {  	s3 =	sld [smem:$0x3FDB];
	s0 =	simm.s32 @p2 $0x1  }
0x17: {  	s4 =	simm.s32 $0x1BF5;
	[smem:$0x3FBC] =	sst s0  }
0x18: {  	s0 =	sld [smem:$0x3F9F];
	_ =	swait.ge [sflag:s4], $0x0  }
0x19: {  	s7 =	sld [smem:$0x3FA0]  }
0x1a: {  	s8 =	sadd.s32 $0xFFFFE003, lr  }
0x1b: {  	s9 =	sadd.s32 $0xFFFFFEF7, lr;
	s5 =	simm.s32 $0xFFFFFFFF;
	p2 =	slt.u32 s8, $0xFFFFF086  }
0x1c: {  	p1 =	slt.u32 s9, $0xF7A;
	s5 =	simm.s32 @!p2 $0x0  }
0x1d: {  	s5 =	simm.s32 @p1 $0x1;
	p0 =	seq.s32 s7, s2  }
0x1e: {  	s7 =	smul.u32 @!p0 $0xF7A, s2;
	p2 =	seq.s32 @!p0 s5, $0x0  }
0x1f: {  	s9 =	smul.u32 $0xF7A, s1;
	s8 =	simm.s32 @!p0 $0x1BF5;
	p2 =	por !p2, p0  }
0x20: {  	[sflag:s8] =	ssyncset.s32 @!p0 $0xFFFFF086;
	s6 =	sadd.s32 @!p0 s3, s7;
	s7 =	simm.s32 @!p0 $0x108  }
0x21: {  	s3 =	sadd.s32 s3, s9;
	s6 =	sadd.s32 @!p0 $0x88, s6;
	s7 =	simm.s32 @p2 $0x1082  }
0x22: {  	[simem:s7], [sflag:s8] =	dma.local @!p0 [hbm:s6], $0xF7A  }
0x23: {  	s9 =	sor.u32 $0xD0000000, s2;
	s6 =	simm.s32 $0x108;
	_ =	swait.ge @!p0 [sflag:s8], $0x0  }
0x24: {  	s3 =	sadd.s32 $0x88, s3;
	s6 =	simm.s32 @!p1 $0x1082;
	[sflag:s4] =	ssyncset.s32 $0xFFFFF086  }
0x25: {  	[simem:s6], [sflag:s4] =	dma.local [hbm:s3], $0xF7A  }
0x26: {  	[smem:$0x3FA0] =	sst s1;
	(tag) =	ssettag s2;
	_ =	strace s9  }
0x27: {  	s1 =	sld [smem:$0x3FB0]  }
0x28: {  	s2 =	sld [smem:$0x3FB1]  }
0x29: {  	s4 =	sld [smem:$0x3FB3]  }
0x2a: {  	p0 =	seq.s32 s5, $0x0;
	s5 =	sld [smem:$0x3FB4]  }
0x2b: {  	s6 =	sld [smem:$0x3FB5]  }
0x2c: {  	s7 =	sld [smem:$0x3FB6]  }
0x2d: {  	s3 =	simm.s32 $0x108;
	s8 =	sld [smem:$0x3FB7]  }
0x2e: {  	s3 =	simm.s32 @!p0 $0x1082;
	s9 =	sld [smem:$0x3FB8]  }
0x2f: {  	lr =	sadd.s32 s0, s3;
	s0 =	sld [smem:$0x3FAF]  }
0x30: {  	s3 =	sld [smem:$0x3FB2]  }
0x31: {  	[smem:$0x3FBB] =	sst s10  }
0x32: {  	s10 =	sld [smem:$0x3FB9];
	_ =	sdelay $0x3  }
0x33: {  	p0 =	seq.s32 s10, $0x1;
	s10 =	sld [smem:$0x3FBB];
	_ =	sdelay $0x3  }
0x34: {  	[smem:$0x3FBB] =	sst s10  }
0x35: {  	s10 =	sld [smem:$0x3FBA];
	_ =	sdelay $0x3  }
0x36: {  	p1 =	seq.s32 s10, $0x1;
	s10 =	sld [smem:$0x3FBB];
	_ =	sdelay $0x3  }
0x37: {  	[smem:$0x3FBB] =	sst s10  }
0x38: {  	s10 =	sld [smem:$0x3FBC]  }
0x39: {  	_ = 	snop;
	(pc) =	sbr.ind lr, $3  }
0x3a: {  	_ = 	snop  }
0x3b: {  	_ = 	snop  }
0x3c: {  	p2 =	seq.s32 s10, $0x1;
	s10 =	sld [smem:$0x3FBB]  }
0x3d: {  	_ =	shalt  }
0x3e: {  	_ =	shalt  }
0x3f: {  	_ =	shalt  }
0x40: {  	_ =	shalt  }
0x41: {  	_ =	shalt  }
0x42: {  	_ =	shalt  }
0x43: {  	_ =	shalt  }
0x44: {  	_ =	shalt  }
0x45: {  	_ =	shalt  }
0x46: {  	_ =	shalt  }
0x47: {  	_ =	shalt  }
0x48: {  	_ =	shalt  }
0x49: {  	_ =	shalt  }
0x4a: {  	_ =	shalt  }
0x4b: {  	_ =	shalt  }
0x4c: {  	_ =	shalt  }
0x4d: {  	_ =	shalt  }
0x4e: {  	_ =	shalt  }
0x4f: {  	_ =	shalt  }
0x50: {  	_ =	shalt  }
0x51: {  	_ =	shalt  }
0x52: {  	_ =	shalt  }
0x53: {  	_ =	shalt  }
0x54: {  	_ =	shalt  }
0x55: {  	_ =	shalt  }
0x56: {  	_ =	shalt  }
0x57: {  	_ =	shalt  }
0x58: {  	_ =	shalt  }
0x59: {  	_ =	shalt  }
0x5a: {  	_ =	shalt  }
0x5b: {  	_ =	shalt  }
0x5c: {  	_ =	shalt  }
0x5d: {  	_ =	shalt  }
0x5e: {  	_ =	shalt  }
0x5f: {  	_ =	shalt  }
0x60: {  	_ =	shalt  }
0x61: {  	_ =	shalt  }
0x62: {  	_ =	shalt  }
0x63: {  	_ =	shalt  }
0x64: {  	_ =	shalt  }
0x65: {  	_ =	shalt  }
0x66: {  	_ =	shalt  }
0x67: {  	_ =	shalt  }
0x68: {  	_ =	shalt  }
0x69: {  	_ =	shalt  }
0x6a: {  	_ =	shalt  }
0x6b: {  	_ =	shalt  }
0x6c: {  	_ =	shalt  }
0x6d: {  	_ =	shalt  }
0x6e: {  	_ =	shalt  }
0x6f: {  	_ =	shalt  }
0x70: {  	_ =	shalt  }
0x71: {  	_ =	shalt  }
0x72: {  	_ =	shalt  }
0x73: {  	_ =	shalt  }
0x74: {  	_ =	shalt  }
0x75: {  	_ =	shalt  }
0x76: {  	_ =	shalt  }
0x77: {  	_ =	shalt  }
0x78: {  	_ =	shalt  }
0x79: {  	_ =	shalt  }
0x7a: {  	_ =	shalt  }
0x7b: {  	_ =	shalt  }
0x7c: {  	_ =	shalt  }
0x7d: {  	_ =	shalt  }
0x7e: {  	_ =	shalt  }
0x7f: {  	_ =	shalt  }
0x80: {  	_ =	shalt  }
0x81: {  	_ =	shalt  }
0x82: {  	_ =	shalt  }
0x83: {  	_ =	shalt  }
0x84: {  	_ =	shalt  }
0x85: {  	_ =	shalt  }
0x86: {  	_ =	shalt  }
0x87: {  	_ =	shalt  }
.Lfunc_end0:
.L_simem_size_0:
called_computation_lowered:
.L_overlay_start_0:
0x88: {  	s2 =	sld [smem:$0x3FD9]  }
0x89: {  	s3 =	sld [smem:$0x3FFE];
	_ =	sdelay $0x1  }
0x8a: {  	s1 =	srdreg.scid  }
0x8b: {  	s0 =	sand.u32 $0x1, s1  }
0x8c: {  	s17 =	sshll.u32 s0, $0xA;
	s2 =	sadd.s32 s3, s2  }
0x8d: {  	s2 =	sadd.s32 s2, s17  }
0x8e: {  	[smem:$0x3FC7] =	sst s2  }
0x8f: {  	_ = 	snop  }
0x90: {  	s2 =	sld [smem:$0x3FC9];
	(tm) =	ssettm $0x1  }
0x91: {  	s18 =	sld [smem:$0x3FFB];
	_ =	sdelay $0x3  }
0x92: {  	_ =	strace s18  }
0x93: {  	s3 =	sld [smem:$0x3FFC];
	_ =	sdelay $0x3  }
0x94: {  	_ =	strace s3  }
0x95: {  	s3 =	sld [smem:$0x3FFD];
	_ =	sdelay $0x3  }
0x96: {  	_ =	strace s3  }
0x97: {  	_ =	strace $0x8FFFFFFF  }
0x98: {  	s19 =	sld [smem:$0x3FDB];
	_ =	sdelay $0x1  }
0x99: {  	s4 =	simm.s32 $_scs_section_size  }
0x9a: {  	s5 =	simm.s32 $_size__tile_overlayer_lowered;
	s6 =	simm.s32 $_tile_overlayer_lowered  }
0x9b: {  	s22 =	simm.s32 $0x1BFF;
	s21 =	sshll.u32 s6, $0x1;
	s3 =	sadd.s32 s4, s19  }
0x9c: {  	s7 =	simm.s32 $0x0;
	s20 =	sshll.u32 s5, $0x1;
	s5 =	sadd.s32 s21, s3  }
0x9d: {  	[timem:s7], [sflag:s22] =	dma.local [hbm:s5], s20  }
0x9e: {  	_ =	swait.ge [sflag:s22], s20  }
0x9f: {  	s4 =	ssub.s32 $0x0, s20;
	[sflag:s22] =	ssyncset.done $0x0  }
0xa0: {  	[sflag:s22] =	ssyncadd.s32 s4;
	_ =	sdelay $0x1  }
0xa1: {  	s23 =	simm.s32 $0x1B8B  }
0xa2: {  	_ =	swait.ge [sflag:s23], $0x1  }
0xa3: {  	[sflag:s23] =	ssyncset.done $0x0  }
0xa4: {  	s25 =	simm.s32 $0x1B8E;
	s24 =	sld [smem:$0x3FFE];
	[sflag:s23] =	ssyncadd.s32 $0xFFFFFFFF  }
0xa5: {  	s26 =	simm.s32 $execute0_lowered;
	[smem:$0x3FD2] =	sst s25  }
0xa6: {  	s5 =	sshll.u32 s26, $0x1;
	_ =	strace $0x80000046;
	[dreg:$0x1] =	wrdreg $0xFFFFFFFF  }
0xa7: {  	s28 =	simm.s32 $_size_execute0_lowered;
	s3 =	sadd.s32 s3, s5;
	[dreg:$0x0] =	wrdreg $0x0  }
0xa8: {  	s5 =	sshll.u32 s28, $0x1;
	[dreg:$0x2] =	wrdreg s3  }
0xa9: {  	[dreg:$0x3] =	wrdreg s5  }
0xaa: {  	[dreg:$0x4] =	wrdreg $0xC0  }
0xab: {  	_ =	task [dreg:s7], $0x5FFFF  }
0xac: {  	[dreg:$0x1] =	wrdreg $0xFFFFFFFF  }
0xad: {  	[dreg:$0x0] =	wrdreg $0x60  }
0xae: {  	[dreg:$0x2] =	wrdreg s2  }
0xaf: {  	[dreg:$0x3] =	wrdreg s24  }
0xb0: {  	[dreg:$0x4] =	wrdreg $0x9  }
0xb1: {  	_ =	task.clear_ibuf [dreg:s7], $0x5FFFF;
	_ =	strace $0x90000046  }
0xb2: {  	s29 =	simm.s32 $0x9;
	_ =	strace $0x80000048  }
0xb3: {  	_ =	swait.ge [sflag:s29], $0x1  }
0xb4: {  	[sflag:s29] =	ssyncadd.s32 $0xFFFFFFFF  }
0xb5: {  	_ =	strace $0x90000048  }
0xb6: {  	_ =	sfence  }
0xb7: {  	s30 =	sld [smem:$0x0];
	_ =	sdelay $0x2  }
0xb8: {  	s31 =	sshll.u32 s1, $0xD;
	s1 =	sshrl.u32 s1, $0x2  }
0xb9: {  	s3 =	sand.u32 $0x4000, s31;
	s1 =	sadd.s32 s1, s30  }
0xba: {  	s0 =	sor.u32 s3, s0;
	s1 =	sshll.u32 s1, $0x11  }
0xbb: {  	s0 =	sor.u32 s1, s0  }
0xbc: {  	s0 =	sadd.s32 $0x8F2B, s0  }
0xbd: {  	[sflag:s0] =	ssyncadd.remote.s32 $0x1  }
0xbe: {  	_ =	sfence.sel $0xFFFF  }
0xbf: {  	[dreg:$0x0] =	wrdreg $0xFFFFFFFF;
	(pc) =	sbr.abs _section_cstart, $3  }
0xc0: {  	[dreg:$0x1] =	wrdreg $0xFFFFFFFF  }
0xc1: {  	_ =	task.clear_ibuf [dreg:s7], $0x2FFFF;
	_ =	strace $0x9FFFFFFF  }
0xc2: {  	(tm) =	ssettm $0x7FFFFFFF  }
0xc3: {  	_ =	shalt  }
tec
execute0_lowered:
.L_overlay_start_1:
0x0: {  	(tag) =	ssettag $0x1  }
0x1: {  	s0 =	srdreg.scid;
	s2 =	stileid.u32  }
0x2: {  	s0 =	sand.u32 $0x1, s0;
	s1 =	sshll.u32 s2, $0x1;
	s3 =	sshrl.u32 s2, $0x2  }
0x3: {  	s6 =	rddreg [dreg:$0x1];
	s1 =	sor.u32 s0, s1;
	s2 =	sshll.u32 s3, $0x3  }
0x4: {  	s5 =	rddreg [dreg:$0x0];
	s6 =	sadd.s32 $0x400, s6;
	s4 =	ssub.s32 s1, s2  }
0x5: {  	s15 =	sadd.s32 $0x80, s5;
	s20 =	sadd.s32 $0x100, s5;
	s1 =	sshll.u32 s4, $0x8  }
0x6: {  	s24 =	sadd.s32 $0x180, s5;
	s12 =	sadd.s32 $0x200, s5;
	s7 =	sadd.s32 $0x7E0, s1  }
0x7: {  	s3 =	smul.u32 $0x180000, s3;
	s29 =	sadd.s32 $0x100, s1;
	s7 =	sshrl.u32 s7, $0x3  }
0x8: {  	s9 =	smul.u32 $0x30000, s4;
	s8 =	sshrl.u32 s29, $0x3;
	s7 =	sand.u32 $0xFC, s7  }
0x9: {  	s13 =	sadd.s32 $0x280, s5;
	s8 =	sand.u32 $0xE0, s8;
	s7 =	smul.u32 $0x1800, s7  }
0xa: {  	s0 =	ssub.s32 $0x2, s0;
	s2 =	simm.s32 $0x0;
	s8 =	smul.u32 $0x1800, s8  }
0xb: {  	s10 =	sshrl.u32 s0, $0x1;
	p0 =	seq.s32 s4, $0x7;
	s7 =	sadd.s32 s3, s7  }
0xc: {  	s14 =	sadd.s32 s3, s9;
	s3 =	sadd.s32 s3, s8;
	s4 =	sshrl.u32 s7, $0x3  }
0xd: {  	[smem:$0x7FF] =	sst s2;
	s3 =	sshrl.u32 s3, $0x3;
	s7 =	sadd.s32 s5, s4  }
0xe: {  	s0 =	ssub.s32 s0, s10;
	s16 =	sadd.s32 s5, s3;
	[dreg:$0x3] =	wrdreg s7  }
0xf: {  	s10 =	simm.s32 $0x0;
	s17 =	sadd.s32 s4, s15;
	[dreg:$0x4] =	wrdreg s16  }
0x10: {  	s30 =	smax.u32 s0, $0x1;
	s8 =	sadd.s32 s3, s15;
	[dreg:$0x5] =	wrdreg s17  }
0x11: {  	s31 =	sadd.s32 $0xFFFFFFED, s1;
	s21 =	sadd.s32 s4, s20;
	[dreg:$0x7] =	wrdreg s8  }
0x12: {  	s29 =	simm.s32 @p0 $0x7FD;
	s25 =	sadd.s32 s4, s24;
	[dreg:$0x9] =	wrdreg s21  }
0x13: {  	s0 =	sadd.s32 $0x7FC, s29;
	s11 =	sadd.s32 s4, s12;
	[dreg:$0xd] =	wrdreg s25  }
0x14: {  	s4 =	sadd.s32 s4, s13;
	s7 =	sshrl.u32 s14, $0x3;
	[dreg:$0xf] =	wrdreg s11  }
0x15: {  	s8 =	sadd.s32 s3, s20;
	[dreg:$0x11] =	wrdreg s4;
	s20 =	ssub.s32 $0x18, s1  }
0x16: {  	s18 =	sor.u32 $0x80, s7;
	[dreg:$0xb] =	wrdreg s8;
	s8 =	sadd.s32 s3, s24  }
0x17: {  	s21 =	ssub.s32 $0xFFFFF820, s1;
	s19 =	sadd.s32 s5, s18;
	[dreg:$0xe] =	wrdreg s8  }
0x18: {  	s22 =	sor.u32 $0x100, s7;
	s9 =	sadd.s32 s6, s18;
	[dreg:$0x6] =	wrdreg s19  }
0x19: {  	s4 =	simm.s32 $0x1800;
	s23 =	sadd.s32 s5, s22;
	[dreg:$0x8] =	wrdreg s9  }
0x1a: {  	s26 =	sor.u32 $0x180, s7;
	s8 =	sadd.s32 s3, s12;
	[dreg:$0xa] =	wrdreg s23  }
0x1b: {  	s15 =	sor.u32 $0x200, s7;
	s3 =	sadd.s32 s3, s13;
	[dreg:$0x10] =	wrdreg s8  }
0x1c: {  	s24 =	sadd.s32 s5, s7;
	s14 =	sadd.s32 s5, s26;
	[dreg:$0x12] =	wrdreg s3  }
0x1d: {  	s25 =	sadd.s32 s6, s7;
	s16 =	sadd.s32 s6, s26;
	[dreg:$0x13] =	wrdreg s14  }
0x1e: {  	s17 =	sadd.s32 s5, s15;
	s18 =	sor.u32 $0x280, s7;
	[dreg:$0x14] =	wrdreg s16  }
0x1f: {  	s7 =	simm.s32 $0x9000;
	s9 =	sadd.s32 s6, s22;
	[dreg:$0x15] =	wrdreg s17  }
.Ltmp0:
0x20: {  	s3 =	sadd.s32 s6, s15;
	s26 =	sadd.s32 s5, s18;
	(pc) =	sbr.rel .LBB2_1-.Ltmp0, $4  }
0x21: {  	v2 =	vlaneseq.u32;
	s28 =	sadd.s32 s6, s18;
	s19 =	ssub.s32 $0x20, s1;
	s23 =	sadd.s32 $0x7EA, s1  }
0x22: {  	v5 =	vor.u32 $0x80, v2;
	v6 =	vor.u32 $0x100, v2;
	v7 =	vor.u32 $0x180, v2;
	s22 =	ssub.s32 $0xFFFFF81B, s1;
	s5 =	simm.s32 $0x1;
	[dreg:$0xc] =	wrdreg s9  }
0x23: {  	v8 =	vor.u32 $0x200, v2;
	v1 =	vmov s20;
	s6 =	simm.s32 $0x1000;
	s8 =	simm.s32 $0x9C00;
	[dreg:$0x16] =	wrdreg s3;
	v0 =	vmov s19  }
0x24: {  	v3 =	vmov s21;
	s3 =	simm.s32 $0x400;
	v4 =	vmov s22;
	s9 =	simm.s32 $0xA800;
	_ =	strace $0x80000047;
	[tilespmem:$0x1FFF0] =	vst v0;
	v0 =	vlaneseq.u32  }
.LBB2_97:
0x25: {  	s10 =	sadd.s32 $0x1, s10  }
0x26: {  	p0 =	sne.s32 s10, s30  }
.Ltmp1:
0x27: {  	_ = 	snop;
	(pc) =	sbr.rel @!p0 .LBB2_98-.Ltmp1, $4  }
0x28: {  	[hbm4b:s28+s3] =	stream.strided.scatter [tilespmem:s9], [sflag:$0x1], $0x8000, s4, s3, $0x38;
	[tilespmem:$0x13400] =	vst v63  }
0x29: {  	_ =	swait.ge [sflag:s5], $0x8000  }
0x2a: {  	[sflag:s5] =	ssyncset.done $0x0  }
0x2b: {  	[sflag:s5] =	ssyncadd.s32 $0xFFFF8000  }
.LBB2_1:
0x2c: {  	s11 =	rddreg [dreg:$0x3]  }
0x2d: {  	[tilespmem:s2], [sflag:$0x1] =	stream.strided.gather [hbm4b:s11+s3], $0x1000, s4, s3, $0x38;
	[tilespmem:$0x13400] =	vst v63  }
0x2e: {  	_ =	swait.ge [sflag:s5], $0x1000  }
0x2f: {  	[sflag:s5] =	ssyncset.done $0x0  }
0x30: {  	[sflag:s5] =	ssyncadd.s32 $0xFFFFF000  }
0x31: {  	[tilespmem:s6], [sflag:$0x1] =	stream.strided.gather [hbm4b:s24+s3], $0x8000, s4, s3, $0x38;
	[tilespmem:$0x13400] =	vst v63  }
0x32: {  	_ =	swait.ge [sflag:s5], $0x8000  }
0x33: {  	[sflag:s5] =	ssyncset.done $0x0  }
.Ltmp2:
0x34: {  	s22 =	rddreg [dreg:$0x4];
	[sflag:s5] =	ssyncadd.s32 $0xFFFF8000;
	(pc) =	sbr.rel .LBB2_2-.Ltmp2, $4  }
0x35: {  	[tilespmem:s7], [sflag:$0x1] =	stream.strided.gather [hbm4b:s22+s3], $0xC00, s4, s3, $0x38;
	[tilespmem:$0x13400] =	vst v63  }
0x36: {  	_ =	swait.ge [sflag:s5], $0xC00  }
0x37: {  	[sflag:s5] =	ssyncset.done $0x0  }
0x38: {  	s11 =	simm.s32 $0x0;
	[sflag:s5] =	ssyncadd.s32 $0xFFFFF400  }
.LBB2_16:
0x39: {  	s11 =	sadd.s32 $0x1, s11  }
0x3a: {  	p0 =	sne.s32 s11, $0x8  }
.Ltmp3:
0x3b: {  	_ = 	snop;
	(pc) =	sbr.rel @!p0 .LBB2_17-.Ltmp3, $1  }
0x3c: {  	_ =	sdelay $0x3  }
.LBB2_2:
0x3d: {  	s12 =	sshll.u32 s11, $0x4  }
0x3e: {  	s13 =	ssub.s32 s31, s12  }
0x3f: {  	s16 =	sxor.u32 $0xFFFFFFFF, s12;
	s14 =	sadd.s32 $0x4, s13  }
0x40: {  	s16 =	sadd.s32 s16, s29;
	s15 =	smulhi.u32 $0x66666667, s14  }
0x41: {  	s14 =	sshra.s32 s14, $0x1F;
	s17 =	smulhi.u32 $0x66666667, s16  }
0x42: {  	s18 =	sshra.s32 s16, $0x1F;
	s14 =	smul.u32 $0x66666667, s14  }
0x43: {  	s18 =	smul.u32 $0x66666667, s18  }
0x44: {  	s14 =	sadd.s32 s14, s15  }
0x45: {  	s17 =	sadd.s32 s18, s17;
	s15 =	sshrl.u32 s14, $0x1F;
	s14 =	sshra.s32 s14, $0x1  }
0x46: {  	s20 =	sshrl.u32 s17, $0x1F;
	s17 =	sshra.s32 s17, $0x1;
	s14 =	sadd.s32 s15, s14  }
0x47: {  	s15 =	sadd.s32 s20, s17;
	s21 =	smul.u32 $0xFFFFFFFB, s14  }
0x48: {  	s19 =	smul.u32 $0xFFFFFFFB, s15  }
0x49: {  	s22 =	ssub.s32 $0xFFFFFFFC, s13;
	p1 =	slt.s32 s13, $0xFFFFFFFC;
	s20 =	ssub.s32 $0x0, s16  }
0x4a: {  	p6 =	slt.s32 s16, $0x1;
	p0 =	sne.s32 s21, s22;
	p2 =	sne.s32 s19, s20  }
0x4b: {  	s13 =	simm.s32 $0x1;
	p0 =	por !p1, !p0;
	p1 =	por !p6, !p2  }
0x4c: {  	s16 =	simm.s32 $0x1;
	p0 =	por !p0, !p0;
	p1 =	por !p1, !p1  }
0x4d: {  	s13 =	simm.s32 @!p0 $0x0;
	s16 =	simm.s32 @!p1 $0x0  }
0x4e: {  	s17 =	ssub.s32 s14, s13;
	s13 =	ssub.s32 s15, s16  }
0x4f: {  	p0 =	sgt.s32 s17, $0x0;
	p1 =	slt.s32 s13, $0x198  }
0x50: {  	s17 =	simm.s32 @!p0 $0x0;
	s13 =	simm.s32 @!p1 $0x198  }
0x51: {  	s21 =	ssub.s32 s13, s17  }
0x52: {  	s14 =	sadd.s32 $0x1, s21  }
0x53: {  	s22 =	sshra.s32 s14, $0x1F  }
0x54: {  	s15 =	sshrl.u32 s22, $0x1E  }
0x55: {  	s15 =	sadd.s32 s15, s14  }
0x56: {  	s15 =	sand.u32 $0xFFFFFFFC, s15  }
0x57: {  	v2 =	vld [tilespmem:$0x1FFF0];
	p0 =	slt.s32 s15, $0x1  }
.Ltmp4:
0x58: {  	_ = 	snop;
	(pc) =	sbr.rel @p0 .LBB2_6-.Ltmp4, $4  }
0x59: {  	_ = 	snop  }
0x5a: {  	v9 =	vor.u32 s12, v0  }
0x5b: {  	v10 =	vadd.s32 s12, v5;
	v11 =	vadd.s32 s12, v6;
	v12 =	vadd.s32 s12, v7  }
0x5c: {  	v13 =	vadd.s32 s12, v8;
	v15 =	vadd.s32 v1, v9;
	v14 =	vadd.s32 v2, v9;
	s16 =	sadd.s32 s17, s15  }
0x5d: {  	s18 =	smul.u32 $0x5, s17;
	_ =	sdelay $0x1  }
0x5e: {  	s18 =	sadd.s32 $0xF, s18  }
0x5f: {  	s19 =	sadd.s32 $0xFFFFFFF1, s18  }
0x60: {  	v16 =	vadd.s32 s19, v14  }
0x61: {  	s20 =	sadd.s32 $0xFFFFFFF6, s18;
	v16 =	vshll.u32 v16, $0x7  }
0x62: {  	v17 =	vadd.s32 s20, v14;
	v18 =	vadd.s32 v13, v16  }
0x63: {  	v17 =	vshll.u32 v17, $0x7;
	v19 =	vadd.s32 v12, v16  }
0x64: {  	s21 =	sadd.s32 $0xFFFFFFFB, s18;
	v20 =	vadd.s32 v12, v17  }
0x65: {  	v21 =	vadd.s32 s21, v14;
	v22 =	vadd.s32 v10, v17  }
0x66: {  	v23 =	vshll.u32 v21, $0x7;
	v24 =	vor.u32 v9, v17  }
0x67: {  	v26 =	vadd.s32 v10, v23;
	v25 =	vld.idx.msk [tilespmem:v18+s2+$0x0], $0xffff  }
0x68: {  	v33 =	vor.u32 v9, v23;
	v27 =	vld.idx.msk [tilespmem:v19+s2+$0x0], $0xffff  }
0x69: {  	v31 =	vadd.s32 v13, v17;
	v28 =	vld.idx.msk [tilespmem:v20+s2+$0x0], $0xffff  }
0x6a: {  	v29 =	vld.idx.msk [tilespmem:v22+s2+$0x0], $0xffff  }
0x6b: {  	v62 =	vadd.s32 s18, v14;
	v21 =	vadd.s32 v10, v16;
	v34 =	vld.idx.msk [tilespmem:v24+s2+$0x0], $0xffff  }
0x6c: {  	v63 =	vshll.u32 v62, $0x7;
	v18 =	vadd.s32 v13, v23;
	v41 =	vld.idx.msk [tilespmem:v26+s2+$0x0], $0xffff  }
0x6d: {  	v57 =	vadd.s32 v12, v63;
	v19 =	vor.u32 v9, v16;
	v33 =	vld.idx.msk [tilespmem:v33+s2+$0x0], $0xffff  }
0x6e: {  	v58 =	vadd.s32 v13, v63;
	v49 =	vor.u32 v9, v63;
	v16 =	vadd.s32 v11, v16;
	v31 =	vld.idx.msk [tilespmem:v31+s2+$0x0], $0xffff  }
0x6f: {  	v50 =	vadd.s32 v11, v63;
	v17 =	vadd.s32 v11, v17;
	v20 =	vadd.s32 s20, v15  }
0x70: {  	v35 =	vadd.s32 v12, v23;
	v37 =	vadd.s32 v11, v23;
	v30 =	vld.idx.msk [tilespmem:v21+s2+$0x0], $0xffff;
	v20 =	vshll.u32 v20, $0x7  }
0x71: {  	v39 =	vor.u32 v9, v20;
	v32 =	vld.idx.msk [tilespmem:v18+s2+$0x0], $0xffff;
	v18 =	vadd.s32 s19, v15;
	v40 =	vmax.f32 v27, v25  }
0x72: {  	v36 =	vld.idx.msk [tilespmem:v19+s2+$0x0], $0xffff;
	v27 =	vmin.f32 v27, v25;
	v43 =	vmin.f32 v34, v29;
	v56 =	vmin.f32 v33, v41  }
0x73: {  	v38 =	vld.idx.msk [tilespmem:v16+s2+$0x0], $0xffff;
	v51 =	vmax.f32 v28, v31;
	v21 =	vshll.u32 v18, $0x7;
	v18 =	vadd.s32 s21, v15  }
0x74: {  	v61 =	vld.idx.msk [tilespmem:v17+s2+$0x0], $0xffff;
	v31 =	vmin.f32 v28, v31;
	v23 =	vshll.u32 v18, $0x7;
	v18 =	vadd.s32 v12, v21  }
0x75: {  	v16 =	vadd.s32 v13, v23;
	v19 =	vadd.s32 v12, v23;
	v42 =	vor.u32 v9, v23  }
0x76: {  	v24 =	vadd.s32 v11, v23;
	v26 =	vadd.s32 v10, v23;
	v23 =	vmax.f32 v34, v29;
	v29 =	vld.idx.msk [tilespmem:v35+s2+$0x0], $0xffff  }
0x77: {  	v22 =	vadd.s32 v11, v21;
	v34 =	vmin.f32 v36, v30;
	v44 =	vmax.f32 v36, v30;
	v30 =	vld.idx.msk [tilespmem:v37+s2+$0x0], $0xffff  }
0x78: {  	v25 =	vadd.s32 v10, v21;
	v35 =	vadd.s32 v10, v63;
	v45 =	vmax.f32 v38, v40  }
0x79: {  	v60 =	vmin.f32 v38, v40;
	v36 =	vmin.f32 v61, v51;
	v17 =	vmax.f32 v44, v45  }
0x7a: {  	v46 =	vmin.f32 v60, v27;
	v47 =	vmax.f32 v60, v27;
	v27 =	vmax.f32 v61, v51  }
0x7b: {  	v60 =	vadd.s32 v10, v20;
	v55 =	vmin.f32 v34, v47;
	v48 =	vmax.f32 v29, v32  }
0x7c: {  	v29 =	vmin.f32 v29, v32;
	v59 =	vmin.f32 v30, v48;
	v28 =	vmax.f32 v30, v48  }
0x7d: {  	v48 =	vmin.f32 v36, v31;
	v31 =	vmax.f32 v36, v31;
	v30 =	vadd.s32 v11, v20  }
0x7e: {  	v36 =	vmax.f32 v33, v41;
	v52 =	vmax.f32 v59, v29;
	v32 =	vmin.f32 v59, v29  }
0x7f: {  	v54 =	vld.idx.msk [tilespmem:v58+s2+$0x0], $0xffff;
	v29 =	vmin.f32 v23, v27;
	v62 =	vmin.f32 v43, v31;
	v31 =	vmax.f32 v43, v31  }
0x80: {  	v49 =	vld.idx.msk [tilespmem:v49+s2+$0x0], $0xffff;
	v43 =	vmin.f32 v36, v28;
	v59 =	vadd.s32 s18, v15;
	v61 =	vmin.f32 v56, v52  }
0x81: {  	v53 =	vmax.f32 v56, v52;
	v52 =	vor.u32 v9, v21;
	v56 =	vld.idx.msk [tilespmem:v57+s2+$0x0], $0xffff;
	v37 =	vmin.f32 v61, v32  }
0x82: {  	v63 =	vmin.f32 v62, v48;
	v38 =	vmin.f32 v29, v31;
	[tilespmem:v42+s8+$0x0] =	vst.idx.msk $0xffff, v37;
	v42 =	vld.idx.msk [tilespmem:v50+s2+$0x0], $0xffff  }
0x83: {  	v57 =	vmin.f32 v55, v46;
	v40 =	vmax.f32 v61, v32;
	v37 =	vmax.f32 v62, v48;
	v48 =	vld.idx.msk [tilespmem:v35+s2+$0x0], $0xffff  }
0x84: {  	v33 =	vmax.f32 v43, v53;
	v32 =	vmax.f32 v34, v47;
	v34 =	vmin.f32 v44, v45  }
0x85: {  	s17 =	sadd.s32 $0x4, s17;
	[tilespmem:v39+s8+$0x0] =	vst.idx.msk $0xffff, v63;
	v39 =	vshll.u32 v59, $0x7;
	v35 =	vmax.f32 v55, v46;
	v58 =	vmin.f32 v38, v37  }
0x86: {  	p0 =	slt.s32 s17, s16;
	v45 =	vadd.s32 v10, v39;
	v41 =	vmin.f32 v34, v32;
	[tilespmem:v60+s8+$0x0] =	vst.idx.msk $0xffff, v58  }
.Ltmp5:
0x87: {  	v60 =	vmin.f32 v56, v54;
	v61 =	vmax.f32 v56, v54;
	[tilespmem:v52+s8+$0x0] =	vst.idx.msk $0xffff, v57;
	(pc) =	sbr.rel @!p0 .LBB2_5-.Ltmp5, $4  }
0x88: {  	v62 =	vmin.f32 v42, v61;
	v44 =	vmax.f32 v42, v61;
	v51 =	vmin.f32 v49, v48  }
0x89: {  	v47 =	vmax.f32 v49, v48;
	v48 =	vmin.f32 v43, v53;
	v50 =	vmax.f32 v62, v60  }
0x8a: {  	v63 =	vmin.f32 v62, v60;
	v43 =	vmin.f32 v47, v44;
	v46 =	vmin.f32 v51, v50  }
0x8b: {  	s18 =	sadd.s32 $0x14, s18;
	v42 =	vmax.f32 v48, v40;
	v49 =	vmin.f32 v46, v63;
	v46 =	vmax.f32 v46, v63  }
.LBB2_4:
0x8c: {  	s19 =	sadd.s32 $0xFFFFFFF1, s18;
	s20 =	sadd.s32 $0xFFFFFFF6, s18;
	s21 =	sadd.s32 $0xFFFFFFFB, s18;
	v50 =	vmax.f32 v51, v50;
	v44 =	vmax.f32 v47, v44;
	v47 =	vor.u32 v9, v39  }
0x8d: {  	s17 =	sadd.s32 $0x4, s17;
	v51 =	vadd.s32 s19, v14;
	v52 =	vadd.s32 s20, v14;
	v53 =	vmin.f32 v43, v50  }
0x8e: {  	v54 =	vadd.s32 s21, v14;
	p0 =	slt.s32 s17, s16;
	v51 =	vshll.u32 v51, $0x7;
	v52 =	vshll.u32 v52, $0x7  }
0x8f: {  	v57 =	vmax.f32 v41, v35;
	v55 =	vadd.s32 v12, v51;
	v56 =	vadd.s32 v13, v51  }
0x90: {  	v58 =	vadd.s32 s20, v15;
	v60 =	vmin.f32 v53, v46;
	v59 =	vadd.s32 v13, v52  }
0x91: {  	v58 =	vshll.u32 v58, $0x7;
	v61 =	vadd.s32 v11, v51;
	v62 =	vadd.s32 v11, v52;
	[tilespmem:v47+s8+$0x0] =	vst.idx.msk $0xffff, v49  }
0x92: {  	v40 =	vmin.f32 v48, v40;
	v47 =	vadd.s32 s19, v15;
	v49 =	vshll.u32 v54, $0x7;
	[tilespmem:v45+s8+$0x0] =	vst.idx.msk $0xffff, v60  }
0x93: {  	v48 =	vadd.s32 v12, v52;
	v45 =	vor.u32 v9, v51;
	v47 =	vshll.u32 v47, $0x7;
	[tilespmem:v26+s8+$0x0] =	vst.idx.msk $0xffff, v40  }
0x94: {  	v46 =	vmax.f32 v53, v46;
	v26 =	vor.u32 v9, v52;
	v52 =	vadd.s32 v10, v52;
	v40 =	vld.idx.msk [tilespmem:v56+s2+$0x0], $0xffff  }
0x95: {  	v43 =	vmax.f32 v43, v50;
	v51 =	vadd.s32 v10, v51;
	v54 =	vadd.s32 v12, v49;
	v53 =	vld.idx.msk [tilespmem:v55+s2+$0x0], $0xffff  }
0x96: {  	v60 =	vadd.s32 v11, v39;
	v56 =	vadd.s32 v13, v49;
	v55 =	vadd.s32 v11, v49;
	v50 =	vld.idx.msk [tilespmem:v62+s2+$0x0], $0xffff  }
0x97: {  	v63 =	vor.u32 v9, v49;
	v49 =	vadd.s32 v10, v49;
	v62 =	vadd.s32 s21, v15  }
0x98: {  	v37 =	vmax.f32 v38, v37;
	v28 =	vmax.f32 v36, v28;
	v36 =	vadd.s32 v12, v39;
	v48 =	vld.idx.msk [tilespmem:v48+s2+$0x0], $0xffff  }
0x99: {  	v27 =	vmax.f32 v23, v27;
	v38 =	vld.idx.msk [tilespmem:v52+s2+$0x0], $0xffff;
	v52 =	vshll.u32 v62, $0x7;
	[tilespmem:v24+s8+$0x0] =	vst.idx.msk $0xffff, v42  }
0x9a: {  	v23 =	vmax.f32 v29, v31;
	v42 =	vld.idx.msk [tilespmem:v51+s2+$0x0], $0xffff;
	v51 =	vadd.s32 v12, v47;
	[tilespmem:v30+s8+$0x0] =	vst.idx.msk $0xffff, v37  }
0x9b: {  	v24 =	vmin.f32 v41, v35;
	v30 =	vadd.s32 v13, v39;
	v29 =	vld.idx.msk [tilespmem:v56+s2+$0x0], $0xffff;
	[tilespmem:v60+s8+$0x0] =	vst.idx.msk $0xffff, v46  }
0x9c: {  	v32 =	vmax.f32 v34, v32;
	v31 =	vld.idx.msk [tilespmem:v26+s2+$0x0], $0xffff;
	[tilespmem:v25+s8+$0x0] =	vst.idx.msk $0xffff, v24;
	v25 =	vadd.s32 v12, v20  }
0x9d: {  	v21 =	vadd.s32 v13, v21;
	v35 =	vadd.s32 v13, v20;
	v34 =	vld.idx.msk [tilespmem:v45+s2+$0x0], $0xffff;
	[tilespmem:v19+s8+$0x0] =	vst.idx.msk $0xffff, v33  }
0x9e: {  	v33 =	vadd.s32 v11, v47;
	v20 =	vld.idx.msk [tilespmem:v61+s2+$0x0], $0xffff;
	[tilespmem:v16+s8+$0x0] =	vst.idx.msk $0xffff, v28;
	v16 =	vadd.s32 v13, v52  }
0x9f: {  	v39 =	vor.u32 v9, v58;
	v19 =	vadd.s32 v12, v52;
	v41 =	vld.idx.msk [tilespmem:v49+s2+$0x0], $0xffff;
	[tilespmem:v22+s8+$0x0] =	vst.idx.msk $0xffff, v57  }
0xa0: {  	v37 =	vor.u32 v9, v52;
	v24 =	vadd.s32 v11, v52;
	v28 =	vld.idx.msk [tilespmem:v59+s2+$0x0], $0xffff;
	[tilespmem:v36+s8+$0x0] =	vst.idx.msk $0xffff, v43  }
0xa1: {  	v26 =	vadd.s32 v10, v52;
	v22 =	vmax.f32 v53, v40;
	v36 =	vld.idx.msk [tilespmem:v63+s2+$0x0], $0xffff;
	[tilespmem:v25+s8+$0x0] =	vst.idx.msk $0xffff, v23  }
0xa2: {  	v40 =	vmin.f32 v53, v40;
	v43 =	vmin.f32 v31, v38;
	v23 =	vmax.f32 v31, v38;
	v31 =	vld.idx.msk [tilespmem:v54+s2+$0x0], $0xffff  }
0xa3: {  	v45 =	vmin.f32 v34, v42;
	v34 =	vmax.f32 v34, v42;
	v38 =	vld.idx.msk [tilespmem:v55+s2+$0x0], $0xffff;
	[tilespmem:v18+s8+$0x0] =	vst.idx.msk $0xffff, v32  }
0xa4: {  	v18 =	vmin.f32 v20, v22;
	v42 =	vmax.f32 v20, v22;
	v20 =	vmov v58;
	[tilespmem:v21+s8+$0x0] =	vst.idx.msk $0xffff, v17  }
0xa5: {  	v2 =	vadd.s32 s18, v14;
	v25 =	vadd.s32 v10, v47;
	v17 =	vmax.f32 v34, v42;
	[tilespmem:v35+s8+$0x0] =	vst.idx.msk $0xffff, v27  }
0xa6: {  	v32 =	vmin.f32 v18, v40;
	v46 =	vmax.f32 v18, v40;
	v35 =	vshll.u32 v2, $0x7;
	[tilespmem:v30+s8+$0x0] =	vst.idx.msk $0xffff, v44  }
0xa7: {  	v21 =	vmovc v47;
	v30 =	vmin.f32 v36, v41;
	v40 =	vadd.s32 v12, v35;
	v44 =	vadd.s32 v13, v35  }
0xa8: {  	v49 =	vor.u32 v9, v35;
	v52 =	vadd.s32 v11, v35;
	v18 =	vmovc v51;
	v47 =	vmax.f32 v31, v29  }
0xa9: {  	v22 =	vmovc v33;
	v51 =	vmax.f32 v48, v28;
	v29 =	vmin.f32 v31, v29;
	v31 =	vmin.f32 v38, v47  }
0xaa: {  	v35 =	vadd.s32 v10, v35;
	v27 =	vmax.f32 v50, v51;
	v33 =	vmax.f32 v31, v29  }
0xab: {  	v48 =	vmin.f32 v48, v28;
	v50 =	vmin.f32 v50, v51;
	v28 =	vmax.f32 v38, v47  }
0xac: {  	v38 =	vmin.f32 v50, v48;
	v47 =	vmax.f32 v50, v48;
	v48 =	vmax.f32 v30, v33;
	v44 =	vld.idx.msk [tilespmem:v44+s2+$0x0], $0xffff  }
0xad: {  	v50 =	vadd.s32 v10, v20;
	v31 =	vmin.f32 v31, v29;
	v33 =	vmin.f32 v30, v33;
	v51 =	vld.idx.msk [tilespmem:v40+s2+$0x0], $0xffff  }
0xae: {  	v53 =	vor.u32 v9, v21;
	v30 =	vadd.s32 v11, v20;
	v54 =	vmin.f32 v33, v31;
	v52 =	vld.idx.msk [tilespmem:v52+s2+$0x0], $0xffff  }
0xaf: {  	v55 =	vmin.f32 v45, v46;
	v29 =	vmin.f32 v23, v27;
	v40 =	vmax.f32 v33, v31;
	v56 =	vld.idx.msk [tilespmem:v35+s2+$0x0], $0xffff  }
0xb0: {  	v33 =	vmin.f32 v43, v47;
	v31 =	vmax.f32 v43, v47;
	[tilespmem:v37+s8+$0x0] =	vst.idx.msk $0xffff, v54;
	v43 =	vld.idx.msk [tilespmem:v49+s2+$0x0], $0xffff  }
0xb1: {  	v36 =	vmax.f32 v36, v41;
	v35 =	vmin.f32 v33, v38;
	v37 =	vmax.f32 v33, v38  }
0xb2: {  	v38 =	vmin.f32 v29, v31;
	v49 =	vmin.f32 v36, v28;
	[tilespmem:v39+s8+$0x0] =	vst.idx.msk $0xffff, v35  }
0xb3: {  	v33 =	vmax.f32 v49, v48;
	v39 =	vmin.f32 v55, v32;
	v35 =	vmax.f32 v55, v32  }
0xb4: {  	v34 =	vmin.f32 v34, v42;
	v41 =	vmin.f32 v38, v37;
	v32 =	vmax.f32 v45, v46  }
0xb5: {  	v42 =	vmin.f32 v51, v44;
	v44 =	vmax.f32 v51, v44;
	[tilespmem:v50+s8+$0x0] =	vst.idx.msk $0xffff, v41;
	v41 =	vadd.s32 s18, v15  }
.Ltmp6:
0xb6: {  	v45 =	vmin.f32 v52, v44;
	v44 =	vmax.f32 v52, v44;
	[tilespmem:v53+s8+$0x0] =	vst.idx.msk $0xffff, v39;
	v39 =	vshll.u32 v41, $0x7;
	(pc) =	sbr.rel @p0 .LBB2_4-.Ltmp6, $4  }
0xb7: {  	v46 =	vmin.f32 v45, v42;
	v50 =	vmax.f32 v45, v42;
	v45 =	vadd.s32 v10, v39  }
0xb8: {  	v51 =	vmin.f32 v43, v56;
	v47 =	vmax.f32 v43, v56;
	v41 =	vmin.f32 v34, v32  }
0xb9: {  	v48 =	vmin.f32 v49, v48;
	v52 =	vmin.f32 v51, v50;
	v43 =	vmin.f32 v47, v44  }
0xba: {  	v42 =	vmax.f32 v48, v40;
	s18 =	sadd.s32 $0x14, s18;
	v49 =	vmin.f32 v52, v46;
	v46 =	vmax.f32 v52, v46  }
.LBB2_5:
0xbb: {  	_ =	sdelay $0x2  }
0xbc: {  	v40 =	vmin.f32 v48, v40  }
0xbd: {  	v52 =	vor.u32 v9, v39;
	v54 =	vmax.f32 v38, v37;
	[tilespmem:v26+s8+$0x0] =	vst.idx.msk $0xffff, v40  }
0xbe: {  	v57 =	vmin.f32 v41, v35;
	[tilespmem:v30+s8+$0x0] =	vst.idx.msk $0xffff, v54  }
0xbf: {  	[tilespmem:v25+s8+$0x0] =	vst.idx.msk $0xffff, v57  }
0xc0: {  	v58 =	vadd.s32 v12, v20;
	v60 =	vmax.f32 v41, v35;
	[tilespmem:v24+s8+$0x0] =	vst.idx.msk $0xffff, v42  }
0xc1: {  	[tilespmem:v22+s8+$0x0] =	vst.idx.msk $0xffff, v60  }
0xc2: {  	v50 =	vmax.f32 v51, v50;
	[tilespmem:v52+s8+$0x0] =	vst.idx.msk $0xffff, v49;
	v52 =	vadd.s32 v11, v39  }
0xc3: {  	v56 =	vadd.s32 v12, v39;
	v59 =	vmax.f32 v36, v28;
	[tilespmem:v19+s8+$0x0] =	vst.idx.msk $0xffff, v33  }
0xc4: {  	v62 =	vmax.f32 v29, v31;
	v51 =	vmin.f32 v43, v50;
	[tilespmem:v16+s8+$0x0] =	vst.idx.msk $0xffff, v59  }
0xc5: {  	v21 =	vadd.s32 v13, v21;
	v53 =	vmin.f32 v51, v46;
	[tilespmem:v58+s8+$0x0] =	vst.idx.msk $0xffff, v62  }
0xc6: {  	v61 =	vadd.s32 v13, v20;
	v55 =	vmax.f32 v51, v46;
	[tilespmem:v45+s8+$0x0] =	vst.idx.msk $0xffff, v53  }
0xc7: {  	v63 =	vadd.s32 v13, v39;
	v16 =	vmax.f32 v43, v50;
	[tilespmem:v52+s8+$0x0] =	vst.idx.msk $0xffff, v55  }
0xc8: {  	[tilespmem:v56+s8+$0x0] =	vst.idx.msk $0xffff, v16;
	v16 =	vmax.f32 v34, v32  }
0xc9: {  	[tilespmem:v18+s8+$0x0] =	vst.idx.msk $0xffff, v16  }
0xca: {  	v16 =	vmax.f32 v23, v27;
	[tilespmem:v21+s8+$0x0] =	vst.idx.msk $0xffff, v17  }
0xcb: {  	v17 =	vmax.f32 v47, v44;
	[tilespmem:v61+s8+$0x0] =	vst.idx.msk $0xffff, v16  }
0xcc: {  	[tilespmem:v63+s8+$0x0] =	vst.idx.msk $0xffff, v17  }
.LBB2_6:
0xcd: {  	p0 =	sgt.s32 s16, s13  }
.Ltmp7:
0xce: {  	_ = 	snop;
	(pc) =	sbr.rel @p0 .LBB2_9-.Ltmp7, $1  }
0xcf: {  	_ =	sdelay $0x3  }
0xd0: {  	s14 =	ssub.s32 s14, s15;
	s15 =	smul.u32 $0x5, s16  }
0xd1: {  	s14 =	ssub.s32 s13, s14  }
.LBB2_8:
0xd2: {  	v16 =	vadd.s32 s15, v14  }
0xd3: {  	v16 =	vshll.u32 v16, $0x7  }
0xd4: {  	v17 =	vor.u32 v9, v16  }
0xd5: {  	v18 =	vadd.s32 v10, v16  }
0xd6: {  	v19 =	vadd.s32 v12, v16  }
0xd7: {  	v20 =	vadd.s32 v13, v16  }
0xd8: {  	v16 =	vadd.s32 v11, v16  }
0xd9: {  	v17 =	vld.idx.msk [tilespmem:v17+s2+$0x0], $0xffff  }
0xda: {  	v18 =	vld.idx.msk [tilespmem:v18+s2+$0x0], $0xffff  }
0xdb: {  	v19 =	vld.idx.msk [tilespmem:v19+s2+$0x0], $0xffff  }
0xdc: {  	v20 =	vld.idx.msk [tilespmem:v20+s2+$0x0], $0xffff  }
0xdd: {  	v21 =	vadd.s32 s15, v15;
	v16 =	vld.idx.msk [tilespmem:v16+s2+$0x0], $0xffff  }
0xde: {  	v56 =	vshll.u32 v21, $0x7  }
0xdf: {  	v58 =	vor.u32 v9, v56  }
0xe0: {  	v59 =	vadd.s32 v10, v56;
	v60 =	vadd.s32 v11, v56;
	v27 =	vadd.s32 v12, v56  }
0xe1: {  	v22 =	vmin.f32 v17, v18;
	v55 =	vmin.f32 v19, v20;
	v19 =	vmax.f32 v19, v20  }
0xe2: {  	v17 =	vmax.f32 v17, v18;
	v20 =	vadd.s32 v13, v56;
	v57 =	vmin.f32 v16, v19  }
0xe3: {  	v16 =	vmax.f32 v16, v19;
	v23 =	vmin.f32 v57, v55;
	v18 =	vmax.f32 v57, v55  }
0xe4: {  	s14 =	sadd.s32 $0x1, s14;
	v26 =	vmin.f32 v17, v16;
	v24 =	vmin.f32 v22, v18;
	v18 =	vmax.f32 v22, v18  }
0xe5: {  	p0 =	slt.s32 s14, s13;
	v25 =	vmin.f32 v24, v23;
	v23 =	vmax.f32 v24, v23;
	v61 =	vmin.f32 v26, v18  }
.Ltmp8:
0xe6: {  	[tilespmem:v58+s8+$0x0] =	vst.idx.msk $0xffff, v25;
	v62 =	vmin.f32 v61, v23;
	(pc) =	sbr.rel @p0 .LBB2_8-.Ltmp8, $4  }
0xe7: {  	v63 =	vmax.f32 v61, v23;
	[tilespmem:v59+s8+$0x0] =	vst.idx.msk $0xffff, v62  }
0xe8: {  	v18 =	vmax.f32 v26, v18;
	[tilespmem:v60+s8+$0x0] =	vst.idx.msk $0xffff, v63  }
0xe9: {  	v16 =	vmax.f32 v17, v16;
	[tilespmem:v27+s8+$0x0] =	vst.idx.msk $0xffff, v18  }
0xea: {  	s15 =	sadd.s32 $0x5, s15;
	[tilespmem:v20+s8+$0x0] =	vst.idx.msk $0xffff, v16  }
.LBB2_9:
0xeb: {  	s13 =	ssub.s32 s23, s12;
	s18 =	ssub.s32 s0, s12  }
0xec: {  	s14 =	sshra.s32 s13, $0x1F;
	s22 =	smulhi.u32 $0x66666667, s18  }
0xed: {  	s15 =	sor.u32 $0x4, s13;
	s16 =	smul.u32 $0x66666667, s14  }
0xee: {  	s19 =	sshra.s32 s18, $0x1F;
	s17 =	smulhi.u32 $0x66666667, s15  }
0xef: {  	p1 =	sne.s32 s0, s12;
	s12 =	simm.s32 $0x1;
	s21 =	smul.u32 $0x66666667, s19  }
0xf0: {  	s13 =	sxor.u32 $0xFFFFFFFF, s13;
	s12 =	simm.s32 @!p1 $0x0;
	s16 =	sadd.s32 s16, s17  }
0xf1: {  	s17 =	sadd.s32 s21, s22;
	s20 =	sshrl.u32 s16, $0x1F;
	s16 =	sshra.s32 s16, $0x1  }
0xf2: {  	s21 =	sshrl.u32 s17, $0x1F;
	s17 =	sshra.s32 s17, $0x1;
	s16 =	sadd.s32 s20, s16  }
0xf3: {  	s15 =	ssub.s32 $0x0, s15;
	s22 =	sadd.s32 s21, s17;
	s20 =	smul.u32 $0xFFFFFFFB, s16  }
0xf4: {  	s13 =	sshrl.u32 s13, $0x1F;
	s12 =	sor.u32 s12, s19;
	s17 =	smul.u32 $0xFFFFFFFB, s22  }
0xf5: {  	s13 =	sadd.s32 s13, s14;
	p0 =	sne.s32 s20, s15;
	s20 =	ssub.s32 $0x0, s18  }
0xf6: {  	p6 =	sne.s32 s12, $0x1;
	p5 =	sne.s32 s13, $0x1;
	p2 =	sne.s32 s17, s20  }
0xf7: {  	s12 =	simm.s32 $0x1;
	p0 =	por !p0, !p5;
	p1 =	por !p2, !p6  }
0xf8: {  	s13 =	simm.s32 $0x1;
	p0 =	por !p0, !p0;
	p1 =	por !p1, !p1  }
0xf9: {  	s12 =	simm.s32 @!p0 $0x0;
	s13 =	simm.s32 @!p1 $0x0  }
0xfa: {  	s16 =	ssub.s32 s16, s12;
	s12 =	ssub.s32 s22, s13  }
0xfb: {  	p0 =	sgt.s32 s16, $0x0;
	p1 =	slt.s32 s12, $0x198  }
0xfc: {  	s16 =	simm.s32 @!p0 $0x0;
	s12 =	simm.s32 @!p1 $0x198  }
0xfd: {  	s21 =	ssub.s32 s12, s16  }
0xfe: {  	s13 =	sadd.s32 $0x1, s21  }
0xff: {  	s22 =	sshra.s32 s13, $0x1F  }
0x100: {  	s14 =	sshrl.u32 s22, $0x1E  }
0x101: {  	s14 =	sadd.s32 s14, s13  }
0x102: {  	s15 =	sand.u32 $0xFFFFFFFC, s14  }
0x103: {  	p0 =	slt.s32 s15, $0x1  }
.Ltmp9:
0x104: {  	_ = 	snop;
	(pc) =	sbr.rel @p0 .LBB2_13-.Ltmp9, $2  }
0x105: {  	_ =	sdelay $0x2  }
0x106: {  	v14 =	vadd.s32 v3, v9;
	v15 =	vadd.s32 v4, v9;
	s14 =	sadd.s32 s16, s15  }
0x107: {  	s17 =	smul.u32 $0x5, s16;
	_ =	sdelay $0x1  }
0x108: {  	s17 =	sadd.s32 $0xF, s17  }
0x109: {  	s18 =	sadd.s32 $0xFFFFFFF1, s17  }
0x10a: {  	v16 =	vadd.s32 s18, v14  }
0x10b: {  	s19 =	sadd.s32 $0xFFFFFFF6, s17;
	v16 =	vshll.u32 v16, $0x7  }
0x10c: {  	v17 =	vadd.s32 s19, v14;
	v18 =	vadd.s32 v13, v16  }
0x10d: {  	v17 =	vshll.u32 v17, $0x7;
	v19 =	vadd.s32 v12, v16  }
0x10e: {  	s20 =	sadd.s32 $0xFFFFFFFB, s17;
	v20 =	vadd.s32 v12, v17  }
0x10f: {  	v21 =	vadd.s32 s20, v14;
	v22 =	vadd.s32 v10, v17  }
0x110: {  	v23 =	vshll.u32 v21, $0x7;
	v24 =	vor.u32 v9, v17  }
0x111: {  	v26 =	vadd.s32 v10, v23;
	v25 =	vld.idx.msk [tilespmem:v18+s2+$0x0], $0xffff  }
0x112: {  	v33 =	vor.u32 v9, v23;
	v27 =	vld.idx.msk [tilespmem:v19+s2+$0x0], $0xffff  }
0x113: {  	v31 =	vadd.s32 v13, v17;
	v28 =	vld.idx.msk [tilespmem:v20+s2+$0x0], $0xffff  }
0x114: {  	v29 =	vld.idx.msk [tilespmem:v22+s2+$0x0], $0xffff  }
0x115: {  	v62 =	vadd.s32 s17, v14;
	v21 =	vadd.s32 v10, v16;
	v34 =	vld.idx.msk [tilespmem:v24+s2+$0x0], $0xffff  }
0x116: {  	v63 =	vshll.u32 v62, $0x7;
	v18 =	vadd.s32 v13, v23;
	v41 =	vld.idx.msk [tilespmem:v26+s2+$0x0], $0xffff  }
0x117: {  	v57 =	vadd.s32 v12, v63;
	v19 =	vor.u32 v9, v16;
	v33 =	vld.idx.msk [tilespmem:v33+s2+$0x0], $0xffff  }
0x118: {  	v58 =	vadd.s32 v13, v63;
	v49 =	vor.u32 v9, v63;
	v16 =	vadd.s32 v11, v16;
	v31 =	vld.idx.msk [tilespmem:v31+s2+$0x0], $0xffff  }
0x119: {  	v50 =	vadd.s32 v11, v63;
	v17 =	vadd.s32 v11, v17;
	v20 =	vadd.s32 s19, v15  }
0x11a: {  	v35 =	vadd.s32 v12, v23;
	v37 =	vadd.s32 v11, v23;
	v30 =	vld.idx.msk [tilespmem:v21+s2+$0x0], $0xffff;
	v20 =	vshll.u32 v20, $0x7  }
0x11b: {  	v39 =	vor.u32 v9, v20;
	v32 =	vld.idx.msk [tilespmem:v18+s2+$0x0], $0xffff;
	v18 =	vadd.s32 s18, v15;
	v40 =	vmax.f32 v27, v25  }
0x11c: {  	v36 =	vld.idx.msk [tilespmem:v19+s2+$0x0], $0xffff;
	v27 =	vmin.f32 v27, v25;
	v43 =	vmin.f32 v34, v29;
	v56 =	vmin.f32 v33, v41  }
0x11d: {  	v38 =	vld.idx.msk [tilespmem:v16+s2+$0x0], $0xffff;
	v51 =	vmax.f32 v28, v31;
	v21 =	vshll.u32 v18, $0x7;
	v18 =	vadd.s32 s20, v15  }
0x11e: {  	v61 =	vld.idx.msk [tilespmem:v17+s2+$0x0], $0xffff;
	v31 =	vmin.f32 v28, v31;
	v23 =	vshll.u32 v18, $0x7;
	v18 =	vadd.s32 v12, v21  }
0x11f: {  	v16 =	vadd.s32 v13, v23;
	v19 =	vadd.s32 v12, v23;
	v42 =	vor.u32 v9, v23  }
0x120: {  	v24 =	vadd.s32 v11, v23;
	v26 =	vadd.s32 v10, v23;
	v23 =	vmax.f32 v34, v29;
	v29 =	vld.idx.msk [tilespmem:v35+s2+$0x0], $0xffff  }
0x121: {  	v22 =	vadd.s32 v11, v21;
	v34 =	vmin.f32 v36, v30;
	v44 =	vmax.f32 v36, v30;
	v30 =	vld.idx.msk [tilespmem:v37+s2+$0x0], $0xffff  }
0x122: {  	v25 =	vadd.s32 v10, v21;
	v35 =	vadd.s32 v10, v63;
	v45 =	vmax.f32 v38, v40  }
0x123: {  	v60 =	vmin.f32 v38, v40;
	v36 =	vmin.f32 v61, v51;
	v17 =	vmax.f32 v44, v45  }
0x124: {  	v46 =	vmin.f32 v60, v27;
	v47 =	vmax.f32 v60, v27;
	v27 =	vmax.f32 v61, v51  }
0x125: {  	v60 =	vadd.s32 v10, v20;
	v55 =	vmin.f32 v34, v47;
	v48 =	vmax.f32 v29, v32  }
0x126: {  	v29 =	vmin.f32 v29, v32;
	v59 =	vmin.f32 v30, v48;
	v28 =	vmax.f32 v30, v48  }
0x127: {  	v48 =	vmin.f32 v36, v31;
	v31 =	vmax.f32 v36, v31;
	v30 =	vadd.s32 v11, v20  }
0x128: {  	v36 =	vmax.f32 v33, v41;
	v52 =	vmax.f32 v59, v29;
	v32 =	vmin.f32 v59, v29  }
0x129: {  	v54 =	vld.idx.msk [tilespmem:v58+s2+$0x0], $0xffff;
	v29 =	vmin.f32 v23, v27;
	v62 =	vmin.f32 v43, v31;
	v31 =	vmax.f32 v43, v31  }
0x12a: {  	v49 =	vld.idx.msk [tilespmem:v49+s2+$0x0], $0xffff;
	v43 =	vmin.f32 v36, v28;
	v59 =	vadd.s32 s17, v15;
	v61 =	vmin.f32 v56, v52  }
0x12b: {  	v53 =	vmax.f32 v56, v52;
	v52 =	vor.u32 v9, v21;
	v56 =	vld.idx.msk [tilespmem:v57+s2+$0x0], $0xffff;
	v37 =	vmin.f32 v61, v32  }
0x12c: {  	v63 =	vmin.f32 v62, v48;
	v38 =	vmin.f32 v29, v31;
	[tilespmem:v42+s8+$0x0] =	vst.idx.msk $0xffff, v37;
	v42 =	vld.idx.msk [tilespmem:v50+s2+$0x0], $0xffff  }
0x12d: {  	v57 =	vmin.f32 v55, v46;
	v40 =	vmax.f32 v61, v32;
	v37 =	vmax.f32 v62, v48;
	v48 =	vld.idx.msk [tilespmem:v35+s2+$0x0], $0xffff  }
0x12e: {  	v33 =	vmax.f32 v43, v53;
	v32 =	vmax.f32 v34, v47;
	v34 =	vmin.f32 v44, v45  }
0x12f: {  	s16 =	sadd.s32 $0x4, s16;
	[tilespmem:v39+s8+$0x0] =	vst.idx.msk $0xffff, v63;
	v39 =	vshll.u32 v59, $0x7;
	v35 =	vmax.f32 v55, v46;
	v58 =	vmin.f32 v38, v37  }
0x130: {  	p0 =	slt.s32 s16, s14;
	v45 =	vadd.s32 v10, v39;
	v41 =	vmin.f32 v34, v32;
	[tilespmem:v60+s8+$0x0] =	vst.idx.msk $0xffff, v58  }
.Ltmp10:
0x131: {  	v60 =	vmin.f32 v56, v54;
	v61 =	vmax.f32 v56, v54;
	[tilespmem:v52+s8+$0x0] =	vst.idx.msk $0xffff, v57;
	(pc) =	sbr.rel @!p0 .LBB2_12-.Ltmp10, $4  }
0x132: {  	v62 =	vmin.f32 v42, v61;
	v44 =	vmax.f32 v42, v61;
	v51 =	vmin.f32 v49, v48  }
0x133: {  	v47 =	vmax.f32 v49, v48;
	v48 =	vmin.f32 v43, v53;
	v50 =	vmax.f32 v62, v60  }
0x134: {  	v63 =	vmin.f32 v62, v60;
	v43 =	vmin.f32 v47, v44;
	v46 =	vmin.f32 v51, v50  }
0x135: {  	s17 =	sadd.s32 $0x14, s17;
	v42 =	vmax.f32 v48, v40;
	v49 =	vmin.f32 v46, v63;
	v46 =	vmax.f32 v46, v63  }
.LBB2_11:
0x136: {  	s18 =	sadd.s32 $0xFFFFFFF1, s17;
	s19 =	sadd.s32 $0xFFFFFFF6, s17;
	s20 =	sadd.s32 $0xFFFFFFFB, s17;
	v50 =	vmax.f32 v51, v50;
	v44 =	vmax.f32 v47, v44;
	v47 =	vor.u32 v9, v39  }
0x137: {  	s16 =	sadd.s32 $0x4, s16;
	v51 =	vadd.s32 s18, v14;
	v52 =	vadd.s32 s19, v14;
	v53 =	vmin.f32 v43, v50  }
0x138: {  	v54 =	vadd.s32 s20, v14;
	p0 =	slt.s32 s16, s14;
	v51 =	vshll.u32 v51, $0x7;
	v52 =	vshll.u32 v52, $0x7  }
0x139: {  	v57 =	vmax.f32 v41, v35;
	v55 =	vadd.s32 v12, v51;
	v56 =	vadd.s32 v13, v51  }
0x13a: {  	v58 =	vadd.s32 s19, v15;
	v60 =	vmin.f32 v53, v46;
	v59 =	vadd.s32 v13, v52  }
0x13b: {  	v58 =	vshll.u32 v58, $0x7;
	v61 =	vadd.s32 v11, v51;
	v62 =	vadd.s32 v11, v52;
	[tilespmem:v47+s8+$0x0] =	vst.idx.msk $0xffff, v49  }
0x13c: {  	v40 =	vmin.f32 v48, v40;
	v47 =	vadd.s32 s18, v15;
	v49 =	vshll.u32 v54, $0x7;
	[tilespmem:v45+s8+$0x0] =	vst.idx.msk $0xffff, v60  }
0x13d: {  	v48 =	vadd.s32 v12, v52;
	v45 =	vor.u32 v9, v51;
	v47 =	vshll.u32 v47, $0x7;
	[tilespmem:v26+s8+$0x0] =	vst.idx.msk $0xffff, v40  }
0x13e: {  	v46 =	vmax.f32 v53, v46;
	v26 =	vor.u32 v9, v52;
	v52 =	vadd.s32 v10, v52;
	v40 =	vld.idx.msk [tilespmem:v56+s2+$0x0], $0xffff  }
0x13f: {  	v43 =	vmax.f32 v43, v50;
	v51 =	vadd.s32 v10, v51;
	v54 =	vadd.s32 v12, v49;
	v53 =	vld.idx.msk [tilespmem:v55+s2+$0x0], $0xffff  }
0x140: {  	v60 =	vadd.s32 v11, v39;
	v56 =	vadd.s32 v13, v49;
	v55 =	vadd.s32 v11, v49;
	v50 =	vld.idx.msk [tilespmem:v62+s2+$0x0], $0xffff  }
0x141: {  	v63 =	vor.u32 v9, v49;
	v49 =	vadd.s32 v10, v49;
	v62 =	vadd.s32 s20, v15  }
0x142: {  	v37 =	vmax.f32 v38, v37;
	v28 =	vmax.f32 v36, v28;
	v36 =	vadd.s32 v12, v39;
	v48 =	vld.idx.msk [tilespmem:v48+s2+$0x0], $0xffff  }
0x143: {  	v27 =	vmax.f32 v23, v27;
	v38 =	vld.idx.msk [tilespmem:v52+s2+$0x0], $0xffff;
	v52 =	vshll.u32 v62, $0x7;
	[tilespmem:v24+s8+$0x0] =	vst.idx.msk $0xffff, v42  }
0x144: {  	v23 =	vmax.f32 v29, v31;
	v42 =	vld.idx.msk [tilespmem:v51+s2+$0x0], $0xffff;
	v51 =	vadd.s32 v12, v47;
	[tilespmem:v30+s8+$0x0] =	vst.idx.msk $0xffff, v37  }
0x145: {  	v24 =	vmin.f32 v41, v35;
	v30 =	vadd.s32 v13, v39;
	v29 =	vld.idx.msk [tilespmem:v56+s2+$0x0], $0xffff;
	[tilespmem:v60+s8+$0x0] =	vst.idx.msk $0xffff, v46  }
0x146: {  	v32 =	vmax.f32 v34, v32;
	v31 =	vld.idx.msk [tilespmem:v26+s2+$0x0], $0xffff;
	[tilespmem:v25+s8+$0x0] =	vst.idx.msk $0xffff, v24;
	v25 =	vadd.s32 v12, v20  }
0x147: {  	v21 =	vadd.s32 v13, v21;
	v35 =	vadd.s32 v13, v20;
	v34 =	vld.idx.msk [tilespmem:v45+s2+$0x0], $0xffff;
	[tilespmem:v19+s8+$0x0] =	vst.idx.msk $0xffff, v33  }
0x148: {  	v33 =	vadd.s32 v11, v47;
	v20 =	vld.idx.msk [tilespmem:v61+s2+$0x0], $0xffff;
	[tilespmem:v16+s8+$0x0] =	vst.idx.msk $0xffff, v28;
	v16 =	vadd.s32 v13, v52  }
0x149: {  	v39 =	vor.u32 v9, v58;
	v19 =	vadd.s32 v12, v52;
	v41 =	vld.idx.msk [tilespmem:v49+s2+$0x0], $0xffff;
	[tilespmem:v22+s8+$0x0] =	vst.idx.msk $0xffff, v57  }
0x14a: {  	v37 =	vor.u32 v9, v52;
	v24 =	vadd.s32 v11, v52;
	v28 =	vld.idx.msk [tilespmem:v59+s2+$0x0], $0xffff;
	[tilespmem:v36+s8+$0x0] =	vst.idx.msk $0xffff, v43  }
0x14b: {  	v26 =	vadd.s32 v10, v52;
	v22 =	vmax.f32 v53, v40;
	v36 =	vld.idx.msk [tilespmem:v63+s2+$0x0], $0xffff;
	[tilespmem:v25+s8+$0x0] =	vst.idx.msk $0xffff, v23  }
0x14c: {  	v40 =	vmin.f32 v53, v40;
	v43 =	vmin.f32 v31, v38;
	v23 =	vmax.f32 v31, v38;
	v31 =	vld.idx.msk [tilespmem:v54+s2+$0x0], $0xffff  }
0x14d: {  	v45 =	vmin.f32 v34, v42;
	v34 =	vmax.f32 v34, v42;
	v38 =	vld.idx.msk [tilespmem:v55+s2+$0x0], $0xffff;
	[tilespmem:v18+s8+$0x0] =	vst.idx.msk $0xffff, v32  }
0x14e: {  	v18 =	vmin.f32 v20, v22;
	v42 =	vmax.f32 v20, v22;
	v20 =	vmov v58;
	[tilespmem:v21+s8+$0x0] =	vst.idx.msk $0xffff, v17  }
0x14f: {  	v2 =	vadd.s32 s17, v14;
	v25 =	vadd.s32 v10, v47;
	v17 =	vmax.f32 v34, v42;
	[tilespmem:v35+s8+$0x0] =	vst.idx.msk $0xffff, v27  }
0x150: {  	v32 =	vmin.f32 v18, v40;
	v46 =	vmax.f32 v18, v40;
	v35 =	vshll.u32 v2, $0x7;
	[tilespmem:v30+s8+$0x0] =	vst.idx.msk $0xffff, v44  }
0x151: {  	v21 =	vmovc v47;
	v30 =	vmin.f32 v36, v41;
	v40 =	vadd.s32 v12, v35;
	v44 =	vadd.s32 v13, v35  }
0x152: {  	v49 =	vor.u32 v9, v35;
	v52 =	vadd.s32 v11, v35;
	v18 =	vmovc v51;
	v47 =	vmax.f32 v31, v29  }
0x153: {  	v22 =	vmovc v33;
	v51 =	vmax.f32 v48, v28;
	v29 =	vmin.f32 v31, v29;
	v31 =	vmin.f32 v38, v47  }
0x154: {  	v35 =	vadd.s32 v10, v35;
	v27 =	vmax.f32 v50, v51;
	v33 =	vmax.f32 v31, v29  }
0x155: {  	v48 =	vmin.f32 v48, v28;
	v50 =	vmin.f32 v50, v51;
	v28 =	vmax.f32 v38, v47  }
0x156: {  	v38 =	vmin.f32 v50, v48;
	v47 =	vmax.f32 v50, v48;
	v48 =	vmax.f32 v30, v33;
	v44 =	vld.idx.msk [tilespmem:v44+s2+$0x0], $0xffff  }
0x157: {  	v50 =	vadd.s32 v10, v20;
	v31 =	vmin.f32 v31, v29;
	v33 =	vmin.f32 v30, v33;
	v51 =	vld.idx.msk [tilespmem:v40+s2+$0x0], $0xffff  }
0x158: {  	v53 =	vor.u32 v9, v21;
	v30 =	vadd.s32 v11, v20;
	v54 =	vmin.f32 v33, v31;
	v52 =	vld.idx.msk [tilespmem:v52+s2+$0x0], $0xffff  }
0x159: {  	v55 =	vmin.f32 v45, v46;
	v29 =	vmin.f32 v23, v27;
	v40 =	vmax.f32 v33, v31;
	v56 =	vld.idx.msk [tilespmem:v35+s2+$0x0], $0xffff  }
0x15a: {  	v33 =	vmin.f32 v43, v47;
	v31 =	vmax.f32 v43, v47;
	[tilespmem:v37+s8+$0x0] =	vst.idx.msk $0xffff, v54;
	v43 =	vld.idx.msk [tilespmem:v49+s2+$0x0], $0xffff  }
0x15b: {  	v36 =	vmax.f32 v36, v41;
	v35 =	vmin.f32 v33, v38;
	v37 =	vmax.f32 v33, v38  }
0x15c: {  	v38 =	vmin.f32 v29, v31;
	v49 =	vmin.f32 v36, v28;
	[tilespmem:v39+s8+$0x0] =	vst.idx.msk $0xffff, v35  }
0x15d: {  	v33 =	vmax.f32 v49, v48;
	v39 =	vmin.f32 v55, v32;
	v35 =	vmax.f32 v55, v32  }
0x15e: {  	v34 =	vmin.f32 v34, v42;
	v41 =	vmin.f32 v38, v37;
	v32 =	vmax.f32 v45, v46  }
0x15f: {  	v42 =	vmin.f32 v51, v44;
	v44 =	vmax.f32 v51, v44;
	[tilespmem:v50+s8+$0x0] =	vst.idx.msk $0xffff, v41;
	v41 =	vadd.s32 s17, v15  }
.Ltmp11:
0x160: {  	v45 =	vmin.f32 v52, v44;
	v44 =	vmax.f32 v52, v44;
	[tilespmem:v53+s8+$0x0] =	vst.idx.msk $0xffff, v39;
	v39 =	vshll.u32 v41, $0x7;
	(pc) =	sbr.rel @p0 .LBB2_11-.Ltmp11, $4  }
0x161: {  	v46 =	vmin.f32 v45, v42;
	v50 =	vmax.f32 v45, v42;
	v45 =	vadd.s32 v10, v39  }
0x162: {  	v51 =	vmin.f32 v43, v56;
	v47 =	vmax.f32 v43, v56;
	v41 =	vmin.f32 v34, v32  }
0x163: {  	v48 =	vmin.f32 v49, v48;
	v52 =	vmin.f32 v51, v50;
	v43 =	vmin.f32 v47, v44  }
0x164: {  	v42 =	vmax.f32 v48, v40;
	s17 =	sadd.s32 $0x14, s17;
	v49 =	vmin.f32 v52, v46;
	v46 =	vmax.f32 v52, v46  }
.LBB2_12:
0x165: {  	_ =	sdelay $0x2  }
0x166: {  	v40 =	vmin.f32 v48, v40  }
0x167: {  	v52 =	vor.u32 v9, v39;
	v54 =	vmax.f32 v38, v37;
	[tilespmem:v26+s8+$0x0] =	vst.idx.msk $0xffff, v40  }
0x168: {  	v57 =	vmin.f32 v41, v35;
	[tilespmem:v30+s8+$0x0] =	vst.idx.msk $0xffff, v54  }
0x169: {  	[tilespmem:v25+s8+$0x0] =	vst.idx.msk $0xffff, v57  }
0x16a: {  	v58 =	vadd.s32 v12, v20;
	v60 =	vmax.f32 v41, v35;
	[tilespmem:v24+s8+$0x0] =	vst.idx.msk $0xffff, v42  }
0x16b: {  	[tilespmem:v22+s8+$0x0] =	vst.idx.msk $0xffff, v60  }
0x16c: {  	v50 =	vmax.f32 v51, v50;
	[tilespmem:v52+s8+$0x0] =	vst.idx.msk $0xffff, v49;
	v52 =	vadd.s32 v11, v39  }
0x16d: {  	v56 =	vadd.s32 v12, v39;
	v59 =	vmax.f32 v36, v28;
	[tilespmem:v19+s8+$0x0] =	vst.idx.msk $0xffff, v33  }
0x16e: {  	v62 =	vmax.f32 v29, v31;
	v51 =	vmin.f32 v43, v50;
	[tilespmem:v16+s8+$0x0] =	vst.idx.msk $0xffff, v59  }
0x16f: {  	v21 =	vadd.s32 v13, v21;
	v53 =	vmin.f32 v51, v46;
	[tilespmem:v58+s8+$0x0] =	vst.idx.msk $0xffff, v62  }
0x170: {  	v61 =	vadd.s32 v13, v20;
	v55 =	vmax.f32 v51, v46;
	[tilespmem:v45+s8+$0x0] =	vst.idx.msk $0xffff, v53  }
0x171: {  	v63 =	vadd.s32 v13, v39;
	v16 =	vmax.f32 v43, v50;
	[tilespmem:v52+s8+$0x0] =	vst.idx.msk $0xffff, v55  }
0x172: {  	[tilespmem:v56+s8+$0x0] =	vst.idx.msk $0xffff, v16;
	v16 =	vmax.f32 v34, v32  }
0x173: {  	[tilespmem:v18+s8+$0x0] =	vst.idx.msk $0xffff, v16  }
0x174: {  	v16 =	vmax.f32 v23, v27;
	[tilespmem:v21+s8+$0x0] =	vst.idx.msk $0xffff, v17  }
0x175: {  	v17 =	vmax.f32 v47, v44;
	[tilespmem:v61+s8+$0x0] =	vst.idx.msk $0xffff, v16  }
0x176: {  	[tilespmem:v63+s8+$0x0] =	vst.idx.msk $0xffff, v17  }
.LBB2_13:
0x177: {  	p0 =	sgt.s32 s14, s12  }
.Ltmp12:
0x178: {  	_ = 	snop;
	(pc) =	sbr.rel @p0 .LBB2_16-.Ltmp12, $1  }
0x179: {  	_ =	sdelay $0x3  }
0x17a: {  	s13 =	ssub.s32 s13, s15;
	s14 =	smul.u32 $0x5, s14  }
0x17b: {  	s13 =	ssub.s32 s12, s13  }
.LBB2_15:
0x17c: {  	v16 =	vadd.s32 s14, v14  }
0x17d: {  	v16 =	vshll.u32 v16, $0x7  }
0x17e: {  	v17 =	vor.u32 v9, v16  }
0x17f: {  	v18 =	vadd.s32 v10, v16  }
0x180: {  	v19 =	vadd.s32 v12, v16  }
0x181: {  	v20 =	vadd.s32 v13, v16  }
0x182: {  	v16 =	vadd.s32 v11, v16  }
0x183: {  	v17 =	vld.idx.msk [tilespmem:v17+s2+$0x0], $0xffff  }
0x184: {  	v18 =	vld.idx.msk [tilespmem:v18+s2+$0x0], $0xffff  }
0x185: {  	v19 =	vld.idx.msk [tilespmem:v19+s2+$0x0], $0xffff  }
0x186: {  	v20 =	vld.idx.msk [tilespmem:v20+s2+$0x0], $0xffff  }
0x187: {  	v21 =	vadd.s32 s14, v15;
	v16 =	vld.idx.msk [tilespmem:v16+s2+$0x0], $0xffff  }
0x188: {  	v56 =	vshll.u32 v21, $0x7  }
0x189: {  	v58 =	vor.u32 v9, v56  }
0x18a: {  	v59 =	vadd.s32 v10, v56;
	v60 =	vadd.s32 v11, v56;
	v27 =	vadd.s32 v12, v56  }
0x18b: {  	v22 =	vmin.f32 v17, v18;
	v55 =	vmin.f32 v19, v20;
	v19 =	vmax.f32 v19, v20  }
0x18c: {  	v17 =	vmax.f32 v17, v18;
	v20 =	vadd.s32 v13, v56;
	v57 =	vmin.f32 v16, v19  }
0x18d: {  	v16 =	vmax.f32 v16, v19;
	v23 =	vmin.f32 v57, v55;
	v18 =	vmax.f32 v57, v55  }
0x18e: {  	s13 =	sadd.s32 $0x1, s13;
	v26 =	vmin.f32 v17, v16;
	v24 =	vmin.f32 v22, v18;
	v18 =	vmax.f32 v22, v18  }
0x18f: {  	p0 =	slt.s32 s13, s12;
	v25 =	vmin.f32 v24, v23;
	v23 =	vmax.f32 v24, v23;
	v61 =	vmin.f32 v26, v18  }
.Ltmp13:
0x190: {  	[tilespmem:v58+s8+$0x0] =	vst.idx.msk $0xffff, v25;
	v62 =	vmin.f32 v61, v23;
	(pc) =	sbr.rel @p0 .LBB2_15-.Ltmp13, $4  }
0x191: {  	v63 =	vmax.f32 v61, v23;
	[tilespmem:v59+s8+$0x0] =	vst.idx.msk $0xffff, v62  }
0x192: {  	v18 =	vmax.f32 v26, v18;
	[tilespmem:v60+s8+$0x0] =	vst.idx.msk $0xffff, v63  }
0x193: {  	v16 =	vmax.f32 v17, v16;
	[tilespmem:v27+s8+$0x0] =	vst.idx.msk $0xffff, v18  }
0x194: {  	s14 =	sadd.s32 $0x5, s14;
	[tilespmem:v20+s8+$0x0] =	vst.idx.msk $0xffff, v16  }
.Ltmp14:
0x195: {  	_ = 	snop;
	(pc) =	sbr.rel .LBB2_16-.Ltmp14, $1  }
0x196: {  	_ =	sdelay $0x3  }
.LBB2_17:
0x197: {  	[hbm4b:s25+s3] =	stream.strided.scatter [tilespmem:s9], [sflag:$0x1], $0x8000, s4, s3, $0x38;
	[tilespmem:$0x13400] =	vst v63  }
0x198: {  	_ =	swait.ge [sflag:s5], $0x8000  }
0x199: {  	[sflag:s5] =	ssyncset.done $0x0  }
0x19a: {  	s11 =	simm.s32 $0x0;
	s12 =	rddreg [dreg:$0x5];
	[sflag:s5] =	ssyncadd.s32 $0xFFFF8000  }
0x19b: {  	[tilespmem:s11], [sflag:$0x1] =	stream.strided.gather [hbm4b:s12+s3], $0x1000, s4, s3, $0x38;
	[tilespmem:$0x13400] =	vst v63  }
0x19c: {  	_ =	swait.ge [sflag:s5], $0x1000  }
0x19d: {  	[sflag:s5] =	ssyncset.done $0x0  }
0x19e: {  	s21 =	rddreg [dreg:$0x6];
	[sflag:s5] =	ssyncadd.s32 $0xFFFFF000  }
0x19f: {  	[tilespmem:s6], [sflag:$0x1] =	stream.strided.gather [hbm4b:s21+s3], $0x8000, s4, s3, $0x38;
	[tilespmem:$0x13400] =	vst v63  }
0x1a0: {  	_ =	swait.ge [sflag:s5], $0x8000  }
0x1a1: {  	[sflag:s5] =	ssyncset.done $0x0  }
.Ltmp15:
0x1a2: {  	s22 =	rddreg [dreg:$0x7];
	[sflag:s5] =	ssyncadd.s32 $0xFFFF8000;
	(pc) =	sbr.rel .LBB2_18-.Ltmp15, $4  }
0x1a3: {  	[tilespmem:s7], [sflag:$0x1] =	stream.strided.gather [hbm4b:s22+s3], $0xC00, s4, s3, $0x38;
	[tilespmem:$0x13400] =	vst v63  }
0x1a4: {  	_ =	swait.ge [sflag:s5], $0xC00  }
0x1a5: {  	[sflag:s5] =	ssyncset.done $0x0  }
0x1a6: {  	[sflag:s5] =	ssyncadd.s32 $0xFFFFF400  }
.LBB2_32:
0x1a7: {  	s11 =	sadd.s32 $0x1, s11  }
0x1a8: {  	p0 =	sne.s32 s11, $0x8  }
.Ltmp16:
0x1a9: {  	_ = 	snop;
	(pc) =	sbr.rel @!p0 .LBB2_33-.Ltmp16, $1  }
0x1aa: {  	_ =	sdelay $0x3  }
.LBB2_18:
0x1ab: {  	s19 =	sshll.u32 s11, $0x4  }
0x1ac: {  	s12 =	ssub.s32 s1, s19  }
0x1ad: {  	s15 =	ssub.s32 s29, s19;
	s13 =	sadd.s32 $0xFFFFFF71, s12  }
0x1ae: {  	s16 =	sadd.s32 $0xFFFFFF7F, s15;
	s14 =	smulhi.u32 $0x66666667, s13  }
0x1af: {  	s13 =	sshra.s32 s13, $0x1F;
	s17 =	smulhi.u32 $0x66666667, s16  }
0x1b0: {  	s18 =	sshra.s32 s16, $0x1F;
	s13 =	smul.u32 $0x66666667, s13  }
0x1b1: {  	s18 =	smul.u32 $0x66666667, s18  }
0x1b2: {  	s13 =	sadd.s32 s13, s14  }
0x1b3: {  	s17 =	sadd.s32 s18, s17;
	s14 =	sshrl.u32 s13, $0x1F;
	s13 =	sshra.s32 s13, $0x1  }
0x1b4: {  	s20 =	sshrl.u32 s17, $0x1F;
	s17 =	sshra.s32 s17, $0x1;
	s13 =	sadd.s32 s14, s13  }
0x1b5: {  	s14 =	sadd.s32 s20, s17;
	s21 =	smul.u32 $0xFFFFFFFB, s13  }
0x1b6: {  	s20 =	smul.u32 $0xFFFFFFFB, s14  }
0x1b7: {  	s22 =	ssub.s32 $0x8F, s12;
	p1 =	slt.s32 s12, $0x8F;
	s15 =	ssub.s32 $0x81, s15  }
0x1b8: {  	p6 =	slt.s32 s16, $0x1;
	p0 =	sne.s32 s21, s22;
	p2 =	sne.s32 s20, s15  }
0x1b9: {  	s16 =	simm.s32 $0x1;
	p0 =	por !p1, !p0;
	p1 =	por !p6, !p2  }
0x1ba: {  	s15 =	simm.s32 $0x1;
	p0 =	por !p0, !p0;
	p1 =	por !p1, !p1  }
0x1bb: {  	s15 =	simm.s32 @!p0 $0x0;
	s16 =	simm.s32 @!p1 $0x0  }
0x1bc: {  	s18 =	ssub.s32 s13, s15;
	s14 =	ssub.s32 s14, s16  }
0x1bd: {  	p0 =	sgt.s32 s18, $0x0;
	p1 =	slt.s32 s14, $0x198  }
0x1be: {  	s18 =	simm.s32 @!p0 $0x0;
	s14 =	simm.s32 @!p1 $0x198  }
0x1bf: {  	s21 =	ssub.s32 s14, s18  }
0x1c0: {  	s15 =	sadd.s32 $0x1, s21  }
0x1c1: {  	s13 =	sshra.s32 s15, $0x1F  }
0x1c2: {  	s22 =	sshrl.u32 s13, $0x1E  }
0x1c3: {  	s16 =	sadd.s32 s22, s15  }
0x1c4: {  	v0 =	vlaneseq.u32;
	s13 =	sor.u32 $0x80, s19;
	s16 =	sand.u32 $0xFFFFFFFC, s16  }
0x1c5: {  	v9 =	vor.u32 s19, v0;
	v14 =	vor.u32 s13, v0;
	v0 =	vld [tilespmem:$0x1FFF0];
	p0 =	slt.s32 s16, $0x1  }
.Ltmp17:
0x1c6: {  	_ = 	snop;
	(pc) =	sbr.rel @p0 .LBB2_22-.Ltmp17, $3  }
0x1c7: {  	_ =	sdelay $0x1  }
0x1c8: {  	v10 =	vadd.s32 s19, v5;
	v11 =	vadd.s32 s19, v6;
	v12 =	vadd.s32 s19, v7  }
0x1c9: {  	v13 =	vadd.s32 s19, v8;
	v16 =	vadd.s32 v1, v14;
	s17 =	sadd.s32 s18, s16;
	v15 =	vadd.s32 v0, v14  }
0x1ca: {  	s19 =	smul.u32 $0x5, s18;
	_ =	sdelay $0x1  }
0x1cb: {  	s19 =	sadd.s32 $0xF, s19  }
0x1cc: {  	s20 =	sadd.s32 $0xFFFFFFF1, s19  }
0x1cd: {  	v17 =	vadd.s32 s20, v15  }
0x1ce: {  	s21 =	sadd.s32 $0xFFFFFFF6, s19;
	v17 =	vshll.u32 v17, $0x7  }
0x1cf: {  	v18 =	vadd.s32 s21, v15;
	v19 =	vadd.s32 v13, v17  }
0x1d0: {  	v18 =	vshll.u32 v18, $0x7;
	v20 =	vadd.s32 v12, v17  }
0x1d1: {  	s22 =	sadd.s32 $0xFFFFFFFB, s19;
	v21 =	vadd.s32 v12, v18  }
0x1d2: {  	v22 =	vadd.s32 s22, v15;
	v23 =	vadd.s32 v10, v18  }
0x1d3: {  	v24 =	vshll.u32 v22, $0x7;
	v25 =	vor.u32 v9, v18  }
0x1d4: {  	v27 =	vadd.s32 v10, v24;
	v26 =	vld.idx.msk [tilespmem:v19+s2+$0x0], $0xffff  }
0x1d5: {  	v32 =	vadd.s32 v13, v18;
	v28 =	vld.idx.msk [tilespmem:v20+s2+$0x0], $0xffff  }
0x1d6: {  	v34 =	vor.u32 v9, v24;
	v29 =	vld.idx.msk [tilespmem:v21+s2+$0x0], $0xffff  }
0x1d7: {  	v22 =	vadd.s32 v10, v17;
	v30 =	vld.idx.msk [tilespmem:v23+s2+$0x0], $0xffff  }
0x1d8: {  	v60 =	vadd.s32 s19, v15;
	v19 =	vadd.s32 v13, v24;
	v35 =	vld.idx.msk [tilespmem:v25+s2+$0x0], $0xffff  }
0x1d9: {  	v61 =	vshll.u32 v60, $0x7;
	v20 =	vor.u32 v9, v17;
	v42 =	vld.idx.msk [tilespmem:v27+s2+$0x0], $0xffff  }
0x1da: {  	v63 =	vadd.s32 v12, v61;
	v58 =	vadd.s32 v13, v61;
	v50 =	vor.u32 v9, v61;
	v32 =	vld.idx.msk [tilespmem:v32+s2+$0x0], $0xffff  }
0x1db: {  	v51 =	vadd.s32 v11, v61;
	v17 =	vadd.s32 v11, v17;
	v21 =	vadd.s32 s21, v16;
	v34 =	vld.idx.msk [tilespmem:v34+s2+$0x0], $0xffff  }
0x1dc: {  	v18 =	vadd.s32 v11, v18;
	v36 =	vadd.s32 v12, v24;
	v31 =	vld.idx.msk [tilespmem:v22+s2+$0x0], $0xffff;
	v21 =	vshll.u32 v21, $0x7  }
0x1dd: {  	v38 =	vadd.s32 v11, v24;
	v40 =	vor.u32 v9, v21;
	v60 =	vadd.s32 v10, v21;
	v33 =	vld.idx.msk [tilespmem:v19+s2+$0x0], $0xffff  }
0x1de: {  	v19 =	vadd.s32 s20, v16;
	v37 =	vld.idx.msk [tilespmem:v20+s2+$0x0], $0xffff;
	v41 =	vmax.f32 v28, v26;
	v28 =	vmin.f32 v28, v26  }
0x1df: {  	v44 =	vmin.f32 v35, v30;
	v22 =	vshll.u32 v19, $0x7;
	v19 =	vadd.s32 s22, v16  }
0x1e0: {  	v39 =	vld.idx.msk [tilespmem:v17+s2+$0x0], $0xffff;
	v62 =	vmin.f32 v34, v42;
	v52 =	vmax.f32 v29, v32;
	v24 =	vshll.u32 v19, $0x7  }
0x1e1: {  	v57 =	vld.idx.msk [tilespmem:v18+s2+$0x0], $0xffff;
	v17 =	vadd.s32 v13, v24;
	v20 =	vadd.s32 v12, v24;
	v43 =	vor.u32 v9, v24  }
0x1e2: {  	v25 =	vadd.s32 v11, v24;
	v27 =	vadd.s32 v10, v24;
	v24 =	vmax.f32 v35, v30;
	v30 =	vld.idx.msk [tilespmem:v36+s2+$0x0], $0xffff  }
0x1e3: {  	v32 =	vmin.f32 v29, v32;
	v35 =	vmin.f32 v37, v31;
	v45 =	vmax.f32 v37, v31;
	v31 =	vld.idx.msk [tilespmem:v38+s2+$0x0], $0xffff  }
0x1e4: {  	v19 =	vadd.s32 v12, v22;
	v23 =	vadd.s32 v11, v22;
	v26 =	vadd.s32 v10, v22  }
0x1e5: {  	v36 =	vadd.s32 v10, v61;
	v56 =	vmin.f32 v39, v41;
	v46 =	vmax.f32 v39, v41  }
0x1e6: {  	v37 =	vmin.f32 v57, v52;
	v18 =	vmax.f32 v45, v46;
	v47 =	vmin.f32 v56, v28  }
0x1e7: {  	v48 =	vmax.f32 v56, v28;
	v28 =	vmax.f32 v57, v52;
	v49 =	vmax.f32 v30, v33  }
0x1e8: {  	v56 =	vmin.f32 v35, v48;
	v30 =	vmin.f32 v30, v33;
	v59 =	vmin.f32 v31, v49  }
0x1e9: {  	v29 =	vmax.f32 v31, v49;
	v49 =	vmin.f32 v37, v32;
	v32 =	vmax.f32 v37, v32  }
0x1ea: {  	v55 =	vld.idx.msk [tilespmem:v58+s2+$0x0], $0xffff;
	v31 =	vadd.s32 v11, v21;
	v37 =	vmax.f32 v34, v42;
	v53 =	vmax.f32 v59, v30  }
0x1eb: {  	v57 =	vld.idx.msk [tilespmem:v63+s2+$0x0], $0xffff;
	v33 =	vmin.f32 v59, v30;
	v30 =	vmin.f32 v24, v28;
	v54 =	vmax.f32 v62, v53  }
0x1ec: {  	v61 =	vmin.f32 v62, v53;
	v53 =	vor.u32 v9, v22;
	v62 =	vmin.f32 v44, v32  }
0x1ed: {  	v50 =	vld.idx.msk [tilespmem:v50+s2+$0x0], $0xffff;
	v32 =	vmax.f32 v44, v32;
	v44 =	vmin.f32 v37, v29;
	v38 =	vmin.f32 v61, v33  }
0x1ee: {  	v41 =	vmax.f32 v61, v33;
	v63 =	vmin.f32 v62, v49;
	[tilespmem:v43+s8+$0x0] =	vst.idx.msk $0xffff, v38;
	v43 =	vld.idx.msk [tilespmem:v51+s2+$0x0], $0xffff  }
0x1ef: {  	v39 =	vmin.f32 v30, v32;
	v34 =	vmax.f32 v44, v54;
	v38 =	vmax.f32 v62, v49;
	v49 =	vld.idx.msk [tilespmem:v36+s2+$0x0], $0xffff  }
0x1f0: {  	v33 =	vmax.f32 v35, v48;
	v35 =	vmin.f32 v45, v46;
	v61 =	vmax.f32 v57, v55  }
0x1f1: {  	s18 =	sadd.s32 $0x4, s18;
	v59 =	vadd.s32 s19, v16;
	[tilespmem:v40+s8+$0x0] =	vst.idx.msk $0xffff, v63;
	v51 =	vmin.f32 v56, v47;
	v58 =	vmin.f32 v39, v38  }
0x1f2: {  	p0 =	slt.s32 s18, s17;
	v36 =	vmax.f32 v56, v47;
	v40 =	vshll.u32 v59, $0x7;
	v42 =	vmin.f32 v35, v33;
	[tilespmem:v60+s8+$0x0] =	vst.idx.msk $0xffff, v58  }
.Ltmp18:
0x1f3: {  	v46 =	vadd.s32 v10, v40;
	v60 =	vmin.f32 v57, v55;
	[tilespmem:v53+s8+$0x0] =	vst.idx.msk $0xffff, v51;
	(pc) =	sbr.rel @!p0 .LBB2_21-.Ltmp18, $4  }
0x1f4: {  	v62 =	vmin.f32 v43, v61;
	v45 =	vmax.f32 v43, v61;
	v52 =	vmin.f32 v50, v49  }
0x1f5: {  	v48 =	vmax.f32 v50, v49;
	v49 =	vmin.f32 v44, v54;
	v51 =	vmax.f32 v62, v60  }
0x1f6: {  	v63 =	vmin.f32 v62, v60;
	v44 =	vmin.f32 v48, v45;
	v47 =	vmin.f32 v52, v51  }
0x1f7: {  	s19 =	sadd.s32 $0x14, s19;
	v43 =	vmax.f32 v49, v41;
	v50 =	vmin.f32 v47, v63;
	v47 =	vmax.f32 v47, v63  }
.LBB2_20:
0x1f8: {  	s20 =	sadd.s32 $0xFFFFFFF1, s19;
	s21 =	sadd.s32 $0xFFFFFFF6, s19;
	s22 =	sadd.s32 $0xFFFFFFFB, s19;
	v51 =	vmax.f32 v52, v51;
	v45 =	vmax.f32 v48, v45;
	v48 =	vor.u32 v9, v40  }
0x1f9: {  	s18 =	sadd.s32 $0x4, s18;
	v52 =	vadd.s32 s20, v15;
	v53 =	vadd.s32 s21, v15;
	v54 =	vmin.f32 v44, v51  }
0x1fa: {  	v55 =	vadd.s32 s22, v15;
	p0 =	slt.s32 s18, s17;
	v52 =	vshll.u32 v52, $0x7;
	v53 =	vshll.u32 v53, $0x7  }
0x1fb: {  	v58 =	vmax.f32 v42, v36;
	v56 =	vadd.s32 v12, v52;
	v57 =	vadd.s32 v13, v52  }
0x1fc: {  	v59 =	vadd.s32 s21, v16;
	v61 =	vmin.f32 v54, v47;
	v60 =	vadd.s32 v13, v53  }
0x1fd: {  	v59 =	vshll.u32 v59, $0x7;
	v62 =	vadd.s32 v11, v52;
	v63 =	vadd.s32 v11, v53;
	[tilespmem:v48+s8+$0x0] =	vst.idx.msk $0xffff, v50  }
0x1fe: {  	v41 =	vmin.f32 v49, v41;
	v48 =	vadd.s32 s20, v16;
	v50 =	vshll.u32 v55, $0x7;
	[tilespmem:v46+s8+$0x0] =	vst.idx.msk $0xffff, v61  }
0x1ff: {  	v49 =	vadd.s32 v12, v53;
	v46 =	vor.u32 v9, v52;
	v48 =	vshll.u32 v48, $0x7;
	[tilespmem:v27+s8+$0x0] =	vst.idx.msk $0xffff, v41  }
0x200: {  	v47 =	vmax.f32 v54, v47;
	v27 =	vor.u32 v9, v53;
	v53 =	vadd.s32 v10, v53;
	v41 =	vld.idx.msk [tilespmem:v57+s2+$0x0], $0xffff  }
0x201: {  	v44 =	vmax.f32 v44, v51;
	v52 =	vadd.s32 v10, v52;
	v55 =	vadd.s32 v12, v50;
	v54 =	vld.idx.msk [tilespmem:v56+s2+$0x0], $0xffff  }
0x202: {  	v61 =	vadd.s32 v11, v40;
	v57 =	vadd.s32 v13, v50;
	v56 =	vadd.s32 v11, v50;
	v51 =	vld.idx.msk [tilespmem:v63+s2+$0x0], $0xffff  }
0x203: {  	v2 =	vor.u32 v9, v50;
	v50 =	vadd.s32 v10, v50;
	v63 =	vadd.s32 s22, v16  }
0x204: {  	v38 =	vmax.f32 v39, v38;
	v29 =	vmax.f32 v37, v29;
	v37 =	vadd.s32 v12, v40;
	v49 =	vld.idx.msk [tilespmem:v49+s2+$0x0], $0xffff  }
0x205: {  	v28 =	vmax.f32 v24, v28;
	v39 =	vld.idx.msk [tilespmem:v53+s2+$0x0], $0xffff;
	v53 =	vshll.u32 v63, $0x7;
	[tilespmem:v25+s8+$0x0] =	vst.idx.msk $0xffff, v43  }
0x206: {  	v24 =	vmax.f32 v30, v32;
	v43 =	vld.idx.msk [tilespmem:v52+s2+$0x0], $0xffff;
	v52 =	vadd.s32 v12, v48;
	[tilespmem:v31+s8+$0x0] =	vst.idx.msk $0xffff, v38  }
0x207: {  	v25 =	vmin.f32 v42, v36;
	v31 =	vadd.s32 v13, v40;
	v30 =	vld.idx.msk [tilespmem:v57+s2+$0x0], $0xffff;
	[tilespmem:v61+s8+$0x0] =	vst.idx.msk $0xffff, v47  }
0x208: {  	v33 =	vmax.f32 v35, v33;
	v32 =	vld.idx.msk [tilespmem:v27+s2+$0x0], $0xffff;
	[tilespmem:v26+s8+$0x0] =	vst.idx.msk $0xffff, v25;
	v26 =	vadd.s32 v12, v21  }
0x209: {  	v22 =	vadd.s32 v13, v22;
	v36 =	vadd.s32 v13, v21;
	v35 =	vld.idx.msk [tilespmem:v46+s2+$0x0], $0xffff;
	[tilespmem:v20+s8+$0x0] =	vst.idx.msk $0xffff, v34  }
0x20a: {  	v34 =	vadd.s32 v11, v48;
	v21 =	vld.idx.msk [tilespmem:v62+s2+$0x0], $0xffff;
	[tilespmem:v17+s8+$0x0] =	vst.idx.msk $0xffff, v29;
	v17 =	vadd.s32 v13, v53  }
0x20b: {  	v40 =	vor.u32 v9, v59;
	v20 =	vadd.s32 v12, v53;
	v42 =	vld.idx.msk [tilespmem:v50+s2+$0x0], $0xffff;
	[tilespmem:v23+s8+$0x0] =	vst.idx.msk $0xffff, v58  }
0x20c: {  	v38 =	vor.u32 v9, v53;
	v25 =	vadd.s32 v11, v53;
	v29 =	vld.idx.msk [tilespmem:v60+s2+$0x0], $0xffff;
	[tilespmem:v37+s8+$0x0] =	vst.idx.msk $0xffff, v44  }
0x20d: {  	v27 =	vadd.s32 v10, v53;
	v23 =	vmax.f32 v54, v41;
	v2 =	vld.idx.msk [tilespmem:v2+s2+$0x0], $0xffff;
	[tilespmem:v26+s8+$0x0] =	vst.idx.msk $0xffff, v24  }
0x20e: {  	v37 =	vmin.f32 v54, v41;
	v44 =	vmin.f32 v32, v39;
	v24 =	vmax.f32 v32, v39;
	v32 =	vld.idx.msk [tilespmem:v55+s2+$0x0], $0xffff  }
0x20f: {  	v46 =	vmin.f32 v35, v43;
	v35 =	vmax.f32 v35, v43;
	v39 =	vld.idx.msk [tilespmem:v56+s2+$0x0], $0xffff;
	[tilespmem:v19+s8+$0x0] =	vst.idx.msk $0xffff, v33  }
0x210: {  	v19 =	vmin.f32 v21, v23;
	v43 =	vmax.f32 v21, v23;
	v21 =	vmov v59;
	[tilespmem:v22+s8+$0x0] =	vst.idx.msk $0xffff, v18  }
0x211: {  	v0 =	vadd.s32 s19, v15;
	v26 =	vadd.s32 v10, v48;
	v18 =	vmax.f32 v35, v43;
	[tilespmem:v36+s8+$0x0] =	vst.idx.msk $0xffff, v28  }
0x212: {  	v33 =	vmin.f32 v19, v37;
	v47 =	vmax.f32 v19, v37;
	v36 =	vshll.u32 v0, $0x7;
	[tilespmem:v31+s8+$0x0] =	vst.idx.msk $0xffff, v45  }
0x213: {  	v22 =	vmovc v48;
	v31 =	vmin.f32 v2, v42;
	v37 =	vadd.s32 v12, v36;
	v41 =	vadd.s32 v13, v36  }
0x214: {  	v48 =	vor.u32 v9, v36;
	v50 =	vadd.s32 v11, v36;
	v19 =	vmovc v52;
	v45 =	vmax.f32 v32, v30  }
0x215: {  	v23 =	vmovc v34;
	v52 =	vmax.f32 v49, v29;
	v30 =	vmin.f32 v32, v30;
	v32 =	vmin.f32 v39, v45  }
0x216: {  	v36 =	vadd.s32 v10, v36;
	v28 =	vmax.f32 v51, v52;
	v34 =	vmax.f32 v32, v30  }
0x217: {  	v49 =	vmin.f32 v49, v29;
	v51 =	vmin.f32 v51, v52;
	v29 =	vmax.f32 v39, v45  }
0x218: {  	v39 =	vmin.f32 v51, v49;
	v45 =	vmax.f32 v51, v49;
	v49 =	vmax.f32 v31, v34;
	v51 =	vld.idx.msk [tilespmem:v41+s2+$0x0], $0xffff  }
0x219: {  	v52 =	vadd.s32 v10, v21;
	v32 =	vmin.f32 v32, v30;
	v34 =	vmin.f32 v31, v34;
	v53 =	vld.idx.msk [tilespmem:v37+s2+$0x0], $0xffff  }
0x21a: {  	v54 =	vor.u32 v9, v22;
	v31 =	vadd.s32 v11, v21;
	v37 =	vmin.f32 v34, v32;
	v50 =	vld.idx.msk [tilespmem:v50+s2+$0x0], $0xffff  }
0x21b: {  	v55 =	vmin.f32 v46, v47;
	v30 =	vmin.f32 v24, v28;
	v41 =	vmax.f32 v34, v32;
	v56 =	vld.idx.msk [tilespmem:v36+s2+$0x0], $0xffff  }
0x21c: {  	v34 =	vmin.f32 v44, v45;
	v32 =	vmax.f32 v44, v45;
	[tilespmem:v38+s8+$0x0] =	vst.idx.msk $0xffff, v37;
	v44 =	vld.idx.msk [tilespmem:v48+s2+$0x0], $0xffff  }
0x21d: {  	v36 =	vmin.f32 v34, v39;
	v38 =	vmax.f32 v34, v39;
	v37 =	vmax.f32 v2, v42  }
0x21e: {  	v39 =	vmin.f32 v30, v32;
	v2 =	vmin.f32 v37, v29;
	[tilespmem:v40+s8+$0x0] =	vst.idx.msk $0xffff, v36  }
0x21f: {  	v40 =	vmin.f32 v55, v33;
	v36 =	vmax.f32 v55, v33;
	v34 =	vmax.f32 v2, v49  }
0x220: {  	v35 =	vmin.f32 v35, v43;
	v42 =	vmin.f32 v39, v38;
	v33 =	vmax.f32 v46, v47  }
0x221: {  	v43 =	vmin.f32 v53, v51;
	v45 =	vmax.f32 v53, v51;
	[tilespmem:v52+s8+$0x0] =	vst.idx.msk $0xffff, v42;
	v42 =	vadd.s32 s19, v16  }
.Ltmp19:
0x222: {  	v46 =	vmin.f32 v50, v45;
	v45 =	vmax.f32 v50, v45;
	[tilespmem:v54+s8+$0x0] =	vst.idx.msk $0xffff, v40;
	v40 =	vshll.u32 v42, $0x7;
	(pc) =	sbr.rel @p0 .LBB2_20-.Ltmp19, $4  }
0x223: {  	v47 =	vmin.f32 v46, v43;
	v51 =	vmax.f32 v46, v43;
	v46 =	vadd.s32 v10, v40  }
0x224: {  	v52 =	vmin.f32 v44, v56;
	v48 =	vmax.f32 v44, v56;
	v42 =	vmin.f32 v35, v33  }
0x225: {  	v49 =	vmin.f32 v2, v49;
	v2 =	vmin.f32 v52, v51;
	v44 =	vmin.f32 v48, v45  }
0x226: {  	v43 =	vmax.f32 v49, v41;
	s19 =	sadd.s32 $0x14, s19;
	v50 =	vmin.f32 v2, v47;
	v47 =	vmax.f32 v2, v47  }
.LBB2_21:
0x227: {  	_ =	sdelay $0x2  }
0x228: {  	v2 =	vor.u32 v9, v40;
	v41 =	vmin.f32 v49, v41  }
0x229: {  	v55 =	vmax.f32 v39, v38;
	[tilespmem:v27+s8+$0x0] =	vst.idx.msk $0xffff, v41  }
0x22a: {  	v58 =	vmin.f32 v42, v36;
	[tilespmem:v31+s8+$0x0] =	vst.idx.msk $0xffff, v55  }
0x22b: {  	[tilespmem:v26+s8+$0x0] =	vst.idx.msk $0xffff, v58  }
0x22c: {  	[tilespmem:v25+s8+$0x0] =	vst.idx.msk $0xffff, v43  }
0x22d: {  	v60 =	vmax.f32 v42, v36;
	[tilespmem:v2+s8+$0x0] =	vst.idx.msk $0xffff, v50;
	v2 =	vadd.s32 v11, v40  }
0x22e: {  	v51 =	vmax.f32 v52, v51;
	v57 =	vadd.s32 v12, v40;
	[tilespmem:v23+s8+$0x0] =	vst.idx.msk $0xffff, v60  }
0x22f: {  	v59 =	vmax.f32 v37, v29;
	v52 =	vmin.f32 v44, v51;
	[tilespmem:v20+s8+$0x0] =	vst.idx.msk $0xffff, v34  }
0x230: {  	v22 =	vadd.s32 v13, v22;
	v53 =	vmin.f32 v52, v47;
	[tilespmem:v17+s8+$0x0] =	vst.idx.msk $0xffff, v59  }
0x231: {  	v63 =	vadd.s32 v13, v40;
	v56 =	vmax.f32 v52, v47;
	[tilespmem:v46+s8+$0x0] =	vst.idx.msk $0xffff, v53  }
0x232: {  	v17 =	vmax.f32 v44, v51;
	[tilespmem:v2+s8+$0x0] =	vst.idx.msk $0xffff, v56;
	v2 =	vadd.s32 v12, v21  }
0x233: {  	v61 =	vadd.s32 v13, v21;
	[tilespmem:v57+s8+$0x0] =	vst.idx.msk $0xffff, v17;
	v17 =	vmax.f32 v35, v33  }
0x234: {  	[tilespmem:v19+s8+$0x0] =	vst.idx.msk $0xffff, v17  }
0x235: {  	v17 =	vmax.f32 v48, v45;
	[tilespmem:v22+s8+$0x0] =	vst.idx.msk $0xffff, v18  }
0x236: {  	v62 =	vmax.f32 v30, v32;
	[tilespmem:v63+s8+$0x0] =	vst.idx.msk $0xffff, v17  }
0x237: {  	[tilespmem:v2+s8+$0x0] =	vst.idx.msk $0xffff, v62;
	v2 =	vmax.f32 v24, v28  }
0x238: {  	[tilespmem:v61+s8+$0x0] =	vst.idx.msk $0xffff, v2  }
.LBB2_22:
0x239: {  	p0 =	sgt.s32 s17, s14  }
.Ltmp20:
0x23a: {  	_ = 	snop;
	(pc) =	sbr.rel @p0 .LBB2_25-.Ltmp20, $1  }
0x23b: {  	_ =	sdelay $0x3  }
0x23c: {  	s15 =	ssub.s32 s15, s16;
	s16 =	smul.u32 $0x5, s17  }
0x23d: {  	s15 =	ssub.s32 s14, s15  }
.LBB2_24:
0x23e: {  	v2 =	vadd.s32 s16, v15  }
0x23f: {  	v2 =	vshll.u32 v2, $0x7  }
0x240: {  	v17 =	vor.u32 v9, v2  }
0x241: {  	v18 =	vadd.s32 v10, v2  }
0x242: {  	v19 =	vadd.s32 v12, v2  }
0x243: {  	v20 =	vadd.s32 v13, v2  }
0x244: {  	v2 =	vadd.s32 v11, v2  }
0x245: {  	v17 =	vld.idx.msk [tilespmem:v17+s2+$0x0], $0xffff  }
0x246: {  	v18 =	vld.idx.msk [tilespmem:v18+s2+$0x0], $0xffff  }
0x247: {  	v19 =	vld.idx.msk [tilespmem:v19+s2+$0x0], $0xffff  }
0x248: {  	v20 =	vld.idx.msk [tilespmem:v20+s2+$0x0], $0xffff  }
0x249: {  	v2 =	vld.idx.msk [tilespmem:v2+s2+$0x0], $0xffff;
	_ =	sdelay $0x1  }
0x24a: {  	v21 =	vadd.s32 s16, v16  }
0x24b: {  	v59 =	vshll.u32 v21, $0x7;
	v22 =	vmin.f32 v17, v18  }
0x24c: {  	v17 =	vmax.f32 v17, v18;
	v18 =	vmin.f32 v19, v20;
	v19 =	vmax.f32 v19, v20  }
0x24d: {  	v60 =	vmin.f32 v2, v19;
	v2 =	vmax.f32 v2, v19;
	v19 =	vor.u32 v9, v59  }
0x24e: {  	v61 =	vadd.s32 v10, v59;
	v62 =	vadd.s32 v11, v59;
	v27 =	vadd.s32 v12, v59  }
0x24f: {  	v20 =	vadd.s32 v13, v59;
	v23 =	vmin.f32 v60, v18;
	v18 =	vmax.f32 v60, v18  }
0x250: {  	s15 =	sadd.s32 $0x1, s15;
	v26 =	vmin.f32 v17, v2;
	v24 =	vmin.f32 v22, v18;
	v18 =	vmax.f32 v22, v18  }
0x251: {  	p0 =	slt.s32 s15, s14;
	v25 =	vmin.f32 v24, v23;
	v23 =	vmax.f32 v24, v23;
	v63 =	vmin.f32 v26, v18  }
.Ltmp21:
0x252: {  	[tilespmem:v19+s8+$0x0] =	vst.idx.msk $0xffff, v25;
	v19 =	vmin.f32 v63, v23;
	(pc) =	sbr.rel @p0 .LBB2_24-.Ltmp21, $4  }
0x253: {  	[tilespmem:v61+s8+$0x0] =	vst.idx.msk $0xffff, v19;
	v19 =	vmax.f32 v63, v23  }
0x254: {  	v18 =	vmax.f32 v26, v18;
	[tilespmem:v62+s8+$0x0] =	vst.idx.msk $0xffff, v19  }
0x255: {  	v2 =	vmax.f32 v17, v2;
	[tilespmem:v27+s8+$0x0] =	vst.idx.msk $0xffff, v18  }
0x256: {  	s16 =	sadd.s32 $0x5, s16;
	[tilespmem:v20+s8+$0x0] =	vst.idx.msk $0xffff, v2  }
.LBB2_25:
0x257: {  	s14 =	sadd.s32 $0x76A, s12  }
0x258: {  	s15 =	sshra.s32 s14, $0x1F  }
0x259: {  	s14 =	sor.u32 $0x4, s14;
	s16 =	smul.u32 $0x66666667, s15  }
0x25a: {  	s17 =	smulhi.u32 $0x66666667, s14  }
0x25b: {  	s18 =	ssub.s32 s0, s13  }
0x25c: {  	s19 =	smulhi.u32 $0x66666667, s18;
	s20 =	sshra.s32 s18, $0x1F;
	s16 =	sadd.s32 s16, s17  }
0x25d: {  	s22 =	smul.u32 $0x66666667, s20;
	s17 =	sshrl.u32 s16, $0x1F;
	s16 =	sshra.s32 s16, $0x1  }
0x25e: {  	s16 =	sadd.s32 s17, s16  }
0x25f: {  	p1 =	sgt.s32 s12, $0xFFFFF895;
	s17 =	sadd.s32 s22, s19;
	s21 =	smul.u32 $0xFFFFFFFB, s16  }
0x260: {  	s14 =	ssub.s32 $0x0, s14;
	s22 =	sshrl.u32 s17, $0x1F;
	s17 =	sshra.s32 s17, $0x1  }
0x261: {  	s17 =	sadd.s32 s22, s17;
	p0 =	sne.s32 s21, s14;
	s14 =	simm.s32 $0x1  }
0x262: {  	s14 =	simm.s32 @!p1 $0x0;
	p1 =	sne.s32 s0, s13;
	s13 =	simm.s32 $0x1  }
0x263: {  	s19 =	smul.u32 $0xFFFFFFFB, s17;
	s13 =	simm.s32 @!p1 $0x0  }
0x264: {  	s14 =	sadd.s32 s14, s15;
	s13 =	sor.u32 s13, s20;
	s20 =	ssub.s32 $0x0, s18  }
0x265: {  	p5 =	sne.s32 s14, $0x1;
	p6 =	sne.s32 s13, $0x1;
	p2 =	sne.s32 s19, s20  }
0x266: {  	s14 =	simm.s32 $0x1;
	p0 =	por !p0, !p5;
	p1 =	por !p2, !p6  }
0x267: {  	s13 =	simm.s32 $0x1;
	p0 =	por !p0, !p0;
	p1 =	por !p1, !p1  }
0x268: {  	s13 =	simm.s32 @!p0 $0x0;
	s14 =	simm.s32 @!p1 $0x0  }
0x269: {  	s16 =	ssub.s32 s16, s13;
	s12 =	ssub.s32 s17, s14  }
0x26a: {  	p0 =	sgt.s32 s16, $0x0;
	p1 =	slt.s32 s12, $0x198  }
0x26b: {  	s16 =	simm.s32 @!p0 $0x0;
	s12 =	simm.s32 @!p1 $0x198  }
0x26c: {  	s21 =	ssub.s32 s12, s16  }
0x26d: {  	s13 =	sadd.s32 $0x1, s21  }
0x26e: {  	s22 =	sshra.s32 s13, $0x1F  }
0x26f: {  	s14 =	sshrl.u32 s22, $0x1E  }
0x270: {  	s14 =	sadd.s32 s14, s13  }
0x271: {  	s15 =	sand.u32 $0xFFFFFFFC, s14  }
0x272: {  	p0 =	slt.s32 s15, $0x1  }
.Ltmp22:
0x273: {  	_ = 	snop;
	(pc) =	sbr.rel @p0 .LBB2_29-.Ltmp22, $2  }
0x274: {  	_ =	sdelay $0x2  }
0x275: {  	v15 =	vadd.s32 v3, v14;
	v14 =	vadd.s32 v4, v14;
	s14 =	sadd.s32 s16, s15  }
0x276: {  	s17 =	smul.u32 $0x5, s16;
	_ =	sdelay $0x1  }
0x277: {  	s17 =	sadd.s32 $0xF, s17  }
0x278: {  	s18 =	sadd.s32 $0xFFFFFFF1, s17  }
0x279: {  	v2 =	vadd.s32 s18, v15  }
0x27a: {  	s19 =	sadd.s32 $0xFFFFFFF6, s17;
	v2 =	vshll.u32 v2, $0x7  }
0x27b: {  	v16 =	vadd.s32 s19, v15;
	v17 =	vadd.s32 v13, v2  }
0x27c: {  	v16 =	vshll.u32 v16, $0x7;
	v18 =	vadd.s32 v12, v2  }
0x27d: {  	s20 =	sadd.s32 $0xFFFFFFFB, s17;
	v19 =	vadd.s32 v12, v16  }
0x27e: {  	v20 =	vadd.s32 s20, v15;
	v21 =	vadd.s32 v10, v16  }
0x27f: {  	v22 =	vshll.u32 v20, $0x7;
	v20 =	vadd.s32 v10, v2  }
0x280: {  	v23 =	vadd.s32 v13, v22;
	v17 =	vld.idx.msk [tilespmem:v17+s2+$0x0], $0xffff  }
0x281: {  	v24 =	vor.u32 v9, v16;
	v25 =	vld.idx.msk [tilespmem:v18+s2+$0x0], $0xffff  }
0x282: {  	v26 =	vadd.s32 v13, v16;
	v28 =	vld.idx.msk [tilespmem:v19+s2+$0x0], $0xffff  }
0x283: {  	v57 =	vadd.s32 s17, v15;
	v30 =	vadd.s32 v11, v16;
	v27 =	vld.idx.msk [tilespmem:v21+s2+$0x0], $0xffff  }
0x284: {  	v58 =	vshll.u32 v57, $0x7;
	v18 =	vor.u32 v9, v2;
	v29 =	vld.idx.msk [tilespmem:v20+s2+$0x0], $0xffff  }
0x285: {  	v60 =	vadd.s32 v12, v58;
	v2 =	vadd.s32 v11, v2;
	v31 =	vld.idx.msk [tilespmem:v23+s2+$0x0], $0xffff  }
0x286: {  	v61 =	vadd.s32 v13, v58;
	v47 =	vor.u32 v9, v58;
	v19 =	vadd.s32 v10, v22;
	v32 =	vld.idx.msk [tilespmem:v24+s2+$0x0], $0xffff  }
0x287: {  	v48 =	vadd.s32 v11, v58;
	v16 =	vadd.s32 s18, v14;
	v23 =	vor.u32 v9, v22;
	v37 =	vld.idx.msk [tilespmem:v26+s2+$0x0], $0xffff  }
0x288: {  	v33 =	vadd.s32 v12, v22;
	v35 =	vadd.s32 v11, v22;
	v20 =	vadd.s32 s19, v14;
	v30 =	vld.idx.msk [tilespmem:v30+s2+$0x0], $0xffff  }
0x289: {  	v21 =	vshll.u32 v16, $0x7;
	v16 =	vadd.s32 s20, v14;
	v20 =	vshll.u32 v20, $0x7;
	v34 =	vld.idx.msk [tilespmem:v18+s2+$0x0], $0xffff  }
0x28a: {  	v36 =	vshll.u32 v16, $0x7;
	v22 =	vadd.s32 v11, v21;
	v63 =	vor.u32 v9, v21;
	v2 =	vld.idx.msk [tilespmem:v2+s2+$0x0], $0xffff  }
0x28b: {  	v16 =	vadd.s32 v13, v36;
	v39 =	vor.u32 v9, v20;
	v41 =	vor.u32 v9, v36;
	v38 =	vld.idx.msk [tilespmem:v19+s2+$0x0], $0xffff  }
0x28c: {  	v24 =	vadd.s32 v11, v36;
	v26 =	vadd.s32 v10, v36;
	v52 =	vadd.s32 v10, v20;
	v42 =	vld.idx.msk [tilespmem:v23+s2+$0x0], $0xffff  }
0x28d: {  	v18 =	vadd.s32 v12, v21;
	v43 =	vmin.f32 v32, v27;
	v23 =	vmax.f32 v32, v27;
	v27 =	vld.idx.msk [tilespmem:v33+s2+$0x0], $0xffff  }
0x28e: {  	v19 =	vadd.s32 v12, v36;
	v40 =	vmax.f32 v25, v17;
	v55 =	vmin.f32 v25, v17  }
0x28f: {  	v25 =	vadd.s32 v10, v21;
	v49 =	vmax.f32 v28, v37;
	v33 =	vadd.s32 v10, v58  }
0x290: {  	v53 =	vld.idx.msk [tilespmem:v61+s2+$0x0], $0xffff;
	v37 =	vmin.f32 v28, v37;
	v32 =	vmin.f32 v34, v29;
	v34 =	vmax.f32 v34, v29  }
0x291: {  	v29 =	vld.idx.msk [tilespmem:v35+s2+$0x0], $0xffff;
	v56 =	vmin.f32 v2, v40;
	v2 =	vmax.f32 v2, v40;
	v59 =	vmin.f32 v42, v38  }
0x292: {  	v58 =	vld.idx.msk [tilespmem:v47+s2+$0x0], $0xffff;
	v46 =	vmax.f32 v27, v31;
	v31 =	vmin.f32 v27, v31;
	v27 =	vmax.f32 v30, v49  }
0x293: {  	v30 =	vmin.f32 v30, v49;
	v44 =	vmin.f32 v56, v55;
	v45 =	vmax.f32 v56, v55;
	v55 =	vld.idx.msk [tilespmem:v60+s2+$0x0], $0xffff  }
0x294: {  	v17 =	vmax.f32 v34, v2;
	v62 =	vmin.f32 v30, v37;
	v37 =	vmax.f32 v30, v37;
	v56 =	vld.idx.msk [tilespmem:v33+s2+$0x0], $0xffff  }
0x295: {  	v30 =	vadd.s32 v11, v20;
	v34 =	vmin.f32 v34, v2;
	v54 =	vmin.f32 v32, v45  }
0x296: {  	v36 =	vmin.f32 v43, v37;
	v32 =	vmax.f32 v32, v45;
	v50 =	vmin.f32 v29, v46  }
0x297: {  	v48 =	vld.idx.msk [tilespmem:v48+s2+$0x0], $0xffff;
	v28 =	vmax.f32 v29, v46;
	v29 =	vmin.f32 v23, v27;
	v51 =	vmax.f32 v50, v31  }
0x298: {  	v31 =	vmin.f32 v50, v31;
	v60 =	vmin.f32 v55, v53;
	v61 =	vmax.f32 v55, v53  }
0x299: {  	v47 =	vmax.f32 v58, v56;
	v49 =	vmax.f32 v59, v51;
	v35 =	vmin.f32 v59, v51  }
0x29a: {  	v59 =	vmin.f32 v54, v44;
	v51 =	vmin.f32 v35, v31;
	v40 =	vmax.f32 v35, v31  }
0x29b: {  	v31 =	vmax.f32 v43, v37;
	v37 =	vmax.f32 v36, v62;
	[tilespmem:v63+s8+$0x0] =	vst.idx.msk $0xffff, v59  }
0x29c: {  	v35 =	vmax.f32 v54, v44;
	v44 =	vmax.f32 v48, v61;
	[tilespmem:v41+s8+$0x0] =	vst.idx.msk $0xffff, v51  }
0x29d: {  	s16 =	sadd.s32 $0x4, s16;
	v51 =	vmin.f32 v36, v62;
	v36 =	vmax.f32 v42, v38;
	v38 =	vmin.f32 v29, v31  }
0x29e: {  	p0 =	slt.s32 s16, s14;
	v62 =	vmin.f32 v48, v61;
	v41 =	vmin.f32 v34, v32;
	v43 =	vmin.f32 v47, v44  }
.Ltmp23:
0x29f: {  	[tilespmem:v39+s8+$0x0] =	vst.idx.msk $0xffff, v51;
	v57 =	vmin.f32 v36, v28;
	v2 =	vmin.f32 v38, v37;
	(pc) =	sbr.rel @!p0 .LBB2_28-.Ltmp23, $4  }
0x2a0: {  	v50 =	vmax.f32 v62, v60;
	v51 =	vmin.f32 v58, v56;
	v33 =	vmax.f32 v57, v49  }
0x2a1: {  	[tilespmem:v52+s8+$0x0] =	vst.idx.msk $0xffff, v2;
	v2 =	vadd.s32 s17, v14;
	v48 =	vmin.f32 v57, v49;
	v63 =	vmin.f32 v51, v50  }
0x2a2: {  	v39 =	vshll.u32 v2, $0x7;
	v2 =	vmin.f32 v62, v60;
	v42 =	vmax.f32 v48, v40  }
0x2a3: {  	s17 =	sadd.s32 $0x14, s17;
	v45 =	vadd.s32 v10, v39;
	v49 =	vmin.f32 v63, v2;
	v46 =	vmax.f32 v63, v2  }
.LBB2_27:
0x2a4: {  	s18 =	sadd.s32 $0xFFFFFFF1, s17;
	s19 =	sadd.s32 $0xFFFFFFF6, s17;
	s20 =	sadd.s32 $0xFFFFFFFB, s17;
	v2 =	vmax.f32 v51, v50;
	v44 =	vmax.f32 v47, v44;
	v47 =	vor.u32 v9, v39  }
0x2a5: {  	s16 =	sadd.s32 $0x4, s16;
	v50 =	vadd.s32 s18, v15;
	v51 =	vadd.s32 s19, v15;
	v52 =	vmin.f32 v43, v2  }
0x2a6: {  	v53 =	vadd.s32 s20, v15;
	p0 =	slt.s32 s16, s14;
	v50 =	vshll.u32 v50, $0x7;
	v51 =	vshll.u32 v51, $0x7  }
0x2a7: {  	v56 =	vmax.f32 v41, v35;
	v54 =	vadd.s32 v12, v50;
	v55 =	vadd.s32 v13, v50  }
0x2a8: {  	v57 =	vadd.s32 s19, v14;
	v59 =	vmin.f32 v52, v46;
	v58 =	vadd.s32 v13, v51  }
0x2a9: {  	v57 =	vshll.u32 v57, $0x7;
	v60 =	vadd.s32 v11, v50;
	v61 =	vadd.s32 v11, v51;
	[tilespmem:v47+s8+$0x0] =	vst.idx.msk $0xffff, v49  }
0x2aa: {  	v40 =	vmin.f32 v48, v40;
	v47 =	vadd.s32 s18, v14;
	v49 =	vshll.u32 v53, $0x7;
	[tilespmem:v45+s8+$0x0] =	vst.idx.msk $0xffff, v59  }
0x2ab: {  	v48 =	vadd.s32 v12, v51;
	v45 =	vor.u32 v9, v50;
	v47 =	vshll.u32 v47, $0x7;
	[tilespmem:v26+s8+$0x0] =	vst.idx.msk $0xffff, v40  }
0x2ac: {  	v46 =	vmax.f32 v52, v46;
	v26 =	vor.u32 v9, v51;
	v51 =	vadd.s32 v10, v51;
	v40 =	vld.idx.msk [tilespmem:v55+s2+$0x0], $0xffff  }
0x2ad: {  	v2 =	vmax.f32 v43, v2;
	v50 =	vadd.s32 v10, v50;
	v53 =	vadd.s32 v12, v49;
	v52 =	vld.idx.msk [tilespmem:v54+s2+$0x0], $0xffff  }
0x2ae: {  	v59 =	vadd.s32 v11, v39;
	v55 =	vadd.s32 v13, v49;
	v54 =	vadd.s32 v11, v49;
	v43 =	vld.idx.msk [tilespmem:v61+s2+$0x0], $0xffff  }
0x2af: {  	v62 =	vor.u32 v9, v49;
	v49 =	vadd.s32 v10, v49;
	v61 =	vadd.s32 s20, v14  }
0x2b0: {  	v37 =	vmax.f32 v38, v37;
	v28 =	vmax.f32 v36, v28;
	v36 =	vadd.s32 v12, v39;
	v48 =	vld.idx.msk [tilespmem:v48+s2+$0x0], $0xffff  }
0x2b1: {  	v27 =	vmax.f32 v23, v27;
	v38 =	vld.idx.msk [tilespmem:v51+s2+$0x0], $0xffff;
	v51 =	vshll.u32 v61, $0x7;
	[tilespmem:v24+s8+$0x0] =	vst.idx.msk $0xffff, v42  }
0x2b2: {  	v23 =	vmax.f32 v29, v31;
	v42 =	vld.idx.msk [tilespmem:v50+s2+$0x0], $0xffff;
	v50 =	vadd.s32 v12, v47;
	[tilespmem:v30+s8+$0x0] =	vst.idx.msk $0xffff, v37  }
0x2b3: {  	v24 =	vmin.f32 v41, v35;
	v30 =	vadd.s32 v13, v39;
	v29 =	vld.idx.msk [tilespmem:v55+s2+$0x0], $0xffff;
	[tilespmem:v59+s8+$0x0] =	vst.idx.msk $0xffff, v46  }
0x2b4: {  	v32 =	vmax.f32 v34, v32;
	v31 =	vld.idx.msk [tilespmem:v26+s2+$0x0], $0xffff;
	[tilespmem:v25+s8+$0x0] =	vst.idx.msk $0xffff, v24;
	v25 =	vadd.s32 v12, v20  }
0x2b5: {  	v21 =	vadd.s32 v13, v21;
	v35 =	vadd.s32 v13, v20;
	v34 =	vld.idx.msk [tilespmem:v45+s2+$0x0], $0xffff;
	[tilespmem:v19+s8+$0x0] =	vst.idx.msk $0xffff, v33  }
0x2b6: {  	v33 =	vadd.s32 v11, v47;
	v20 =	vld.idx.msk [tilespmem:v60+s2+$0x0], $0xffff;
	[tilespmem:v16+s8+$0x0] =	vst.idx.msk $0xffff, v28;
	v16 =	vadd.s32 v13, v51  }
0x2b7: {  	v39 =	vor.u32 v9, v57;
	v19 =	vadd.s32 v12, v51;
	v41 =	vld.idx.msk [tilespmem:v49+s2+$0x0], $0xffff;
	[tilespmem:v22+s8+$0x0] =	vst.idx.msk $0xffff, v56  }
0x2b8: {  	v37 =	vor.u32 v9, v51;
	v24 =	vadd.s32 v11, v51;
	v28 =	vld.idx.msk [tilespmem:v58+s2+$0x0], $0xffff;
	[tilespmem:v36+s8+$0x0] =	vst.idx.msk $0xffff, v2  }
0x2b9: {  	v26 =	vadd.s32 v10, v51;
	v2 =	vmax.f32 v52, v40;
	v36 =	vld.idx.msk [tilespmem:v62+s2+$0x0], $0xffff;
	[tilespmem:v25+s8+$0x0] =	vst.idx.msk $0xffff, v23  }
0x2ba: {  	v22 =	vmin.f32 v52, v40;
	v45 =	vmin.f32 v31, v38;
	v23 =	vmax.f32 v31, v38;
	v31 =	vld.idx.msk [tilespmem:v53+s2+$0x0], $0xffff  }
0x2bb: {  	v46 =	vmin.f32 v34, v42;
	v34 =	vmax.f32 v34, v42;
	v38 =	vld.idx.msk [tilespmem:v54+s2+$0x0], $0xffff;
	[tilespmem:v18+s8+$0x0] =	vst.idx.msk $0xffff, v32  }
0x2bc: {  	v18 =	vmin.f32 v20, v2;
	v2 =	vmax.f32 v20, v2;
	v20 =	vmov v57;
	[tilespmem:v21+s8+$0x0] =	vst.idx.msk $0xffff, v17  }
0x2bd: {  	v0 =	vadd.s32 s17, v15;
	v25 =	vadd.s32 v10, v47;
	v17 =	vmax.f32 v34, v2;
	[tilespmem:v35+s8+$0x0] =	vst.idx.msk $0xffff, v27  }
0x2be: {  	v32 =	vmin.f32 v18, v22;
	v42 =	vmax.f32 v18, v22;
	v35 =	vshll.u32 v0, $0x7;
	[tilespmem:v30+s8+$0x0] =	vst.idx.msk $0xffff, v44  }
0x2bf: {  	v21 =	vmovc v47;
	v30 =	vmin.f32 v36, v41;
	v40 =	vadd.s32 v12, v35;
	v44 =	vadd.s32 v13, v35  }
0x2c0: {  	v49 =	vor.u32 v9, v35;
	v51 =	vadd.s32 v11, v35;
	v18 =	vmovc v50;
	v47 =	vmax.f32 v31, v29  }
0x2c1: {  	v22 =	vmovc v33;
	v50 =	vmax.f32 v48, v28;
	v29 =	vmin.f32 v31, v29;
	v31 =	vmin.f32 v38, v47  }
0x2c2: {  	v35 =	vadd.s32 v10, v35;
	v27 =	vmax.f32 v43, v50;
	v33 =	vmax.f32 v31, v29  }
0x2c3: {  	v48 =	vmin.f32 v48, v28;
	v43 =	vmin.f32 v43, v50;
	v28 =	vmax.f32 v38, v47  }
0x2c4: {  	v38 =	vmin.f32 v43, v48;
	v43 =	vmax.f32 v43, v48;
	v48 =	vmax.f32 v30, v33;
	v44 =	vld.idx.msk [tilespmem:v44+s2+$0x0], $0xffff  }
0x2c5: {  	v47 =	vadd.s32 v10, v20;
	v31 =	vmin.f32 v31, v29;
	v33 =	vmin.f32 v30, v33;
	v50 =	vld.idx.msk [tilespmem:v40+s2+$0x0], $0xffff  }
0x2c6: {  	v52 =	vor.u32 v9, v21;
	v30 =	vadd.s32 v11, v20;
	v53 =	vmin.f32 v33, v31;
	v51 =	vld.idx.msk [tilespmem:v51+s2+$0x0], $0xffff  }
0x2c7: {  	v54 =	vmin.f32 v46, v42;
	v29 =	vmin.f32 v23, v27;
	v40 =	vmax.f32 v33, v31;
	v55 =	vld.idx.msk [tilespmem:v35+s2+$0x0], $0xffff  }
0x2c8: {  	v33 =	vmin.f32 v45, v43;
	v31 =	vmax.f32 v45, v43;
	[tilespmem:v37+s8+$0x0] =	vst.idx.msk $0xffff, v53;
	v43 =	vld.idx.msk [tilespmem:v49+s2+$0x0], $0xffff  }
0x2c9: {  	v36 =	vmax.f32 v36, v41;
	v35 =	vmin.f32 v33, v38;
	v37 =	vmax.f32 v33, v38  }
0x2ca: {  	v38 =	vmin.f32 v29, v31;
	v49 =	vmin.f32 v36, v28;
	[tilespmem:v39+s8+$0x0] =	vst.idx.msk $0xffff, v35  }
0x2cb: {  	v33 =	vmax.f32 v49, v48;
	v39 =	vmin.f32 v54, v32;
	v35 =	vmax.f32 v54, v32  }
0x2cc: {  	v34 =	vmin.f32 v34, v2;
	v2 =	vmin.f32 v38, v37;
	v32 =	vmax.f32 v46, v42  }
0x2cd: {  	v41 =	vmin.f32 v50, v44;
	v42 =	vmax.f32 v50, v44;
	[tilespmem:v47+s8+$0x0] =	vst.idx.msk $0xffff, v2;
	v2 =	vadd.s32 s17, v14  }
.Ltmp24:
0x2ce: {  	v45 =	vmin.f32 v51, v42;
	v44 =	vmax.f32 v51, v42;
	[tilespmem:v52+s8+$0x0] =	vst.idx.msk $0xffff, v39;
	v39 =	vshll.u32 v2, $0x7;
	(pc) =	sbr.rel @p0 .LBB2_27-.Ltmp24, $4  }
0x2cf: {  	v50 =	vmax.f32 v45, v41;
	v2 =	vmin.f32 v45, v41;
	v45 =	vadd.s32 v10, v39  }
0x2d0: {  	v51 =	vmin.f32 v43, v55;
	v47 =	vmax.f32 v43, v55;
	v41 =	vmin.f32 v34, v32  }
0x2d1: {  	v48 =	vmin.f32 v49, v48;
	v46 =	vmin.f32 v51, v50;
	v43 =	vmin.f32 v47, v44  }
0x2d2: {  	v42 =	vmax.f32 v48, v40;
	s17 =	sadd.s32 $0x14, s17;
	v49 =	vmin.f32 v46, v2;
	v46 =	vmax.f32 v46, v2  }
.LBB2_28:
0x2d3: {  	_ =	sdelay $0x2  }
0x2d4: {  	v2 =	vor.u32 v9, v39;
	v40 =	vmin.f32 v48, v40  }
0x2d5: {  	v55 =	vmax.f32 v38, v37;
	[tilespmem:v26+s8+$0x0] =	vst.idx.msk $0xffff, v40  }
0x2d6: {  	v58 =	vmin.f32 v41, v35;
	[tilespmem:v30+s8+$0x0] =	vst.idx.msk $0xffff, v55  }
0x2d7: {  	[tilespmem:v25+s8+$0x0] =	vst.idx.msk $0xffff, v58  }
0x2d8: {  	[tilespmem:v24+s8+$0x0] =	vst.idx.msk $0xffff, v42  }
0x2d9: {  	v60 =	vmax.f32 v41, v35;
	[tilespmem:v2+s8+$0x0] =	vst.idx.msk $0xffff, v49;
	v2 =	vadd.s32 v11, v39  }
0x2da: {  	v50 =	vmax.f32 v51, v50;
	v57 =	vadd.s32 v12, v39;
	[tilespmem:v22+s8+$0x0] =	vst.idx.msk $0xffff, v60  }
0x2db: {  	v59 =	vmax.f32 v36, v28;
	v51 =	vmin.f32 v43, v50;
	[tilespmem:v19+s8+$0x0] =	vst.idx.msk $0xffff, v33  }
0x2dc: {  	v21 =	vadd.s32 v13, v21;
	v52 =	vmin.f32 v51, v46;
	[tilespmem:v16+s8+$0x0] =	vst.idx.msk $0xffff, v59  }
0x2dd: {  	v63 =	vadd.s32 v13, v39;
	v56 =	vmax.f32 v51, v46;
	[tilespmem:v45+s8+$0x0] =	vst.idx.msk $0xffff, v52  }
0x2de: {  	v16 =	vmax.f32 v43, v50;
	[tilespmem:v2+s8+$0x0] =	vst.idx.msk $0xffff, v56;
	v2 =	vadd.s32 v12, v20  }
0x2df: {  	v61 =	vadd.s32 v13, v20;
	[tilespmem:v57+s8+$0x0] =	vst.idx.msk $0xffff, v16;
	v16 =	vmax.f32 v34, v32  }
0x2e0: {  	[tilespmem:v18+s8+$0x0] =	vst.idx.msk $0xffff, v16  }
0x2e1: {  	v16 =	vmax.f32 v47, v44;
	[tilespmem:v21+s8+$0x0] =	vst.idx.msk $0xffff, v17  }
0x2e2: {  	v62 =	vmax.f32 v29, v31;
	[tilespmem:v63+s8+$0x0] =	vst.idx.msk $0xffff, v16  }
0x2e3: {  	[tilespmem:v2+s8+$0x0] =	vst.idx.msk $0xffff, v62;
	v2 =	vmax.f32 v23, v27  }
0x2e4: {  	[tilespmem:v61+s8+$0x0] =	vst.idx.msk $0xffff, v2  }
.LBB2_29:
0x2e5: {  	p0 =	sgt.s32 s14, s12  }
.Ltmp25:
0x2e6: {  	_ = 	snop;
	(pc) =	sbr.rel @p0 .LBB2_32-.Ltmp25, $1  }
0x2e7: {  	_ =	sdelay $0x3  }
0x2e8: {  	s13 =	ssub.s32 s13, s15;
	s14 =	smul.u32 $0x5, s14  }
0x2e9: {  	s13 =	ssub.s32 s12, s13  }
.LBB2_31:
0x2ea: {  	v2 =	vadd.s32 s14, v15  }
0x2eb: {  	v2 =	vshll.u32 v2, $0x7  }
0x2ec: {  	v16 =	vor.u32 v9, v2  }
0x2ed: {  	v17 =	vadd.s32 v10, v2  }
0x2ee: {  	v18 =	vadd.s32 v12, v2  }
0x2ef: {  	v19 =	vadd.s32 v13, v2  }
0x2f0: {  	v2 =	vadd.s32 v11, v2  }
0x2f1: {  	v16 =	vld.idx.msk [tilespmem:v16+s2+$0x0], $0xffff  }
0x2f2: {  	v17 =	vld.idx.msk [tilespmem:v17+s2+$0x0], $0xffff  }
0x2f3: {  	v18 =	vld.idx.msk [tilespmem:v18+s2+$0x0], $0xffff  }
0x2f4: {  	v19 =	vld.idx.msk [tilespmem:v19+s2+$0x0], $0xffff  }
0x2f5: {  	v20 =	vadd.s32 s14, v14;
	v2 =	vld.idx.msk [tilespmem:v2+s2+$0x0], $0xffff  }
0x2f6: {  	v56 =	vshll.u32 v20, $0x7  }
0x2f7: {  	v58 =	vor.u32 v9, v56  }
0x2f8: {  	v59 =	vadd.s32 v10, v56;
	v60 =	vadd.s32 v11, v56;
	v21 =	vmin.f32 v16, v17  }
0x2f9: {  	v16 =	vmax.f32 v16, v17;
	v17 =	vmin.f32 v18, v19;
	v18 =	vmax.f32 v18, v19  }
0x2fa: {  	v26 =	vadd.s32 v12, v56;
	v19 =	vadd.s32 v13, v56;
	v57 =	vmin.f32 v2, v18  }
0x2fb: {  	v2 =	vmax.f32 v2, v18;
	v22 =	vmin.f32 v57, v17;
	v17 =	vmax.f32 v57, v17  }
0x2fc: {  	s13 =	sadd.s32 $0x1, s13;
	v25 =	vmin.f32 v16, v2;
	v23 =	vmin.f32 v21, v17;
	v17 =	vmax.f32 v21, v17  }
0x2fd: {  	p0 =	slt.s32 s13, s12;
	v24 =	vmin.f32 v23, v22;
	v22 =	vmax.f32 v23, v22;
	v61 =	vmin.f32 v25, v17  }
.Ltmp26:
0x2fe: {  	[tilespmem:v58+s8+$0x0] =	vst.idx.msk $0xffff, v24;
	v62 =	vmin.f32 v61, v22;
	(pc) =	sbr.rel @p0 .LBB2_31-.Ltmp26, $4  }
0x2ff: {  	v63 =	vmax.f32 v61, v22;
	[tilespmem:v59+s8+$0x0] =	vst.idx.msk $0xffff, v62  }
0x300: {  	v17 =	vmax.f32 v25, v17;
	[tilespmem:v60+s8+$0x0] =	vst.idx.msk $0xffff, v63  }
0x301: {  	v2 =	vmax.f32 v16, v2;
	[tilespmem:v26+s8+$0x0] =	vst.idx.msk $0xffff, v17  }
0x302: {  	s14 =	sadd.s32 $0x5, s14;
	[tilespmem:v19+s8+$0x0] =	vst.idx.msk $0xffff, v2  }
.Ltmp27:
0x303: {  	_ = 	snop;
	(pc) =	sbr.rel .LBB2_32-.Ltmp27, $1  }
0x304: {  	_ =	sdelay $0x3  }
.LBB2_33:
0x305: {  	s11 =	rddreg [dreg:$0x8]  }
0x306: {  	[hbm4b:s11+s3] =	stream.strided.scatter [tilespmem:s9], [sflag:$0x1], $0x8000, s4, s3, $0x38;
	[tilespmem:$0x13400] =	vst v63  }
0x307: {  	_ =	swait.ge [sflag:s5], $0x8000  }
0x308: {  	[sflag:s5] =	ssyncset.done $0x0  }
0x309: {  	s11 =	simm.s32 $0x0;
	s12 =	rddreg [dreg:$0x9];
	[sflag:s5] =	ssyncadd.s32 $0xFFFF8000  }
0x30a: {  	[tilespmem:s11], [sflag:$0x1] =	stream.strided.gather [hbm4b:s12+s3], $0x1000, s4, s3, $0x38;
	[tilespmem:$0x13400] =	vst v63  }
0x30b: {  	_ =	swait.ge [sflag:s5], $0x1000  }
0x30c: {  	[sflag:s5] =	ssyncset.done $0x0  }
0x30d: {  	s21 =	rddreg [dreg:$0xa];
	[sflag:s5] =	ssyncadd.s32 $0xFFFFF000  }
0x30e: {  	[tilespmem:s6], [sflag:$0x1] =	stream.strided.gather [hbm4b:s21+s3], $0x8000, s4, s3, $0x38;
	[tilespmem:$0x13400] =	vst v63  }
0x30f: {  	_ =	swait.ge [sflag:s5], $0x8000  }
0x310: {  	[sflag:s5] =	ssyncset.done $0x0  }
.Ltmp28:
0x311: {  	s22 =	rddreg [dreg:$0xb];
	[sflag:s5] =	ssyncadd.s32 $0xFFFF8000;
	(pc) =	sbr.rel .LBB2_34-.Ltmp28, $4  }
0x312: {  	[tilespmem:s7], [sflag:$0x1] =	stream.strided.gather [hbm4b:s22+s3], $0xC00, s4, s3, $0x38;
	[tilespmem:$0x13400] =	vst v63  }
0x313: {  	_ =	swait.ge [sflag:s5], $0xC00  }
0x314: {  	[sflag:s5] =	ssyncset.done $0x0  }
0x315: {  	[sflag:s5] =	ssyncadd.s32 $0xFFFFF400  }
.LBB2_48:
0x316: {  	s11 =	sadd.s32 $0x1, s11  }
0x317: {  	p0 =	sne.s32 s11, $0x8  }
.Ltmp29:
0x318: {  	_ = 	snop;
	(pc) =	sbr.rel @!p0 .LBB2_49-.Ltmp29, $1  }
0x319: {  	_ =	sdelay $0x3  }
.LBB2_34:
0x31a: {  	s19 =	sshll.u32 s11, $0x4  }
0x31b: {  	s12 =	ssub.s32 s1, s19  }
0x31c: {  	s15 =	ssub.s32 s29, s19;
	s13 =	sadd.s32 $0xFFFFFEF1, s12  }
0x31d: {  	s16 =	sadd.s32 $0xFFFFFEFF, s15;
	s14 =	smulhi.u32 $0x66666667, s13  }
0x31e: {  	s13 =	sshra.s32 s13, $0x1F;
	s17 =	smulhi.u32 $0x66666667, s16  }
0x31f: {  	s18 =	sshra.s32 s16, $0x1F;
	s13 =	smul.u32 $0x66666667, s13  }
0x320: {  	s18 =	smul.u32 $0x66666667, s18  }
0x321: {  	s13 =	sadd.s32 s13, s14  }
0x322: {  	s17 =	sadd.s32 s18, s17;
	s14 =	sshrl.u32 s13, $0x1F;
	s13 =	sshra.s32 s13, $0x1  }
0x323: {  	s20 =	sshrl.u32 s17, $0x1F;
	s17 =	sshra.s32 s17, $0x1;
	s13 =	sadd.s32 s14, s13  }
0x324: {  	s14 =	sadd.s32 s20, s17;
	s21 =	smul.u32 $0xFFFFFFFB, s13  }
0x325: {  	s20 =	smul.u32 $0xFFFFFFFB, s14  }
0x326: {  	s22 =	ssub.s32 $0x10F, s12;
	p1 =	slt.s32 s12, $0x10F;
	s15 =	ssub.s32 $0x101, s15  }
0x327: {  	p6 =	slt.s32 s16, $0x1;
	p0 =	sne.s32 s21, s22;
	p2 =	sne.s32 s20, s15  }
0x328: {  	s16 =	simm.s32 $0x1;
	p0 =	por !p1, !p0;
	p1 =	por !p6, !p2  }
0x329: {  	s15 =	simm.s32 $0x1;
	p0 =	por !p0, !p0;
	p1 =	por !p1, !p1  }
0x32a: {  	s15 =	simm.s32 @!p0 $0x0;
	s16 =	simm.s32 @!p1 $0x0  }
0x32b: {  	s18 =	ssub.s32 s13, s15;
	s14 =	ssub.s32 s14, s16  }
0x32c: {  	p0 =	sgt.s32 s18, $0x0;
	p1 =	slt.s32 s14, $0x198  }
0x32d: {  	s18 =	simm.s32 @!p0 $0x0;
	s14 =	simm.s32 @!p1 $0x198  }
0x32e: {  	s21 =	ssub.s32 s14, s18  }
0x32f: {  	s15 =	sadd.s32 $0x1, s21  }
0x330: {  	s13 =	sshra.s32 s15, $0x1F  }
0x331: {  	s22 =	sshrl.u32 s13, $0x1E  }
0x332: {  	s16 =	sadd.s32 s22, s15  }
0x333: {  	v0 =	vlaneseq.u32;
	s13 =	sor.u32 $0x100, s19;
	s16 =	sand.u32 $0xFFFFFFFC, s16  }
0x334: {  	v9 =	vor.u32 s19, v0;
	v14 =	vor.u32 s13, v0;
	v0 =	vld [tilespmem:$0x1FFF0];
	p0 =	slt.s32 s16, $0x1  }
.Ltmp30:
0x335: {  	_ = 	snop;
	(pc) =	sbr.rel @p0 .LBB2_38-.Ltmp30, $3  }
0x336: {  	_ =	sdelay $0x1  }
0x337: {  	v10 =	vadd.s32 s19, v5;
	v11 =	vadd.s32 s19, v6;
	v12 =	vadd.s32 s19, v7  }
0x338: {  	v13 =	vadd.s32 s19, v8;
	v16 =	vadd.s32 v1, v14;
	s17 =	sadd.s32 s18, s16;
	v15 =	vadd.s32 v0, v14  }
0x339: {  	s19 =	smul.u32 $0x5, s18;
	_ =	sdelay $0x1  }
0x33a: {  	s19 =	sadd.s32 $0xF, s19  }
0x33b: {  	s20 =	sadd.s32 $0xFFFFFFF1, s19  }
0x33c: {  	v2 =	vadd.s32 s20, v15  }
0x33d: {  	s21 =	sadd.s32 $0xFFFFFFF6, s19;
	v2 =	vshll.u32 v2, $0x7  }
0x33e: {  	v17 =	vadd.s32 s21, v15;
	v18 =	vadd.s32 v13, v2  }
0x33f: {  	v17 =	vshll.u32 v17, $0x7;
	v19 =	vadd.s32 v12, v2  }
0x340: {  	s22 =	sadd.s32 $0xFFFFFFFB, s19;
	v20 =	vadd.s32 v12, v17  }
0x341: {  	v21 =	vadd.s32 s22, v15;
	v22 =	vadd.s32 v10, v17  }
0x342: {  	v23 =	vshll.u32 v21, $0x7;
	v21 =	vadd.s32 v10, v2  }
0x343: {  	v24 =	vadd.s32 v13, v23;
	v18 =	vld.idx.msk [tilespmem:v18+s2+$0x0], $0xffff  }
0x344: {  	v25 =	vor.u32 v9, v17;
	v26 =	vld.idx.msk [tilespmem:v19+s2+$0x0], $0xffff  }
0x345: {  	v27 =	vadd.s32 v13, v17;
	v29 =	vld.idx.msk [tilespmem:v20+s2+$0x0], $0xffff  }
0x346: {  	v56 =	vadd.s32 s19, v15;
	v19 =	vor.u32 v9, v2;
	v28 =	vld.idx.msk [tilespmem:v22+s2+$0x0], $0xffff  }
0x347: {  	v57 =	vshll.u32 v56, $0x7;
	v2 =	vadd.s32 v11, v2;
	v30 =	vld.idx.msk [tilespmem:v21+s2+$0x0], $0xffff  }
0x348: {  	v59 =	vadd.s32 v12, v57;
	v20 =	vadd.s32 v10, v23;
	v32 =	vld.idx.msk [tilespmem:v24+s2+$0x0], $0xffff  }
0x349: {  	v60 =	vadd.s32 v13, v57;
	v48 =	vor.u32 v9, v57;
	v24 =	vor.u32 v9, v23;
	v33 =	vld.idx.msk [tilespmem:v25+s2+$0x0], $0xffff  }
0x34a: {  	v31 =	vadd.s32 v11, v17;
	v17 =	vadd.s32 s20, v16;
	v34 =	vadd.s32 v12, v23;
	v38 =	vld.idx.msk [tilespmem:v27+s2+$0x0], $0xffff  }
0x34b: {  	v49 =	vadd.s32 v11, v57;
	v22 =	vshll.u32 v17, $0x7;
	v17 =	vadd.s32 s22, v16;
	v35 =	vld.idx.msk [tilespmem:v19+s2+$0x0], $0xffff  }
0x34c: {  	v36 =	vadd.s32 v11, v23;
	v21 =	vadd.s32 s21, v16;
	v37 =	vshll.u32 v17, $0x7;
	v2 =	vld.idx.msk [tilespmem:v2+s2+$0x0], $0xffff  }
0x34d: {  	v21 =	vshll.u32 v21, $0x7;
	v23 =	vadd.s32 v11, v22;
	v17 =	vadd.s32 v13, v37;
	v39 =	vld.idx.msk [tilespmem:v20+s2+$0x0], $0xffff  }
0x34e: {  	v40 =	vor.u32 v9, v21;
	v42 =	vor.u32 v9, v37;
	v25 =	vadd.s32 v11, v37;
	v43 =	vld.idx.msk [tilespmem:v24+s2+$0x0], $0xffff  }
0x34f: {  	v27 =	vadd.s32 v10, v37;
	v44 =	vmin.f32 v33, v28;
	v24 =	vmax.f32 v33, v28;
	v28 =	vld.idx.msk [tilespmem:v34+s2+$0x0], $0xffff  }
0x350: {  	v31 =	vld.idx.msk [tilespmem:v31+s2+$0x0], $0xffff;
	v53 =	vadd.s32 v10, v21;
	v19 =	vadd.s32 v12, v22;
	v20 =	vadd.s32 v12, v37  }
0x351: {  	v41 =	vmax.f32 v26, v18;
	v54 =	vmin.f32 v26, v18;
	v26 =	vadd.s32 v10, v22  }
0x352: {  	v50 =	vmax.f32 v29, v38;
	v34 =	vadd.s32 v10, v57;
	v38 =	vmin.f32 v29, v38  }
0x353: {  	v33 =	vmin.f32 v35, v30;
	v35 =	vmax.f32 v35, v30;
	v55 =	vmin.f32 v2, v41  }
0x354: {  	v2 =	vmax.f32 v2, v41;
	v58 =	vmin.f32 v43, v39;
	v47 =	vmax.f32 v28, v32  }
0x355: {  	v30 =	vld.idx.msk [tilespmem:v36+s2+$0x0], $0xffff;
	v32 =	vmin.f32 v28, v32;
	v28 =	vmax.f32 v31, v50;
	v31 =	vmin.f32 v31, v50  }
0x356: {  	v37 =	vmax.f32 v43, v39;
	v18 =	vmax.f32 v35, v2;
	v45 =	vmin.f32 v55, v54  }
0x357: {  	v46 =	vmax.f32 v55, v54;
	v61 =	vmin.f32 v31, v38;
	v38 =	vmax.f32 v31, v38  }
0x358: {  	v31 =	vadd.s32 v11, v21;
	v35 =	vmin.f32 v35, v2;
	v63 =	vmin.f32 v44, v38  }
0x359: {  	v56 =	vld.idx.msk [tilespmem:v59+s2+$0x0], $0xffff;
	v55 =	vmin.f32 v33, v46;
	v33 =	vmax.f32 v33, v46;
	v62 =	vmin.f32 v63, v61  }
0x35a: {  	v54 =	vld.idx.msk [tilespmem:v60+s2+$0x0], $0xffff;
	v59 =	vmin.f32 v55, v45;
	[tilespmem:v40+s8+$0x0] =	vst.idx.msk $0xffff, v62;
	v51 =	vmin.f32 v30, v47  }
0x35b: {  	v29 =	vmax.f32 v30, v47;
	v30 =	vmin.f32 v24, v28;
	v52 =	vmax.f32 v51, v32  }
0x35c: {  	v32 =	vmin.f32 v51, v32;
	v51 =	vor.u32 v9, v22;
	v36 =	vmin.f32 v58, v52  }
0x35d: {  	v57 =	vmin.f32 v37, v29;
	v50 =	vmax.f32 v58, v52;
	v58 =	vld.idx.msk [tilespmem:v48+s2+$0x0], $0xffff;
	v52 =	vmin.f32 v36, v32  }
0x35e: {  	v41 =	vmax.f32 v36, v32;
	v32 =	vmax.f32 v44, v38;
	[tilespmem:v42+s8+$0x0] =	vst.idx.msk $0xffff, v52;
	v52 =	vld.idx.msk [tilespmem:v49+s2+$0x0], $0xffff  }
0x35f: {  	v60 =	vmin.f32 v56, v54;
	v38 =	vmax.f32 v63, v61;
	v63 =	vld.idx.msk [tilespmem:v34+s2+$0x0], $0xffff;
	v39 =	vmin.f32 v30, v32  }
0x360: {  	s18 =	sadd.s32 $0x4, s18;
	v36 =	vmax.f32 v55, v45;
	v34 =	vmax.f32 v57, v50;
	v2 =	vmin.f32 v39, v38  }
0x361: {  	p0 =	slt.s32 s18, s17;
	v61 =	vmax.f32 v56, v54;
	v49 =	vmin.f32 v57, v50;
	[tilespmem:v53+s8+$0x0] =	vst.idx.msk $0xffff, v2;
	v2 =	vadd.s32 s19, v16  }
.Ltmp31:
0x362: {  	v42 =	vmin.f32 v35, v33;
	v43 =	vmax.f32 v49, v41;
	v40 =	vshll.u32 v2, $0x7;
	(pc) =	sbr.rel @!p0 .LBB2_37-.Ltmp31, $4  }
0x363: {  	[tilespmem:v51+s8+$0x0] =	vst.idx.msk $0xffff, v59;
	v46 =	vadd.s32 v10, v40;
	v62 =	vmin.f32 v52, v61  }
0x364: {  	v45 =	vmax.f32 v52, v61;
	v52 =	vmin.f32 v58, v63;
	v51 =	vmax.f32 v62, v60  }
0x365: {  	v48 =	vmax.f32 v58, v63;
	v2 =	vmin.f32 v62, v60;
	v63 =	vmin.f32 v52, v51  }
0x366: {  	s19 =	sadd.s32 $0x14, s19;
	v44 =	vmin.f32 v48, v45;
	v50 =	vmin.f32 v63, v2;
	v47 =	vmax.f32 v63, v2  }
.LBB2_36:
0x367: {  	s20 =	sadd.s32 $0xFFFFFFF1, s19;
	s21 =	sadd.s32 $0xFFFFFFF6, s19;
	s22 =	sadd.s32 $0xFFFFFFFB, s19;
	v2 =	vmax.f32 v52, v51;
	v45 =	vmax.f32 v48, v45;
	v48 =	vor.u32 v9, v40  }
0x368: {  	s18 =	sadd.s32 $0x4, s18;
	v51 =	vadd.s32 s20, v15;
	v52 =	vadd.s32 s21, v15;
	v53 =	vmin.f32 v44, v2  }
0x369: {  	v54 =	vadd.s32 s22, v15;
	p0 =	slt.s32 s18, s17;
	v51 =	vshll.u32 v51, $0x7;
	v52 =	vshll.u32 v52, $0x7  }
0x36a: {  	v57 =	vmax.f32 v42, v36;
	v55 =	vadd.s32 v12, v51;
	v56 =	vadd.s32 v13, v51  }
0x36b: {  	v58 =	vadd.s32 s21, v16;
	v60 =	vmin.f32 v53, v47;
	v59 =	vadd.s32 v13, v52  }
0x36c: {  	v58 =	vshll.u32 v58, $0x7;
	v61 =	vadd.s32 v11, v51;
	v62 =	vadd.s32 v11, v52;
	[tilespmem:v48+s8+$0x0] =	vst.idx.msk $0xffff, v50  }
0x36d: {  	v41 =	vmin.f32 v49, v41;
	v48 =	vadd.s32 s20, v16;
	v50 =	vshll.u32 v54, $0x7;
	[tilespmem:v46+s8+$0x0] =	vst.idx.msk $0xffff, v60  }
0x36e: {  	v49 =	vadd.s32 v12, v52;
	v46 =	vor.u32 v9, v51;
	v48 =	vshll.u32 v48, $0x7;
	[tilespmem:v27+s8+$0x0] =	vst.idx.msk $0xffff, v41  }
0x36f: {  	v47 =	vmax.f32 v53, v47;
	v27 =	vor.u32 v9, v52;
	v52 =	vadd.s32 v10, v52;
	v41 =	vld.idx.msk [tilespmem:v56+s2+$0x0], $0xffff  }
0x370: {  	v2 =	vmax.f32 v44, v2;
	v51 =	vadd.s32 v10, v51;
	v54 =	vadd.s32 v12, v50;
	v53 =	vld.idx.msk [tilespmem:v55+s2+$0x0], $0xffff  }
0x371: {  	v60 =	vadd.s32 v11, v40;
	v56 =	vadd.s32 v13, v50;
	v55 =	vadd.s32 v11, v50;
	v44 =	vld.idx.msk [tilespmem:v62+s2+$0x0], $0xffff  }
0x372: {  	v63 =	vor.u32 v9, v50;
	v50 =	vadd.s32 v10, v50;
	v62 =	vadd.s32 s22, v16  }
0x373: {  	v38 =	vmax.f32 v39, v38;
	v29 =	vmax.f32 v37, v29;
	v37 =	vadd.s32 v12, v40;
	v49 =	vld.idx.msk [tilespmem:v49+s2+$0x0], $0xffff  }
0x374: {  	v28 =	vmax.f32 v24, v28;
	v39 =	vld.idx.msk [tilespmem:v52+s2+$0x0], $0xffff;
	v52 =	vshll.u32 v62, $0x7;
	[tilespmem:v25+s8+$0x0] =	vst.idx.msk $0xffff, v43  }
0x375: {  	v24 =	vmax.f32 v30, v32;
	v43 =	vld.idx.msk [tilespmem:v51+s2+$0x0], $0xffff;
	v51 =	vadd.s32 v12, v48;
	[tilespmem:v31+s8+$0x0] =	vst.idx.msk $0xffff, v38  }
0x376: {  	v25 =	vmin.f32 v42, v36;
	v31 =	vadd.s32 v13, v40;
	v30 =	vld.idx.msk [tilespmem:v56+s2+$0x0], $0xffff;
	[tilespmem:v60+s8+$0x0] =	vst.idx.msk $0xffff, v47  }
0x377: {  	v33 =	vmax.f32 v35, v33;
	v32 =	vld.idx.msk [tilespmem:v27+s2+$0x0], $0xffff;
	[tilespmem:v26+s8+$0x0] =	vst.idx.msk $0xffff, v25;
	v26 =	vadd.s32 v12, v21  }
0x378: {  	v22 =	vadd.s32 v13, v22;
	v36 =	vadd.s32 v13, v21;
	v35 =	vld.idx.msk [tilespmem:v46+s2+$0x0], $0xffff;
	[tilespmem:v20+s8+$0x0] =	vst.idx.msk $0xffff, v34  }
0x379: {  	v34 =	vadd.s32 v11, v48;
	v21 =	vld.idx.msk [tilespmem:v61+s2+$0x0], $0xffff;
	[tilespmem:v17+s8+$0x0] =	vst.idx.msk $0xffff, v29;
	v17 =	vadd.s32 v13, v52  }
0x37a: {  	v40 =	vor.u32 v9, v58;
	v20 =	vadd.s32 v12, v52;
	v42 =	vld.idx.msk [tilespmem:v50+s2+$0x0], $0xffff;
	[tilespmem:v23+s8+$0x0] =	vst.idx.msk $0xffff, v57  }
0x37b: {  	v38 =	vor.u32 v9, v52;
	v25 =	vadd.s32 v11, v52;
	v29 =	vld.idx.msk [tilespmem:v59+s2+$0x0], $0xffff;
	[tilespmem:v37+s8+$0x0] =	vst.idx.msk $0xffff, v2  }
0x37c: {  	v27 =	vadd.s32 v10, v52;
	v2 =	vmax.f32 v53, v41;
	v37 =	vld.idx.msk [tilespmem:v63+s2+$0x0], $0xffff;
	[tilespmem:v26+s8+$0x0] =	vst.idx.msk $0xffff, v24  }
0x37d: {  	v23 =	vmin.f32 v53, v41;
	v46 =	vmin.f32 v32, v39;
	v24 =	vmax.f32 v32, v39;
	v32 =	vld.idx.msk [tilespmem:v54+s2+$0x0], $0xffff  }
0x37e: {  	v47 =	vmin.f32 v35, v43;
	v35 =	vmax.f32 v35, v43;
	v39 =	vld.idx.msk [tilespmem:v55+s2+$0x0], $0xffff;
	[tilespmem:v19+s8+$0x0] =	vst.idx.msk $0xffff, v33  }
0x37f: {  	v19 =	vmin.f32 v21, v2;
	v2 =	vmax.f32 v21, v2;
	v21 =	vmov v58;
	[tilespmem:v22+s8+$0x0] =	vst.idx.msk $0xffff, v18  }
0x380: {  	v0 =	vadd.s32 s19, v15;
	v26 =	vadd.s32 v10, v48;
	v18 =	vmax.f32 v35, v2;
	[tilespmem:v36+s8+$0x0] =	vst.idx.msk $0xffff, v28  }
0x381: {  	v33 =	vmin.f32 v19, v23;
	v43 =	vmax.f32 v19, v23;
	v36 =	vshll.u32 v0, $0x7;
	[tilespmem:v31+s8+$0x0] =	vst.idx.msk $0xffff, v45  }
0x382: {  	v22 =	vmovc v48;
	v31 =	vmin.f32 v37, v42;
	v41 =	vadd.s32 v12, v36;
	v45 =	vadd.s32 v13, v36  }
0x383: {  	v50 =	vor.u32 v9, v36;
	v52 =	vadd.s32 v11, v36;
	v19 =	vmovc v51;
	v48 =	vmax.f32 v32, v30  }
0x384: {  	v23 =	vmovc v34;
	v51 =	vmax.f32 v49, v29;
	v30 =	vmin.f32 v32, v30;
	v32 =	vmin.f32 v39, v48  }
0x385: {  	v36 =	vadd.s32 v10, v36;
	v28 =	vmax.f32 v44, v51;
	v34 =	vmax.f32 v32, v30  }
0x386: {  	v49 =	vmin.f32 v49, v29;
	v44 =	vmin.f32 v44, v51;
	v29 =	vmax.f32 v39, v48  }
0x387: {  	v39 =	vmin.f32 v44, v49;
	v44 =	vmax.f32 v44, v49;
	v49 =	vmax.f32 v31, v34;
	v45 =	vld.idx.msk [tilespmem:v45+s2+$0x0], $0xffff  }
0x388: {  	v48 =	vadd.s32 v10, v21;
	v32 =	vmin.f32 v32, v30;
	v34 =	vmin.f32 v31, v34;
	v51 =	vld.idx.msk [tilespmem:v41+s2+$0x0], $0xffff  }
0x389: {  	v53 =	vor.u32 v9, v22;
	v31 =	vadd.s32 v11, v21;
	v54 =	vmin.f32 v34, v32;
	v52 =	vld.idx.msk [tilespmem:v52+s2+$0x0], $0xffff  }
0x38a: {  	v55 =	vmin.f32 v47, v43;
	v30 =	vmin.f32 v24, v28;
	v41 =	vmax.f32 v34, v32;
	v56 =	vld.idx.msk [tilespmem:v36+s2+$0x0], $0xffff  }
0x38b: {  	v34 =	vmin.f32 v46, v44;
	v32 =	vmax.f32 v46, v44;
	[tilespmem:v38+s8+$0x0] =	vst.idx.msk $0xffff, v54;
	v44 =	vld.idx.msk [tilespmem:v50+s2+$0x0], $0xffff  }
0x38c: {  	v37 =	vmax.f32 v37, v42;
	v36 =	vmin.f32 v34, v39;
	v38 =	vmax.f32 v34, v39  }
0x38d: {  	v39 =	vmin.f32 v30, v32;
	v50 =	vmin.f32 v37, v29;
	[tilespmem:v40+s8+$0x0] =	vst.idx.msk $0xffff, v36  }
0x38e: {  	v34 =	vmax.f32 v50, v49;
	v40 =	vmin.f32 v55, v33;
	v36 =	vmax.f32 v55, v33  }
0x38f: {  	v35 =	vmin.f32 v35, v2;
	v2 =	vmin.f32 v39, v38;
	v33 =	vmax.f32 v47, v43  }
0x390: {  	v42 =	vmin.f32 v51, v45;
	v43 =	vmax.f32 v51, v45;
	[tilespmem:v48+s8+$0x0] =	vst.idx.msk $0xffff, v2;
	v2 =	vadd.s32 s19, v16  }
.Ltmp32:
0x391: {  	v46 =	vmin.f32 v52, v43;
	v45 =	vmax.f32 v52, v43;
	[tilespmem:v53+s8+$0x0] =	vst.idx.msk $0xffff, v40;
	v40 =	vshll.u32 v2, $0x7;
	(pc) =	sbr.rel @p0 .LBB2_36-.Ltmp32, $4  }
0x392: {  	v51 =	vmax.f32 v46, v42;
	v2 =	vmin.f32 v46, v42;
	v46 =	vadd.s32 v10, v40  }
0x393: {  	v52 =	vmin.f32 v44, v56;
	v48 =	vmax.f32 v44, v56;
	v42 =	vmin.f32 v35, v33  }
0x394: {  	v49 =	vmin.f32 v50, v49;
	v47 =	vmin.f32 v52, v51;
	v44 =	vmin.f32 v48, v45  }
0x395: {  	v43 =	vmax.f32 v49, v41;
	s19 =	sadd.s32 $0x14, s19;
	v50 =	vmin.f32 v47, v2;
	v47 =	vmax.f32 v47, v2  }
.LBB2_37:
0x396: {  	_ =	sdelay $0x2  }
0x397: {  	v2 =	vor.u32 v9, v40;
	v41 =	vmin.f32 v49, v41  }
0x398: {  	v55 =	vmax.f32 v39, v38;
	[tilespmem:v27+s8+$0x0] =	vst.idx.msk $0xffff, v41  }
0x399: {  	v58 =	vmin.f32 v42, v36;
	[tilespmem:v31+s8+$0x0] =	vst.idx.msk $0xffff, v55  }
0x39a: {  	[tilespmem:v26+s8+$0x0] =	vst.idx.msk $0xffff, v58  }
0x39b: {  	[tilespmem:v25+s8+$0x0] =	vst.idx.msk $0xffff, v43  }
0x39c: {  	v60 =	vmax.f32 v42, v36;
	[tilespmem:v2+s8+$0x0] =	vst.idx.msk $0xffff, v50;
	v2 =	vadd.s32 v11, v40  }
0x39d: {  	v51 =	vmax.f32 v52, v51;
	v57 =	vadd.s32 v12, v40;
	[tilespmem:v23+s8+$0x0] =	vst.idx.msk $0xffff, v60  }
0x39e: {  	v59 =	vmax.f32 v37, v29;
	v52 =	vmin.f32 v44, v51;
	[tilespmem:v20+s8+$0x0] =	vst.idx.msk $0xffff, v34  }
0x39f: {  	v22 =	vadd.s32 v13, v22;
	v53 =	vmin.f32 v52, v47;
	[tilespmem:v17+s8+$0x0] =	vst.idx.msk $0xffff, v59  }
0x3a0: {  	v63 =	vadd.s32 v13, v40;
	v56 =	vmax.f32 v52, v47;
	[tilespmem:v46+s8+$0x0] =	vst.idx.msk $0xffff, v53  }
0x3a1: {  	v17 =	vmax.f32 v44, v51;
	[tilespmem:v2+s8+$0x0] =	vst.idx.msk $0xffff, v56;
	v2 =	vadd.s32 v12, v21  }
0x3a2: {  	v61 =	vadd.s32 v13, v21;
	[tilespmem:v57+s8+$0x0] =	vst.idx.msk $0xffff, v17;
	v17 =	vmax.f32 v35, v33  }
0x3a3: {  	[tilespmem:v19+s8+$0x0] =	vst.idx.msk $0xffff, v17  }
0x3a4: {  	v17 =	vmax.f32 v48, v45;
	[tilespmem:v22+s8+$0x0] =	vst.idx.msk $0xffff, v18  }
0x3a5: {  	v62 =	vmax.f32 v30, v32;
	[tilespmem:v63+s8+$0x0] =	vst.idx.msk $0xffff, v17  }
0x3a6: {  	[tilespmem:v2+s8+$0x0] =	vst.idx.msk $0xffff, v62;
	v2 =	vmax.f32 v24, v28  }
0x3a7: {  	[tilespmem:v61+s8+$0x0] =	vst.idx.msk $0xffff, v2  }
.LBB2_38:
0x3a8: {  	p0 =	sgt.s32 s17, s14  }
.Ltmp33:
0x3a9: {  	_ = 	snop;
	(pc) =	sbr.rel @p0 .LBB2_41-.Ltmp33, $1  }
0x3aa: {  	_ =	sdelay $0x3  }
0x3ab: {  	s15 =	ssub.s32 s15, s16;
	s16 =	smul.u32 $0x5, s17  }
0x3ac: {  	s15 =	ssub.s32 s14, s15  }
.LBB2_40:
0x3ad: {  	v2 =	vadd.s32 s16, v15  }
0x3ae: {  	v2 =	vshll.u32 v2, $0x7  }
0x3af: {  	v17 =	vor.u32 v9, v2  }
0x3b0: {  	v18 =	vadd.s32 v10, v2  }
0x3b1: {  	v19 =	vadd.s32 v12, v2  }
0x3b2: {  	v20 =	vadd.s32 v13, v2  }
0x3b3: {  	v2 =	vadd.s32 v11, v2  }
0x3b4: {  	v17 =	vld.idx.msk [tilespmem:v17+s2+$0x0], $0xffff  }
0x3b5: {  	v18 =	vld.idx.msk [tilespmem:v18+s2+$0x0], $0xffff  }
0x3b6: {  	v19 =	vld.idx.msk [tilespmem:v19+s2+$0x0], $0xffff  }
0x3b7: {  	v20 =	vld.idx.msk [tilespmem:v20+s2+$0x0], $0xffff  }
0x3b8: {  	v2 =	vld.idx.msk [tilespmem:v2+s2+$0x0], $0xffff;
	_ =	sdelay $0x1  }
0x3b9: {  	v21 =	vadd.s32 s16, v16  }
0x3ba: {  	v59 =	vshll.u32 v21, $0x7;
	v22 =	vmin.f32 v17, v18  }
0x3bb: {  	v17 =	vmax.f32 v17, v18;
	v18 =	vmin.f32 v19, v20;
	v19 =	vmax.f32 v19, v20  }
0x3bc: {  	v60 =	vmin.f32 v2, v19;
	v2 =	vmax.f32 v2, v19;
	v19 =	vor.u32 v9, v59  }
0x3bd: {  	v61 =	vadd.s32 v10, v59;
	v62 =	vadd.s32 v11, v59;
	v27 =	vadd.s32 v12, v59  }
0x3be: {  	v20 =	vadd.s32 v13, v59;
	v23 =	vmin.f32 v60, v18;
	v18 =	vmax.f32 v60, v18  }
0x3bf: {  	s15 =	sadd.s32 $0x1, s15;
	v26 =	vmin.f32 v17, v2;
	v24 =	vmin.f32 v22, v18;
	v18 =	vmax.f32 v22, v18  }
0x3c0: {  	p0 =	slt.s32 s15, s14;
	v25 =	vmin.f32 v24, v23;
	v23 =	vmax.f32 v24, v23;
	v63 =	vmin.f32 v26, v18  }
.Ltmp34:
0x3c1: {  	[tilespmem:v19+s8+$0x0] =	vst.idx.msk $0xffff, v25;
	v19 =	vmin.f32 v63, v23;
	(pc) =	sbr.rel @p0 .LBB2_40-.Ltmp34, $4  }
0x3c2: {  	[tilespmem:v61+s8+$0x0] =	vst.idx.msk $0xffff, v19;
	v19 =	vmax.f32 v63, v23  }
0x3c3: {  	v18 =	vmax.f32 v26, v18;
	[tilespmem:v62+s8+$0x0] =	vst.idx.msk $0xffff, v19  }
0x3c4: {  	v2 =	vmax.f32 v17, v2;
	[tilespmem:v27+s8+$0x0] =	vst.idx.msk $0xffff, v18  }
0x3c5: {  	s16 =	sadd.s32 $0x5, s16;
	[tilespmem:v20+s8+$0x0] =	vst.idx.msk $0xffff, v2  }
.LBB2_41:
0x3c6: {  	s14 =	sadd.s32 $0x6EA, s12  }
0x3c7: {  	s15 =	sshra.s32 s14, $0x1F  }
0x3c8: {  	s14 =	sor.u32 $0x4, s14;
	s16 =	smul.u32 $0x66666667, s15  }
0x3c9: {  	s17 =	smulhi.u32 $0x66666667, s14  }
0x3ca: {  	s18 =	ssub.s32 s0, s13  }
0x3cb: {  	s19 =	smulhi.u32 $0x66666667, s18;
	s20 =	sshra.s32 s18, $0x1F;
	s16 =	sadd.s32 s16, s17  }
0x3cc: {  	s22 =	smul.u32 $0x66666667, s20;
	s17 =	sshrl.u32 s16, $0x1F;
	s16 =	sshra.s32 s16, $0x1  }
0x3cd: {  	s16 =	sadd.s32 s17, s16  }
0x3ce: {  	p1 =	sgt.s32 s12, $0xFFFFF915;
	s17 =	sadd.s32 s22, s19;
	s21 =	smul.u32 $0xFFFFFFFB, s16  }
0x3cf: {  	s14 =	ssub.s32 $0x0, s14;
	s22 =	sshrl.u32 s17, $0x1F;
	s17 =	sshra.s32 s17, $0x1  }
0x3d0: {  	s17 =	sadd.s32 s22, s17;
	p0 =	sne.s32 s21, s14;
	s14 =	simm.s32 $0x1  }
0x3d1: {  	s14 =	simm.s32 @!p1 $0x0;
	p1 =	sne.s32 s0, s13;
	s13 =	simm.s32 $0x1  }
0x3d2: {  	s19 =	smul.u32 $0xFFFFFFFB, s17;
	s13 =	simm.s32 @!p1 $0x0  }
0x3d3: {  	s14 =	sadd.s32 s14, s15;
	s13 =	sor.u32 s13, s20;
	s20 =	ssub.s32 $0x0, s18  }
0x3d4: {  	p5 =	sne.s32 s14, $0x1;
	p6 =	sne.s32 s13, $0x1;
	p2 =	sne.s32 s19, s20  }
0x3d5: {  	s14 =	simm.s32 $0x1;
	p0 =	por !p0, !p5;
	p1 =	por !p2, !p6  }
0x3d6: {  	s13 =	simm.s32 $0x1;
	p0 =	por !p0, !p0;
	p1 =	por !p1, !p1  }
0x3d7: {  	s13 =	simm.s32 @!p0 $0x0;
	s14 =	simm.s32 @!p1 $0x0  }
0x3d8: {  	s16 =	ssub.s32 s16, s13;
	s12 =	ssub.s32 s17, s14  }
0x3d9: {  	p0 =	sgt.s32 s16, $0x0;
	p1 =	slt.s32 s12, $0x198  }
0x3da: {  	s16 =	simm.s32 @!p0 $0x0;
	s12 =	simm.s32 @!p1 $0x198  }
0x3db: {  	s21 =	ssub.s32 s12, s16  }
0x3dc: {  	s13 =	sadd.s32 $0x1, s21  }
0x3dd: {  	s22 =	sshra.s32 s13, $0x1F  }
0x3de: {  	s14 =	sshrl.u32 s22, $0x1E  }
0x3df: {  	s14 =	sadd.s32 s14, s13  }
0x3e0: {  	s15 =	sand.u32 $0xFFFFFFFC, s14  }
0x3e1: {  	p0 =	slt.s32 s15, $0x1  }
.Ltmp35:
0x3e2: {  	_ = 	snop;
	(pc) =	sbr.rel @p0 .LBB2_45-.Ltmp35, $2  }
0x3e3: {  	_ =	sdelay $0x2  }
0x3e4: {  	v15 =	vadd.s32 v3, v14;
	v14 =	vadd.s32 v4, v14;
	s14 =	sadd.s32 s16, s15  }
0x3e5: {  	s17 =	smul.u32 $0x5, s16;
	_ =	sdelay $0x1  }
0x3e6: {  	s17 =	sadd.s32 $0xF, s17  }
0x3e7: {  	s18 =	sadd.s32 $0xFFFFFFF1, s17  }
0x3e8: {  	v2 =	vadd.s32 s18, v15  }
0x3e9: {  	s19 =	sadd.s32 $0xFFFFFFF6, s17;
	v2 =	vshll.u32 v2, $0x7  }
0x3ea: {  	v16 =	vadd.s32 s19, v15;
	v17 =	vadd.s32 v13, v2  }
0x3eb: {  	v16 =	vshll.u32 v16, $0x7;
	v18 =	vadd.s32 v12, v2  }
0x3ec: {  	s20 =	sadd.s32 $0xFFFFFFFB, s17;
	v19 =	vadd.s32 v12, v16  }
0x3ed: {  	v20 =	vadd.s32 s20, v15;
	v21 =	vadd.s32 v10, v16  }
0x3ee: {  	v22 =	vshll.u32 v20, $0x7;
	v20 =	vadd.s32 v10, v2  }
0x3ef: {  	v23 =	vadd.s32 v13, v22;
	v17 =	vld.idx.msk [tilespmem:v17+s2+$0x0], $0xffff  }
0x3f0: {  	v24 =	vor.u32 v9, v16;
	v25 =	vld.idx.msk [tilespmem:v18+s2+$0x0], $0xffff  }
0x3f1: {  	v26 =	vadd.s32 v13, v16;
	v28 =	vld.idx.msk [tilespmem:v19+s2+$0x0], $0xffff  }
0x3f2: {  	v57 =	vadd.s32 s17, v15;
	v30 =	vadd.s32 v11, v16;
	v27 =	vld.idx.msk [tilespmem:v21+s2+$0x0], $0xffff  }
0x3f3: {  	v58 =	vshll.u32 v57, $0x7;
	v18 =	vor.u32 v9, v2;
	v29 =	vld.idx.msk [tilespmem:v20+s2+$0x0], $0xffff  }
0x3f4: {  	v60 =	vadd.s32 v12, v58;
	v2 =	vadd.s32 v11, v2;
	v31 =	vld.idx.msk [tilespmem:v23+s2+$0x0], $0xffff  }
0x3f5: {  	v61 =	vadd.s32 v13, v58;
	v47 =	vor.u32 v9, v58;
	v19 =	vadd.s32 v10, v22;
	v32 =	vld.idx.msk [tilespmem:v24+s2+$0x0], $0xffff  }
0x3f6: {  	v48 =	vadd.s32 v11, v58;
	v16 =	vadd.s32 s18, v14;
	v23 =	vor.u32 v9, v22;
	v37 =	vld.idx.msk [tilespmem:v26+s2+$0x0], $0xffff  }
0x3f7: {  	v33 =	vadd.s32 v12, v22;
	v35 =	vadd.s32 v11, v22;
	v20 =	vadd.s32 s19, v14;
	v30 =	vld.idx.msk [tilespmem:v30+s2+$0x0], $0xffff  }
0x3f8: {  	v21 =	vshll.u32 v16, $0x7;
	v16 =	vadd.s32 s20, v14;
	v20 =	vshll.u32 v20, $0x7;
	v34 =	vld.idx.msk [tilespmem:v18+s2+$0x0], $0xffff  }
0x3f9: {  	v36 =	vshll.u32 v16, $0x7;
	v22 =	vadd.s32 v11, v21;
	v63 =	vor.u32 v9, v21;
	v2 =	vld.idx.msk [tilespmem:v2+s2+$0x0], $0xffff  }
0x3fa: {  	v16 =	vadd.s32 v13, v36;
	v39 =	vor.u32 v9, v20;
	v41 =	vor.u32 v9, v36;
	v38 =	vld.idx.msk [tilespmem:v19+s2+$0x0], $0xffff  }
0x3fb: {  	v24 =	vadd.s32 v11, v36;
	v26 =	vadd.s32 v10, v36;
	v52 =	vadd.s32 v10, v20;
	v42 =	vld.idx.msk [tilespmem:v23+s2+$0x0], $0xffff  }
0x3fc: {  	v18 =	vadd.s32 v12, v21;
	v43 =	vmin.f32 v32, v27;
	v23 =	vmax.f32 v32, v27;
	v27 =	vld.idx.msk [tilespmem:v33+s2+$0x0], $0xffff  }
0x3fd: {  	v19 =	vadd.s32 v12, v36;
	v40 =	vmax.f32 v25, v17;
	v55 =	vmin.f32 v25, v17  }
0x3fe: {  	v25 =	vadd.s32 v10, v21;
	v49 =	vmax.f32 v28, v37;
	v33 =	vadd.s32 v10, v58  }
0x3ff: {  	v53 =	vld.idx.msk [tilespmem:v61+s2+$0x0], $0xffff;
	v37 =	vmin.f32 v28, v37;
	v32 =	vmin.f32 v34, v29;
	v34 =	vmax.f32 v34, v29  }
0x400: {  	v29 =	vld.idx.msk [tilespmem:v35+s2+$0x0], $0xffff;
	v56 =	vmin.f32 v2, v40;
	v2 =	vmax.f32 v2, v40;
	v59 =	vmin.f32 v42, v38  }
0x401: {  	v58 =	vld.idx.msk [tilespmem:v47+s2+$0x0], $0xffff;
	v46 =	vmax.f32 v27, v31;
	v31 =	vmin.f32 v27, v31;
	v27 =	vmax.f32 v30, v49  }
0x402: {  	v30 =	vmin.f32 v30, v49;
	v44 =	vmin.f32 v56, v55;
	v45 =	vmax.f32 v56, v55;
	v55 =	vld.idx.msk [tilespmem:v60+s2+$0x0], $0xffff  }
0x403: {  	v17 =	vmax.f32 v34, v2;
	v62 =	vmin.f32 v30, v37;
	v37 =	vmax.f32 v30, v37;
	v56 =	vld.idx.msk [tilespmem:v33+s2+$0x0], $0xffff  }
0x404: {  	v30 =	vadd.s32 v11, v20;
	v34 =	vmin.f32 v34, v2;
	v54 =	vmin.f32 v32, v45  }
0x405: {  	v36 =	vmin.f32 v43, v37;
	v32 =	vmax.f32 v32, v45;
	v50 =	vmin.f32 v29, v46  }
0x406: {  	v48 =	vld.idx.msk [tilespmem:v48+s2+$0x0], $0xffff;
	v28 =	vmax.f32 v29, v46;
	v29 =	vmin.f32 v23, v27;
	v51 =	vmax.f32 v50, v31  }
0x407: {  	v31 =	vmin.f32 v50, v31;
	v60 =	vmin.f32 v55, v53;
	v61 =	vmax.f32 v55, v53  }
0x408: {  	v47 =	vmax.f32 v58, v56;
	v49 =	vmax.f32 v59, v51;
	v35 =	vmin.f32 v59, v51  }
0x409: {  	v59 =	vmin.f32 v54, v44;
	v51 =	vmin.f32 v35, v31;
	v40 =	vmax.f32 v35, v31  }
0x40a: {  	v31 =	vmax.f32 v43, v37;
	v37 =	vmax.f32 v36, v62;
	[tilespmem:v63+s8+$0x0] =	vst.idx.msk $0xffff, v59  }
0x40b: {  	v35 =	vmax.f32 v54, v44;
	v44 =	vmax.f32 v48, v61;
	[tilespmem:v41+s8+$0x0] =	vst.idx.msk $0xffff, v51  }
0x40c: {  	s16 =	sadd.s32 $0x4, s16;
	v51 =	vmin.f32 v36, v62;
	v36 =	vmax.f32 v42, v38;
	v38 =	vmin.f32 v29, v31  }
0x40d: {  	p0 =	slt.s32 s16, s14;
	v62 =	vmin.f32 v48, v61;
	v41 =	vmin.f32 v34, v32;
	v43 =	vmin.f32 v47, v44  }
.Ltmp36:
0x40e: {  	[tilespmem:v39+s8+$0x0] =	vst.idx.msk $0xffff, v51;
	v57 =	vmin.f32 v36, v28;
	v2 =	vmin.f32 v38, v37;
	(pc) =	sbr.rel @!p0 .LBB2_44-.Ltmp36, $4  }
0x40f: {  	v50 =	vmax.f32 v62, v60;
	v51 =	vmin.f32 v58, v56;
	v33 =	vmax.f32 v57, v49  }
0x410: {  	[tilespmem:v52+s8+$0x0] =	vst.idx.msk $0xffff, v2;
	v2 =	vadd.s32 s17, v14;
	v48 =	vmin.f32 v57, v49;
	v63 =	vmin.f32 v51, v50  }
0x411: {  	v39 =	vshll.u32 v2, $0x7;
	v2 =	vmin.f32 v62, v60;
	v42 =	vmax.f32 v48, v40  }
0x412: {  	s17 =	sadd.s32 $0x14, s17;
	v45 =	vadd.s32 v10, v39;
	v49 =	vmin.f32 v63, v2;
	v46 =	vmax.f32 v63, v2  }
.LBB2_43:
0x413: {  	s18 =	sadd.s32 $0xFFFFFFF1, s17;
	s19 =	sadd.s32 $0xFFFFFFF6, s17;
	s20 =	sadd.s32 $0xFFFFFFFB, s17;
	v2 =	vmax.f32 v51, v50;
	v44 =	vmax.f32 v47, v44;
	v47 =	vor.u32 v9, v39  }
0x414: {  	s16 =	sadd.s32 $0x4, s16;
	v50 =	vadd.s32 s18, v15;
	v51 =	vadd.s32 s19, v15;
	v52 =	vmin.f32 v43, v2  }
0x415: {  	v53 =	vadd.s32 s20, v15;
	p0 =	slt.s32 s16, s14;
	v50 =	vshll.u32 v50, $0x7;
	v51 =	vshll.u32 v51, $0x7  }
0x416: {  	v56 =	vmax.f32 v41, v35;
	v54 =	vadd.s32 v12, v50;
	v55 =	vadd.s32 v13, v50  }
0x417: {  	v57 =	vadd.s32 s19, v14;
	v59 =	vmin.f32 v52, v46;
	v58 =	vadd.s32 v13, v51  }
0x418: {  	v57 =	vshll.u32 v57, $0x7;
	v60 =	vadd.s32 v11, v50;
	v61 =	vadd.s32 v11, v51;
	[tilespmem:v47+s8+$0x0] =	vst.idx.msk $0xffff, v49  }
0x419: {  	v40 =	vmin.f32 v48, v40;
	v47 =	vadd.s32 s18, v14;
	v49 =	vshll.u32 v53, $0x7;
	[tilespmem:v45+s8+$0x0] =	vst.idx.msk $0xffff, v59  }
0x41a: {  	v48 =	vadd.s32 v12, v51;
	v45 =	vor.u32 v9, v50;
	v47 =	vshll.u32 v47, $0x7;
	[tilespmem:v26+s8+$0x0] =	vst.idx.msk $0xffff, v40  }
0x41b: {  	v46 =	vmax.f32 v52, v46;
	v26 =	vor.u32 v9, v51;
	v51 =	vadd.s32 v10, v51;
	v40 =	vld.idx.msk [tilespmem:v55+s2+$0x0], $0xffff  }
0x41c: {  	v2 =	vmax.f32 v43, v2;
	v50 =	vadd.s32 v10, v50;
	v53 =	vadd.s32 v12, v49;
	v52 =	vld.idx.msk [tilespmem:v54+s2+$0x0], $0xffff  }
0x41d: {  	v59 =	vadd.s32 v11, v39;
	v55 =	vadd.s32 v13, v49;
	v54 =	vadd.s32 v11, v49;
	v43 =	vld.idx.msk [tilespmem:v61+s2+$0x0], $0xffff  }
0x41e: {  	v62 =	vor.u32 v9, v49;
	v49 =	vadd.s32 v10, v49;
	v61 =	vadd.s32 s20, v14  }
0x41f: {  	v37 =	vmax.f32 v38, v37;
	v28 =	vmax.f32 v36, v28;
	v36 =	vadd.s32 v12, v39;
	v48 =	vld.idx.msk [tilespmem:v48+s2+$0x0], $0xffff  }
0x420: {  	v27 =	vmax.f32 v23, v27;
	v38 =	vld.idx.msk [tilespmem:v51+s2+$0x0], $0xffff;
	v51 =	vshll.u32 v61, $0x7;
	[tilespmem:v24+s8+$0x0] =	vst.idx.msk $0xffff, v42  }
0x421: {  	v23 =	vmax.f32 v29, v31;
	v42 =	vld.idx.msk [tilespmem:v50+s2+$0x0], $0xffff;
	v50 =	vadd.s32 v12, v47;
	[tilespmem:v30+s8+$0x0] =	vst.idx.msk $0xffff, v37  }
0x422: {  	v24 =	vmin.f32 v41, v35;
	v30 =	vadd.s32 v13, v39;
	v29 =	vld.idx.msk [tilespmem:v55+s2+$0x0], $0xffff;
	[tilespmem:v59+s8+$0x0] =	vst.idx.msk $0xffff, v46  }
0x423: {  	v32 =	vmax.f32 v34, v32;
	v31 =	vld.idx.msk [tilespmem:v26+s2+$0x0], $0xffff;
	[tilespmem:v25+s8+$0x0] =	vst.idx.msk $0xffff, v24;
	v25 =	vadd.s32 v12, v20  }
0x424: {  	v21 =	vadd.s32 v13, v21;
	v35 =	vadd.s32 v13, v20;
	v34 =	vld.idx.msk [tilespmem:v45+s2+$0x0], $0xffff;
	[tilespmem:v19+s8+$0x0] =	vst.idx.msk $0xffff, v33  }
0x425: {  	v33 =	vadd.s32 v11, v47;
	v20 =	vld.idx.msk [tilespmem:v60+s2+$0x0], $0xffff;
	[tilespmem:v16+s8+$0x0] =	vst.idx.msk $0xffff, v28;
	v16 =	vadd.s32 v13, v51  }
0x426: {  	v39 =	vor.u32 v9, v57;
	v19 =	vadd.s32 v12, v51;
	v41 =	vld.idx.msk [tilespmem:v49+s2+$0x0], $0xffff;
	[tilespmem:v22+s8+$0x0] =	vst.idx.msk $0xffff, v56  }
0x427: {  	v37 =	vor.u32 v9, v51;
	v24 =	vadd.s32 v11, v51;
	v28 =	vld.idx.msk [tilespmem:v58+s2+$0x0], $0xffff;
	[tilespmem:v36+s8+$0x0] =	vst.idx.msk $0xffff, v2  }
0x428: {  	v26 =	vadd.s32 v10, v51;
	v2 =	vmax.f32 v52, v40;
	v36 =	vld.idx.msk [tilespmem:v62+s2+$0x0], $0xffff;
	[tilespmem:v25+s8+$0x0] =	vst.idx.msk $0xffff, v23  }
0x429: {  	v22 =	vmin.f32 v52, v40;
	v45 =	vmin.f32 v31, v38;
	v23 =	vmax.f32 v31, v38;
	v31 =	vld.idx.msk [tilespmem:v53+s2+$0x0], $0xffff  }
0x42a: {  	v46 =	vmin.f32 v34, v42;
	v34 =	vmax.f32 v34, v42;
	v38 =	vld.idx.msk [tilespmem:v54+s2+$0x0], $0xffff;
	[tilespmem:v18+s8+$0x0] =	vst.idx.msk $0xffff, v32  }
0x42b: {  	v18 =	vmin.f32 v20, v2;
	v2 =	vmax.f32 v20, v2;
	v20 =	vmov v57;
	[tilespmem:v21+s8+$0x0] =	vst.idx.msk $0xffff, v17  }
0x42c: {  	v0 =	vadd.s32 s17, v15;
	v25 =	vadd.s32 v10, v47;
	v17 =	vmax.f32 v34, v2;
	[tilespmem:v35+s8+$0x0] =	vst.idx.msk $0xffff, v27  }
0x42d: {  	v32 =	vmin.f32 v18, v22;
	v42 =	vmax.f32 v18, v22;
	v35 =	vshll.u32 v0, $0x7;
	[tilespmem:v30+s8+$0x0] =	vst.idx.msk $0xffff, v44  }
0x42e: {  	v21 =	vmovc v47;
	v30 =	vmin.f32 v36, v41;
	v40 =	vadd.s32 v12, v35;
	v44 =	vadd.s32 v13, v35  }
0x42f: {  	v49 =	vor.u32 v9, v35;
	v51 =	vadd.s32 v11, v35;
	v18 =	vmovc v50;
	v47 =	vmax.f32 v31, v29  }
0x430: {  	v22 =	vmovc v33;
	v50 =	vmax.f32 v48, v28;
	v29 =	vmin.f32 v31, v29;
	v31 =	vmin.f32 v38, v47  }
0x431: {  	v35 =	vadd.s32 v10, v35;
	v27 =	vmax.f32 v43, v50;
	v33 =	vmax.f32 v31, v29  }
0x432: {  	v48 =	vmin.f32 v48, v28;
	v43 =	vmin.f32 v43, v50;
	v28 =	vmax.f32 v38, v47  }
0x433: {  	v38 =	vmin.f32 v43, v48;
	v43 =	vmax.f32 v43, v48;
	v48 =	vmax.f32 v30, v33;
	v44 =	vld.idx.msk [tilespmem:v44+s2+$0x0], $0xffff  }
0x434: {  	v47 =	vadd.s32 v10, v20;
	v31 =	vmin.f32 v31, v29;
	v33 =	vmin.f32 v30, v33;
	v50 =	vld.idx.msk [tilespmem:v40+s2+$0x0], $0xffff  }
0x435: {  	v52 =	vor.u32 v9, v21;
	v30 =	vadd.s32 v11, v20;
	v53 =	vmin.f32 v33, v31;
	v51 =	vld.idx.msk [tilespmem:v51+s2+$0x0], $0xffff  }
0x436: {  	v54 =	vmin.f32 v46, v42;
	v29 =	vmin.f32 v23, v27;
	v40 =	vmax.f32 v33, v31;
	v55 =	vld.idx.msk [tilespmem:v35+s2+$0x0], $0xffff  }
0x437: {  	v33 =	vmin.f32 v45, v43;
	v31 =	vmax.f32 v45, v43;
	[tilespmem:v37+s8+$0x0] =	vst.idx.msk $0xffff, v53;
	v43 =	vld.idx.msk [tilespmem:v49+s2+$0x0], $0xffff  }
0x438: {  	v36 =	vmax.f32 v36, v41;
	v35 =	vmin.f32 v33, v38;
	v37 =	vmax.f32 v33, v38  }
0x439: {  	v38 =	vmin.f32 v29, v31;
	v49 =	vmin.f32 v36, v28;
	[tilespmem:v39+s8+$0x0] =	vst.idx.msk $0xffff, v35  }
0x43a: {  	v33 =	vmax.f32 v49, v48;
	v39 =	vmin.f32 v54, v32;
	v35 =	vmax.f32 v54, v32  }
0x43b: {  	v34 =	vmin.f32 v34, v2;
	v2 =	vmin.f32 v38, v37;
	v32 =	vmax.f32 v46, v42  }
0x43c: {  	v41 =	vmin.f32 v50, v44;
	v42 =	vmax.f32 v50, v44;
	[tilespmem:v47+s8+$0x0] =	vst.idx.msk $0xffff, v2;
	v2 =	vadd.s32 s17, v14  }
.Ltmp37:
0x43d: {  	v45 =	vmin.f32 v51, v42;
	v44 =	vmax.f32 v51, v42;
	[tilespmem:v52+s8+$0x0] =	vst.idx.msk $0xffff, v39;
	v39 =	vshll.u32 v2, $0x7;
	(pc) =	sbr.rel @p0 .LBB2_43-.Ltmp37, $4  }
0x43e: {  	v50 =	vmax.f32 v45, v41;
	v2 =	vmin.f32 v45, v41;
	v45 =	vadd.s32 v10, v39  }
0x43f: {  	v51 =	vmin.f32 v43, v55;
	v47 =	vmax.f32 v43, v55;
	v41 =	vmin.f32 v34, v32  }
0x440: {  	v48 =	vmin.f32 v49, v48;
	v46 =	vmin.f32 v51, v50;
	v43 =	vmin.f32 v47, v44  }
0x441: {  	v42 =	vmax.f32 v48, v40;
	s17 =	sadd.s32 $0x14, s17;
	v49 =	vmin.f32 v46, v2;
	v46 =	vmax.f32 v46, v2  }
.LBB2_44:
0x442: {  	_ =	sdelay $0x2  }
0x443: {  	v2 =	vor.u32 v9, v39;
	v40 =	vmin.f32 v48, v40  }
0x444: {  	v55 =	vmax.f32 v38, v37;
	[tilespmem:v26+s8+$0x0] =	vst.idx.msk $0xffff, v40  }
0x445: {  	v58 =	vmin.f32 v41, v35;
	[tilespmem:v30+s8+$0x0] =	vst.idx.msk $0xffff, v55  }
0x446: {  	[tilespmem:v25+s8+$0x0] =	vst.idx.msk $0xffff, v58  }
0x447: {  	[tilespmem:v24+s8+$0x0] =	vst.idx.msk $0xffff, v42  }
0x448: {  	v60 =	vmax.f32 v41, v35;
	[tilespmem:v2+s8+$0x0] =	vst.idx.msk $0xffff, v49;
	v2 =	vadd.s32 v11, v39  }
0x449: {  	v50 =	vmax.f32 v51, v50;
	v57 =	vadd.s32 v12, v39;
	[tilespmem:v22+s8+$0x0] =	vst.idx.msk $0xffff, v60  }
0x44a: {  	v59 =	vmax.f32 v36, v28;
	v51 =	vmin.f32 v43, v50;
	[tilespmem:v19+s8+$0x0] =	vst.idx.msk $0xffff, v33  }
0x44b: {  	v21 =	vadd.s32 v13, v21;
	v52 =	vmin.f32 v51, v46;
	[tilespmem:v16+s8+$0x0] =	vst.idx.msk $0xffff, v59  }
0x44c: {  	v63 =	vadd.s32 v13, v39;
	v56 =	vmax.f32 v51, v46;
	[tilespmem:v45+s8+$0x0] =	vst.idx.msk $0xffff, v52  }
0x44d: {  	v16 =	vmax.f32 v43, v50;
	[tilespmem:v2+s8+$0x0] =	vst.idx.msk $0xffff, v56;
	v2 =	vadd.s32 v12, v20  }
0x44e: {  	v61 =	vadd.s32 v13, v20;
	[tilespmem:v57+s8+$0x0] =	vst.idx.msk $0xffff, v16;
	v16 =	vmax.f32 v34, v32  }
0x44f: {  	[tilespmem:v18+s8+$0x0] =	vst.idx.msk $0xffff, v16  }
0x450: {  	v16 =	vmax.f32 v47, v44;
	[tilespmem:v21+s8+$0x0] =	vst.idx.msk $0xffff, v17  }
0x451: {  	v62 =	vmax.f32 v29, v31;
	[tilespmem:v63+s8+$0x0] =	vst.idx.msk $0xffff, v16  }
0x452: {  	[tilespmem:v2+s8+$0x0] =	vst.idx.msk $0xffff, v62;
	v2 =	vmax.f32 v23, v27  }
0x453: {  	[tilespmem:v61+s8+$0x0] =	vst.idx.msk $0xffff, v2  }
.LBB2_45:
0x454: {  	p0 =	sgt.s32 s14, s12  }
.Ltmp38:
0x455: {  	_ = 	snop;
	(pc) =	sbr.rel @p0 .LBB2_48-.Ltmp38, $1  }
0x456: {  	_ =	sdelay $0x3  }
0x457: {  	s13 =	ssub.s32 s13, s15;
	s14 =	smul.u32 $0x5, s14  }
0x458: {  	s13 =	ssub.s32 s12, s13  }
.LBB2_47:
0x459: {  	v2 =	vadd.s32 s14, v15  }
0x45a: {  	v2 =	vshll.u32 v2, $0x7  }
0x45b: {  	v16 =	vor.u32 v9, v2  }
0x45c: {  	v17 =	vadd.s32 v10, v2  }
0x45d: {  	v18 =	vadd.s32 v12, v2  }
0x45e: {  	v19 =	vadd.s32 v13, v2  }
0x45f: {  	v2 =	vadd.s32 v11, v2  }
0x460: {  	v16 =	vld.idx.msk [tilespmem:v16+s2+$0x0], $0xffff  }
0x461: {  	v17 =	vld.idx.msk [tilespmem:v17+s2+$0x0], $0xffff  }
0x462: {  	v18 =	vld.idx.msk [tilespmem:v18+s2+$0x0], $0xffff  }
0x463: {  	v19 =	vld.idx.msk [tilespmem:v19+s2+$0x0], $0xffff  }
0x464: {  	v20 =	vadd.s32 s14, v14;
	v2 =	vld.idx.msk [tilespmem:v2+s2+$0x0], $0xffff  }
0x465: {  	v56 =	vshll.u32 v20, $0x7  }
0x466: {  	v58 =	vor.u32 v9, v56  }
0x467: {  	v59 =	vadd.s32 v10, v56;
	v60 =	vadd.s32 v11, v56;
	v21 =	vmin.f32 v16, v17  }
0x468: {  	v16 =	vmax.f32 v16, v17;
	v17 =	vmin.f32 v18, v19;
	v18 =	vmax.f32 v18, v19  }
0x469: {  	v26 =	vadd.s32 v12, v56;
	v19 =	vadd.s32 v13, v56;
	v57 =	vmin.f32 v2, v18  }
0x46a: {  	v2 =	vmax.f32 v2, v18;
	v22 =	vmin.f32 v57, v17;
	v17 =	vmax.f32 v57, v17  }
0x46b: {  	s13 =	sadd.s32 $0x1, s13;
	v25 =	vmin.f32 v16, v2;
	v23 =	vmin.f32 v21, v17;
	v17 =	vmax.f32 v21, v17  }
0x46c: {  	p0 =	slt.s32 s13, s12;
	v24 =	vmin.f32 v23, v22;
	v22 =	vmax.f32 v23, v22;
	v61 =	vmin.f32 v25, v17  }
.Ltmp39:
0x46d: {  	[tilespmem:v58+s8+$0x0] =	vst.idx.msk $0xffff, v24;
	v62 =	vmin.f32 v61, v22;
	(pc) =	sbr.rel @p0 .LBB2_47-.Ltmp39, $4  }
0x46e: {  	v63 =	vmax.f32 v61, v22;
	[tilespmem:v59+s8+$0x0] =	vst.idx.msk $0xffff, v62  }
0x46f: {  	v17 =	vmax.f32 v25, v17;
	[tilespmem:v60+s8+$0x0] =	vst.idx.msk $0xffff, v63  }
0x470: {  	v2 =	vmax.f32 v16, v2;
	[tilespmem:v26+s8+$0x0] =	vst.idx.msk $0xffff, v17  }
0x471: {  	s14 =	sadd.s32 $0x5, s14;
	[tilespmem:v19+s8+$0x0] =	vst.idx.msk $0xffff, v2  }
.Ltmp40:
0x472: {  	_ = 	snop;
	(pc) =	sbr.rel .LBB2_48-.Ltmp40, $1  }
0x473: {  	_ =	sdelay $0x3  }
.LBB2_49:
0x474: {  	s11 =	rddreg [dreg:$0xc]  }
0x475: {  	[hbm4b:s11+s3] =	stream.strided.scatter [tilespmem:s9], [sflag:$0x1], $0x8000, s4, s3, $0x38;
	[tilespmem:$0x13400] =	vst v63  }
0x476: {  	_ =	swait.ge [sflag:s5], $0x8000  }
0x477: {  	[sflag:s5] =	ssyncset.done $0x0  }
0x478: {  	s11 =	simm.s32 $0x0;
	s12 =	rddreg [dreg:$0xd];
	[sflag:s5] =	ssyncadd.s32 $0xFFFF8000  }
0x479: {  	[tilespmem:s11], [sflag:$0x1] =	stream.strided.gather [hbm4b:s12+s3], $0x1000, s4, s3, $0x38;
	[tilespmem:$0x13400] =	vst v63  }
0x47a: {  	_ =	swait.ge [sflag:s5], $0x1000  }
0x47b: {  	[sflag:s5] =	ssyncset.done $0x0  }
0x47c: {  	s21 =	rddreg [dreg:$0x13];
	[sflag:s5] =	ssyncadd.s32 $0xFFFFF000  }
0x47d: {  	[tilespmem:s6], [sflag:$0x1] =	stream.strided.gather [hbm4b:s21+s3], $0x8000, s4, s3, $0x38;
	[tilespmem:$0x13400] =	vst v63  }
0x47e: {  	_ =	swait.ge [sflag:s5], $0x8000  }
0x47f: {  	[sflag:s5] =	ssyncset.done $0x0  }
.Ltmp41:
0x480: {  	s22 =	rddreg [dreg:$0xe];
	[sflag:s5] =	ssyncadd.s32 $0xFFFF8000;
	(pc) =	sbr.rel .LBB2_50-.Ltmp41, $4  }
0x481: {  	[tilespmem:s7], [sflag:$0x1] =	stream.strided.gather [hbm4b:s22+s3], $0xC00, s4, s3, $0x38;
	[tilespmem:$0x13400] =	vst v63  }
0x482: {  	_ =	swait.ge [sflag:s5], $0xC00  }
0x483: {  	[sflag:s5] =	ssyncset.done $0x0  }
0x484: {  	[sflag:s5] =	ssyncadd.s32 $0xFFFFF400  }
.LBB2_64:
0x485: {  	s11 =	sadd.s32 $0x1, s11  }
0x486: {  	p0 =	sne.s32 s11, $0x8  }
.Ltmp42:
0x487: {  	_ = 	snop;
	(pc) =	sbr.rel @!p0 .LBB2_65-.Ltmp42, $1  }
0x488: {  	_ =	sdelay $0x3  }
.LBB2_50:
0x489: {  	s19 =	sshll.u32 s11, $0x4  }
0x48a: {  	s12 =	ssub.s32 s1, s19  }
0x48b: {  	s15 =	ssub.s32 s29, s19;
	s13 =	sadd.s32 $0xFFFFFE71, s12  }
0x48c: {  	s16 =	sadd.s32 $0xFFFFFE7F, s15;
	s14 =	smulhi.u32 $0x66666667, s13  }
0x48d: {  	s13 =	sshra.s32 s13, $0x1F;
	s17 =	smulhi.u32 $0x66666667, s16  }
0x48e: {  	s18 =	sshra.s32 s16, $0x1F;
	s13 =	smul.u32 $0x66666667, s13  }
0x48f: {  	s18 =	smul.u32 $0x66666667, s18  }
0x490: {  	s13 =	sadd.s32 s13, s14  }
0x491: {  	s17 =	sadd.s32 s18, s17;
	s14 =	sshrl.u32 s13, $0x1F;
	s13 =	sshra.s32 s13, $0x1  }
0x492: {  	s20 =	sshrl.u32 s17, $0x1F;
	s17 =	sshra.s32 s17, $0x1;
	s13 =	sadd.s32 s14, s13  }
0x493: {  	s14 =	sadd.s32 s20, s17;
	s21 =	smul.u32 $0xFFFFFFFB, s13  }
0x494: {  	s20 =	smul.u32 $0xFFFFFFFB, s14  }
0x495: {  	s22 =	ssub.s32 $0x18F, s12;
	p1 =	slt.s32 s12, $0x18F;
	s15 =	ssub.s32 $0x181, s15  }
0x496: {  	p6 =	slt.s32 s16, $0x1;
	p0 =	sne.s32 s21, s22;
	p2 =	sne.s32 s20, s15  }
0x497: {  	s16 =	simm.s32 $0x1;
	p0 =	por !p1, !p0;
	p1 =	por !p6, !p2  }
0x498: {  	s15 =	simm.s32 $0x1;
	p0 =	por !p0, !p0;
	p1 =	por !p1, !p1  }
0x499: {  	s15 =	simm.s32 @!p0 $0x0;
	s16 =	simm.s32 @!p1 $0x0  }
0x49a: {  	s18 =	ssub.s32 s13, s15;
	s14 =	ssub.s32 s14, s16  }
0x49b: {  	p0 =	sgt.s32 s18, $0x0;
	p1 =	slt.s32 s14, $0x198  }
0x49c: {  	s18 =	simm.s32 @!p0 $0x0;
	s14 =	simm.s32 @!p1 $0x198  }
0x49d: {  	s21 =	ssub.s32 s14, s18  }
0x49e: {  	s15 =	sadd.s32 $0x1, s21  }
0x49f: {  	s13 =	sshra.s32 s15, $0x1F  }
0x4a0: {  	s22 =	sshrl.u32 s13, $0x1E  }
0x4a1: {  	s16 =	sadd.s32 s22, s15  }
0x4a2: {  	v0 =	vlaneseq.u32;
	s13 =	sor.u32 $0x180, s19;
	s16 =	sand.u32 $0xFFFFFFFC, s16  }
0x4a3: {  	v9 =	vor.u32 s19, v0;
	v14 =	vor.u32 s13, v0;
	v0 =	vld [tilespmem:$0x1FFF0];
	p0 =	slt.s32 s16, $0x1  }
.Ltmp43:
0x4a4: {  	_ = 	snop;
	(pc) =	sbr.rel @p0 .LBB2_54-.Ltmp43, $3  }
0x4a5: {  	_ =	sdelay $0x1  }
0x4a6: {  	v10 =	vadd.s32 s19, v5;
	v11 =	vadd.s32 s19, v6;
	v12 =	vadd.s32 s19, v7  }
0x4a7: {  	v13 =	vadd.s32 s19, v8;
	v16 =	vadd.s32 v1, v14;
	s17 =	sadd.s32 s18, s16;
	v15 =	vadd.s32 v0, v14  }
0x4a8: {  	s19 =	smul.u32 $0x5, s18;
	_ =	sdelay $0x1  }
0x4a9: {  	s19 =	sadd.s32 $0xF, s19  }
0x4aa: {  	s20 =	sadd.s32 $0xFFFFFFF1, s19  }
0x4ab: {  	v2 =	vadd.s32 s20, v15  }
0x4ac: {  	s21 =	sadd.s32 $0xFFFFFFF6, s19;
	v2 =	vshll.u32 v2, $0x7  }
0x4ad: {  	v17 =	vadd.s32 s21, v15;
	v18 =	vadd.s32 v13, v2  }
0x4ae: {  	v17 =	vshll.u32 v17, $0x7;
	v19 =	vadd.s32 v12, v2  }
0x4af: {  	s22 =	sadd.s32 $0xFFFFFFFB, s19;
	v20 =	vadd.s32 v12, v17  }
0x4b0: {  	v21 =	vadd.s32 s22, v15;
	v22 =	vadd.s32 v10, v17  }
0x4b1: {  	v23 =	vshll.u32 v21, $0x7;
	v21 =	vadd.s32 v10, v2  }
0x4b2: {  	v24 =	vadd.s32 v13, v23;
	v18 =	vld.idx.msk [tilespmem:v18+s2+$0x0], $0xffff  }
0x4b3: {  	v25 =	vor.u32 v9, v17;
	v26 =	vld.idx.msk [tilespmem:v19+s2+$0x0], $0xffff  }
0x4b4: {  	v27 =	vadd.s32 v13, v17;
	v29 =	vld.idx.msk [tilespmem:v20+s2+$0x0], $0xffff  }
0x4b5: {  	v56 =	vadd.s32 s19, v15;
	v19 =	vor.u32 v9, v2;
	v28 =	vld.idx.msk [tilespmem:v22+s2+$0x0], $0xffff  }
0x4b6: {  	v57 =	vshll.u32 v56, $0x7;
	v2 =	vadd.s32 v11, v2;
	v30 =	vld.idx.msk [tilespmem:v21+s2+$0x0], $0xffff  }
0x4b7: {  	v59 =	vadd.s32 v12, v57;
	v20 =	vadd.s32 v10, v23;
	v32 =	vld.idx.msk [tilespmem:v24+s2+$0x0], $0xffff  }
0x4b8: {  	v60 =	vadd.s32 v13, v57;
	v48 =	vor.u32 v9, v57;
	v24 =	vor.u32 v9, v23;
	v33 =	vld.idx.msk [tilespmem:v25+s2+$0x0], $0xffff  }
0x4b9: {  	v31 =	vadd.s32 v11, v17;
	v17 =	vadd.s32 s20, v16;
	v34 =	vadd.s32 v12, v23;
	v38 =	vld.idx.msk [tilespmem:v27+s2+$0x0], $0xffff  }
0x4ba: {  	v49 =	vadd.s32 v11, v57;
	v22 =	vshll.u32 v17, $0x7;
	v17 =	vadd.s32 s22, v16;
	v35 =	vld.idx.msk [tilespmem:v19+s2+$0x0], $0xffff  }
0x4bb: {  	v36 =	vadd.s32 v11, v23;
	v21 =	vadd.s32 s21, v16;
	v37 =	vshll.u32 v17, $0x7;
	v2 =	vld.idx.msk [tilespmem:v2+s2+$0x0], $0xffff  }
0x4bc: {  	v21 =	vshll.u32 v21, $0x7;
	v23 =	vadd.s32 v11, v22;
	v17 =	vadd.s32 v13, v37;
	v39 =	vld.idx.msk [tilespmem:v20+s2+$0x0], $0xffff  }
0x4bd: {  	v40 =	vor.u32 v9, v21;
	v42 =	vor.u32 v9, v37;
	v25 =	vadd.s32 v11, v37;
	v43 =	vld.idx.msk [tilespmem:v24+s2+$0x0], $0xffff  }
0x4be: {  	v27 =	vadd.s32 v10, v37;
	v44 =	vmin.f32 v33, v28;
	v24 =	vmax.f32 v33, v28;
	v28 =	vld.idx.msk [tilespmem:v34+s2+$0x0], $0xffff  }
0x4bf: {  	v31 =	vld.idx.msk [tilespmem:v31+s2+$0x0], $0xffff;
	v53 =	vadd.s32 v10, v21;
	v19 =	vadd.s32 v12, v22;
	v20 =	vadd.s32 v12, v37  }
0x4c0: {  	v41 =	vmax.f32 v26, v18;
	v54 =	vmin.f32 v26, v18;
	v26 =	vadd.s32 v10, v22  }
0x4c1: {  	v50 =	vmax.f32 v29, v38;
	v34 =	vadd.s32 v10, v57;
	v38 =	vmin.f32 v29, v38  }
0x4c2: {  	v33 =	vmin.f32 v35, v30;
	v35 =	vmax.f32 v35, v30;
	v55 =	vmin.f32 v2, v41  }
0x4c3: {  	v2 =	vmax.f32 v2, v41;
	v58 =	vmin.f32 v43, v39;
	v47 =	vmax.f32 v28, v32  }
0x4c4: {  	v30 =	vld.idx.msk [tilespmem:v36+s2+$0x0], $0xffff;
	v32 =	vmin.f32 v28, v32;
	v28 =	vmax.f32 v31, v50;
	v31 =	vmin.f32 v31, v50  }
0x4c5: {  	v37 =	vmax.f32 v43, v39;
	v18 =	vmax.f32 v35, v2;
	v45 =	vmin.f32 v55, v54  }
0x4c6: {  	v46 =	vmax.f32 v55, v54;
	v61 =	vmin.f32 v31, v38;
	v38 =	vmax.f32 v31, v38  }
0x4c7: {  	v31 =	vadd.s32 v11, v21;
	v35 =	vmin.f32 v35, v2;
	v63 =	vmin.f32 v44, v38  }
0x4c8: {  	v56 =	vld.idx.msk [tilespmem:v59+s2+$0x0], $0xffff;
	v55 =	vmin.f32 v33, v46;
	v33 =	vmax.f32 v33, v46;
	v62 =	vmin.f32 v63, v61  }
0x4c9: {  	v54 =	vld.idx.msk [tilespmem:v60+s2+$0x0], $0xffff;
	v59 =	vmin.f32 v55, v45;
	[tilespmem:v40+s8+$0x0] =	vst.idx.msk $0xffff, v62;
	v51 =	vmin.f32 v30, v47  }
0x4ca: {  	v29 =	vmax.f32 v30, v47;
	v30 =	vmin.f32 v24, v28;
	v52 =	vmax.f32 v51, v32  }
0x4cb: {  	v32 =	vmin.f32 v51, v32;
	v51 =	vor.u32 v9, v22;
	v36 =	vmin.f32 v58, v52  }
0x4cc: {  	v57 =	vmin.f32 v37, v29;
	v50 =	vmax.f32 v58, v52;
	v58 =	vld.idx.msk [tilespmem:v48+s2+$0x0], $0xffff;
	v52 =	vmin.f32 v36, v32  }
0x4cd: {  	v41 =	vmax.f32 v36, v32;
	v32 =	vmax.f32 v44, v38;
	[tilespmem:v42+s8+$0x0] =	vst.idx.msk $0xffff, v52;
	v52 =	vld.idx.msk [tilespmem:v49+s2+$0x0], $0xffff  }
0x4ce: {  	v60 =	vmin.f32 v56, v54;
	v38 =	vmax.f32 v63, v61;
	v63 =	vld.idx.msk [tilespmem:v34+s2+$0x0], $0xffff;
	v39 =	vmin.f32 v30, v32  }
0x4cf: {  	s18 =	sadd.s32 $0x4, s18;
	v36 =	vmax.f32 v55, v45;
	v34 =	vmax.f32 v57, v50;
	v2 =	vmin.f32 v39, v38  }
0x4d0: {  	p0 =	slt.s32 s18, s17;
	v61 =	vmax.f32 v56, v54;
	v49 =	vmin.f32 v57, v50;
	[tilespmem:v53+s8+$0x0] =	vst.idx.msk $0xffff, v2;
	v2 =	vadd.s32 s19, v16  }
.Ltmp44:
0x4d1: {  	v42 =	vmin.f32 v35, v33;
	v43 =	vmax.f32 v49, v41;
	v40 =	vshll.u32 v2, $0x7;
	(pc) =	sbr.rel @!p0 .LBB2_53-.Ltmp44, $4  }
0x4d2: {  	[tilespmem:v51+s8+$0x0] =	vst.idx.msk $0xffff, v59;
	v46 =	vadd.s32 v10, v40;
	v62 =	vmin.f32 v52, v61  }
0x4d3: {  	v45 =	vmax.f32 v52, v61;
	v52 =	vmin.f32 v58, v63;
	v51 =	vmax.f32 v62, v60  }
0x4d4: {  	v48 =	vmax.f32 v58, v63;
	v2 =	vmin.f32 v62, v60;
	v63 =	vmin.f32 v52, v51  }
0x4d5: {  	s19 =	sadd.s32 $0x14, s19;
	v44 =	vmin.f32 v48, v45;
	v50 =	vmin.f32 v63, v2;
	v47 =	vmax.f32 v63, v2  }
.LBB2_52:
0x4d6: {  	s20 =	sadd.s32 $0xFFFFFFF1, s19;
	s21 =	sadd.s32 $0xFFFFFFF6, s19;
	s22 =	sadd.s32 $0xFFFFFFFB, s19;
	v2 =	vmax.f32 v52, v51;
	v45 =	vmax.f32 v48, v45;
	v48 =	vor.u32 v9, v40  }
0x4d7: {  	s18 =	sadd.s32 $0x4, s18;
	v51 =	vadd.s32 s20, v15;
	v52 =	vadd.s32 s21, v15;
	v53 =	vmin.f32 v44, v2  }
0x4d8: {  	v54 =	vadd.s32 s22, v15;
	p0 =	slt.s32 s18, s17;
	v51 =	vshll.u32 v51, $0x7;
	v52 =	vshll.u32 v52, $0x7  }
0x4d9: {  	v57 =	vmax.f32 v42, v36;
	v55 =	vadd.s32 v12, v51;
	v56 =	vadd.s32 v13, v51  }
0x4da: {  	v58 =	vadd.s32 s21, v16;
	v60 =	vmin.f32 v53, v47;
	v59 =	vadd.s32 v13, v52  }
0x4db: {  	v58 =	vshll.u32 v58, $0x7;
	v61 =	vadd.s32 v11, v51;
	v62 =	vadd.s32 v11, v52;
	[tilespmem:v48+s8+$0x0] =	vst.idx.msk $0xffff, v50  }
0x4dc: {  	v41 =	vmin.f32 v49, v41;
	v48 =	vadd.s32 s20, v16;
	v50 =	vshll.u32 v54, $0x7;
	[tilespmem:v46+s8+$0x0] =	vst.idx.msk $0xffff, v60  }
0x4dd: {  	v49 =	vadd.s32 v12, v52;
	v46 =	vor.u32 v9, v51;
	v48 =	vshll.u32 v48, $0x7;
	[tilespmem:v27+s8+$0x0] =	vst.idx.msk $0xffff, v41  }
0x4de: {  	v47 =	vmax.f32 v53, v47;
	v27 =	vor.u32 v9, v52;
	v52 =	vadd.s32 v10, v52;
	v41 =	vld.idx.msk [tilespmem:v56+s2+$0x0], $0xffff  }
0x4df: {  	v2 =	vmax.f32 v44, v2;
	v51 =	vadd.s32 v10, v51;
	v54 =	vadd.s32 v12, v50;
	v53 =	vld.idx.msk [tilespmem:v55+s2+$0x0], $0xffff  }
0x4e0: {  	v60 =	vadd.s32 v11, v40;
	v56 =	vadd.s32 v13, v50;
	v55 =	vadd.s32 v11, v50;
	v44 =	vld.idx.msk [tilespmem:v62+s2+$0x0], $0xffff  }
0x4e1: {  	v63 =	vor.u32 v9, v50;
	v50 =	vadd.s32 v10, v50;
	v62 =	vadd.s32 s22, v16  }
0x4e2: {  	v38 =	vmax.f32 v39, v38;
	v29 =	vmax.f32 v37, v29;
	v37 =	vadd.s32 v12, v40;
	v49 =	vld.idx.msk [tilespmem:v49+s2+$0x0], $0xffff  }
0x4e3: {  	v28 =	vmax.f32 v24, v28;
	v39 =	vld.idx.msk [tilespmem:v52+s2+$0x0], $0xffff;
	v52 =	vshll.u32 v62, $0x7;
	[tilespmem:v25+s8+$0x0] =	vst.idx.msk $0xffff, v43  }
0x4e4: {  	v24 =	vmax.f32 v30, v32;
	v43 =	vld.idx.msk [tilespmem:v51+s2+$0x0], $0xffff;
	v51 =	vadd.s32 v12, v48;
	[tilespmem:v31+s8+$0x0] =	vst.idx.msk $0xffff, v38  }
0x4e5: {  	v25 =	vmin.f32 v42, v36;
	v31 =	vadd.s32 v13, v40;
	v30 =	vld.idx.msk [tilespmem:v56+s2+$0x0], $0xffff;
	[tilespmem:v60+s8+$0x0] =	vst.idx.msk $0xffff, v47  }
0x4e6: {  	v33 =	vmax.f32 v35, v33;
	v32 =	vld.idx.msk [tilespmem:v27+s2+$0x0], $0xffff;
	[tilespmem:v26+s8+$0x0] =	vst.idx.msk $0xffff, v25;
	v26 =	vadd.s32 v12, v21  }
0x4e7: {  	v22 =	vadd.s32 v13, v22;
	v36 =	vadd.s32 v13, v21;
	v35 =	vld.idx.msk [tilespmem:v46+s2+$0x0], $0xffff;
	[tilespmem:v20+s8+$0x0] =	vst.idx.msk $0xffff, v34  }
0x4e8: {  	v34 =	vadd.s32 v11, v48;
	v21 =	vld.idx.msk [tilespmem:v61+s2+$0x0], $0xffff;
	[tilespmem:v17+s8+$0x0] =	vst.idx.msk $0xffff, v29;
	v17 =	vadd.s32 v13, v52  }
0x4e9: {  	v40 =	vor.u32 v9, v58;
	v20 =	vadd.s32 v12, v52;
	v42 =	vld.idx.msk [tilespmem:v50+s2+$0x0], $0xffff;
	[tilespmem:v23+s8+$0x0] =	vst.idx.msk $0xffff, v57  }
0x4ea: {  	v38 =	vor.u32 v9, v52;
	v25 =	vadd.s32 v11, v52;
	v29 =	vld.idx.msk [tilespmem:v59+s2+$0x0], $0xffff;
	[tilespmem:v37+s8+$0x0] =	vst.idx.msk $0xffff, v2  }
0x4eb: {  	v27 =	vadd.s32 v10, v52;
	v2 =	vmax.f32 v53, v41;
	v37 =	vld.idx.msk [tilespmem:v63+s2+$0x0], $0xffff;
	[tilespmem:v26+s8+$0x0] =	vst.idx.msk $0xffff, v24  }
0x4ec: {  	v23 =	vmin.f32 v53, v41;
	v46 =	vmin.f32 v32, v39;
	v24 =	vmax.f32 v32, v39;
	v32 =	vld.idx.msk [tilespmem:v54+s2+$0x0], $0xffff  }
0x4ed: {  	v47 =	vmin.f32 v35, v43;
	v35 =	vmax.f32 v35, v43;
	v39 =	vld.idx.msk [tilespmem:v55+s2+$0x0], $0xffff;
	[tilespmem:v19+s8+$0x0] =	vst.idx.msk $0xffff, v33  }
0x4ee: {  	v19 =	vmin.f32 v21, v2;
	v2 =	vmax.f32 v21, v2;
	v21 =	vmov v58;
	[tilespmem:v22+s8+$0x0] =	vst.idx.msk $0xffff, v18  }
0x4ef: {  	v0 =	vadd.s32 s19, v15;
	v26 =	vadd.s32 v10, v48;
	v18 =	vmax.f32 v35, v2;
	[tilespmem:v36+s8+$0x0] =	vst.idx.msk $0xffff, v28  }
0x4f0: {  	v33 =	vmin.f32 v19, v23;
	v43 =	vmax.f32 v19, v23;
	v36 =	vshll.u32 v0, $0x7;
	[tilespmem:v31+s8+$0x0] =	vst.idx.msk $0xffff, v45  }
0x4f1: {  	v22 =	vmovc v48;
	v31 =	vmin.f32 v37, v42;
	v41 =	vadd.s32 v12, v36;
	v45 =	vadd.s32 v13, v36  }
0x4f2: {  	v50 =	vor.u32 v9, v36;
	v52 =	vadd.s32 v11, v36;
	v19 =	vmovc v51;
	v48 =	vmax.f32 v32, v30  }
0x4f3: {  	v23 =	vmovc v34;
	v51 =	vmax.f32 v49, v29;
	v30 =	vmin.f32 v32, v30;
	v32 =	vmin.f32 v39, v48  }
0x4f4: {  	v36 =	vadd.s32 v10, v36;
	v28 =	vmax.f32 v44, v51;
	v34 =	vmax.f32 v32, v30  }
0x4f5: {  	v49 =	vmin.f32 v49, v29;
	v44 =	vmin.f32 v44, v51;
	v29 =	vmax.f32 v39, v48  }
0x4f6: {  	v39 =	vmin.f32 v44, v49;
	v44 =	vmax.f32 v44, v49;
	v49 =	vmax.f32 v31, v34;
	v45 =	vld.idx.msk [tilespmem:v45+s2+$0x0], $0xffff  }
0x4f7: {  	v48 =	vadd.s32 v10, v21;
	v32 =	vmin.f32 v32, v30;
	v34 =	vmin.f32 v31, v34;
	v51 =	vld.idx.msk [tilespmem:v41+s2+$0x0], $0xffff  }
0x4f8: {  	v53 =	vor.u32 v9, v22;
	v31 =	vadd.s32 v11, v21;
	v54 =	vmin.f32 v34, v32;
	v52 =	vld.idx.msk [tilespmem:v52+s2+$0x0], $0xffff  }
0x4f9: {  	v55 =	vmin.f32 v47, v43;
	v30 =	vmin.f32 v24, v28;
	v41 =	vmax.f32 v34, v32;
	v56 =	vld.idx.msk [tilespmem:v36+s2+$0x0], $0xffff  }
0x4fa: {  	v34 =	vmin.f32 v46, v44;
	v32 =	vmax.f32 v46, v44;
	[tilespmem:v38+s8+$0x0] =	vst.idx.msk $0xffff, v54;
	v44 =	vld.idx.msk [tilespmem:v50+s2+$0x0], $0xffff  }
0x4fb: {  	v37 =	vmax.f32 v37, v42;
	v36 =	vmin.f32 v34, v39;
	v38 =	vmax.f32 v34, v39  }
0x4fc: {  	v39 =	vmin.f32 v30, v32;
	v50 =	vmin.f32 v37, v29;
	[tilespmem:v40+s8+$0x0] =	vst.idx.msk $0xffff, v36  }
0x4fd: {  	v34 =	vmax.f32 v50, v49;
	v40 =	vmin.f32 v55, v33;
	v36 =	vmax.f32 v55, v33  }
0x4fe: {  	v35 =	vmin.f32 v35, v2;
	v2 =	vmin.f32 v39, v38;
	v33 =	vmax.f32 v47, v43  }
0x4ff: {  	v42 =	vmin.f32 v51, v45;
	v43 =	vmax.f32 v51, v45;
	[tilespmem:v48+s8+$0x0] =	vst.idx.msk $0xffff, v2;
	v2 =	vadd.s32 s19, v16  }
.Ltmp45:
0x500: {  	v46 =	vmin.f32 v52, v43;
	v45 =	vmax.f32 v52, v43;
	[tilespmem:v53+s8+$0x0] =	vst.idx.msk $0xffff, v40;
	v40 =	vshll.u32 v2, $0x7;
	(pc) =	sbr.rel @p0 .LBB2_52-.Ltmp45, $4  }
0x501: {  	v51 =	vmax.f32 v46, v42;
	v2 =	vmin.f32 v46, v42;
	v46 =	vadd.s32 v10, v40  }
0x502: {  	v52 =	vmin.f32 v44, v56;
	v48 =	vmax.f32 v44, v56;
	v42 =	vmin.f32 v35, v33  }
0x503: {  	v49 =	vmin.f32 v50, v49;
	v47 =	vmin.f32 v52, v51;
	v44 =	vmin.f32 v48, v45  }
0x504: {  	v43 =	vmax.f32 v49, v41;
	s19 =	sadd.s32 $0x14, s19;
	v50 =	vmin.f32 v47, v2;
	v47 =	vmax.f32 v47, v2  }
.LBB2_53:
0x505: {  	_ =	sdelay $0x2  }
0x506: {  	v2 =	vor.u32 v9, v40;
	v41 =	vmin.f32 v49, v41  }
0x507: {  	v55 =	vmax.f32 v39, v38;
	[tilespmem:v27+s8+$0x0] =	vst.idx.msk $0xffff, v41  }
0x508: {  	v58 =	vmin.f32 v42, v36;
	[tilespmem:v31+s8+$0x0] =	vst.idx.msk $0xffff, v55  }
0x509: {  	[tilespmem:v26+s8+$0x0] =	vst.idx.msk $0xffff, v58  }
0x50a: {  	[tilespmem:v25+s8+$0x0] =	vst.idx.msk $0xffff, v43  }
0x50b: {  	v60 =	vmax.f32 v42, v36;
	[tilespmem:v2+s8+$0x0] =	vst.idx.msk $0xffff, v50;
	v2 =	vadd.s32 v11, v40  }
0x50c: {  	v51 =	vmax.f32 v52, v51;
	v57 =	vadd.s32 v12, v40;
	[tilespmem:v23+s8+$0x0] =	vst.idx.msk $0xffff, v60  }
0x50d: {  	v59 =	vmax.f32 v37, v29;
	v52 =	vmin.f32 v44, v51;
	[tilespmem:v20+s8+$0x0] =	vst.idx.msk $0xffff, v34  }
0x50e: {  	v22 =	vadd.s32 v13, v22;
	v53 =	vmin.f32 v52, v47;
	[tilespmem:v17+s8+$0x0] =	vst.idx.msk $0xffff, v59  }
0x50f: {  	v63 =	vadd.s32 v13, v40;
	v56 =	vmax.f32 v52, v47;
	[tilespmem:v46+s8+$0x0] =	vst.idx.msk $0xffff, v53  }
0x510: {  	v17 =	vmax.f32 v44, v51;
	[tilespmem:v2+s8+$0x0] =	vst.idx.msk $0xffff, v56;
	v2 =	vadd.s32 v12, v21  }
0x511: {  	v61 =	vadd.s32 v13, v21;
	[tilespmem:v57+s8+$0x0] =	vst.idx.msk $0xffff, v17;
	v17 =	vmax.f32 v35, v33  }
0x512: {  	[tilespmem:v19+s8+$0x0] =	vst.idx.msk $0xffff, v17  }
0x513: {  	v17 =	vmax.f32 v48, v45;
	[tilespmem:v22+s8+$0x0] =	vst.idx.msk $0xffff, v18  }
0x514: {  	v62 =	vmax.f32 v30, v32;
	[tilespmem:v63+s8+$0x0] =	vst.idx.msk $0xffff, v17  }
0x515: {  	[tilespmem:v2+s8+$0x0] =	vst.idx.msk $0xffff, v62;
	v2 =	vmax.f32 v24, v28  }
0x516: {  	[tilespmem:v61+s8+$0x0] =	vst.idx.msk $0xffff, v2  }
.LBB2_54:
0x517: {  	p0 =	sgt.s32 s17, s14  }
.Ltmp46:
0x518: {  	_ = 	snop;
	(pc) =	sbr.rel @p0 .LBB2_57-.Ltmp46, $1  }
0x519: {  	_ =	sdelay $0x3  }
0x51a: {  	s15 =	ssub.s32 s15, s16;
	s16 =	smul.u32 $0x5, s17  }
0x51b: {  	s15 =	ssub.s32 s14, s15  }
.LBB2_56:
0x51c: {  	v2 =	vadd.s32 s16, v15  }
0x51d: {  	v2 =	vshll.u32 v2, $0x7  }
0x51e: {  	v17 =	vor.u32 v9, v2  }
0x51f: {  	v18 =	vadd.s32 v10, v2  }
0x520: {  	v19 =	vadd.s32 v12, v2  }
0x521: {  	v20 =	vadd.s32 v13, v2  }
0x522: {  	v2 =	vadd.s32 v11, v2  }
0x523: {  	v17 =	vld.idx.msk [tilespmem:v17+s2+$0x0], $0xffff  }
0x524: {  	v18 =	vld.idx.msk [tilespmem:v18+s2+$0x0], $0xffff  }
0x525: {  	v19 =	vld.idx.msk [tilespmem:v19+s2+$0x0], $0xffff  }
0x526: {  	v20 =	vld.idx.msk [tilespmem:v20+s2+$0x0], $0xffff  }
0x527: {  	v2 =	vld.idx.msk [tilespmem:v2+s2+$0x0], $0xffff;
	_ =	sdelay $0x1  }
0x528: {  	v21 =	vadd.s32 s16, v16  }
0x529: {  	v59 =	vshll.u32 v21, $0x7;
	v22 =	vmin.f32 v17, v18  }
0x52a: {  	v17 =	vmax.f32 v17, v18;
	v18 =	vmin.f32 v19, v20;
	v19 =	vmax.f32 v19, v20  }
0x52b: {  	v60 =	vmin.f32 v2, v19;
	v2 =	vmax.f32 v2, v19;
	v19 =	vor.u32 v9, v59  }
0x52c: {  	v61 =	vadd.s32 v10, v59;
	v62 =	vadd.s32 v11, v59;
	v27 =	vadd.s32 v12, v59  }
0x52d: {  	v20 =	vadd.s32 v13, v59;
	v23 =	vmin.f32 v60, v18;
	v18 =	vmax.f32 v60, v18  }
0x52e: {  	s15 =	sadd.s32 $0x1, s15;
	v26 =	vmin.f32 v17, v2;
	v24 =	vmin.f32 v22, v18;
	v18 =	vmax.f32 v22, v18  }
0x52f: {  	p0 =	slt.s32 s15, s14;
	v25 =	vmin.f32 v24, v23;
	v23 =	vmax.f32 v24, v23;
	v63 =	vmin.f32 v26, v18  }
.Ltmp47:
0x530: {  	[tilespmem:v19+s8+$0x0] =	vst.idx.msk $0xffff, v25;
	v19 =	vmin.f32 v63, v23;
	(pc) =	sbr.rel @p0 .LBB2_56-.Ltmp47, $4  }
0x531: {  	[tilespmem:v61+s8+$0x0] =	vst.idx.msk $0xffff, v19;
	v19 =	vmax.f32 v63, v23  }
0x532: {  	v18 =	vmax.f32 v26, v18;
	[tilespmem:v62+s8+$0x0] =	vst.idx.msk $0xffff, v19  }
0x533: {  	v2 =	vmax.f32 v17, v2;
	[tilespmem:v27+s8+$0x0] =	vst.idx.msk $0xffff, v18  }
0x534: {  	s16 =	sadd.s32 $0x5, s16;
	[tilespmem:v20+s8+$0x0] =	vst.idx.msk $0xffff, v2  }
.LBB2_57:
0x535: {  	s14 =	sadd.s32 $0x66A, s12  }
0x536: {  	s15 =	sshra.s32 s14, $0x1F  }
0x537: {  	s14 =	sor.u32 $0x4, s14;
	s16 =	smul.u32 $0x66666667, s15  }
0x538: {  	s17 =	smulhi.u32 $0x66666667, s14  }
0x539: {  	s18 =	ssub.s32 s0, s13  }
0x53a: {  	s19 =	smulhi.u32 $0x66666667, s18;
	s20 =	sshra.s32 s18, $0x1F;
	s16 =	sadd.s32 s16, s17  }
0x53b: {  	s22 =	smul.u32 $0x66666667, s20;
	s17 =	sshrl.u32 s16, $0x1F;
	s16 =	sshra.s32 s16, $0x1  }
0x53c: {  	s16 =	sadd.s32 s17, s16  }
0x53d: {  	p1 =	sgt.s32 s12, $0xFFFFF995;
	s17 =	sadd.s32 s22, s19;
	s21 =	smul.u32 $0xFFFFFFFB, s16  }
0x53e: {  	s14 =	ssub.s32 $0x0, s14;
	s22 =	sshrl.u32 s17, $0x1F;
	s17 =	sshra.s32 s17, $0x1  }
0x53f: {  	s17 =	sadd.s32 s22, s17;
	p0 =	sne.s32 s21, s14;
	s14 =	simm.s32 $0x1  }
0x540: {  	s14 =	simm.s32 @!p1 $0x0;
	p1 =	sne.s32 s0, s13;
	s13 =	simm.s32 $0x1  }
0x541: {  	s19 =	smul.u32 $0xFFFFFFFB, s17;
	s13 =	simm.s32 @!p1 $0x0  }
0x542: {  	s14 =	sadd.s32 s14, s15;
	s13 =	sor.u32 s13, s20;
	s20 =	ssub.s32 $0x0, s18  }
0x543: {  	p5 =	sne.s32 s14, $0x1;
	p6 =	sne.s32 s13, $0x1;
	p2 =	sne.s32 s19, s20  }
0x544: {  	s14 =	simm.s32 $0x1;
	p0 =	por !p0, !p5;
	p1 =	por !p2, !p6  }
0x545: {  	s13 =	simm.s32 $0x1;
	p0 =	por !p0, !p0;
	p1 =	por !p1, !p1  }
0x546: {  	s13 =	simm.s32 @!p0 $0x0;
	s14 =	simm.s32 @!p1 $0x0  }
0x547: {  	s16 =	ssub.s32 s16, s13;
	s12 =	ssub.s32 s17, s14  }
0x548: {  	p0 =	sgt.s32 s16, $0x0;
	p1 =	slt.s32 s12, $0x198  }
0x549: {  	s16 =	simm.s32 @!p0 $0x0;
	s12 =	simm.s32 @!p1 $0x198  }
0x54a: {  	s21 =	ssub.s32 s12, s16  }
0x54b: {  	s13 =	sadd.s32 $0x1, s21  }
0x54c: {  	s22 =	sshra.s32 s13, $0x1F  }
0x54d: {  	s14 =	sshrl.u32 s22, $0x1E  }
0x54e: {  	s14 =	sadd.s32 s14, s13  }
0x54f: {  	s15 =	sand.u32 $0xFFFFFFFC, s14  }
0x550: {  	p0 =	slt.s32 s15, $0x1  }
.Ltmp48:
0x551: {  	_ = 	snop;
	(pc) =	sbr.rel @p0 .LBB2_61-.Ltmp48, $2  }
0x552: {  	_ =	sdelay $0x2  }
0x553: {  	v15 =	vadd.s32 v3, v14;
	v14 =	vadd.s32 v4, v14;
	s14 =	sadd.s32 s16, s15  }
0x554: {  	s17 =	smul.u32 $0x5, s16;
	_ =	sdelay $0x1  }
0x555: {  	s17 =	sadd.s32 $0xF, s17  }
0x556: {  	s18 =	sadd.s32 $0xFFFFFFF1, s17  }
0x557: {  	v2 =	vadd.s32 s18, v15  }
0x558: {  	s19 =	sadd.s32 $0xFFFFFFF6, s17;
	v2 =	vshll.u32 v2, $0x7  }
0x559: {  	v16 =	vadd.s32 s19, v15;
	v17 =	vadd.s32 v13, v2  }
0x55a: {  	v16 =	vshll.u32 v16, $0x7;
	v18 =	vadd.s32 v12, v2  }
0x55b: {  	s20 =	sadd.s32 $0xFFFFFFFB, s17;
	v19 =	vadd.s32 v12, v16  }
0x55c: {  	v20 =	vadd.s32 s20, v15;
	v21 =	vadd.s32 v10, v16  }
0x55d: {  	v22 =	vshll.u32 v20, $0x7;
	v20 =	vadd.s32 v10, v2  }
0x55e: {  	v23 =	vadd.s32 v13, v22;
	v17 =	vld.idx.msk [tilespmem:v17+s2+$0x0], $0xffff  }
0x55f: {  	v24 =	vor.u32 v9, v16;
	v25 =	vld.idx.msk [tilespmem:v18+s2+$0x0], $0xffff  }
0x560: {  	v26 =	vadd.s32 v13, v16;
	v28 =	vld.idx.msk [tilespmem:v19+s2+$0x0], $0xffff  }
0x561: {  	v57 =	vadd.s32 s17, v15;
	v30 =	vadd.s32 v11, v16;
	v27 =	vld.idx.msk [tilespmem:v21+s2+$0x0], $0xffff  }
0x562: {  	v58 =	vshll.u32 v57, $0x7;
	v18 =	vor.u32 v9, v2;
	v29 =	vld.idx.msk [tilespmem:v20+s2+$0x0], $0xffff  }
0x563: {  	v60 =	vadd.s32 v12, v58;
	v2 =	vadd.s32 v11, v2;
	v31 =	vld.idx.msk [tilespmem:v23+s2+$0x0], $0xffff  }
0x564: {  	v61 =	vadd.s32 v13, v58;
	v47 =	vor.u32 v9, v58;
	v19 =	vadd.s32 v10, v22;
	v32 =	vld.idx.msk [tilespmem:v24+s2+$0x0], $0xffff  }
0x565: {  	v48 =	vadd.s32 v11, v58;
	v16 =	vadd.s32 s18, v14;
	v23 =	vor.u32 v9, v22;
	v37 =	vld.idx.msk [tilespmem:v26+s2+$0x0], $0xffff  }
0x566: {  	v33 =	vadd.s32 v12, v22;
	v35 =	vadd.s32 v11, v22;
	v20 =	vadd.s32 s19, v14;
	v30 =	vld.idx.msk [tilespmem:v30+s2+$0x0], $0xffff  }
0x567: {  	v21 =	vshll.u32 v16, $0x7;
	v16 =	vadd.s32 s20, v14;
	v20 =	vshll.u32 v20, $0x7;
	v34 =	vld.idx.msk [tilespmem:v18+s2+$0x0], $0xffff  }
0x568: {  	v36 =	vshll.u32 v16, $0x7;
	v22 =	vadd.s32 v11, v21;
	v63 =	vor.u32 v9, v21;
	v2 =	vld.idx.msk [tilespmem:v2+s2+$0x0], $0xffff  }
0x569: {  	v16 =	vadd.s32 v13, v36;
	v39 =	vor.u32 v9, v20;
	v41 =	vor.u32 v9, v36;
	v38 =	vld.idx.msk [tilespmem:v19+s2+$0x0], $0xffff  }
0x56a: {  	v24 =	vadd.s32 v11, v36;
	v26 =	vadd.s32 v10, v36;
	v52 =	vadd.s32 v10, v20;
	v42 =	vld.idx.msk [tilespmem:v23+s2+$0x0], $0xffff  }
0x56b: {  	v18 =	vadd.s32 v12, v21;
	v43 =	vmin.f32 v32, v27;
	v23 =	vmax.f32 v32, v27;
	v27 =	vld.idx.msk [tilespmem:v33+s2+$0x0], $0xffff  }
0x56c: {  	v19 =	vadd.s32 v12, v36;
	v40 =	vmax.f32 v25, v17;
	v55 =	vmin.f32 v25, v17  }
0x56d: {  	v25 =	vadd.s32 v10, v21;
	v49 =	vmax.f32 v28, v37;
	v33 =	vadd.s32 v10, v58  }
0x56e: {  	v53 =	vld.idx.msk [tilespmem:v61+s2+$0x0], $0xffff;
	v37 =	vmin.f32 v28, v37;
	v32 =	vmin.f32 v34, v29;
	v34 =	vmax.f32 v34, v29  }
0x56f: {  	v29 =	vld.idx.msk [tilespmem:v35+s2+$0x0], $0xffff;
	v56 =	vmin.f32 v2, v40;
	v2 =	vmax.f32 v2, v40;
	v59 =	vmin.f32 v42, v38  }
0x570: {  	v58 =	vld.idx.msk [tilespmem:v47+s2+$0x0], $0xffff;
	v46 =	vmax.f32 v27, v31;
	v31 =	vmin.f32 v27, v31;
	v27 =	vmax.f32 v30, v49  }
0x571: {  	v30 =	vmin.f32 v30, v49;
	v44 =	vmin.f32 v56, v55;
	v45 =	vmax.f32 v56, v55;
	v55 =	vld.idx.msk [tilespmem:v60+s2+$0x0], $0xffff  }
0x572: {  	v17 =	vmax.f32 v34, v2;
	v62 =	vmin.f32 v30, v37;
	v37 =	vmax.f32 v30, v37;
	v56 =	vld.idx.msk [tilespmem:v33+s2+$0x0], $0xffff  }
0x573: {  	v30 =	vadd.s32 v11, v20;
	v34 =	vmin.f32 v34, v2;
	v54 =	vmin.f32 v32, v45  }
0x574: {  	v36 =	vmin.f32 v43, v37;
	v32 =	vmax.f32 v32, v45;
	v50 =	vmin.f32 v29, v46  }
0x575: {  	v48 =	vld.idx.msk [tilespmem:v48+s2+$0x0], $0xffff;
	v28 =	vmax.f32 v29, v46;
	v29 =	vmin.f32 v23, v27;
	v51 =	vmax.f32 v50, v31  }
0x576: {  	v31 =	vmin.f32 v50, v31;
	v60 =	vmin.f32 v55, v53;
	v61 =	vmax.f32 v55, v53  }
0x577: {  	v47 =	vmax.f32 v58, v56;
	v49 =	vmax.f32 v59, v51;
	v35 =	vmin.f32 v59, v51  }
0x578: {  	v59 =	vmin.f32 v54, v44;
	v51 =	vmin.f32 v35, v31;
	v40 =	vmax.f32 v35, v31  }
0x579: {  	v31 =	vmax.f32 v43, v37;
	v37 =	vmax.f32 v36, v62;
	[tilespmem:v63+s8+$0x0] =	vst.idx.msk $0xffff, v59  }
0x57a: {  	v35 =	vmax.f32 v54, v44;
	v44 =	vmax.f32 v48, v61;
	[tilespmem:v41+s8+$0x0] =	vst.idx.msk $0xffff, v51  }
0x57b: {  	s16 =	sadd.s32 $0x4, s16;
	v51 =	vmin.f32 v36, v62;
	v36 =	vmax.f32 v42, v38;
	v38 =	vmin.f32 v29, v31  }
0x57c: {  	p0 =	slt.s32 s16, s14;
	v62 =	vmin.f32 v48, v61;
	v41 =	vmin.f32 v34, v32;
	v43 =	vmin.f32 v47, v44  }
.Ltmp49:
0x57d: {  	[tilespmem:v39+s8+$0x0] =	vst.idx.msk $0xffff, v51;
	v57 =	vmin.f32 v36, v28;
	v2 =	vmin.f32 v38, v37;
	(pc) =	sbr.rel @!p0 .LBB2_60-.Ltmp49, $4  }
0x57e: {  	v50 =	vmax.f32 v62, v60;
	v51 =	vmin.f32 v58, v56;
	v33 =	vmax.f32 v57, v49  }
0x57f: {  	[tilespmem:v52+s8+$0x0] =	vst.idx.msk $0xffff, v2;
	v2 =	vadd.s32 s17, v14;
	v48 =	vmin.f32 v57, v49;
	v63 =	vmin.f32 v51, v50  }
0x580: {  	v39 =	vshll.u32 v2, $0x7;
	v2 =	vmin.f32 v62, v60;
	v42 =	vmax.f32 v48, v40  }
0x581: {  	s17 =	sadd.s32 $0x14, s17;
	v45 =	vadd.s32 v10, v39;
	v49 =	vmin.f32 v63, v2;
	v46 =	vmax.f32 v63, v2  }
.LBB2_59:
0x582: {  	s18 =	sadd.s32 $0xFFFFFFF1, s17;
	s19 =	sadd.s32 $0xFFFFFFF6, s17;
	s20 =	sadd.s32 $0xFFFFFFFB, s17;
	v2 =	vmax.f32 v51, v50;
	v44 =	vmax.f32 v47, v44;
	v47 =	vor.u32 v9, v39  }
0x583: {  	s16 =	sadd.s32 $0x4, s16;
	v50 =	vadd.s32 s18, v15;
	v51 =	vadd.s32 s19, v15;
	v52 =	vmin.f32 v43, v2  }
0x584: {  	v53 =	vadd.s32 s20, v15;
	p0 =	slt.s32 s16, s14;
	v50 =	vshll.u32 v50, $0x7;
	v51 =	vshll.u32 v51, $0x7  }
0x585: {  	v56 =	vmax.f32 v41, v35;
	v54 =	vadd.s32 v12, v50;
	v55 =	vadd.s32 v13, v50  }
0x586: {  	v57 =	vadd.s32 s19, v14;
	v59 =	vmin.f32 v52, v46;
	v58 =	vadd.s32 v13, v51  }
0x587: {  	v57 =	vshll.u32 v57, $0x7;
	v60 =	vadd.s32 v11, v50;
	v61 =	vadd.s32 v11, v51;
	[tilespmem:v47+s8+$0x0] =	vst.idx.msk $0xffff, v49  }
0x588: {  	v40 =	vmin.f32 v48, v40;
	v47 =	vadd.s32 s18, v14;
	v49 =	vshll.u32 v53, $0x7;
	[tilespmem:v45+s8+$0x0] =	vst.idx.msk $0xffff, v59  }
0x589: {  	v48 =	vadd.s32 v12, v51;
	v45 =	vor.u32 v9, v50;
	v47 =	vshll.u32 v47, $0x7;
	[tilespmem:v26+s8+$0x0] =	vst.idx.msk $0xffff, v40  }
0x58a: {  	v46 =	vmax.f32 v52, v46;
	v26 =	vor.u32 v9, v51;
	v51 =	vadd.s32 v10, v51;
	v40 =	vld.idx.msk [tilespmem:v55+s2+$0x0], $0xffff  }
0x58b: {  	v2 =	vmax.f32 v43, v2;
	v50 =	vadd.s32 v10, v50;
	v53 =	vadd.s32 v12, v49;
	v52 =	vld.idx.msk [tilespmem:v54+s2+$0x0], $0xffff  }
0x58c: {  	v59 =	vadd.s32 v11, v39;
	v55 =	vadd.s32 v13, v49;
	v54 =	vadd.s32 v11, v49;
	v43 =	vld.idx.msk [tilespmem:v61+s2+$0x0], $0xffff  }
0x58d: {  	v62 =	vor.u32 v9, v49;
	v49 =	vadd.s32 v10, v49;
	v61 =	vadd.s32 s20, v14  }
0x58e: {  	v37 =	vmax.f32 v38, v37;
	v28 =	vmax.f32 v36, v28;
	v36 =	vadd.s32 v12, v39;
	v48 =	vld.idx.msk [tilespmem:v48+s2+$0x0], $0xffff  }
0x58f: {  	v27 =	vmax.f32 v23, v27;
	v38 =	vld.idx.msk [tilespmem:v51+s2+$0x0], $0xffff;
	v51 =	vshll.u32 v61, $0x7;
	[tilespmem:v24+s8+$0x0] =	vst.idx.msk $0xffff, v42  }
0x590: {  	v23 =	vmax.f32 v29, v31;
	v42 =	vld.idx.msk [tilespmem:v50+s2+$0x0], $0xffff;
	v50 =	vadd.s32 v12, v47;
	[tilespmem:v30+s8+$0x0] =	vst.idx.msk $0xffff, v37  }
0x591: {  	v24 =	vmin.f32 v41, v35;
	v30 =	vadd.s32 v13, v39;
	v29 =	vld.idx.msk [tilespmem:v55+s2+$0x0], $0xffff;
	[tilespmem:v59+s8+$0x0] =	vst.idx.msk $0xffff, v46  }
0x592: {  	v32 =	vmax.f32 v34, v32;
	v31 =	vld.idx.msk [tilespmem:v26+s2+$0x0], $0xffff;
	[tilespmem:v25+s8+$0x0] =	vst.idx.msk $0xffff, v24;
	v25 =	vadd.s32 v12, v20  }
0x593: {  	v21 =	vadd.s32 v13, v21;
	v35 =	vadd.s32 v13, v20;
	v34 =	vld.idx.msk [tilespmem:v45+s2+$0x0], $0xffff;
	[tilespmem:v19+s8+$0x0] =	vst.idx.msk $0xffff, v33  }
0x594: {  	v33 =	vadd.s32 v11, v47;
	v20 =	vld.idx.msk [tilespmem:v60+s2+$0x0], $0xffff;
	[tilespmem:v16+s8+$0x0] =	vst.idx.msk $0xffff, v28;
	v16 =	vadd.s32 v13, v51  }
0x595: {  	v39 =	vor.u32 v9, v57;
	v19 =	vadd.s32 v12, v51;
	v41 =	vld.idx.msk [tilespmem:v49+s2+$0x0], $0xffff;
	[tilespmem:v22+s8+$0x0] =	vst.idx.msk $0xffff, v56  }
0x596: {  	v37 =	vor.u32 v9, v51;
	v24 =	vadd.s32 v11, v51;
	v28 =	vld.idx.msk [tilespmem:v58+s2+$0x0], $0xffff;
	[tilespmem:v36+s8+$0x0] =	vst.idx.msk $0xffff, v2  }
0x597: {  	v26 =	vadd.s32 v10, v51;
	v2 =	vmax.f32 v52, v40;
	v36 =	vld.idx.msk [tilespmem:v62+s2+$0x0], $0xffff;
	[tilespmem:v25+s8+$0x0] =	vst.idx.msk $0xffff, v23  }
0x598: {  	v22 =	vmin.f32 v52, v40;
	v45 =	vmin.f32 v31, v38;
	v23 =	vmax.f32 v31, v38;
	v31 =	vld.idx.msk [tilespmem:v53+s2+$0x0], $0xffff  }
0x599: {  	v46 =	vmin.f32 v34, v42;
	v34 =	vmax.f32 v34, v42;
	v38 =	vld.idx.msk [tilespmem:v54+s2+$0x0], $0xffff;
	[tilespmem:v18+s8+$0x0] =	vst.idx.msk $0xffff, v32  }
0x59a: {  	v18 =	vmin.f32 v20, v2;
	v2 =	vmax.f32 v20, v2;
	v20 =	vmov v57;
	[tilespmem:v21+s8+$0x0] =	vst.idx.msk $0xffff, v17  }
0x59b: {  	v0 =	vadd.s32 s17, v15;
	v25 =	vadd.s32 v10, v47;
	v17 =	vmax.f32 v34, v2;
	[tilespmem:v35+s8+$0x0] =	vst.idx.msk $0xffff, v27  }
0x59c: {  	v32 =	vmin.f32 v18, v22;
	v42 =	vmax.f32 v18, v22;
	v35 =	vshll.u32 v0, $0x7;
	[tilespmem:v30+s8+$0x0] =	vst.idx.msk $0xffff, v44  }
0x59d: {  	v21 =	vmovc v47;
	v30 =	vmin.f32 v36, v41;
	v40 =	vadd.s32 v12, v35;
	v44 =	vadd.s32 v13, v35  }
0x59e: {  	v49 =	vor.u32 v9, v35;
	v51 =	vadd.s32 v11, v35;
	v18 =	vmovc v50;
	v47 =	vmax.f32 v31, v29  }
0x59f: {  	v22 =	vmovc v33;
	v50 =	vmax.f32 v48, v28;
	v29 =	vmin.f32 v31, v29;
	v31 =	vmin.f32 v38, v47  }
0x5a0: {  	v35 =	vadd.s32 v10, v35;
	v27 =	vmax.f32 v43, v50;
	v33 =	vmax.f32 v31, v29  }
0x5a1: {  	v48 =	vmin.f32 v48, v28;
	v43 =	vmin.f32 v43, v50;
	v28 =	vmax.f32 v38, v47  }
0x5a2: {  	v38 =	vmin.f32 v43, v48;
	v43 =	vmax.f32 v43, v48;
	v48 =	vmax.f32 v30, v33;
	v44 =	vld.idx.msk [tilespmem:v44+s2+$0x0], $0xffff  }
0x5a3: {  	v47 =	vadd.s32 v10, v20;
	v31 =	vmin.f32 v31, v29;
	v33 =	vmin.f32 v30, v33;
	v50 =	vld.idx.msk [tilespmem:v40+s2+$0x0], $0xffff  }
0x5a4: {  	v52 =	vor.u32 v9, v21;
	v30 =	vadd.s32 v11, v20;
	v53 =	vmin.f32 v33, v31;
	v51 =	vld.idx.msk [tilespmem:v51+s2+$0x0], $0xffff  }
0x5a5: {  	v54 =	vmin.f32 v46, v42;
	v29 =	vmin.f32 v23, v27;
	v40 =	vmax.f32 v33, v31;
	v55 =	vld.idx.msk [tilespmem:v35+s2+$0x0], $0xffff  }
0x5a6: {  	v33 =	vmin.f32 v45, v43;
	v31 =	vmax.f32 v45, v43;
	[tilespmem:v37+s8+$0x0] =	vst.idx.msk $0xffff, v53;
	v43 =	vld.idx.msk [tilespmem:v49+s2+$0x0], $0xffff  }
0x5a7: {  	v36 =	vmax.f32 v36, v41;
	v35 =	vmin.f32 v33, v38;
	v37 =	vmax.f32 v33, v38  }
0x5a8: {  	v38 =	vmin.f32 v29, v31;
	v49 =	vmin.f32 v36, v28;
	[tilespmem:v39+s8+$0x0] =	vst.idx.msk $0xffff, v35  }
0x5a9: {  	v33 =	vmax.f32 v49, v48;
	v39 =	vmin.f32 v54, v32;
	v35 =	vmax.f32 v54, v32  }
0x5aa: {  	v34 =	vmin.f32 v34, v2;
	v2 =	vmin.f32 v38, v37;
	v32 =	vmax.f32 v46, v42  }
0x5ab: {  	v41 =	vmin.f32 v50, v44;
	v42 =	vmax.f32 v50, v44;
	[tilespmem:v47+s8+$0x0] =	vst.idx.msk $0xffff, v2;
	v2 =	vadd.s32 s17, v14  }
.Ltmp50:
0x5ac: {  	v45 =	vmin.f32 v51, v42;
	v44 =	vmax.f32 v51, v42;
	[tilespmem:v52+s8+$0x0] =	vst.idx.msk $0xffff, v39;
	v39 =	vshll.u32 v2, $0x7;
	(pc) =	sbr.rel @p0 .LBB2_59-.Ltmp50, $4  }
0x5ad: {  	v50 =	vmax.f32 v45, v41;
	v2 =	vmin.f32 v45, v41;
	v45 =	vadd.s32 v10, v39  }
0x5ae: {  	v51 =	vmin.f32 v43, v55;
	v47 =	vmax.f32 v43, v55;
	v41 =	vmin.f32 v34, v32  }
0x5af: {  	v48 =	vmin.f32 v49, v48;
	v46 =	vmin.f32 v51, v50;
	v43 =	vmin.f32 v47, v44  }
0x5b0: {  	v42 =	vmax.f32 v48, v40;
	s17 =	sadd.s32 $0x14, s17;
	v49 =	vmin.f32 v46, v2;
	v46 =	vmax.f32 v46, v2  }
.LBB2_60:
0x5b1: {  	_ =	sdelay $0x2  }
0x5b2: {  	v2 =	vor.u32 v9, v39;
	v40 =	vmin.f32 v48, v40  }
0x5b3: {  	v55 =	vmax.f32 v38, v37;
	[tilespmem:v26+s8+$0x0] =	vst.idx.msk $0xffff, v40  }
0x5b4: {  	v58 =	vmin.f32 v41, v35;
	[tilespmem:v30+s8+$0x0] =	vst.idx.msk $0xffff, v55  }
0x5b5: {  	[tilespmem:v25+s8+$0x0] =	vst.idx.msk $0xffff, v58  }
0x5b6: {  	[tilespmem:v24+s8+$0x0] =	vst.idx.msk $0xffff, v42  }
0x5b7: {  	v60 =	vmax.f32 v41, v35;
	[tilespmem:v2+s8+$0x0] =	vst.idx.msk $0xffff, v49;
	v2 =	vadd.s32 v11, v39  }
0x5b8: {  	v50 =	vmax.f32 v51, v50;
	v57 =	vadd.s32 v12, v39;
	[tilespmem:v22+s8+$0x0] =	vst.idx.msk $0xffff, v60  }
0x5b9: {  	v59 =	vmax.f32 v36, v28;
	v51 =	vmin.f32 v43, v50;
	[tilespmem:v19+s8+$0x0] =	vst.idx.msk $0xffff, v33  }
0x5ba: {  	v21 =	vadd.s32 v13, v21;
	v52 =	vmin.f32 v51, v46;
	[tilespmem:v16+s8+$0x0] =	vst.idx.msk $0xffff, v59  }
0x5bb: {  	v63 =	vadd.s32 v13, v39;
	v56 =	vmax.f32 v51, v46;
	[tilespmem:v45+s8+$0x0] =	vst.idx.msk $0xffff, v52  }
0x5bc: {  	v16 =	vmax.f32 v43, v50;
	[tilespmem:v2+s8+$0x0] =	vst.idx.msk $0xffff, v56;
	v2 =	vadd.s32 v12, v20  }
0x5bd: {  	v61 =	vadd.s32 v13, v20;
	[tilespmem:v57+s8+$0x0] =	vst.idx.msk $0xffff, v16;
	v16 =	vmax.f32 v34, v32  }
0x5be: {  	[tilespmem:v18+s8+$0x0] =	vst.idx.msk $0xffff, v16  }
0x5bf: {  	v16 =	vmax.f32 v47, v44;
	[tilespmem:v21+s8+$0x0] =	vst.idx.msk $0xffff, v17  }
0x5c0: {  	v62 =	vmax.f32 v29, v31;
	[tilespmem:v63+s8+$0x0] =	vst.idx.msk $0xffff, v16  }
0x5c1: {  	[tilespmem:v2+s8+$0x0] =	vst.idx.msk $0xffff, v62;
	v2 =	vmax.f32 v23, v27  }
0x5c2: {  	[tilespmem:v61+s8+$0x0] =	vst.idx.msk $0xffff, v2  }
.LBB2_61:
0x5c3: {  	p0 =	sgt.s32 s14, s12  }
.Ltmp51:
0x5c4: {  	_ = 	snop;
	(pc) =	sbr.rel @p0 .LBB2_64-.Ltmp51, $1  }
0x5c5: {  	_ =	sdelay $0x3  }
0x5c6: {  	s13 =	ssub.s32 s13, s15;
	s14 =	smul.u32 $0x5, s14  }
0x5c7: {  	s13 =	ssub.s32 s12, s13  }
.LBB2_63:
0x5c8: {  	v2 =	vadd.s32 s14, v15  }
0x5c9: {  	v2 =	vshll.u32 v2, $0x7  }
0x5ca: {  	v16 =	vor.u32 v9, v2  }
0x5cb: {  	v17 =	vadd.s32 v10, v2  }
0x5cc: {  	v18 =	vadd.s32 v12, v2  }
0x5cd: {  	v19 =	vadd.s32 v13, v2  }
0x5ce: {  	v2 =	vadd.s32 v11, v2  }
0x5cf: {  	v16 =	vld.idx.msk [tilespmem:v16+s2+$0x0], $0xffff  }
0x5d0: {  	v17 =	vld.idx.msk [tilespmem:v17+s2+$0x0], $0xffff  }
0x5d1: {  	v18 =	vld.idx.msk [tilespmem:v18+s2+$0x0], $0xffff  }
0x5d2: {  	v19 =	vld.idx.msk [tilespmem:v19+s2+$0x0], $0xffff  }
0x5d3: {  	v20 =	vadd.s32 s14, v14;
	v2 =	vld.idx.msk [tilespmem:v2+s2+$0x0], $0xffff  }
0x5d4: {  	v56 =	vshll.u32 v20, $0x7  }
0x5d5: {  	v58 =	vor.u32 v9, v56  }
0x5d6: {  	v59 =	vadd.s32 v10, v56;
	v60 =	vadd.s32 v11, v56;
	v21 =	vmin.f32 v16, v17  }
0x5d7: {  	v16 =	vmax.f32 v16, v17;
	v17 =	vmin.f32 v18, v19;
	v18 =	vmax.f32 v18, v19  }
0x5d8: {  	v26 =	vadd.s32 v12, v56;
	v19 =	vadd.s32 v13, v56;
	v57 =	vmin.f32 v2, v18  }
0x5d9: {  	v2 =	vmax.f32 v2, v18;
	v22 =	vmin.f32 v57, v17;
	v17 =	vmax.f32 v57, v17  }
0x5da: {  	s13 =	sadd.s32 $0x1, s13;
	v25 =	vmin.f32 v16, v2;
	v23 =	vmin.f32 v21, v17;
	v17 =	vmax.f32 v21, v17  }
0x5db: {  	p0 =	slt.s32 s13, s12;
	v24 =	vmin.f32 v23, v22;
	v22 =	vmax.f32 v23, v22;
	v61 =	vmin.f32 v25, v17  }
.Ltmp52:
0x5dc: {  	[tilespmem:v58+s8+$0x0] =	vst.idx.msk $0xffff, v24;
	v62 =	vmin.f32 v61, v22;
	(pc) =	sbr.rel @p0 .LBB2_63-.Ltmp52, $4  }
0x5dd: {  	v63 =	vmax.f32 v61, v22;
	[tilespmem:v59+s8+$0x0] =	vst.idx.msk $0xffff, v62  }
0x5de: {  	v17 =	vmax.f32 v25, v17;
	[tilespmem:v60+s8+$0x0] =	vst.idx.msk $0xffff, v63  }
0x5df: {  	v2 =	vmax.f32 v16, v2;
	[tilespmem:v26+s8+$0x0] =	vst.idx.msk $0xffff, v17  }
0x5e0: {  	s14 =	sadd.s32 $0x5, s14;
	[tilespmem:v19+s8+$0x0] =	vst.idx.msk $0xffff, v2  }
.Ltmp53:
0x5e1: {  	_ = 	snop;
	(pc) =	sbr.rel .LBB2_64-.Ltmp53, $1  }
0x5e2: {  	_ =	sdelay $0x3  }
.LBB2_65:
0x5e3: {  	s11 =	rddreg [dreg:$0x14]  }
0x5e4: {  	[hbm4b:s11+s3] =	stream.strided.scatter [tilespmem:s9], [sflag:$0x1], $0x8000, s4, s3, $0x38;
	[tilespmem:$0x13400] =	vst v63  }
0x5e5: {  	_ =	swait.ge [sflag:s5], $0x8000  }
0x5e6: {  	[sflag:s5] =	ssyncset.done $0x0  }
0x5e7: {  	s11 =	simm.s32 $0x0;
	s12 =	rddreg [dreg:$0xf];
	[sflag:s5] =	ssyncadd.s32 $0xFFFF8000  }
0x5e8: {  	[tilespmem:s11], [sflag:$0x1] =	stream.strided.gather [hbm4b:s12+s3], $0x1000, s4, s3, $0x38;
	[tilespmem:$0x13400] =	vst v63  }
0x5e9: {  	_ =	swait.ge [sflag:s5], $0x1000  }
0x5ea: {  	[sflag:s5] =	ssyncset.done $0x0  }
0x5eb: {  	s21 =	rddreg [dreg:$0x15];
	[sflag:s5] =	ssyncadd.s32 $0xFFFFF000  }
0x5ec: {  	[tilespmem:s6], [sflag:$0x1] =	stream.strided.gather [hbm4b:s21+s3], $0x8000, s4, s3, $0x38;
	[tilespmem:$0x13400] =	vst v63  }
0x5ed: {  	_ =	swait.ge [sflag:s5], $0x8000  }
0x5ee: {  	[sflag:s5] =	ssyncset.done $0x0  }
.Ltmp54:
0x5ef: {  	s22 =	rddreg [dreg:$0x10];
	[sflag:s5] =	ssyncadd.s32 $0xFFFF8000;
	(pc) =	sbr.rel .LBB2_66-.Ltmp54, $4  }
0x5f0: {  	[tilespmem:s7], [sflag:$0x1] =	stream.strided.gather [hbm4b:s22+s3], $0xC00, s4, s3, $0x38;
	[tilespmem:$0x13400] =	vst v63  }
0x5f1: {  	_ =	swait.ge [sflag:s5], $0xC00  }
0x5f2: {  	[sflag:s5] =	ssyncset.done $0x0  }
0x5f3: {  	[sflag:s5] =	ssyncadd.s32 $0xFFFFF400  }
.LBB2_80:
0x5f4: {  	s11 =	sadd.s32 $0x1, s11  }
0x5f5: {  	p0 =	sne.s32 s11, $0x8  }
.Ltmp55:
0x5f6: {  	_ = 	snop;
	(pc) =	sbr.rel @!p0 .LBB2_81-.Ltmp55, $1  }
0x5f7: {  	_ =	sdelay $0x3  }
.LBB2_66:
0x5f8: {  	s19 =	sshll.u32 s11, $0x4  }
0x5f9: {  	s12 =	ssub.s32 s1, s19  }
0x5fa: {  	s15 =	ssub.s32 s29, s19;
	s13 =	sadd.s32 $0xFFFFFDF1, s12  }
0x5fb: {  	s16 =	sadd.s32 $0xFFFFFDFF, s15;
	s14 =	smulhi.u32 $0x66666667, s13  }
0x5fc: {  	s13 =	sshra.s32 s13, $0x1F;
	s17 =	smulhi.u32 $0x66666667, s16  }
0x5fd: {  	s18 =	sshra.s32 s16, $0x1F;
	s13 =	smul.u32 $0x66666667, s13  }
0x5fe: {  	s18 =	smul.u32 $0x66666667, s18  }
0x5ff: {  	s13 =	sadd.s32 s13, s14  }
0x600: {  	s17 =	sadd.s32 s18, s17;
	s14 =	sshrl.u32 s13, $0x1F;
	s13 =	sshra.s32 s13, $0x1  }
0x601: {  	s20 =	sshrl.u32 s17, $0x1F;
	s17 =	sshra.s32 s17, $0x1;
	s13 =	sadd.s32 s14, s13  }
0x602: {  	s14 =	sadd.s32 s20, s17;
	s21 =	smul.u32 $0xFFFFFFFB, s13  }
0x603: {  	s20 =	smul.u32 $0xFFFFFFFB, s14  }
0x604: {  	s22 =	ssub.s32 $0x20F, s12;
	p1 =	slt.s32 s12, $0x20F;
	s15 =	ssub.s32 $0x201, s15  }
0x605: {  	p6 =	slt.s32 s16, $0x1;
	p0 =	sne.s32 s21, s22;
	p2 =	sne.s32 s20, s15  }
0x606: {  	s16 =	simm.s32 $0x1;
	p0 =	por !p1, !p0;
	p1 =	por !p6, !p2  }
0x607: {  	s15 =	simm.s32 $0x1;
	p0 =	por !p0, !p0;
	p1 =	por !p1, !p1  }
0x608: {  	s15 =	simm.s32 @!p0 $0x0;
	s16 =	simm.s32 @!p1 $0x0  }
0x609: {  	s18 =	ssub.s32 s13, s15;
	s14 =	ssub.s32 s14, s16  }
0x60a: {  	p0 =	sgt.s32 s18, $0x0;
	p1 =	slt.s32 s14, $0x198  }
0x60b: {  	s18 =	simm.s32 @!p0 $0x0;
	s14 =	simm.s32 @!p1 $0x198  }
0x60c: {  	s21 =	ssub.s32 s14, s18  }
0x60d: {  	s15 =	sadd.s32 $0x1, s21  }
0x60e: {  	s13 =	sshra.s32 s15, $0x1F  }
0x60f: {  	s22 =	sshrl.u32 s13, $0x1E  }
0x610: {  	s16 =	sadd.s32 s22, s15  }
0x611: {  	v0 =	vlaneseq.u32;
	s13 =	sor.u32 $0x200, s19;
	s16 =	sand.u32 $0xFFFFFFFC, s16  }
0x612: {  	v9 =	vor.u32 s19, v0;
	v14 =	vor.u32 s13, v0;
	v0 =	vld [tilespmem:$0x1FFF0];
	p0 =	slt.s32 s16, $0x1  }
.Ltmp56:
0x613: {  	_ = 	snop;
	(pc) =	sbr.rel @p0 .LBB2_70-.Ltmp56, $3  }
0x614: {  	_ =	sdelay $0x1  }
0x615: {  	v10 =	vadd.s32 s19, v5;
	v11 =	vadd.s32 s19, v6;
	v12 =	vadd.s32 s19, v7  }
0x616: {  	v13 =	vadd.s32 s19, v8;
	v16 =	vadd.s32 v1, v14;
	s17 =	sadd.s32 s18, s16;
	v15 =	vadd.s32 v0, v14  }
0x617: {  	s19 =	smul.u32 $0x5, s18;
	_ =	sdelay $0x1  }
0x618: {  	s19 =	sadd.s32 $0xF, s19  }
0x619: {  	s20 =	sadd.s32 $0xFFFFFFF1, s19  }
0x61a: {  	v2 =	vadd.s32 s20, v15  }
0x61b: {  	s21 =	sadd.s32 $0xFFFFFFF6, s19;
	v2 =	vshll.u32 v2, $0x7  }
0x61c: {  	v17 =	vadd.s32 s21, v15;
	v18 =	vadd.s32 v13, v2  }
0x61d: {  	v17 =	vshll.u32 v17, $0x7;
	v19 =	vadd.s32 v12, v2  }
0x61e: {  	s22 =	sadd.s32 $0xFFFFFFFB, s19;
	v20 =	vadd.s32 v12, v17  }
0x61f: {  	v21 =	vadd.s32 s22, v15;
	v22 =	vadd.s32 v10, v17  }
0x620: {  	v23 =	vshll.u32 v21, $0x7;
	v21 =	vadd.s32 v10, v2  }
0x621: {  	v24 =	vadd.s32 v13, v23;
	v18 =	vld.idx.msk [tilespmem:v18+s2+$0x0], $0xffff  }
0x622: {  	v25 =	vor.u32 v9, v17;
	v26 =	vld.idx.msk [tilespmem:v19+s2+$0x0], $0xffff  }
0x623: {  	v27 =	vadd.s32 v13, v17;
	v29 =	vld.idx.msk [tilespmem:v20+s2+$0x0], $0xffff  }
0x624: {  	v56 =	vadd.s32 s19, v15;
	v19 =	vor.u32 v9, v2;
	v28 =	vld.idx.msk [tilespmem:v22+s2+$0x0], $0xffff  }
0x625: {  	v57 =	vshll.u32 v56, $0x7;
	v2 =	vadd.s32 v11, v2;
	v30 =	vld.idx.msk [tilespmem:v21+s2+$0x0], $0xffff  }
0x626: {  	v59 =	vadd.s32 v12, v57;
	v20 =	vadd.s32 v10, v23;
	v32 =	vld.idx.msk [tilespmem:v24+s2+$0x0], $0xffff  }
0x627: {  	v60 =	vadd.s32 v13, v57;
	v48 =	vor.u32 v9, v57;
	v24 =	vor.u32 v9, v23;
	v33 =	vld.idx.msk [tilespmem:v25+s2+$0x0], $0xffff  }
0x628: {  	v31 =	vadd.s32 v11, v17;
	v17 =	vadd.s32 s20, v16;
	v34 =	vadd.s32 v12, v23;
	v38 =	vld.idx.msk [tilespmem:v27+s2+$0x0], $0xffff  }
0x629: {  	v49 =	vadd.s32 v11, v57;
	v22 =	vshll.u32 v17, $0x7;
	v17 =	vadd.s32 s22, v16;
	v35 =	vld.idx.msk [tilespmem:v19+s2+$0x0], $0xffff  }
0x62a: {  	v36 =	vadd.s32 v11, v23;
	v21 =	vadd.s32 s21, v16;
	v37 =	vshll.u32 v17, $0x7;
	v2 =	vld.idx.msk [tilespmem:v2+s2+$0x0], $0xffff  }
0x62b: {  	v21 =	vshll.u32 v21, $0x7;
	v23 =	vadd.s32 v11, v22;
	v17 =	vadd.s32 v13, v37;
	v39 =	vld.idx.msk [tilespmem:v20+s2+$0x0], $0xffff  }
0x62c: {  	v40 =	vor.u32 v9, v21;
	v42 =	vor.u32 v9, v37;
	v25 =	vadd.s32 v11, v37;
	v43 =	vld.idx.msk [tilespmem:v24+s2+$0x0], $0xffff  }
0x62d: {  	v27 =	vadd.s32 v10, v37;
	v44 =	vmin.f32 v33, v28;
	v24 =	vmax.f32 v33, v28;
	v28 =	vld.idx.msk [tilespmem:v34+s2+$0x0], $0xffff  }
0x62e: {  	v31 =	vld.idx.msk [tilespmem:v31+s2+$0x0], $0xffff;
	v53 =	vadd.s32 v10, v21;
	v19 =	vadd.s32 v12, v22;
	v20 =	vadd.s32 v12, v37  }
0x62f: {  	v41 =	vmax.f32 v26, v18;
	v54 =	vmin.f32 v26, v18;
	v26 =	vadd.s32 v10, v22  }
0x630: {  	v50 =	vmax.f32 v29, v38;
	v34 =	vadd.s32 v10, v57;
	v38 =	vmin.f32 v29, v38  }
0x631: {  	v33 =	vmin.f32 v35, v30;
	v35 =	vmax.f32 v35, v30;
	v55 =	vmin.f32 v2, v41  }
0x632: {  	v2 =	vmax.f32 v2, v41;
	v58 =	vmin.f32 v43, v39;
	v47 =	vmax.f32 v28, v32  }
0x633: {  	v30 =	vld.idx.msk [tilespmem:v36+s2+$0x0], $0xffff;
	v32 =	vmin.f32 v28, v32;
	v28 =	vmax.f32 v31, v50;
	v31 =	vmin.f32 v31, v50  }
0x634: {  	v37 =	vmax.f32 v43, v39;
	v18 =	vmax.f32 v35, v2;
	v45 =	vmin.f32 v55, v54  }
0x635: {  	v46 =	vmax.f32 v55, v54;
	v61 =	vmin.f32 v31, v38;
	v38 =	vmax.f32 v31, v38  }
0x636: {  	v31 =	vadd.s32 v11, v21;
	v35 =	vmin.f32 v35, v2;
	v63 =	vmin.f32 v44, v38  }
0x637: {  	v56 =	vld.idx.msk [tilespmem:v59+s2+$0x0], $0xffff;
	v55 =	vmin.f32 v33, v46;
	v33 =	vmax.f32 v33, v46;
	v62 =	vmin.f32 v63, v61  }
0x638: {  	v54 =	vld.idx.msk [tilespmem:v60+s2+$0x0], $0xffff;
	v59 =	vmin.f32 v55, v45;
	[tilespmem:v40+s8+$0x0] =	vst.idx.msk $0xffff, v62;
	v51 =	vmin.f32 v30, v47  }
0x639: {  	v29 =	vmax.f32 v30, v47;
	v30 =	vmin.f32 v24, v28;
	v52 =	vmax.f32 v51, v32  }
0x63a: {  	v32 =	vmin.f32 v51, v32;
	v51 =	vor.u32 v9, v22;
	v36 =	vmin.f32 v58, v52  }
0x63b: {  	v57 =	vmin.f32 v37, v29;
	v50 =	vmax.f32 v58, v52;
	v58 =	vld.idx.msk [tilespmem:v48+s2+$0x0], $0xffff;
	v52 =	vmin.f32 v36, v32  }
0x63c: {  	v41 =	vmax.f32 v36, v32;
	v32 =	vmax.f32 v44, v38;
	[tilespmem:v42+s8+$0x0] =	vst.idx.msk $0xffff, v52;
	v52 =	vld.idx.msk [tilespmem:v49+s2+$0x0], $0xffff  }
0x63d: {  	v60 =	vmin.f32 v56, v54;
	v38 =	vmax.f32 v63, v61;
	v63 =	vld.idx.msk [tilespmem:v34+s2+$0x0], $0xffff;
	v39 =	vmin.f32 v30, v32  }
0x63e: {  	s18 =	sadd.s32 $0x4, s18;
	v36 =	vmax.f32 v55, v45;
	v34 =	vmax.f32 v57, v50;
	v2 =	vmin.f32 v39, v38  }
0x63f: {  	p0 =	slt.s32 s18, s17;
	v61 =	vmax.f32 v56, v54;
	v49 =	vmin.f32 v57, v50;
	[tilespmem:v53+s8+$0x0] =	vst.idx.msk $0xffff, v2;
	v2 =	vadd.s32 s19, v16  }
.Ltmp57:
0x640: {  	v42 =	vmin.f32 v35, v33;
	v43 =	vmax.f32 v49, v41;
	v40 =	vshll.u32 v2, $0x7;
	(pc) =	sbr.rel @!p0 .LBB2_69-.Ltmp57, $4  }
0x641: {  	[tilespmem:v51+s8+$0x0] =	vst.idx.msk $0xffff, v59;
	v46 =	vadd.s32 v10, v40;
	v62 =	vmin.f32 v52, v61  }
0x642: {  	v45 =	vmax.f32 v52, v61;
	v52 =	vmin.f32 v58, v63;
	v51 =	vmax.f32 v62, v60  }
0x643: {  	v48 =	vmax.f32 v58, v63;
	v2 =	vmin.f32 v62, v60;
	v63 =	vmin.f32 v52, v51  }
0x644: {  	s19 =	sadd.s32 $0x14, s19;
	v44 =	vmin.f32 v48, v45;
	v50 =	vmin.f32 v63, v2;
	v47 =	vmax.f32 v63, v2  }
.LBB2_68:
0x645: {  	s20 =	sadd.s32 $0xFFFFFFF1, s19;
	s21 =	sadd.s32 $0xFFFFFFF6, s19;
	s22 =	sadd.s32 $0xFFFFFFFB, s19;
	v2 =	vmax.f32 v52, v51;
	v45 =	vmax.f32 v48, v45;
	v48 =	vor.u32 v9, v40  }
0x646: {  	s18 =	sadd.s32 $0x4, s18;
	v51 =	vadd.s32 s20, v15;
	v52 =	vadd.s32 s21, v15;
	v53 =	vmin.f32 v44, v2  }
0x647: {  	v54 =	vadd.s32 s22, v15;
	p0 =	slt.s32 s18, s17;
	v51 =	vshll.u32 v51, $0x7;
	v52 =	vshll.u32 v52, $0x7  }
0x648: {  	v57 =	vmax.f32 v42, v36;
	v55 =	vadd.s32 v12, v51;
	v56 =	vadd.s32 v13, v51  }
0x649: {  	v58 =	vadd.s32 s21, v16;
	v60 =	vmin.f32 v53, v47;
	v59 =	vadd.s32 v13, v52  }
0x64a: {  	v58 =	vshll.u32 v58, $0x7;
	v61 =	vadd.s32 v11, v51;
	v62 =	vadd.s32 v11, v52;
	[tilespmem:v48+s8+$0x0] =	vst.idx.msk $0xffff, v50  }
0x64b: {  	v41 =	vmin.f32 v49, v41;
	v48 =	vadd.s32 s20, v16;
	v50 =	vshll.u32 v54, $0x7;
	[tilespmem:v46+s8+$0x0] =	vst.idx.msk $0xffff, v60  }
0x64c: {  	v49 =	vadd.s32 v12, v52;
	v46 =	vor.u32 v9, v51;
	v48 =	vshll.u32 v48, $0x7;
	[tilespmem:v27+s8+$0x0] =	vst.idx.msk $0xffff, v41  }
0x64d: {  	v47 =	vmax.f32 v53, v47;
	v27 =	vor.u32 v9, v52;
	v52 =	vadd.s32 v10, v52;
	v41 =	vld.idx.msk [tilespmem:v56+s2+$0x0], $0xffff  }
0x64e: {  	v2 =	vmax.f32 v44, v2;
	v51 =	vadd.s32 v10, v51;
	v54 =	vadd.s32 v12, v50;
	v53 =	vld.idx.msk [tilespmem:v55+s2+$0x0], $0xffff  }
0x64f: {  	v60 =	vadd.s32 v11, v40;
	v56 =	vadd.s32 v13, v50;
	v55 =	vadd.s32 v11, v50;
	v44 =	vld.idx.msk [tilespmem:v62+s2+$0x0], $0xffff  }
0x650: {  	v63 =	vor.u32 v9, v50;
	v50 =	vadd.s32 v10, v50;
	v62 =	vadd.s32 s22, v16  }
0x651: {  	v38 =	vmax.f32 v39, v38;
	v29 =	vmax.f32 v37, v29;
	v37 =	vadd.s32 v12, v40;
	v49 =	vld.idx.msk [tilespmem:v49+s2+$0x0], $0xffff  }
0x652: {  	v28 =	vmax.f32 v24, v28;
	v39 =	vld.idx.msk [tilespmem:v52+s2+$0x0], $0xffff;
	v52 =	vshll.u32 v62, $0x7;
	[tilespmem:v25+s8+$0x0] =	vst.idx.msk $0xffff, v43  }
0x653: {  	v24 =	vmax.f32 v30, v32;
	v43 =	vld.idx.msk [tilespmem:v51+s2+$0x0], $0xffff;
	v51 =	vadd.s32 v12, v48;
	[tilespmem:v31+s8+$0x0] =	vst.idx.msk $0xffff, v38  }
0x654: {  	v25 =	vmin.f32 v42, v36;
	v31 =	vadd.s32 v13, v40;
	v30 =	vld.idx.msk [tilespmem:v56+s2+$0x0], $0xffff;
	[tilespmem:v60+s8+$0x0] =	vst.idx.msk $0xffff, v47  }
0x655: {  	v33 =	vmax.f32 v35, v33;
	v32 =	vld.idx.msk [tilespmem:v27+s2+$0x0], $0xffff;
	[tilespmem:v26+s8+$0x0] =	vst.idx.msk $0xffff, v25;
	v26 =	vadd.s32 v12, v21  }
0x656: {  	v22 =	vadd.s32 v13, v22;
	v36 =	vadd.s32 v13, v21;
	v35 =	vld.idx.msk [tilespmem:v46+s2+$0x0], $0xffff;
	[tilespmem:v20+s8+$0x0] =	vst.idx.msk $0xffff, v34  }
0x657: {  	v34 =	vadd.s32 v11, v48;
	v21 =	vld.idx.msk [tilespmem:v61+s2+$0x0], $0xffff;
	[tilespmem:v17+s8+$0x0] =	vst.idx.msk $0xffff, v29;
	v17 =	vadd.s32 v13, v52  }
0x658: {  	v40 =	vor.u32 v9, v58;
	v20 =	vadd.s32 v12, v52;
	v42 =	vld.idx.msk [tilespmem:v50+s2+$0x0], $0xffff;
	[tilespmem:v23+s8+$0x0] =	vst.idx.msk $0xffff, v57  }
0x659: {  	v38 =	vor.u32 v9, v52;
	v25 =	vadd.s32 v11, v52;
	v29 =	vld.idx.msk [tilespmem:v59+s2+$0x0], $0xffff;
	[tilespmem:v37+s8+$0x0] =	vst.idx.msk $0xffff, v2  }
0x65a: {  	v27 =	vadd.s32 v10, v52;
	v2 =	vmax.f32 v53, v41;
	v37 =	vld.idx.msk [tilespmem:v63+s2+$0x0], $0xffff;
	[tilespmem:v26+s8+$0x0] =	vst.idx.msk $0xffff, v24  }
0x65b: {  	v23 =	vmin.f32 v53, v41;
	v46 =	vmin.f32 v32, v39;
	v24 =	vmax.f32 v32, v39;
	v32 =	vld.idx.msk [tilespmem:v54+s2+$0x0], $0xffff  }
0x65c: {  	v47 =	vmin.f32 v35, v43;
	v35 =	vmax.f32 v35, v43;
	v39 =	vld.idx.msk [tilespmem:v55+s2+$0x0], $0xffff;
	[tilespmem:v19+s8+$0x0] =	vst.idx.msk $0xffff, v33  }
0x65d: {  	v19 =	vmin.f32 v21, v2;
	v2 =	vmax.f32 v21, v2;
	v21 =	vmov v58;
	[tilespmem:v22+s8+$0x0] =	vst.idx.msk $0xffff, v18  }
0x65e: {  	v0 =	vadd.s32 s19, v15;
	v26 =	vadd.s32 v10, v48;
	v18 =	vmax.f32 v35, v2;
	[tilespmem:v36+s8+$0x0] =	vst.idx.msk $0xffff, v28  }
0x65f: {  	v33 =	vmin.f32 v19, v23;
	v43 =	vmax.f32 v19, v23;
	v36 =	vshll.u32 v0, $0x7;
	[tilespmem:v31+s8+$0x0] =	vst.idx.msk $0xffff, v45  }
0x660: {  	v22 =	vmovc v48;
	v31 =	vmin.f32 v37, v42;
	v41 =	vadd.s32 v12, v36;
	v45 =	vadd.s32 v13, v36  }
0x661: {  	v50 =	vor.u32 v9, v36;
	v52 =	vadd.s32 v11, v36;
	v19 =	vmovc v51;
	v48 =	vmax.f32 v32, v30  }
0x662: {  	v23 =	vmovc v34;
	v51 =	vmax.f32 v49, v29;
	v30 =	vmin.f32 v32, v30;
	v32 =	vmin.f32 v39, v48  }
0x663: {  	v36 =	vadd.s32 v10, v36;
	v28 =	vmax.f32 v44, v51;
	v34 =	vmax.f32 v32, v30  }
0x664: {  	v49 =	vmin.f32 v49, v29;
	v44 =	vmin.f32 v44, v51;
	v29 =	vmax.f32 v39, v48  }
0x665: {  	v39 =	vmin.f32 v44, v49;
	v44 =	vmax.f32 v44, v49;
	v49 =	vmax.f32 v31, v34;
	v45 =	vld.idx.msk [tilespmem:v45+s2+$0x0], $0xffff  }
0x666: {  	v48 =	vadd.s32 v10, v21;
	v32 =	vmin.f32 v32, v30;
	v34 =	vmin.f32 v31, v34;
	v51 =	vld.idx.msk [tilespmem:v41+s2+$0x0], $0xffff  }
0x667: {  	v53 =	vor.u32 v9, v22;
	v31 =	vadd.s32 v11, v21;
	v54 =	vmin.f32 v34, v32;
	v52 =	vld.idx.msk [tilespmem:v52+s2+$0x0], $0xffff  }
0x668: {  	v55 =	vmin.f32 v47, v43;
	v30 =	vmin.f32 v24, v28;
	v41 =	vmax.f32 v34, v32;
	v56 =	vld.idx.msk [tilespmem:v36+s2+$0x0], $0xffff  }
0x669: {  	v34 =	vmin.f32 v46, v44;
	v32 =	vmax.f32 v46, v44;
	[tilespmem:v38+s8+$0x0] =	vst.idx.msk $0xffff, v54;
	v44 =	vld.idx.msk [tilespmem:v50+s2+$0x0], $0xffff  }
0x66a: {  	v37 =	vmax.f32 v37, v42;
	v36 =	vmin.f32 v34, v39;
	v38 =	vmax.f32 v34, v39  }
0x66b: {  	v39 =	vmin.f32 v30, v32;
	v50 =	vmin.f32 v37, v29;
	[tilespmem:v40+s8+$0x0] =	vst.idx.msk $0xffff, v36  }
0x66c: {  	v34 =	vmax.f32 v50, v49;
	v40 =	vmin.f32 v55, v33;
	v36 =	vmax.f32 v55, v33  }
0x66d: {  	v35 =	vmin.f32 v35, v2;
	v2 =	vmin.f32 v39, v38;
	v33 =	vmax.f32 v47, v43  }
0x66e: {  	v42 =	vmin.f32 v51, v45;
	v43 =	vmax.f32 v51, v45;
	[tilespmem:v48+s8+$0x0] =	vst.idx.msk $0xffff, v2;
	v2 =	vadd.s32 s19, v16  }
.Ltmp58:
0x66f: {  	v46 =	vmin.f32 v52, v43;
	v45 =	vmax.f32 v52, v43;
	[tilespmem:v53+s8+$0x0] =	vst.idx.msk $0xffff, v40;
	v40 =	vshll.u32 v2, $0x7;
	(pc) =	sbr.rel @p0 .LBB2_68-.Ltmp58, $4  }
0x670: {  	v51 =	vmax.f32 v46, v42;
	v2 =	vmin.f32 v46, v42;
	v46 =	vadd.s32 v10, v40  }
0x671: {  	v52 =	vmin.f32 v44, v56;
	v48 =	vmax.f32 v44, v56;
	v42 =	vmin.f32 v35, v33  }
0x672: {  	v49 =	vmin.f32 v50, v49;
	v47 =	vmin.f32 v52, v51;
	v44 =	vmin.f32 v48, v45  }
0x673: {  	v43 =	vmax.f32 v49, v41;
	s19 =	sadd.s32 $0x14, s19;
	v50 =	vmin.f32 v47, v2;
	v47 =	vmax.f32 v47, v2  }
.LBB2_69:
0x674: {  	_ =	sdelay $0x2  }
0x675: {  	v2 =	vor.u32 v9, v40;
	v41 =	vmin.f32 v49, v41  }
0x676: {  	v55 =	vmax.f32 v39, v38;
	[tilespmem:v27+s8+$0x0] =	vst.idx.msk $0xffff, v41  }
0x677: {  	v58 =	vmin.f32 v42, v36;
	[tilespmem:v31+s8+$0x0] =	vst.idx.msk $0xffff, v55  }
0x678: {  	[tilespmem:v26+s8+$0x0] =	vst.idx.msk $0xffff, v58  }
0x679: {  	[tilespmem:v25+s8+$0x0] =	vst.idx.msk $0xffff, v43  }
0x67a: {  	v60 =	vmax.f32 v42, v36;
	[tilespmem:v2+s8+$0x0] =	vst.idx.msk $0xffff, v50;
	v2 =	vadd.s32 v11, v40  }
0x67b: {  	v51 =	vmax.f32 v52, v51;
	v57 =	vadd.s32 v12, v40;
	[tilespmem:v23+s8+$0x0] =	vst.idx.msk $0xffff, v60  }
0x67c: {  	v59 =	vmax.f32 v37, v29;
	v52 =	vmin.f32 v44, v51;
	[tilespmem:v20+s8+$0x0] =	vst.idx.msk $0xffff, v34  }
0x67d: {  	v22 =	vadd.s32 v13, v22;
	v53 =	vmin.f32 v52, v47;
	[tilespmem:v17+s8+$0x0] =	vst.idx.msk $0xffff, v59  }
0x67e: {  	v63 =	vadd.s32 v13, v40;
	v56 =	vmax.f32 v52, v47;
	[tilespmem:v46+s8+$0x0] =	vst.idx.msk $0xffff, v53  }
0x67f: {  	v17 =	vmax.f32 v44, v51;
	[tilespmem:v2+s8+$0x0] =	vst.idx.msk $0xffff, v56;
	v2 =	vadd.s32 v12, v21  }
0x680: {  	v61 =	vadd.s32 v13, v21;
	[tilespmem:v57+s8+$0x0] =	vst.idx.msk $0xffff, v17;
	v17 =	vmax.f32 v35, v33  }
0x681: {  	[tilespmem:v19+s8+$0x0] =	vst.idx.msk $0xffff, v17  }
0x682: {  	v17 =	vmax.f32 v48, v45;
	[tilespmem:v22+s8+$0x0] =	vst.idx.msk $0xffff, v18  }
0x683: {  	v62 =	vmax.f32 v30, v32;
	[tilespmem:v63+s8+$0x0] =	vst.idx.msk $0xffff, v17  }
0x684: {  	[tilespmem:v2+s8+$0x0] =	vst.idx.msk $0xffff, v62;
	v2 =	vmax.f32 v24, v28  }
0x685: {  	[tilespmem:v61+s8+$0x0] =	vst.idx.msk $0xffff, v2  }
.LBB2_70:
0x686: {  	p0 =	sgt.s32 s17, s14  }
.Ltmp59:
0x687: {  	_ = 	snop;
	(pc) =	sbr.rel @p0 .LBB2_73-.Ltmp59, $1  }
0x688: {  	_ =	sdelay $0x3  }
0x689: {  	s15 =	ssub.s32 s15, s16;
	s16 =	smul.u32 $0x5, s17  }
0x68a: {  	s15 =	ssub.s32 s14, s15  }
.LBB2_72:
0x68b: {  	v2 =	vadd.s32 s16, v15  }
0x68c: {  	v2 =	vshll.u32 v2, $0x7  }
0x68d: {  	v17 =	vor.u32 v9, v2  }
0x68e: {  	v18 =	vadd.s32 v10, v2  }
0x68f: {  	v19 =	vadd.s32 v12, v2  }
0x690: {  	v20 =	vadd.s32 v13, v2  }
0x691: {  	v2 =	vadd.s32 v11, v2  }
0x692: {  	v17 =	vld.idx.msk [tilespmem:v17+s2+$0x0], $0xffff  }
0x693: {  	v18 =	vld.idx.msk [tilespmem:v18+s2+$0x0], $0xffff  }
0x694: {  	v19 =	vld.idx.msk [tilespmem:v19+s2+$0x0], $0xffff  }
0x695: {  	v20 =	vld.idx.msk [tilespmem:v20+s2+$0x0], $0xffff  }
0x696: {  	v2 =	vld.idx.msk [tilespmem:v2+s2+$0x0], $0xffff;
	_ =	sdelay $0x1  }
0x697: {  	v21 =	vadd.s32 s16, v16  }
0x698: {  	v59 =	vshll.u32 v21, $0x7;
	v22 =	vmin.f32 v17, v18  }
0x699: {  	v17 =	vmax.f32 v17, v18;
	v18 =	vmin.f32 v19, v20;
	v19 =	vmax.f32 v19, v20  }
0x69a: {  	v60 =	vmin.f32 v2, v19;
	v2 =	vmax.f32 v2, v19;
	v19 =	vor.u32 v9, v59  }
0x69b: {  	v61 =	vadd.s32 v10, v59;
	v62 =	vadd.s32 v11, v59;
	v27 =	vadd.s32 v12, v59  }
0x69c: {  	v20 =	vadd.s32 v13, v59;
	v23 =	vmin.f32 v60, v18;
	v18 =	vmax.f32 v60, v18  }
0x69d: {  	s15 =	sadd.s32 $0x1, s15;
	v26 =	vmin.f32 v17, v2;
	v24 =	vmin.f32 v22, v18;
	v18 =	vmax.f32 v22, v18  }
0x69e: {  	p0 =	slt.s32 s15, s14;
	v25 =	vmin.f32 v24, v23;
	v23 =	vmax.f32 v24, v23;
	v63 =	vmin.f32 v26, v18  }
.Ltmp60:
0x69f: {  	[tilespmem:v19+s8+$0x0] =	vst.idx.msk $0xffff, v25;
	v19 =	vmin.f32 v63, v23;
	(pc) =	sbr.rel @p0 .LBB2_72-.Ltmp60, $4  }
0x6a0: {  	[tilespmem:v61+s8+$0x0] =	vst.idx.msk $0xffff, v19;
	v19 =	vmax.f32 v63, v23  }
0x6a1: {  	v18 =	vmax.f32 v26, v18;
	[tilespmem:v62+s8+$0x0] =	vst.idx.msk $0xffff, v19  }
0x6a2: {  	v2 =	vmax.f32 v17, v2;
	[tilespmem:v27+s8+$0x0] =	vst.idx.msk $0xffff, v18  }
0x6a3: {  	s16 =	sadd.s32 $0x5, s16;
	[tilespmem:v20+s8+$0x0] =	vst.idx.msk $0xffff, v2  }
.LBB2_73:
0x6a4: {  	s14 =	sadd.s32 $0x5EA, s12  }
0x6a5: {  	s15 =	sshra.s32 s14, $0x1F  }
0x6a6: {  	s14 =	sor.u32 $0x4, s14;
	s16 =	smul.u32 $0x66666667, s15  }
0x6a7: {  	s17 =	smulhi.u32 $0x66666667, s14  }
0x6a8: {  	s18 =	ssub.s32 s0, s13  }
0x6a9: {  	s19 =	smulhi.u32 $0x66666667, s18;
	s20 =	sshra.s32 s18, $0x1F;
	s16 =	sadd.s32 s16, s17  }
0x6aa: {  	s22 =	smul.u32 $0x66666667, s20;
	s17 =	sshrl.u32 s16, $0x1F;
	s16 =	sshra.s32 s16, $0x1  }
0x6ab: {  	s16 =	sadd.s32 s17, s16  }
0x6ac: {  	p1 =	sgt.s32 s12, $0xFFFFFA15;
	s17 =	sadd.s32 s22, s19;
	s21 =	smul.u32 $0xFFFFFFFB, s16  }
0x6ad: {  	s14 =	ssub.s32 $0x0, s14;
	s22 =	sshrl.u32 s17, $0x1F;
	s17 =	sshra.s32 s17, $0x1  }
0x6ae: {  	s17 =	sadd.s32 s22, s17;
	p0 =	sne.s32 s21, s14;
	s14 =	simm.s32 $0x1  }
0x6af: {  	s14 =	simm.s32 @!p1 $0x0;
	p1 =	sne.s32 s0, s13;
	s13 =	simm.s32 $0x1  }
0x6b0: {  	s19 =	smul.u32 $0xFFFFFFFB, s17;
	s13 =	simm.s32 @!p1 $0x0  }
0x6b1: {  	s14 =	sadd.s32 s14, s15;
	s13 =	sor.u32 s13, s20;
	s20 =	ssub.s32 $0x0, s18  }
0x6b2: {  	p5 =	sne.s32 s14, $0x1;
	p6 =	sne.s32 s13, $0x1;
	p2 =	sne.s32 s19, s20  }
0x6b3: {  	s14 =	simm.s32 $0x1;
	p0 =	por !p0, !p5;
	p1 =	por !p2, !p6  }
0x6b4: {  	s13 =	simm.s32 $0x1;
	p0 =	por !p0, !p0;
	p1 =	por !p1, !p1  }
0x6b5: {  	s13 =	simm.s32 @!p0 $0x0;
	s14 =	simm.s32 @!p1 $0x0  }
0x6b6: {  	s16 =	ssub.s32 s16, s13;
	s12 =	ssub.s32 s17, s14  }
0x6b7: {  	p0 =	sgt.s32 s16, $0x0;
	p1 =	slt.s32 s12, $0x198  }
0x6b8: {  	s16 =	simm.s32 @!p0 $0x0;
	s12 =	simm.s32 @!p1 $0x198  }
0x6b9: {  	s21 =	ssub.s32 s12, s16  }
0x6ba: {  	s13 =	sadd.s32 $0x1, s21  }
0x6bb: {  	s22 =	sshra.s32 s13, $0x1F  }
0x6bc: {  	s14 =	sshrl.u32 s22, $0x1E  }
0x6bd: {  	s14 =	sadd.s32 s14, s13  }
0x6be: {  	s15 =	sand.u32 $0xFFFFFFFC, s14  }
0x6bf: {  	p0 =	slt.s32 s15, $0x1  }
.Ltmp61:
0x6c0: {  	_ = 	snop;
	(pc) =	sbr.rel @p0 .LBB2_77-.Ltmp61, $2  }
0x6c1: {  	_ =	sdelay $0x2  }
0x6c2: {  	v15 =	vadd.s32 v3, v14;
	v14 =	vadd.s32 v4, v14;
	s14 =	sadd.s32 s16, s15  }
0x6c3: {  	s17 =	smul.u32 $0x5, s16;
	_ =	sdelay $0x1  }
0x6c4: {  	s17 =	sadd.s32 $0xF, s17  }
0x6c5: {  	s18 =	sadd.s32 $0xFFFFFFF1, s17  }
0x6c6: {  	v2 =	vadd.s32 s18, v15  }
0x6c7: {  	s19 =	sadd.s32 $0xFFFFFFF6, s17;
	v2 =	vshll.u32 v2, $0x7  }
0x6c8: {  	v16 =	vadd.s32 s19, v15;
	v17 =	vadd.s32 v13, v2  }
0x6c9: {  	v16 =	vshll.u32 v16, $0x7;
	v18 =	vadd.s32 v12, v2  }
0x6ca: {  	s20 =	sadd.s32 $0xFFFFFFFB, s17;
	v19 =	vadd.s32 v12, v16  }
0x6cb: {  	v20 =	vadd.s32 s20, v15;
	v21 =	vadd.s32 v10, v16  }
0x6cc: {  	v22 =	vshll.u32 v20, $0x7;
	v20 =	vadd.s32 v10, v2  }
0x6cd: {  	v23 =	vadd.s32 v13, v22;
	v17 =	vld.idx.msk [tilespmem:v17+s2+$0x0], $0xffff  }
0x6ce: {  	v24 =	vor.u32 v9, v16;
	v25 =	vld.idx.msk [tilespmem:v18+s2+$0x0], $0xffff  }
0x6cf: {  	v26 =	vadd.s32 v13, v16;
	v28 =	vld.idx.msk [tilespmem:v19+s2+$0x0], $0xffff  }
0x6d0: {  	v57 =	vadd.s32 s17, v15;
	v30 =	vadd.s32 v11, v16;
	v27 =	vld.idx.msk [tilespmem:v21+s2+$0x0], $0xffff  }
0x6d1: {  	v58 =	vshll.u32 v57, $0x7;
	v18 =	vor.u32 v9, v2;
	v29 =	vld.idx.msk [tilespmem:v20+s2+$0x0], $0xffff  }
0x6d2: {  	v60 =	vadd.s32 v12, v58;
	v2 =	vadd.s32 v11, v2;
	v31 =	vld.idx.msk [tilespmem:v23+s2+$0x0], $0xffff  }
0x6d3: {  	v61 =	vadd.s32 v13, v58;
	v47 =	vor.u32 v9, v58;
	v19 =	vadd.s32 v10, v22;
	v32 =	vld.idx.msk [tilespmem:v24+s2+$0x0], $0xffff  }
0x6d4: {  	v48 =	vadd.s32 v11, v58;
	v16 =	vadd.s32 s18, v14;
	v23 =	vor.u32 v9, v22;
	v37 =	vld.idx.msk [tilespmem:v26+s2+$0x0], $0xffff  }
0x6d5: {  	v33 =	vadd.s32 v12, v22;
	v35 =	vadd.s32 v11, v22;
	v20 =	vadd.s32 s19, v14;
	v30 =	vld.idx.msk [tilespmem:v30+s2+$0x0], $0xffff  }
0x6d6: {  	v21 =	vshll.u32 v16, $0x7;
	v16 =	vadd.s32 s20, v14;
	v20 =	vshll.u32 v20, $0x7;
	v34 =	vld.idx.msk [tilespmem:v18+s2+$0x0], $0xffff  }
0x6d7: {  	v36 =	vshll.u32 v16, $0x7;
	v22 =	vadd.s32 v11, v21;
	v63 =	vor.u32 v9, v21;
	v2 =	vld.idx.msk [tilespmem:v2+s2+$0x0], $0xffff  }
0x6d8: {  	v16 =	vadd.s32 v13, v36;
	v39 =	vor.u32 v9, v20;
	v41 =	vor.u32 v9, v36;
	v38 =	vld.idx.msk [tilespmem:v19+s2+$0x0], $0xffff  }
0x6d9: {  	v24 =	vadd.s32 v11, v36;
	v26 =	vadd.s32 v10, v36;
	v52 =	vadd.s32 v10, v20;
	v42 =	vld.idx.msk [tilespmem:v23+s2+$0x0], $0xffff  }
0x6da: {  	v18 =	vadd.s32 v12, v21;
	v43 =	vmin.f32 v32, v27;
	v23 =	vmax.f32 v32, v27;
	v27 =	vld.idx.msk [tilespmem:v33+s2+$0x0], $0xffff  }
0x6db: {  	v19 =	vadd.s32 v12, v36;
	v40 =	vmax.f32 v25, v17;
	v55 =	vmin.f32 v25, v17  }
0x6dc: {  	v25 =	vadd.s32 v10, v21;
	v49 =	vmax.f32 v28, v37;
	v33 =	vadd.s32 v10, v58  }
0x6dd: {  	v53 =	vld.idx.msk [tilespmem:v61+s2+$0x0], $0xffff;
	v37 =	vmin.f32 v28, v37;
	v32 =	vmin.f32 v34, v29;
	v34 =	vmax.f32 v34, v29  }
0x6de: {  	v29 =	vld.idx.msk [tilespmem:v35+s2+$0x0], $0xffff;
	v56 =	vmin.f32 v2, v40;
	v2 =	vmax.f32 v2, v40;
	v59 =	vmin.f32 v42, v38  }
0x6df: {  	v58 =	vld.idx.msk [tilespmem:v47+s2+$0x0], $0xffff;
	v46 =	vmax.f32 v27, v31;
	v31 =	vmin.f32 v27, v31;
	v27 =	vmax.f32 v30, v49  }
0x6e0: {  	v30 =	vmin.f32 v30, v49;
	v44 =	vmin.f32 v56, v55;
	v45 =	vmax.f32 v56, v55;
	v55 =	vld.idx.msk [tilespmem:v60+s2+$0x0], $0xffff  }
0x6e1: {  	v17 =	vmax.f32 v34, v2;
	v62 =	vmin.f32 v30, v37;
	v37 =	vmax.f32 v30, v37;
	v56 =	vld.idx.msk [tilespmem:v33+s2+$0x0], $0xffff  }
0x6e2: {  	v30 =	vadd.s32 v11, v20;
	v34 =	vmin.f32 v34, v2;
	v54 =	vmin.f32 v32, v45  }
0x6e3: {  	v36 =	vmin.f32 v43, v37;
	v32 =	vmax.f32 v32, v45;
	v50 =	vmin.f32 v29, v46  }
0x6e4: {  	v48 =	vld.idx.msk [tilespmem:v48+s2+$0x0], $0xffff;
	v28 =	vmax.f32 v29, v46;
	v29 =	vmin.f32 v23, v27;
	v51 =	vmax.f32 v50, v31  }
0x6e5: {  	v31 =	vmin.f32 v50, v31;
	v60 =	vmin.f32 v55, v53;
	v61 =	vmax.f32 v55, v53  }
0x6e6: {  	v47 =	vmax.f32 v58, v56;
	v49 =	vmax.f32 v59, v51;
	v35 =	vmin.f32 v59, v51  }
0x6e7: {  	v59 =	vmin.f32 v54, v44;
	v51 =	vmin.f32 v35, v31;
	v40 =	vmax.f32 v35, v31  }
0x6e8: {  	v31 =	vmax.f32 v43, v37;
	v37 =	vmax.f32 v36, v62;
	[tilespmem:v63+s8+$0x0] =	vst.idx.msk $0xffff, v59  }
0x6e9: {  	v35 =	vmax.f32 v54, v44;
	v44 =	vmax.f32 v48, v61;
	[tilespmem:v41+s8+$0x0] =	vst.idx.msk $0xffff, v51  }
0x6ea: {  	s16 =	sadd.s32 $0x4, s16;
	v51 =	vmin.f32 v36, v62;
	v36 =	vmax.f32 v42, v38;
	v38 =	vmin.f32 v29, v31  }
0x6eb: {  	p0 =	slt.s32 s16, s14;
	v62 =	vmin.f32 v48, v61;
	v41 =	vmin.f32 v34, v32;
	v43 =	vmin.f32 v47, v44  }
.Ltmp62:
0x6ec: {  	[tilespmem:v39+s8+$0x0] =	vst.idx.msk $0xffff, v51;
	v57 =	vmin.f32 v36, v28;
	v2 =	vmin.f32 v38, v37;
	(pc) =	sbr.rel @!p0 .LBB2_76-.Ltmp62, $4  }
0x6ed: {  	v50 =	vmax.f32 v62, v60;
	v51 =	vmin.f32 v58, v56;
	v33 =	vmax.f32 v57, v49  }
0x6ee: {  	[tilespmem:v52+s8+$0x0] =	vst.idx.msk $0xffff, v2;
	v2 =	vadd.s32 s17, v14;
	v48 =	vmin.f32 v57, v49;
	v63 =	vmin.f32 v51, v50  }
0x6ef: {  	v39 =	vshll.u32 v2, $0x7;
	v2 =	vmin.f32 v62, v60;
	v42 =	vmax.f32 v48, v40  }
0x6f0: {  	s17 =	sadd.s32 $0x14, s17;
	v45 =	vadd.s32 v10, v39;
	v49 =	vmin.f32 v63, v2;
	v46 =	vmax.f32 v63, v2  }
.LBB2_75:
0x6f1: {  	s18 =	sadd.s32 $0xFFFFFFF1, s17;
	s19 =	sadd.s32 $0xFFFFFFF6, s17;
	s20 =	sadd.s32 $0xFFFFFFFB, s17;
	v2 =	vmax.f32 v51, v50;
	v44 =	vmax.f32 v47, v44;
	v47 =	vor.u32 v9, v39  }
0x6f2: {  	s16 =	sadd.s32 $0x4, s16;
	v50 =	vadd.s32 s18, v15;
	v51 =	vadd.s32 s19, v15;
	v52 =	vmin.f32 v43, v2  }
0x6f3: {  	v53 =	vadd.s32 s20, v15;
	p0 =	slt.s32 s16, s14;
	v50 =	vshll.u32 v50, $0x7;
	v51 =	vshll.u32 v51, $0x7  }
0x6f4: {  	v56 =	vmax.f32 v41, v35;
	v54 =	vadd.s32 v12, v50;
	v55 =	vadd.s32 v13, v50  }
0x6f5: {  	v57 =	vadd.s32 s19, v14;
	v59 =	vmin.f32 v52, v46;
	v58 =	vadd.s32 v13, v51  }
0x6f6: {  	v57 =	vshll.u32 v57, $0x7;
	v60 =	vadd.s32 v11, v50;
	v61 =	vadd.s32 v11, v51;
	[tilespmem:v47+s8+$0x0] =	vst.idx.msk $0xffff, v49  }
0x6f7: {  	v40 =	vmin.f32 v48, v40;
	v47 =	vadd.s32 s18, v14;
	v49 =	vshll.u32 v53, $0x7;
	[tilespmem:v45+s8+$0x0] =	vst.idx.msk $0xffff, v59  }
0x6f8: {  	v48 =	vadd.s32 v12, v51;
	v45 =	vor.u32 v9, v50;
	v47 =	vshll.u32 v47, $0x7;
	[tilespmem:v26+s8+$0x0] =	vst.idx.msk $0xffff, v40  }
0x6f9: {  	v46 =	vmax.f32 v52, v46;
	v26 =	vor.u32 v9, v51;
	v51 =	vadd.s32 v10, v51;
	v40 =	vld.idx.msk [tilespmem:v55+s2+$0x0], $0xffff  }
0x6fa: {  	v2 =	vmax.f32 v43, v2;
	v50 =	vadd.s32 v10, v50;
	v53 =	vadd.s32 v12, v49;
	v52 =	vld.idx.msk [tilespmem:v54+s2+$0x0], $0xffff  }
0x6fb: {  	v59 =	vadd.s32 v11, v39;
	v55 =	vadd.s32 v13, v49;
	v54 =	vadd.s32 v11, v49;
	v43 =	vld.idx.msk [tilespmem:v61+s2+$0x0], $0xffff  }
0x6fc: {  	v62 =	vor.u32 v9, v49;
	v49 =	vadd.s32 v10, v49;
	v61 =	vadd.s32 s20, v14  }
0x6fd: {  	v37 =	vmax.f32 v38, v37;
	v28 =	vmax.f32 v36, v28;
	v36 =	vadd.s32 v12, v39;
	v48 =	vld.idx.msk [tilespmem:v48+s2+$0x0], $0xffff  }
0x6fe: {  	v27 =	vmax.f32 v23, v27;
	v38 =	vld.idx.msk [tilespmem:v51+s2+$0x0], $0xffff;
	v51 =	vshll.u32 v61, $0x7;
	[tilespmem:v24+s8+$0x0] =	vst.idx.msk $0xffff, v42  }
0x6ff: {  	v23 =	vmax.f32 v29, v31;
	v42 =	vld.idx.msk [tilespmem:v50+s2+$0x0], $0xffff;
	v50 =	vadd.s32 v12, v47;
	[tilespmem:v30+s8+$0x0] =	vst.idx.msk $0xffff, v37  }
0x700: {  	v24 =	vmin.f32 v41, v35;
	v30 =	vadd.s32 v13, v39;
	v29 =	vld.idx.msk [tilespmem:v55+s2+$0x0], $0xffff;
	[tilespmem:v59+s8+$0x0] =	vst.idx.msk $0xffff, v46  }
0x701: {  	v32 =	vmax.f32 v34, v32;
	v31 =	vld.idx.msk [tilespmem:v26+s2+$0x0], $0xffff;
	[tilespmem:v25+s8+$0x0] =	vst.idx.msk $0xffff, v24;
	v25 =	vadd.s32 v12, v20  }
0x702: {  	v21 =	vadd.s32 v13, v21;
	v35 =	vadd.s32 v13, v20;
	v34 =	vld.idx.msk [tilespmem:v45+s2+$0x0], $0xffff;
	[tilespmem:v19+s8+$0x0] =	vst.idx.msk $0xffff, v33  }
0x703: {  	v33 =	vadd.s32 v11, v47;
	v20 =	vld.idx.msk [tilespmem:v60+s2+$0x0], $0xffff;
	[tilespmem:v16+s8+$0x0] =	vst.idx.msk $0xffff, v28;
	v16 =	vadd.s32 v13, v51  }
0x704: {  	v39 =	vor.u32 v9, v57;
	v19 =	vadd.s32 v12, v51;
	v41 =	vld.idx.msk [tilespmem:v49+s2+$0x0], $0xffff;
	[tilespmem:v22+s8+$0x0] =	vst.idx.msk $0xffff, v56  }
0x705: {  	v37 =	vor.u32 v9, v51;
	v24 =	vadd.s32 v11, v51;
	v28 =	vld.idx.msk [tilespmem:v58+s2+$0x0], $0xffff;
	[tilespmem:v36+s8+$0x0] =	vst.idx.msk $0xffff, v2  }
0x706: {  	v26 =	vadd.s32 v10, v51;
	v2 =	vmax.f32 v52, v40;
	v36 =	vld.idx.msk [tilespmem:v62+s2+$0x0], $0xffff;
	[tilespmem:v25+s8+$0x0] =	vst.idx.msk $0xffff, v23  }
0x707: {  	v22 =	vmin.f32 v52, v40;
	v45 =	vmin.f32 v31, v38;
	v23 =	vmax.f32 v31, v38;
	v31 =	vld.idx.msk [tilespmem:v53+s2+$0x0], $0xffff  }
0x708: {  	v46 =	vmin.f32 v34, v42;
	v34 =	vmax.f32 v34, v42;
	v38 =	vld.idx.msk [tilespmem:v54+s2+$0x0], $0xffff;
	[tilespmem:v18+s8+$0x0] =	vst.idx.msk $0xffff, v32  }
0x709: {  	v18 =	vmin.f32 v20, v2;
	v2 =	vmax.f32 v20, v2;
	v20 =	vmov v57;
	[tilespmem:v21+s8+$0x0] =	vst.idx.msk $0xffff, v17  }
0x70a: {  	v0 =	vadd.s32 s17, v15;
	v25 =	vadd.s32 v10, v47;
	v17 =	vmax.f32 v34, v2;
	[tilespmem:v35+s8+$0x0] =	vst.idx.msk $0xffff, v27  }
0x70b: {  	v32 =	vmin.f32 v18, v22;
	v42 =	vmax.f32 v18, v22;
	v35 =	vshll.u32 v0, $0x7;
	[tilespmem:v30+s8+$0x0] =	vst.idx.msk $0xffff, v44  }
0x70c: {  	v21 =	vmovc v47;
	v30 =	vmin.f32 v36, v41;
	v40 =	vadd.s32 v12, v35;
	v44 =	vadd.s32 v13, v35  }
0x70d: {  	v49 =	vor.u32 v9, v35;
	v51 =	vadd.s32 v11, v35;
	v18 =	vmovc v50;
	v47 =	vmax.f32 v31, v29  }
0x70e: {  	v22 =	vmovc v33;
	v50 =	vmax.f32 v48, v28;
	v29 =	vmin.f32 v31, v29;
	v31 =	vmin.f32 v38, v47  }
0x70f: {  	v35 =	vadd.s32 v10, v35;
	v27 =	vmax.f32 v43, v50;
	v33 =	vmax.f32 v31, v29  }
0x710: {  	v48 =	vmin.f32 v48, v28;
	v43 =	vmin.f32 v43, v50;
	v28 =	vmax.f32 v38, v47  }
0x711: {  	v38 =	vmin.f32 v43, v48;
	v43 =	vmax.f32 v43, v48;
	v48 =	vmax.f32 v30, v33;
	v44 =	vld.idx.msk [tilespmem:v44+s2+$0x0], $0xffff  }
0x712: {  	v47 =	vadd.s32 v10, v20;
	v31 =	vmin.f32 v31, v29;
	v33 =	vmin.f32 v30, v33;
	v50 =	vld.idx.msk [tilespmem:v40+s2+$0x0], $0xffff  }
0x713: {  	v52 =	vor.u32 v9, v21;
	v30 =	vadd.s32 v11, v20;
	v53 =	vmin.f32 v33, v31;
	v51 =	vld.idx.msk [tilespmem:v51+s2+$0x0], $0xffff  }
0x714: {  	v54 =	vmin.f32 v46, v42;
	v29 =	vmin.f32 v23, v27;
	v40 =	vmax.f32 v33, v31;
	v55 =	vld.idx.msk [tilespmem:v35+s2+$0x0], $0xffff  }
0x715: {  	v33 =	vmin.f32 v45, v43;
	v31 =	vmax.f32 v45, v43;
	[tilespmem:v37+s8+$0x0] =	vst.idx.msk $0xffff, v53;
	v43 =	vld.idx.msk [tilespmem:v49+s2+$0x0], $0xffff  }
0x716: {  	v36 =	vmax.f32 v36, v41;
	v35 =	vmin.f32 v33, v38;
	v37 =	vmax.f32 v33, v38  }
0x717: {  	v38 =	vmin.f32 v29, v31;
	v49 =	vmin.f32 v36, v28;
	[tilespmem:v39+s8+$0x0] =	vst.idx.msk $0xffff, v35  }
0x718: {  	v33 =	vmax.f32 v49, v48;
	v39 =	vmin.f32 v54, v32;
	v35 =	vmax.f32 v54, v32  }
0x719: {  	v34 =	vmin.f32 v34, v2;
	v2 =	vmin.f32 v38, v37;
	v32 =	vmax.f32 v46, v42  }
0x71a: {  	v41 =	vmin.f32 v50, v44;
	v42 =	vmax.f32 v50, v44;
	[tilespmem:v47+s8+$0x0] =	vst.idx.msk $0xffff, v2;
	v2 =	vadd.s32 s17, v14  }
.Ltmp63:
0x71b: {  	v45 =	vmin.f32 v51, v42;
	v44 =	vmax.f32 v51, v42;
	[tilespmem:v52+s8+$0x0] =	vst.idx.msk $0xffff, v39;
	v39 =	vshll.u32 v2, $0x7;
	(pc) =	sbr.rel @p0 .LBB2_75-.Ltmp63, $4  }
0x71c: {  	v50 =	vmax.f32 v45, v41;
	v2 =	vmin.f32 v45, v41;
	v45 =	vadd.s32 v10, v39  }
0x71d: {  	v51 =	vmin.f32 v43, v55;
	v47 =	vmax.f32 v43, v55;
	v41 =	vmin.f32 v34, v32  }
0x71e: {  	v48 =	vmin.f32 v49, v48;
	v46 =	vmin.f32 v51, v50;
	v43 =	vmin.f32 v47, v44  }
0x71f: {  	v42 =	vmax.f32 v48, v40;
	s17 =	sadd.s32 $0x14, s17;
	v49 =	vmin.f32 v46, v2;
	v46 =	vmax.f32 v46, v2  }
.LBB2_76:
0x720: {  	_ =	sdelay $0x2  }
0x721: {  	v2 =	vor.u32 v9, v39;
	v40 =	vmin.f32 v48, v40  }
0x722: {  	v55 =	vmax.f32 v38, v37;
	[tilespmem:v26+s8+$0x0] =	vst.idx.msk $0xffff, v40  }
0x723: {  	v58 =	vmin.f32 v41, v35;
	[tilespmem:v30+s8+$0x0] =	vst.idx.msk $0xffff, v55  }
0x724: {  	[tilespmem:v25+s8+$0x0] =	vst.idx.msk $0xffff, v58  }
0x725: {  	[tilespmem:v24+s8+$0x0] =	vst.idx.msk $0xffff, v42  }
0x726: {  	v60 =	vmax.f32 v41, v35;
	[tilespmem:v2+s8+$0x0] =	vst.idx.msk $0xffff, v49;
	v2 =	vadd.s32 v11, v39  }
0x727: {  	v50 =	vmax.f32 v51, v50;
	v57 =	vadd.s32 v12, v39;
	[tilespmem:v22+s8+$0x0] =	vst.idx.msk $0xffff, v60  }
0x728: {  	v59 =	vmax.f32 v36, v28;
	v51 =	vmin.f32 v43, v50;
	[tilespmem:v19+s8+$0x0] =	vst.idx.msk $0xffff, v33  }
0x729: {  	v21 =	vadd.s32 v13, v21;
	v52 =	vmin.f32 v51, v46;
	[tilespmem:v16+s8+$0x0] =	vst.idx.msk $0xffff, v59  }
0x72a: {  	v63 =	vadd.s32 v13, v39;
	v56 =	vmax.f32 v51, v46;
	[tilespmem:v45+s8+$0x0] =	vst.idx.msk $0xffff, v52  }
0x72b: {  	v16 =	vmax.f32 v43, v50;
	[tilespmem:v2+s8+$0x0] =	vst.idx.msk $0xffff, v56;
	v2 =	vadd.s32 v12, v20  }
0x72c: {  	v61 =	vadd.s32 v13, v20;
	[tilespmem:v57+s8+$0x0] =	vst.idx.msk $0xffff, v16;
	v16 =	vmax.f32 v34, v32  }
0x72d: {  	[tilespmem:v18+s8+$0x0] =	vst.idx.msk $0xffff, v16  }
0x72e: {  	v16 =	vmax.f32 v47, v44;
	[tilespmem:v21+s8+$0x0] =	vst.idx.msk $0xffff, v17  }
0x72f: {  	v62 =	vmax.f32 v29, v31;
	[tilespmem:v63+s8+$0x0] =	vst.idx.msk $0xffff, v16  }
0x730: {  	[tilespmem:v2+s8+$0x0] =	vst.idx.msk $0xffff, v62;
	v2 =	vmax.f32 v23, v27  }
0x731: {  	[tilespmem:v61+s8+$0x0] =	vst.idx.msk $0xffff, v2  }
.LBB2_77:
0x732: {  	p0 =	sgt.s32 s14, s12  }
.Ltmp64:
0x733: {  	_ = 	snop;
	(pc) =	sbr.rel @p0 .LBB2_80-.Ltmp64, $1  }
0x734: {  	_ =	sdelay $0x3  }
0x735: {  	s13 =	ssub.s32 s13, s15;
	s14 =	smul.u32 $0x5, s14  }
0x736: {  	s13 =	ssub.s32 s12, s13  }
.LBB2_79:
0x737: {  	v2 =	vadd.s32 s14, v15  }
0x738: {  	v2 =	vshll.u32 v2, $0x7  }
0x739: {  	v16 =	vor.u32 v9, v2  }
0x73a: {  	v17 =	vadd.s32 v10, v2  }
0x73b: {  	v18 =	vadd.s32 v12, v2  }
0x73c: {  	v19 =	vadd.s32 v13, v2  }
0x73d: {  	v2 =	vadd.s32 v11, v2  }
0x73e: {  	v16 =	vld.idx.msk [tilespmem:v16+s2+$0x0], $0xffff  }
0x73f: {  	v17 =	vld.idx.msk [tilespmem:v17+s2+$0x0], $0xffff  }
0x740: {  	v18 =	vld.idx.msk [tilespmem:v18+s2+$0x0], $0xffff  }
0x741: {  	v19 =	vld.idx.msk [tilespmem:v19+s2+$0x0], $0xffff  }
0x742: {  	v20 =	vadd.s32 s14, v14;
	v2 =	vld.idx.msk [tilespmem:v2+s2+$0x0], $0xffff  }
0x743: {  	v56 =	vshll.u32 v20, $0x7  }
0x744: {  	v58 =	vor.u32 v9, v56  }
0x745: {  	v59 =	vadd.s32 v10, v56;
	v60 =	vadd.s32 v11, v56;
	v21 =	vmin.f32 v16, v17  }
0x746: {  	v16 =	vmax.f32 v16, v17;
	v17 =	vmin.f32 v18, v19;
	v18 =	vmax.f32 v18, v19  }
0x747: {  	v26 =	vadd.s32 v12, v56;
	v19 =	vadd.s32 v13, v56;
	v57 =	vmin.f32 v2, v18  }
0x748: {  	v2 =	vmax.f32 v2, v18;
	v22 =	vmin.f32 v57, v17;
	v17 =	vmax.f32 v57, v17  }
0x749: {  	s13 =	sadd.s32 $0x1, s13;
	v25 =	vmin.f32 v16, v2;
	v23 =	vmin.f32 v21, v17;
	v17 =	vmax.f32 v21, v17  }
0x74a: {  	p0 =	slt.s32 s13, s12;
	v24 =	vmin.f32 v23, v22;
	v22 =	vmax.f32 v23, v22;
	v61 =	vmin.f32 v25, v17  }
.Ltmp65:
0x74b: {  	[tilespmem:v58+s8+$0x0] =	vst.idx.msk $0xffff, v24;
	v62 =	vmin.f32 v61, v22;
	(pc) =	sbr.rel @p0 .LBB2_79-.Ltmp65, $4  }
0x74c: {  	v63 =	vmax.f32 v61, v22;
	[tilespmem:v59+s8+$0x0] =	vst.idx.msk $0xffff, v62  }
0x74d: {  	v17 =	vmax.f32 v25, v17;
	[tilespmem:v60+s8+$0x0] =	vst.idx.msk $0xffff, v63  }
0x74e: {  	v2 =	vmax.f32 v16, v2;
	[tilespmem:v26+s8+$0x0] =	vst.idx.msk $0xffff, v17  }
0x74f: {  	s14 =	sadd.s32 $0x5, s14;
	[tilespmem:v19+s8+$0x0] =	vst.idx.msk $0xffff, v2  }
.Ltmp66:
0x750: {  	_ = 	snop;
	(pc) =	sbr.rel .LBB2_80-.Ltmp66, $1  }
0x751: {  	_ =	sdelay $0x3  }
.LBB2_81:
0x752: {  	s11 =	rddreg [dreg:$0x16]  }
0x753: {  	[hbm4b:s11+s3] =	stream.strided.scatter [tilespmem:s9], [sflag:$0x1], $0x8000, s4, s3, $0x38;
	[tilespmem:$0x13400] =	vst v63  }
0x754: {  	_ =	swait.ge [sflag:s5], $0x8000  }
0x755: {  	[sflag:s5] =	ssyncset.done $0x0  }
0x756: {  	s11 =	simm.s32 $0x0;
	s12 =	rddreg [dreg:$0x11];
	[sflag:s5] =	ssyncadd.s32 $0xFFFF8000  }
0x757: {  	[tilespmem:s11], [sflag:$0x1] =	stream.strided.gather [hbm4b:s12+s3], $0x1000, s4, s3, $0x38;
	[tilespmem:$0x13400] =	vst v63  }
0x758: {  	_ =	swait.ge [sflag:s5], $0x1000  }
0x759: {  	[sflag:s5] =	ssyncset.done $0x0  }
0x75a: {  	[sflag:s5] =	ssyncadd.s32 $0xFFFFF000  }
0x75b: {  	[tilespmem:s6], [sflag:$0x1] =	stream.strided.gather [hbm4b:s26+s3], $0x8000, s4, s3, $0x38;
	[tilespmem:$0x13400] =	vst v63  }
0x75c: {  	_ =	swait.ge [sflag:s5], $0x8000  }
0x75d: {  	[sflag:s5] =	ssyncset.done $0x0  }
.Ltmp67:
0x75e: {  	s22 =	rddreg [dreg:$0x12];
	[sflag:s5] =	ssyncadd.s32 $0xFFFF8000;
	(pc) =	sbr.rel .LBB2_82-.Ltmp67, $4  }
0x75f: {  	[tilespmem:s7], [sflag:$0x1] =	stream.strided.gather [hbm4b:s22+s3], $0xC00, s4, s3, $0x38;
	[tilespmem:$0x13400] =	vst v63  }
0x760: {  	_ =	swait.ge [sflag:s5], $0xC00  }
0x761: {  	[sflag:s5] =	ssyncset.done $0x0  }
0x762: {  	[sflag:s5] =	ssyncadd.s32 $0xFFFFF400  }
.LBB2_96:
0x763: {  	s11 =	sadd.s32 $0x1, s11  }
0x764: {  	p0 =	sne.s32 s11, $0x8  }
.Ltmp68:
0x765: {  	_ = 	snop;
	(pc) =	sbr.rel @!p0 .LBB2_97-.Ltmp68, $1  }
0x766: {  	_ =	sdelay $0x3  }
.LBB2_82:
0x767: {  	s19 =	sshll.u32 s11, $0x4  }
0x768: {  	s12 =	ssub.s32 s1, s19  }
0x769: {  	s15 =	ssub.s32 s29, s19;
	s13 =	sadd.s32 $0xFFFFFD71, s12  }
0x76a: {  	s16 =	sadd.s32 $0xFFFFFD7F, s15;
	s14 =	smulhi.u32 $0x66666667, s13  }
0x76b: {  	s13 =	sshra.s32 s13, $0x1F;
	s17 =	smulhi.u32 $0x66666667, s16  }
0x76c: {  	s18 =	sshra.s32 s16, $0x1F;
	s13 =	smul.u32 $0x66666667, s13  }
0x76d: {  	s18 =	smul.u32 $0x66666667, s18  }
0x76e: {  	s13 =	sadd.s32 s13, s14  }
0x76f: {  	s17 =	sadd.s32 s18, s17;
	s14 =	sshrl.u32 s13, $0x1F;
	s13 =	sshra.s32 s13, $0x1  }
0x770: {  	s20 =	sshrl.u32 s17, $0x1F;
	s17 =	sshra.s32 s17, $0x1;
	s13 =	sadd.s32 s14, s13  }
0x771: {  	s14 =	sadd.s32 s20, s17;
	s21 =	smul.u32 $0xFFFFFFFB, s13  }
0x772: {  	s20 =	smul.u32 $0xFFFFFFFB, s14  }
0x773: {  	s22 =	ssub.s32 $0x28F, s12;
	p1 =	slt.s32 s12, $0x28F;
	s15 =	ssub.s32 $0x281, s15  }
0x774: {  	p6 =	slt.s32 s16, $0x1;
	p0 =	sne.s32 s21, s22;
	p2 =	sne.s32 s20, s15  }
0x775: {  	s16 =	simm.s32 $0x1;
	p0 =	por !p1, !p0;
	p1 =	por !p6, !p2  }
0x776: {  	s15 =	simm.s32 $0x1;
	p0 =	por !p0, !p0;
	p1 =	por !p1, !p1  }
0x777: {  	s15 =	simm.s32 @!p0 $0x0;
	s16 =	simm.s32 @!p1 $0x0  }
0x778: {  	s18 =	ssub.s32 s13, s15;
	s14 =	ssub.s32 s14, s16  }
0x779: {  	p0 =	sgt.s32 s18, $0x0;
	p1 =	slt.s32 s14, $0x198  }
0x77a: {  	s18 =	simm.s32 @!p0 $0x0;
	s14 =	simm.s32 @!p1 $0x198  }
0x77b: {  	s21 =	ssub.s32 s14, s18  }
0x77c: {  	s15 =	sadd.s32 $0x1, s21  }
0x77d: {  	s13 =	sshra.s32 s15, $0x1F  }
0x77e: {  	s22 =	sshrl.u32 s13, $0x1E  }
0x77f: {  	s16 =	sadd.s32 s22, s15  }
0x780: {  	v2 =	vlaneseq.u32;
	s13 =	sor.u32 $0x280, s19;
	s16 =	sand.u32 $0xFFFFFFFC, s16  }
0x781: {  	v9 =	vor.u32 s19, v2;
	v14 =	vor.u32 s13, v2;
	v2 =	vld [tilespmem:$0x1FFF0];
	p0 =	slt.s32 s16, $0x1  }
.Ltmp69:
0x782: {  	_ = 	snop;
	(pc) =	sbr.rel @p0 .LBB2_86-.Ltmp69, $4  }
0x783: {  	_ = 	snop  }
0x784: {  	v0 =	vlaneseq.u32  }
0x785: {  	v10 =	vadd.s32 s19, v5;
	v11 =	vadd.s32 s19, v6;
	v12 =	vadd.s32 s19, v7  }
0x786: {  	v13 =	vadd.s32 s19, v8;
	v16 =	vadd.s32 v1, v14;
	s17 =	sadd.s32 s18, s16;
	v15 =	vadd.s32 v2, v14  }
0x787: {  	s19 =	smul.u32 $0x5, s18;
	_ =	sdelay $0x1  }
0x788: {  	s19 =	sadd.s32 $0xF, s19  }
0x789: {  	s20 =	sadd.s32 $0xFFFFFFF1, s19  }
0x78a: {  	v2 =	vadd.s32 s20, v15  }
0x78b: {  	s21 =	sadd.s32 $0xFFFFFFF6, s19;
	v2 =	vshll.u32 v2, $0x7  }
0x78c: {  	v17 =	vadd.s32 s21, v15;
	v18 =	vadd.s32 v13, v2  }
0x78d: {  	v17 =	vshll.u32 v17, $0x7;
	v19 =	vadd.s32 v12, v2  }
0x78e: {  	s22 =	sadd.s32 $0xFFFFFFFB, s19;
	v20 =	vadd.s32 v12, v17  }
0x78f: {  	v21 =	vadd.s32 s22, v15;
	v22 =	vadd.s32 v10, v17  }
0x790: {  	v23 =	vshll.u32 v21, $0x7;
	v21 =	vadd.s32 v10, v2  }
0x791: {  	v24 =	vadd.s32 v13, v23;
	v18 =	vld.idx.msk [tilespmem:v18+s2+$0x0], $0xffff  }
0x792: {  	v25 =	vor.u32 v9, v17;
	v26 =	vld.idx.msk [tilespmem:v19+s2+$0x0], $0xffff  }
0x793: {  	v27 =	vadd.s32 v13, v17;
	v29 =	vld.idx.msk [tilespmem:v20+s2+$0x0], $0xffff  }
0x794: {  	v56 =	vadd.s32 s19, v15;
	v19 =	vor.u32 v9, v2;
	v28 =	vld.idx.msk [tilespmem:v22+s2+$0x0], $0xffff  }
0x795: {  	v57 =	vshll.u32 v56, $0x7;
	v2 =	vadd.s32 v11, v2;
	v30 =	vld.idx.msk [tilespmem:v21+s2+$0x0], $0xffff  }
0x796: {  	v59 =	vadd.s32 v12, v57;
	v20 =	vadd.s32 v10, v23;
	v32 =	vld.idx.msk [tilespmem:v24+s2+$0x0], $0xffff  }
0x797: {  	v60 =	vadd.s32 v13, v57;
	v48 =	vor.u32 v9, v57;
	v24 =	vor.u32 v9, v23;
	v33 =	vld.idx.msk [tilespmem:v25+s2+$0x0], $0xffff  }
0x798: {  	v31 =	vadd.s32 v11, v17;
	v17 =	vadd.s32 s20, v16;
	v34 =	vadd.s32 v12, v23;
	v38 =	vld.idx.msk [tilespmem:v27+s2+$0x0], $0xffff  }
0x799: {  	v49 =	vadd.s32 v11, v57;
	v22 =	vshll.u32 v17, $0x7;
	v17 =	vadd.s32 s22, v16;
	v35 =	vld.idx.msk [tilespmem:v19+s2+$0x0], $0xffff  }
0x79a: {  	v36 =	vadd.s32 v11, v23;
	v21 =	vadd.s32 s21, v16;
	v37 =	vshll.u32 v17, $0x7;
	v2 =	vld.idx.msk [tilespmem:v2+s2+$0x0], $0xffff  }
0x79b: {  	v21 =	vshll.u32 v21, $0x7;
	v23 =	vadd.s32 v11, v22;
	v17 =	vadd.s32 v13, v37;
	v39 =	vld.idx.msk [tilespmem:v20+s2+$0x0], $0xffff  }
0x79c: {  	v40 =	vor.u32 v9, v21;
	v42 =	vor.u32 v9, v37;
	v25 =	vadd.s32 v11, v37;
	v43 =	vld.idx.msk [tilespmem:v24+s2+$0x0], $0xffff  }
0x79d: {  	v27 =	vadd.s32 v10, v37;
	v44 =	vmin.f32 v33, v28;
	v24 =	vmax.f32 v33, v28;
	v28 =	vld.idx.msk [tilespmem:v34+s2+$0x0], $0xffff  }
0x79e: {  	v31 =	vld.idx.msk [tilespmem:v31+s2+$0x0], $0xffff;
	v53 =	vadd.s32 v10, v21;
	v19 =	vadd.s32 v12, v22;
	v20 =	vadd.s32 v12, v37  }
0x79f: {  	v41 =	vmax.f32 v26, v18;
	v54 =	vmin.f32 v26, v18;
	v26 =	vadd.s32 v10, v22  }
0x7a0: {  	v50 =	vmax.f32 v29, v38;
	v34 =	vadd.s32 v10, v57;
	v38 =	vmin.f32 v29, v38  }
0x7a1: {  	v33 =	vmin.f32 v35, v30;
	v35 =	vmax.f32 v35, v30;
	v55 =	vmin.f32 v2, v41  }
0x7a2: {  	v2 =	vmax.f32 v2, v41;
	v58 =	vmin.f32 v43, v39;
	v47 =	vmax.f32 v28, v32  }
0x7a3: {  	v30 =	vld.idx.msk [tilespmem:v36+s2+$0x0], $0xffff;
	v32 =	vmin.f32 v28, v32;
	v28 =	vmax.f32 v31, v50;
	v31 =	vmin.f32 v31, v50  }
0x7a4: {  	v37 =	vmax.f32 v43, v39;
	v18 =	vmax.f32 v35, v2;
	v45 =	vmin.f32 v55, v54  }
0x7a5: {  	v46 =	vmax.f32 v55, v54;
	v61 =	vmin.f32 v31, v38;
	v38 =	vmax.f32 v31, v38  }
0x7a6: {  	v31 =	vadd.s32 v11, v21;
	v35 =	vmin.f32 v35, v2;
	v63 =	vmin.f32 v44, v38  }
0x7a7: {  	v56 =	vld.idx.msk [tilespmem:v59+s2+$0x0], $0xffff;
	v55 =	vmin.f32 v33, v46;
	v33 =	vmax.f32 v33, v46;
	v62 =	vmin.f32 v63, v61  }
0x7a8: {  	v54 =	vld.idx.msk [tilespmem:v60+s2+$0x0], $0xffff;
	v59 =	vmin.f32 v55, v45;
	[tilespmem:v40+s8+$0x0] =	vst.idx.msk $0xffff, v62;
	v51 =	vmin.f32 v30, v47  }
0x7a9: {  	v29 =	vmax.f32 v30, v47;
	v30 =	vmin.f32 v24, v28;
	v52 =	vmax.f32 v51, v32  }
0x7aa: {  	v32 =	vmin.f32 v51, v32;
	v51 =	vor.u32 v9, v22;
	v36 =	vmin.f32 v58, v52  }
0x7ab: {  	v57 =	vmin.f32 v37, v29;
	v50 =	vmax.f32 v58, v52;
	v58 =	vld.idx.msk [tilespmem:v48+s2+$0x0], $0xffff;
	v52 =	vmin.f32 v36, v32  }
0x7ac: {  	v41 =	vmax.f32 v36, v32;
	v32 =	vmax.f32 v44, v38;
	[tilespmem:v42+s8+$0x0] =	vst.idx.msk $0xffff, v52;
	v52 =	vld.idx.msk [tilespmem:v49+s2+$0x0], $0xffff  }
0x7ad: {  	v60 =	vmin.f32 v56, v54;
	v38 =	vmax.f32 v63, v61;
	v63 =	vld.idx.msk [tilespmem:v34+s2+$0x0], $0xffff;
	v39 =	vmin.f32 v30, v32  }
0x7ae: {  	s18 =	sadd.s32 $0x4, s18;
	v36 =	vmax.f32 v55, v45;
	v34 =	vmax.f32 v57, v50;
	v2 =	vmin.f32 v39, v38  }
0x7af: {  	p0 =	slt.s32 s18, s17;
	v61 =	vmax.f32 v56, v54;
	v49 =	vmin.f32 v57, v50;
	[tilespmem:v53+s8+$0x0] =	vst.idx.msk $0xffff, v2;
	v2 =	vadd.s32 s19, v16  }
.Ltmp70:
0x7b0: {  	v42 =	vmin.f32 v35, v33;
	v43 =	vmax.f32 v49, v41;
	v40 =	vshll.u32 v2, $0x7;
	(pc) =	sbr.rel @!p0 .LBB2_85-.Ltmp70, $4  }
0x7b1: {  	[tilespmem:v51+s8+$0x0] =	vst.idx.msk $0xffff, v59;
	v46 =	vadd.s32 v10, v40;
	v62 =	vmin.f32 v52, v61  }
0x7b2: {  	v45 =	vmax.f32 v52, v61;
	v52 =	vmin.f32 v58, v63;
	v51 =	vmax.f32 v62, v60  }
0x7b3: {  	v48 =	vmax.f32 v58, v63;
	v2 =	vmin.f32 v62, v60;
	v63 =	vmin.f32 v52, v51  }
0x7b4: {  	s19 =	sadd.s32 $0x14, s19;
	v44 =	vmin.f32 v48, v45;
	v50 =	vmin.f32 v63, v2;
	v47 =	vmax.f32 v63, v2  }
.LBB2_84:
0x7b5: {  	s20 =	sadd.s32 $0xFFFFFFF1, s19;
	s21 =	sadd.s32 $0xFFFFFFF6, s19;
	s22 =	sadd.s32 $0xFFFFFFFB, s19;
	v2 =	vmax.f32 v52, v51;
	v45 =	vmax.f32 v48, v45;
	v48 =	vor.u32 v9, v40  }
0x7b6: {  	s18 =	sadd.s32 $0x4, s18;
	v51 =	vadd.s32 s20, v15;
	v52 =	vadd.s32 s21, v15;
	v53 =	vmin.f32 v44, v2  }
0x7b7: {  	v54 =	vadd.s32 s22, v15;
	p0 =	slt.s32 s18, s17;
	v51 =	vshll.u32 v51, $0x7;
	v52 =	vshll.u32 v52, $0x7  }
0x7b8: {  	v57 =	vmax.f32 v42, v36;
	v55 =	vadd.s32 v12, v51;
	v56 =	vadd.s32 v13, v51  }
0x7b9: {  	v58 =	vadd.s32 s21, v16;
	v60 =	vmin.f32 v53, v47;
	v59 =	vadd.s32 v13, v52  }
0x7ba: {  	v58 =	vshll.u32 v58, $0x7;
	v61 =	vadd.s32 v11, v51;
	v62 =	vadd.s32 v11, v52;
	[tilespmem:v48+s8+$0x0] =	vst.idx.msk $0xffff, v50  }
0x7bb: {  	v41 =	vmin.f32 v49, v41;
	v48 =	vadd.s32 s20, v16;
	v50 =	vshll.u32 v54, $0x7;
	[tilespmem:v46+s8+$0x0] =	vst.idx.msk $0xffff, v60  }
0x7bc: {  	v49 =	vadd.s32 v12, v52;
	v46 =	vor.u32 v9, v51;
	v48 =	vshll.u32 v48, $0x7;
	[tilespmem:v27+s8+$0x0] =	vst.idx.msk $0xffff, v41  }
0x7bd: {  	v47 =	vmax.f32 v53, v47;
	v27 =	vor.u32 v9, v52;
	v52 =	vadd.s32 v10, v52;
	v41 =	vld.idx.msk [tilespmem:v56+s2+$0x0], $0xffff  }
0x7be: {  	v2 =	vmax.f32 v44, v2;
	v51 =	vadd.s32 v10, v51;
	v54 =	vadd.s32 v12, v50;
	v53 =	vld.idx.msk [tilespmem:v55+s2+$0x0], $0xffff  }
0x7bf: {  	v60 =	vadd.s32 v11, v40;
	v56 =	vadd.s32 v13, v50;
	v55 =	vadd.s32 v11, v50;
	v44 =	vld.idx.msk [tilespmem:v62+s2+$0x0], $0xffff  }
0x7c0: {  	v63 =	vor.u32 v9, v50;
	v50 =	vadd.s32 v10, v50;
	v62 =	vadd.s32 s22, v16  }
0x7c1: {  	v38 =	vmax.f32 v39, v38;
	v29 =	vmax.f32 v37, v29;
	v37 =	vadd.s32 v12, v40;
	v49 =	vld.idx.msk [tilespmem:v49+s2+$0x0], $0xffff  }
0x7c2: {  	v28 =	vmax.f32 v24, v28;
	v39 =	vld.idx.msk [tilespmem:v52+s2+$0x0], $0xffff;
	v52 =	vshll.u32 v62, $0x7;
	[tilespmem:v25+s8+$0x0] =	vst.idx.msk $0xffff, v43  }
0x7c3: {  	v24 =	vmax.f32 v30, v32;
	v43 =	vld.idx.msk [tilespmem:v51+s2+$0x0], $0xffff;
	v51 =	vadd.s32 v12, v48;
	[tilespmem:v31+s8+$0x0] =	vst.idx.msk $0xffff, v38  }
0x7c4: {  	v25 =	vmin.f32 v42, v36;
	v31 =	vadd.s32 v13, v40;
	v30 =	vld.idx.msk [tilespmem:v56+s2+$0x0], $0xffff;
	[tilespmem:v60+s8+$0x0] =	vst.idx.msk $0xffff, v47  }
0x7c5: {  	v33 =	vmax.f32 v35, v33;
	v32 =	vld.idx.msk [tilespmem:v27+s2+$0x0], $0xffff;
	[tilespmem:v26+s8+$0x0] =	vst.idx.msk $0xffff, v25;
	v26 =	vadd.s32 v12, v21  }
0x7c6: {  	v22 =	vadd.s32 v13, v22;
	v36 =	vadd.s32 v13, v21;
	v35 =	vld.idx.msk [tilespmem:v46+s2+$0x0], $0xffff;
	[tilespmem:v20+s8+$0x0] =	vst.idx.msk $0xffff, v34  }
0x7c7: {  	v34 =	vadd.s32 v11, v48;
	v21 =	vld.idx.msk [tilespmem:v61+s2+$0x0], $0xffff;
	[tilespmem:v17+s8+$0x0] =	vst.idx.msk $0xffff, v29;
	v17 =	vadd.s32 v13, v52  }
0x7c8: {  	v40 =	vor.u32 v9, v58;
	v20 =	vadd.s32 v12, v52;
	v42 =	vld.idx.msk [tilespmem:v50+s2+$0x0], $0xffff;
	[tilespmem:v23+s8+$0x0] =	vst.idx.msk $0xffff, v57  }
0x7c9: {  	v38 =	vor.u32 v9, v52;
	v25 =	vadd.s32 v11, v52;
	v29 =	vld.idx.msk [tilespmem:v59+s2+$0x0], $0xffff;
	[tilespmem:v37+s8+$0x0] =	vst.idx.msk $0xffff, v2  }
0x7ca: {  	v27 =	vadd.s32 v10, v52;
	v2 =	vmax.f32 v53, v41;
	v37 =	vld.idx.msk [tilespmem:v63+s2+$0x0], $0xffff;
	[tilespmem:v26+s8+$0x0] =	vst.idx.msk $0xffff, v24  }
0x7cb: {  	v23 =	vmin.f32 v53, v41;
	v46 =	vmin.f32 v32, v39;
	v24 =	vmax.f32 v32, v39;
	v32 =	vld.idx.msk [tilespmem:v54+s2+$0x0], $0xffff  }
0x7cc: {  	v47 =	vmin.f32 v35, v43;
	v35 =	vmax.f32 v35, v43;
	v39 =	vld.idx.msk [tilespmem:v55+s2+$0x0], $0xffff;
	[tilespmem:v19+s8+$0x0] =	vst.idx.msk $0xffff, v33  }
0x7cd: {  	v19 =	vmin.f32 v21, v2;
	v2 =	vmax.f32 v21, v2;
	v21 =	vmov v58;
	[tilespmem:v22+s8+$0x0] =	vst.idx.msk $0xffff, v18  }
0x7ce: {  	v50 =	vadd.s32 s19, v15;
	v26 =	vadd.s32 v10, v48;
	v18 =	vmax.f32 v35, v2;
	[tilespmem:v36+s8+$0x0] =	vst.idx.msk $0xffff, v28  }
0x7cf: {  	v33 =	vmin.f32 v19, v23;
	v43 =	vmax.f32 v19, v23;
	v36 =	vshll.u32 v50, $0x7;
	[tilespmem:v31+s8+$0x0] =	vst.idx.msk $0xffff, v45  }
0x7d0: {  	v22 =	vmovc v48;
	v31 =	vmin.f32 v37, v42;
	v41 =	vadd.s32 v12, v36;
	v45 =	vadd.s32 v13, v36  }
0x7d1: {  	v50 =	vor.u32 v9, v36;
	v52 =	vadd.s32 v11, v36;
	v19 =	vmovc v51;
	v48 =	vmax.f32 v32, v30  }
0x7d2: {  	v23 =	vmovc v34;
	v51 =	vmax.f32 v49, v29;
	v30 =	vmin.f32 v32, v30;
	v32 =	vmin.f32 v39, v48  }
0x7d3: {  	v36 =	vadd.s32 v10, v36;
	v28 =	vmax.f32 v44, v51;
	v34 =	vmax.f32 v32, v30  }
0x7d4: {  	v49 =	vmin.f32 v49, v29;
	v44 =	vmin.f32 v44, v51;
	v29 =	vmax.f32 v39, v48  }
0x7d5: {  	v39 =	vmin.f32 v44, v49;
	v44 =	vmax.f32 v44, v49;
	v49 =	vmax.f32 v31, v34;
	v45 =	vld.idx.msk [tilespmem:v45+s2+$0x0], $0xffff  }
0x7d6: {  	v48 =	vadd.s32 v10, v21;
	v32 =	vmin.f32 v32, v30;
	v34 =	vmin.f32 v31, v34;
	v51 =	vld.idx.msk [tilespmem:v41+s2+$0x0], $0xffff  }
0x7d7: {  	v53 =	vor.u32 v9, v22;
	v31 =	vadd.s32 v11, v21;
	v54 =	vmin.f32 v34, v32;
	v52 =	vld.idx.msk [tilespmem:v52+s2+$0x0], $0xffff  }
0x7d8: {  	v55 =	vmin.f32 v47, v43;
	v30 =	vmin.f32 v24, v28;
	v41 =	vmax.f32 v34, v32;
	v56 =	vld.idx.msk [tilespmem:v36+s2+$0x0], $0xffff  }
0x7d9: {  	v34 =	vmin.f32 v46, v44;
	v32 =	vmax.f32 v46, v44;
	[tilespmem:v38+s8+$0x0] =	vst.idx.msk $0xffff, v54;
	v44 =	vld.idx.msk [tilespmem:v50+s2+$0x0], $0xffff  }
0x7da: {  	v37 =	vmax.f32 v37, v42;
	v36 =	vmin.f32 v34, v39;
	v38 =	vmax.f32 v34, v39  }
0x7db: {  	v39 =	vmin.f32 v30, v32;
	v50 =	vmin.f32 v37, v29;
	[tilespmem:v40+s8+$0x0] =	vst.idx.msk $0xffff, v36  }
0x7dc: {  	v34 =	vmax.f32 v50, v49;
	v40 =	vmin.f32 v55, v33;
	v36 =	vmax.f32 v55, v33  }
0x7dd: {  	v35 =	vmin.f32 v35, v2;
	v2 =	vmin.f32 v39, v38;
	v33 =	vmax.f32 v47, v43  }
0x7de: {  	v42 =	vmin.f32 v51, v45;
	v43 =	vmax.f32 v51, v45;
	[tilespmem:v48+s8+$0x0] =	vst.idx.msk $0xffff, v2;
	v2 =	vadd.s32 s19, v16  }
.Ltmp71:
0x7df: {  	v46 =	vmin.f32 v52, v43;
	v45 =	vmax.f32 v52, v43;
	[tilespmem:v53+s8+$0x0] =	vst.idx.msk $0xffff, v40;
	v40 =	vshll.u32 v2, $0x7;
	(pc) =	sbr.rel @p0 .LBB2_84-.Ltmp71, $4  }
0x7e0: {  	v51 =	vmax.f32 v46, v42;
	v2 =	vmin.f32 v46, v42;
	v46 =	vadd.s32 v10, v40  }
0x7e1: {  	v52 =	vmin.f32 v44, v56;
	v48 =	vmax.f32 v44, v56;
	v42 =	vmin.f32 v35, v33  }
0x7e2: {  	v49 =	vmin.f32 v50, v49;
	v47 =	vmin.f32 v52, v51;
	v44 =	vmin.f32 v48, v45  }
0x7e3: {  	v43 =	vmax.f32 v49, v41;
	s19 =	sadd.s32 $0x14, s19;
	v50 =	vmin.f32 v47, v2;
	v47 =	vmax.f32 v47, v2  }
.LBB2_85:
0x7e4: {  	_ =	sdelay $0x2  }
0x7e5: {  	v2 =	vor.u32 v9, v40;
	v41 =	vmin.f32 v49, v41  }
0x7e6: {  	v55 =	vmax.f32 v39, v38;
	[tilespmem:v27+s8+$0x0] =	vst.idx.msk $0xffff, v41  }
0x7e7: {  	v58 =	vmin.f32 v42, v36;
	[tilespmem:v31+s8+$0x0] =	vst.idx.msk $0xffff, v55  }
0x7e8: {  	[tilespmem:v26+s8+$0x0] =	vst.idx.msk $0xffff, v58  }
0x7e9: {  	[tilespmem:v25+s8+$0x0] =	vst.idx.msk $0xffff, v43  }
0x7ea: {  	v60 =	vmax.f32 v42, v36;
	[tilespmem:v2+s8+$0x0] =	vst.idx.msk $0xffff, v50;
	v2 =	vadd.s32 v11, v40  }
0x7eb: {  	v51 =	vmax.f32 v52, v51;
	v57 =	vadd.s32 v12, v40;
	[tilespmem:v23+s8+$0x0] =	vst.idx.msk $0xffff, v60  }
0x7ec: {  	v59 =	vmax.f32 v37, v29;
	v52 =	vmin.f32 v44, v51;
	[tilespmem:v20+s8+$0x0] =	vst.idx.msk $0xffff, v34  }
0x7ed: {  	v22 =	vadd.s32 v13, v22;
	v53 =	vmin.f32 v52, v47;
	[tilespmem:v17+s8+$0x0] =	vst.idx.msk $0xffff, v59  }
0x7ee: {  	v63 =	vadd.s32 v13, v40;
	v56 =	vmax.f32 v52, v47;
	[tilespmem:v46+s8+$0x0] =	vst.idx.msk $0xffff, v53  }
0x7ef: {  	v17 =	vmax.f32 v44, v51;
	[tilespmem:v2+s8+$0x0] =	vst.idx.msk $0xffff, v56;
	v2 =	vadd.s32 v12, v21  }
0x7f0: {  	v61 =	vadd.s32 v13, v21;
	[tilespmem:v57+s8+$0x0] =	vst.idx.msk $0xffff, v17;
	v17 =	vmax.f32 v35, v33  }
0x7f1: {  	[tilespmem:v19+s8+$0x0] =	vst.idx.msk $0xffff, v17  }
0x7f2: {  	v17 =	vmax.f32 v48, v45;
	[tilespmem:v22+s8+$0x0] =	vst.idx.msk $0xffff, v18  }
0x7f3: {  	v62 =	vmax.f32 v30, v32;
	[tilespmem:v63+s8+$0x0] =	vst.idx.msk $0xffff, v17  }
0x7f4: {  	[tilespmem:v2+s8+$0x0] =	vst.idx.msk $0xffff, v62;
	v2 =	vmax.f32 v24, v28  }
0x7f5: {  	[tilespmem:v61+s8+$0x0] =	vst.idx.msk $0xffff, v2  }
.LBB2_86:
0x7f6: {  	p0 =	sgt.s32 s17, s14  }
.Ltmp72:
0x7f7: {  	_ = 	snop;
	(pc) =	sbr.rel @p0 .LBB2_89-.Ltmp72, $1  }
0x7f8: {  	_ =	sdelay $0x3  }
0x7f9: {  	s15 =	ssub.s32 s15, s16;
	s16 =	smul.u32 $0x5, s17  }
0x7fa: {  	s15 =	ssub.s32 s14, s15  }
.LBB2_88:
0x7fb: {  	v2 =	vadd.s32 s16, v15  }
0x7fc: {  	v2 =	vshll.u32 v2, $0x7  }
0x7fd: {  	v17 =	vor.u32 v9, v2  }
0x7fe: {  	v18 =	vadd.s32 v10, v2  }
0x7ff: {  	v19 =	vadd.s32 v12, v2  }
0x800: {  	v20 =	vadd.s32 v13, v2  }
0x801: {  	v2 =	vadd.s32 v11, v2  }
0x802: {  	v17 =	vld.idx.msk [tilespmem:v17+s2+$0x0], $0xffff  }
0x803: {  	v18 =	vld.idx.msk [tilespmem:v18+s2+$0x0], $0xffff  }
0x804: {  	v19 =	vld.idx.msk [tilespmem:v19+s2+$0x0], $0xffff  }
0x805: {  	v20 =	vld.idx.msk [tilespmem:v20+s2+$0x0], $0xffff  }
0x806: {  	v2 =	vld.idx.msk [tilespmem:v2+s2+$0x0], $0xffff;
	_ =	sdelay $0x1  }
0x807: {  	v21 =	vadd.s32 s16, v16  }
0x808: {  	v59 =	vshll.u32 v21, $0x7;
	v22 =	vmin.f32 v17, v18  }
0x809: {  	v17 =	vmax.f32 v17, v18;
	v18 =	vmin.f32 v19, v20;
	v19 =	vmax.f32 v19, v20  }
0x80a: {  	v60 =	vmin.f32 v2, v19;
	v2 =	vmax.f32 v2, v19;
	v19 =	vor.u32 v9, v59  }
0x80b: {  	v61 =	vadd.s32 v10, v59;
	v62 =	vadd.s32 v11, v59;
	v27 =	vadd.s32 v12, v59  }
0x80c: {  	v20 =	vadd.s32 v13, v59;
	v23 =	vmin.f32 v60, v18;
	v18 =	vmax.f32 v60, v18  }
0x80d: {  	s15 =	sadd.s32 $0x1, s15;
	v26 =	vmin.f32 v17, v2;
	v24 =	vmin.f32 v22, v18;
	v18 =	vmax.f32 v22, v18  }
0x80e: {  	p0 =	slt.s32 s15, s14;
	v25 =	vmin.f32 v24, v23;
	v23 =	vmax.f32 v24, v23;
	v63 =	vmin.f32 v26, v18  }
.Ltmp73:
0x80f: {  	[tilespmem:v19+s8+$0x0] =	vst.idx.msk $0xffff, v25;
	v19 =	vmin.f32 v63, v23;
	(pc) =	sbr.rel @p0 .LBB2_88-.Ltmp73, $4  }
0x810: {  	[tilespmem:v61+s8+$0x0] =	vst.idx.msk $0xffff, v19;
	v19 =	vmax.f32 v63, v23  }
0x811: {  	v18 =	vmax.f32 v26, v18;
	[tilespmem:v62+s8+$0x0] =	vst.idx.msk $0xffff, v19  }
0x812: {  	v2 =	vmax.f32 v17, v2;
	[tilespmem:v27+s8+$0x0] =	vst.idx.msk $0xffff, v18  }
0x813: {  	s16 =	sadd.s32 $0x5, s16;
	[tilespmem:v20+s8+$0x0] =	vst.idx.msk $0xffff, v2  }
.LBB2_89:
0x814: {  	s14 =	sadd.s32 $0x56A, s12  }
0x815: {  	s15 =	sshra.s32 s14, $0x1F  }
0x816: {  	s14 =	sor.u32 $0x4, s14;
	s16 =	smul.u32 $0x66666667, s15  }
0x817: {  	s17 =	smulhi.u32 $0x66666667, s14  }
0x818: {  	s18 =	ssub.s32 s0, s13  }
0x819: {  	s19 =	smulhi.u32 $0x66666667, s18;
	s20 =	sshra.s32 s18, $0x1F;
	s16 =	sadd.s32 s16, s17  }
0x81a: {  	s22 =	smul.u32 $0x66666667, s20;
	s17 =	sshrl.u32 s16, $0x1F;
	s16 =	sshra.s32 s16, $0x1  }
0x81b: {  	s16 =	sadd.s32 s17, s16  }
0x81c: {  	p1 =	sgt.s32 s12, $0xFFFFFA95;
	s17 =	sadd.s32 s22, s19;
	s21 =	smul.u32 $0xFFFFFFFB, s16  }
0x81d: {  	s14 =	ssub.s32 $0x0, s14;
	s22 =	sshrl.u32 s17, $0x1F;
	s17 =	sshra.s32 s17, $0x1  }
0x81e: {  	s17 =	sadd.s32 s22, s17;
	p0 =	sne.s32 s21, s14;
	s14 =	simm.s32 $0x1  }
0x81f: {  	s14 =	simm.s32 @!p1 $0x0;
	p1 =	sne.s32 s0, s13;
	s13 =	simm.s32 $0x1  }
0x820: {  	s19 =	smul.u32 $0xFFFFFFFB, s17;
	s13 =	simm.s32 @!p1 $0x0  }
0x821: {  	s14 =	sadd.s32 s14, s15;
	s13 =	sor.u32 s13, s20;
	s20 =	ssub.s32 $0x0, s18  }
0x822: {  	p5 =	sne.s32 s14, $0x1;
	p6 =	sne.s32 s13, $0x1;
	p2 =	sne.s32 s19, s20  }
0x823: {  	s14 =	simm.s32 $0x1;
	p0 =	por !p0, !p5;
	p1 =	por !p2, !p6  }
0x824: {  	s13 =	simm.s32 $0x1;
	p0 =	por !p0, !p0;
	p1 =	por !p1, !p1  }
0x825: {  	s13 =	simm.s32 @!p0 $0x0;
	s14 =	simm.s32 @!p1 $0x0  }
0x826: {  	s16 =	ssub.s32 s16, s13;
	s12 =	ssub.s32 s17, s14  }
0x827: {  	p0 =	sgt.s32 s16, $0x0;
	p1 =	slt.s32 s12, $0x198  }
0x828: {  	s16 =	simm.s32 @!p0 $0x0;
	s12 =	simm.s32 @!p1 $0x198  }
0x829: {  	s21 =	ssub.s32 s12, s16  }
0x82a: {  	s13 =	sadd.s32 $0x1, s21  }
0x82b: {  	s22 =	sshra.s32 s13, $0x1F  }
0x82c: {  	s14 =	sshrl.u32 s22, $0x1E  }
0x82d: {  	s14 =	sadd.s32 s14, s13  }
0x82e: {  	s15 =	sand.u32 $0xFFFFFFFC, s14  }
0x82f: {  	p0 =	slt.s32 s15, $0x1  }
.Ltmp74:
0x830: {  	_ = 	snop;
	(pc) =	sbr.rel @p0 .LBB2_93-.Ltmp74, $2  }
0x831: {  	_ =	sdelay $0x2  }
0x832: {  	v15 =	vadd.s32 v3, v14;
	v14 =	vadd.s32 v4, v14;
	s14 =	sadd.s32 s16, s15  }
0x833: {  	s17 =	smul.u32 $0x5, s16;
	_ =	sdelay $0x1  }
0x834: {  	s17 =	sadd.s32 $0xF, s17  }
0x835: {  	s18 =	sadd.s32 $0xFFFFFFF1, s17  }
0x836: {  	v2 =	vadd.s32 s18, v15  }
0x837: {  	s19 =	sadd.s32 $0xFFFFFFF6, s17;
	v2 =	vshll.u32 v2, $0x7  }
0x838: {  	v16 =	vadd.s32 s19, v15;
	v17 =	vadd.s32 v13, v2  }
0x839: {  	v16 =	vshll.u32 v16, $0x7;
	v18 =	vadd.s32 v12, v2  }
0x83a: {  	s20 =	sadd.s32 $0xFFFFFFFB, s17;
	v19 =	vadd.s32 v12, v16  }
0x83b: {  	v20 =	vadd.s32 s20, v15;
	v21 =	vadd.s32 v10, v16  }
0x83c: {  	v22 =	vshll.u32 v20, $0x7;
	v20 =	vadd.s32 v10, v2  }
0x83d: {  	v23 =	vadd.s32 v13, v22;
	v17 =	vld.idx.msk [tilespmem:v17+s2+$0x0], $0xffff  }
0x83e: {  	v24 =	vor.u32 v9, v16;
	v25 =	vld.idx.msk [tilespmem:v18+s2+$0x0], $0xffff  }
0x83f: {  	v26 =	vadd.s32 v13, v16;
	v28 =	vld.idx.msk [tilespmem:v19+s2+$0x0], $0xffff  }
0x840: {  	v57 =	vadd.s32 s17, v15;
	v30 =	vadd.s32 v11, v16;
	v27 =	vld.idx.msk [tilespmem:v21+s2+$0x0], $0xffff  }
0x841: {  	v58 =	vshll.u32 v57, $0x7;
	v18 =	vor.u32 v9, v2;
	v29 =	vld.idx.msk [tilespmem:v20+s2+$0x0], $0xffff  }
0x842: {  	v60 =	vadd.s32 v12, v58;
	v2 =	vadd.s32 v11, v2;
	v31 =	vld.idx.msk [tilespmem:v23+s2+$0x0], $0xffff  }
0x843: {  	v61 =	vadd.s32 v13, v58;
	v47 =	vor.u32 v9, v58;
	v19 =	vadd.s32 v10, v22;
	v32 =	vld.idx.msk [tilespmem:v24+s2+$0x0], $0xffff  }
0x844: {  	v48 =	vadd.s32 v11, v58;
	v16 =	vadd.s32 s18, v14;
	v23 =	vor.u32 v9, v22;
	v37 =	vld.idx.msk [tilespmem:v26+s2+$0x0], $0xffff  }
0x845: {  	v33 =	vadd.s32 v12, v22;
	v35 =	vadd.s32 v11, v22;
	v20 =	vadd.s32 s19, v14;
	v30 =	vld.idx.msk [tilespmem:v30+s2+$0x0], $0xffff  }
0x846: {  	v21 =	vshll.u32 v16, $0x7;
	v16 =	vadd.s32 s20, v14;
	v20 =	vshll.u32 v20, $0x7;
	v34 =	vld.idx.msk [tilespmem:v18+s2+$0x0], $0xffff  }
0x847: {  	v36 =	vshll.u32 v16, $0x7;
	v22 =	vadd.s32 v11, v21;
	v63 =	vor.u32 v9, v21;
	v2 =	vld.idx.msk [tilespmem:v2+s2+$0x0], $0xffff  }
0x848: {  	v16 =	vadd.s32 v13, v36;
	v39 =	vor.u32 v9, v20;
	v41 =	vor.u32 v9, v36;
	v38 =	vld.idx.msk [tilespmem:v19+s2+$0x0], $0xffff  }
0x849: {  	v24 =	vadd.s32 v11, v36;
	v26 =	vadd.s32 v10, v36;
	v52 =	vadd.s32 v10, v20;
	v42 =	vld.idx.msk [tilespmem:v23+s2+$0x0], $0xffff  }
0x84a: {  	v18 =	vadd.s32 v12, v21;
	v43 =	vmin.f32 v32, v27;
	v23 =	vmax.f32 v32, v27;
	v27 =	vld.idx.msk [tilespmem:v33+s2+$0x0], $0xffff  }
0x84b: {  	v19 =	vadd.s32 v12, v36;
	v40 =	vmax.f32 v25, v17;
	v55 =	vmin.f32 v25, v17  }
0x84c: {  	v25 =	vadd.s32 v10, v21;
	v49 =	vmax.f32 v28, v37;
	v33 =	vadd.s32 v10, v58  }
0x84d: {  	v53 =	vld.idx.msk [tilespmem:v61+s2+$0x0], $0xffff;
	v37 =	vmin.f32 v28, v37;
	v32 =	vmin.f32 v34, v29;
	v34 =	vmax.f32 v34, v29  }
0x84e: {  	v29 =	vld.idx.msk [tilespmem:v35+s2+$0x0], $0xffff;
	v56 =	vmin.f32 v2, v40;
	v2 =	vmax.f32 v2, v40;
	v59 =	vmin.f32 v42, v38  }
0x84f: {  	v58 =	vld.idx.msk [tilespmem:v47+s2+$0x0], $0xffff;
	v46 =	vmax.f32 v27, v31;
	v31 =	vmin.f32 v27, v31;
	v27 =	vmax.f32 v30, v49  }
0x850: {  	v30 =	vmin.f32 v30, v49;
	v44 =	vmin.f32 v56, v55;
	v45 =	vmax.f32 v56, v55;
	v55 =	vld.idx.msk [tilespmem:v60+s2+$0x0], $0xffff  }
0x851: {  	v17 =	vmax.f32 v34, v2;
	v62 =	vmin.f32 v30, v37;
	v37 =	vmax.f32 v30, v37;
	v56 =	vld.idx.msk [tilespmem:v33+s2+$0x0], $0xffff  }
0x852: {  	v30 =	vadd.s32 v11, v20;
	v34 =	vmin.f32 v34, v2;
	v54 =	vmin.f32 v32, v45  }
0x853: {  	v36 =	vmin.f32 v43, v37;
	v32 =	vmax.f32 v32, v45;
	v50 =	vmin.f32 v29, v46  }
0x854: {  	v48 =	vld.idx.msk [tilespmem:v48+s2+$0x0], $0xffff;
	v28 =	vmax.f32 v29, v46;
	v29 =	vmin.f32 v23, v27;
	v51 =	vmax.f32 v50, v31  }
0x855: {  	v31 =	vmin.f32 v50, v31;
	v60 =	vmin.f32 v55, v53;
	v61 =	vmax.f32 v55, v53  }
0x856: {  	v47 =	vmax.f32 v58, v56;
	v49 =	vmax.f32 v59, v51;
	v35 =	vmin.f32 v59, v51  }
0x857: {  	v59 =	vmin.f32 v54, v44;
	v51 =	vmin.f32 v35, v31;
	v40 =	vmax.f32 v35, v31  }
0x858: {  	v31 =	vmax.f32 v43, v37;
	v37 =	vmax.f32 v36, v62;
	[tilespmem:v63+s8+$0x0] =	vst.idx.msk $0xffff, v59  }
0x859: {  	v35 =	vmax.f32 v54, v44;
	v44 =	vmax.f32 v48, v61;
	[tilespmem:v41+s8+$0x0] =	vst.idx.msk $0xffff, v51  }
0x85a: {  	s16 =	sadd.s32 $0x4, s16;
	v51 =	vmin.f32 v36, v62;
	v36 =	vmax.f32 v42, v38;
	v38 =	vmin.f32 v29, v31  }
0x85b: {  	p0 =	slt.s32 s16, s14;
	v62 =	vmin.f32 v48, v61;
	v41 =	vmin.f32 v34, v32;
	v43 =	vmin.f32 v47, v44  }
.Ltmp75:
0x85c: {  	[tilespmem:v39+s8+$0x0] =	vst.idx.msk $0xffff, v51;
	v57 =	vmin.f32 v36, v28;
	v2 =	vmin.f32 v38, v37;
	(pc) =	sbr.rel @!p0 .LBB2_92-.Ltmp75, $4  }
0x85d: {  	v50 =	vmax.f32 v62, v60;
	v51 =	vmin.f32 v58, v56;
	v33 =	vmax.f32 v57, v49  }
0x85e: {  	[tilespmem:v52+s8+$0x0] =	vst.idx.msk $0xffff, v2;
	v2 =	vadd.s32 s17, v14;
	v48 =	vmin.f32 v57, v49;
	v63 =	vmin.f32 v51, v50  }
0x85f: {  	v39 =	vshll.u32 v2, $0x7;
	v2 =	vmin.f32 v62, v60;
	v42 =	vmax.f32 v48, v40  }
0x860: {  	s17 =	sadd.s32 $0x14, s17;
	v45 =	vadd.s32 v10, v39;
	v49 =	vmin.f32 v63, v2;
	v46 =	vmax.f32 v63, v2  }
.LBB2_91:
0x861: {  	s18 =	sadd.s32 $0xFFFFFFF1, s17;
	s19 =	sadd.s32 $0xFFFFFFF6, s17;
	s20 =	sadd.s32 $0xFFFFFFFB, s17;
	v2 =	vmax.f32 v51, v50;
	v44 =	vmax.f32 v47, v44;
	v47 =	vor.u32 v9, v39  }
0x862: {  	s16 =	sadd.s32 $0x4, s16;
	v50 =	vadd.s32 s18, v15;
	v51 =	vadd.s32 s19, v15;
	v52 =	vmin.f32 v43, v2  }
0x863: {  	v53 =	vadd.s32 s20, v15;
	p0 =	slt.s32 s16, s14;
	v50 =	vshll.u32 v50, $0x7;
	v51 =	vshll.u32 v51, $0x7  }
0x864: {  	v56 =	vmax.f32 v41, v35;
	v54 =	vadd.s32 v12, v50;
	v55 =	vadd.s32 v13, v50  }
0x865: {  	v57 =	vadd.s32 s19, v14;
	v59 =	vmin.f32 v52, v46;
	v58 =	vadd.s32 v13, v51  }
0x866: {  	v57 =	vshll.u32 v57, $0x7;
	v60 =	vadd.s32 v11, v50;
	v61 =	vadd.s32 v11, v51;
	[tilespmem:v47+s8+$0x0] =	vst.idx.msk $0xffff, v49  }
0x867: {  	v40 =	vmin.f32 v48, v40;
	v47 =	vadd.s32 s18, v14;
	v49 =	vshll.u32 v53, $0x7;
	[tilespmem:v45+s8+$0x0] =	vst.idx.msk $0xffff, v59  }
0x868: {  	v48 =	vadd.s32 v12, v51;
	v45 =	vor.u32 v9, v50;
	v47 =	vshll.u32 v47, $0x7;
	[tilespmem:v26+s8+$0x0] =	vst.idx.msk $0xffff, v40  }
0x869: {  	v46 =	vmax.f32 v52, v46;
	v26 =	vor.u32 v9, v51;
	v51 =	vadd.s32 v10, v51;
	v40 =	vld.idx.msk [tilespmem:v55+s2+$0x0], $0xffff  }
0x86a: {  	v2 =	vmax.f32 v43, v2;
	v50 =	vadd.s32 v10, v50;
	v53 =	vadd.s32 v12, v49;
	v52 =	vld.idx.msk [tilespmem:v54+s2+$0x0], $0xffff  }
0x86b: {  	v59 =	vadd.s32 v11, v39;
	v55 =	vadd.s32 v13, v49;
	v54 =	vadd.s32 v11, v49;
	v43 =	vld.idx.msk [tilespmem:v61+s2+$0x0], $0xffff  }
0x86c: {  	v62 =	vor.u32 v9, v49;
	v49 =	vadd.s32 v10, v49;
	v61 =	vadd.s32 s20, v14  }
0x86d: {  	v37 =	vmax.f32 v38, v37;
	v28 =	vmax.f32 v36, v28;
	v36 =	vadd.s32 v12, v39;
	v48 =	vld.idx.msk [tilespmem:v48+s2+$0x0], $0xffff  }
0x86e: {  	v27 =	vmax.f32 v23, v27;
	v38 =	vld.idx.msk [tilespmem:v51+s2+$0x0], $0xffff;
	v51 =	vshll.u32 v61, $0x7;
	[tilespmem:v24+s8+$0x0] =	vst.idx.msk $0xffff, v42  }
0x86f: {  	v23 =	vmax.f32 v29, v31;
	v42 =	vld.idx.msk [tilespmem:v50+s2+$0x0], $0xffff;
	v50 =	vadd.s32 v12, v47;
	[tilespmem:v30+s8+$0x0] =	vst.idx.msk $0xffff, v37  }
0x870: {  	v24 =	vmin.f32 v41, v35;
	v30 =	vadd.s32 v13, v39;
	v29 =	vld.idx.msk [tilespmem:v55+s2+$0x0], $0xffff;
	[tilespmem:v59+s8+$0x0] =	vst.idx.msk $0xffff, v46  }
0x871: {  	v32 =	vmax.f32 v34, v32;
	v31 =	vld.idx.msk [tilespmem:v26+s2+$0x0], $0xffff;
	[tilespmem:v25+s8+$0x0] =	vst.idx.msk $0xffff, v24;
	v25 =	vadd.s32 v12, v20  }
0x872: {  	v21 =	vadd.s32 v13, v21;
	v35 =	vadd.s32 v13, v20;
	v34 =	vld.idx.msk [tilespmem:v45+s2+$0x0], $0xffff;
	[tilespmem:v19+s8+$0x0] =	vst.idx.msk $0xffff, v33  }
0x873: {  	v33 =	vadd.s32 v11, v47;
	v20 =	vld.idx.msk [tilespmem:v60+s2+$0x0], $0xffff;
	[tilespmem:v16+s8+$0x0] =	vst.idx.msk $0xffff, v28;
	v16 =	vadd.s32 v13, v51  }
0x874: {  	v39 =	vor.u32 v9, v57;
	v19 =	vadd.s32 v12, v51;
	v41 =	vld.idx.msk [tilespmem:v49+s2+$0x0], $0xffff;
	[tilespmem:v22+s8+$0x0] =	vst.idx.msk $0xffff, v56  }
0x875: {  	v37 =	vor.u32 v9, v51;
	v24 =	vadd.s32 v11, v51;
	v28 =	vld.idx.msk [tilespmem:v58+s2+$0x0], $0xffff;
	[tilespmem:v36+s8+$0x0] =	vst.idx.msk $0xffff, v2  }
0x876: {  	v26 =	vadd.s32 v10, v51;
	v2 =	vmax.f32 v52, v40;
	v36 =	vld.idx.msk [tilespmem:v62+s2+$0x0], $0xffff;
	[tilespmem:v25+s8+$0x0] =	vst.idx.msk $0xffff, v23  }
0x877: {  	v22 =	vmin.f32 v52, v40;
	v45 =	vmin.f32 v31, v38;
	v23 =	vmax.f32 v31, v38;
	v31 =	vld.idx.msk [tilespmem:v53+s2+$0x0], $0xffff  }
0x878: {  	v46 =	vmin.f32 v34, v42;
	v34 =	vmax.f32 v34, v42;
	v38 =	vld.idx.msk [tilespmem:v54+s2+$0x0], $0xffff;
	[tilespmem:v18+s8+$0x0] =	vst.idx.msk $0xffff, v32  }
0x879: {  	v18 =	vmin.f32 v20, v2;
	v2 =	vmax.f32 v20, v2;
	v20 =	vmov v57;
	[tilespmem:v21+s8+$0x0] =	vst.idx.msk $0xffff, v17  }
0x87a: {  	v49 =	vadd.s32 s17, v15;
	v25 =	vadd.s32 v10, v47;
	v17 =	vmax.f32 v34, v2;
	[tilespmem:v35+s8+$0x0] =	vst.idx.msk $0xffff, v27  }
0x87b: {  	v32 =	vmin.f32 v18, v22;
	v42 =	vmax.f32 v18, v22;
	v35 =	vshll.u32 v49, $0x7;
	[tilespmem:v30+s8+$0x0] =	vst.idx.msk $0xffff, v44  }
0x87c: {  	v21 =	vmovc v47;
	v30 =	vmin.f32 v36, v41;
	v40 =	vadd.s32 v12, v35;
	v44 =	vadd.s32 v13, v35  }
0x87d: {  	v49 =	vor.u32 v9, v35;
	v51 =	vadd.s32 v11, v35;
	v18 =	vmovc v50;
	v47 =	vmax.f32 v31, v29  }
0x87e: {  	v22 =	vmovc v33;
	v50 =	vmax.f32 v48, v28;
	v29 =	vmin.f32 v31, v29;
	v31 =	vmin.f32 v38, v47  }
0x87f: {  	v35 =	vadd.s32 v10, v35;
	v27 =	vmax.f32 v43, v50;
	v33 =	vmax.f32 v31, v29  }
0x880: {  	v48 =	vmin.f32 v48, v28;
	v43 =	vmin.f32 v43, v50;
	v28 =	vmax.f32 v38, v47  }
0x881: {  	v38 =	vmin.f32 v43, v48;
	v43 =	vmax.f32 v43, v48;
	v48 =	vmax.f32 v30, v33;
	v44 =	vld.idx.msk [tilespmem:v44+s2+$0x0], $0xffff  }
0x882: {  	v47 =	vadd.s32 v10, v20;
	v31 =	vmin.f32 v31, v29;
	v33 =	vmin.f32 v30, v33;
	v50 =	vld.idx.msk [tilespmem:v40+s2+$0x0], $0xffff  }
0x883: {  	v52 =	vor.u32 v9, v21;
	v30 =	vadd.s32 v11, v20;
	v53 =	vmin.f32 v33, v31;
	v51 =	vld.idx.msk [tilespmem:v51+s2+$0x0], $0xffff  }
0x884: {  	v54 =	vmin.f32 v46, v42;
	v29 =	vmin.f32 v23, v27;
	v40 =	vmax.f32 v33, v31;
	v55 =	vld.idx.msk [tilespmem:v35+s2+$0x0], $0xffff  }
0x885: {  	v33 =	vmin.f32 v45, v43;
	v31 =	vmax.f32 v45, v43;
	[tilespmem:v37+s8+$0x0] =	vst.idx.msk $0xffff, v53;
	v43 =	vld.idx.msk [tilespmem:v49+s2+$0x0], $0xffff  }
0x886: {  	v36 =	vmax.f32 v36, v41;
	v35 =	vmin.f32 v33, v38;
	v37 =	vmax.f32 v33, v38  }
0x887: {  	v38 =	vmin.f32 v29, v31;
	v49 =	vmin.f32 v36, v28;
	[tilespmem:v39+s8+$0x0] =	vst.idx.msk $0xffff, v35  }
0x888: {  	v33 =	vmax.f32 v49, v48;
	v39 =	vmin.f32 v54, v32;
	v35 =	vmax.f32 v54, v32  }
0x889: {  	v34 =	vmin.f32 v34, v2;
	v2 =	vmin.f32 v38, v37;
	v32 =	vmax.f32 v46, v42  }
0x88a: {  	v41 =	vmin.f32 v50, v44;
	v42 =	vmax.f32 v50, v44;
	[tilespmem:v47+s8+$0x0] =	vst.idx.msk $0xffff, v2;
	v2 =	vadd.s32 s17, v14  }
.Ltmp76:
0x88b: {  	v45 =	vmin.f32 v51, v42;
	v44 =	vmax.f32 v51, v42;
	[tilespmem:v52+s8+$0x0] =	vst.idx.msk $0xffff, v39;
	v39 =	vshll.u32 v2, $0x7;
	(pc) =	sbr.rel @p0 .LBB2_91-.Ltmp76, $4  }
0x88c: {  	v50 =	vmax.f32 v45, v41;
	v2 =	vmin.f32 v45, v41;
	v45 =	vadd.s32 v10, v39  }
0x88d: {  	v51 =	vmin.f32 v43, v55;
	v47 =	vmax.f32 v43, v55;
	v41 =	vmin.f32 v34, v32  }
0x88e: {  	v48 =	vmin.f32 v49, v48;
	v46 =	vmin.f32 v51, v50;
	v43 =	vmin.f32 v47, v44  }
0x88f: {  	v42 =	vmax.f32 v48, v40;
	s17 =	sadd.s32 $0x14, s17;
	v49 =	vmin.f32 v46, v2;
	v46 =	vmax.f32 v46, v2  }
.LBB2_92:
0x890: {  	_ =	sdelay $0x2  }
0x891: {  	v2 =	vor.u32 v9, v39;
	v40 =	vmin.f32 v48, v40  }
0x892: {  	v55 =	vmax.f32 v38, v37;
	[tilespmem:v26+s8+$0x0] =	vst.idx.msk $0xffff, v40  }
0x893: {  	v58 =	vmin.f32 v41, v35;
	[tilespmem:v30+s8+$0x0] =	vst.idx.msk $0xffff, v55  }
0x894: {  	[tilespmem:v25+s8+$0x0] =	vst.idx.msk $0xffff, v58  }
0x895: {  	[tilespmem:v24+s8+$0x0] =	vst.idx.msk $0xffff, v42  }
0x896: {  	v60 =	vmax.f32 v41, v35;
	[tilespmem:v2+s8+$0x0] =	vst.idx.msk $0xffff, v49;
	v2 =	vadd.s32 v11, v39  }
0x897: {  	v50 =	vmax.f32 v51, v50;
	v57 =	vadd.s32 v12, v39;
	[tilespmem:v22+s8+$0x0] =	vst.idx.msk $0xffff, v60  }
0x898: {  	v59 =	vmax.f32 v36, v28;
	v51 =	vmin.f32 v43, v50;
	[tilespmem:v19+s8+$0x0] =	vst.idx.msk $0xffff, v33  }
0x899: {  	v21 =	vadd.s32 v13, v21;
	v52 =	vmin.f32 v51, v46;
	[tilespmem:v16+s8+$0x0] =	vst.idx.msk $0xffff, v59  }
0x89a: {  	v63 =	vadd.s32 v13, v39;
	v56 =	vmax.f32 v51, v46;
	[tilespmem:v45+s8+$0x0] =	vst.idx.msk $0xffff, v52  }
0x89b: {  	v16 =	vmax.f32 v43, v50;
	[tilespmem:v2+s8+$0x0] =	vst.idx.msk $0xffff, v56;
	v2 =	vadd.s32 v12, v20  }
0x89c: {  	v61 =	vadd.s32 v13, v20;
	[tilespmem:v57+s8+$0x0] =	vst.idx.msk $0xffff, v16;
	v16 =	vmax.f32 v34, v32  }
0x89d: {  	[tilespmem:v18+s8+$0x0] =	vst.idx.msk $0xffff, v16  }
0x89e: {  	v16 =	vmax.f32 v47, v44;
	[tilespmem:v21+s8+$0x0] =	vst.idx.msk $0xffff, v17  }
0x89f: {  	v62 =	vmax.f32 v29, v31;
	[tilespmem:v63+s8+$0x0] =	vst.idx.msk $0xffff, v16  }
0x8a0: {  	[tilespmem:v2+s8+$0x0] =	vst.idx.msk $0xffff, v62;
	v2 =	vmax.f32 v23, v27  }
0x8a1: {  	[tilespmem:v61+s8+$0x0] =	vst.idx.msk $0xffff, v2  }
.LBB2_93:
0x8a2: {  	p0 =	sgt.s32 s14, s12  }
.Ltmp77:
0x8a3: {  	_ = 	snop;
	(pc) =	sbr.rel @p0 .LBB2_96-.Ltmp77, $1  }
0x8a4: {  	_ =	sdelay $0x3  }
0x8a5: {  	s13 =	ssub.s32 s13, s15;
	s14 =	smul.u32 $0x5, s14  }
0x8a6: {  	s13 =	ssub.s32 s12, s13  }
.LBB2_95:
0x8a7: {  	v2 =	vadd.s32 s14, v15  }
0x8a8: {  	v2 =	vshll.u32 v2, $0x7  }
0x8a9: {  	v16 =	vor.u32 v9, v2  }
0x8aa: {  	v17 =	vadd.s32 v10, v2  }
0x8ab: {  	v18 =	vadd.s32 v12, v2  }
0x8ac: {  	v19 =	vadd.s32 v13, v2  }
0x8ad: {  	v2 =	vadd.s32 v11, v2  }
0x8ae: {  	v16 =	vld.idx.msk [tilespmem:v16+s2+$0x0], $0xffff  }
0x8af: {  	v17 =	vld.idx.msk [tilespmem:v17+s2+$0x0], $0xffff  }
0x8b0: {  	v18 =	vld.idx.msk [tilespmem:v18+s2+$0x0], $0xffff  }
0x8b1: {  	v19 =	vld.idx.msk [tilespmem:v19+s2+$0x0], $0xffff  }
0x8b2: {  	v20 =	vadd.s32 s14, v14;
	v2 =	vld.idx.msk [tilespmem:v2+s2+$0x0], $0xffff  }
0x8b3: {  	v56 =	vshll.u32 v20, $0x7  }
0x8b4: {  	v58 =	vor.u32 v9, v56  }
0x8b5: {  	v59 =	vadd.s32 v10, v56;
	v60 =	vadd.s32 v11, v56;
	v21 =	vmin.f32 v16, v17  }
0x8b6: {  	v16 =	vmax.f32 v16, v17;
	v17 =	vmin.f32 v18, v19;
	v18 =	vmax.f32 v18, v19  }
0x8b7: {  	v26 =	vadd.s32 v12, v56;
	v19 =	vadd.s32 v13, v56;
	v57 =	vmin.f32 v2, v18  }
0x8b8: {  	v2 =	vmax.f32 v2, v18;
	v22 =	vmin.f32 v57, v17;
	v17 =	vmax.f32 v57, v17  }
0x8b9: {  	s13 =	sadd.s32 $0x1, s13;
	v25 =	vmin.f32 v16, v2;
	v23 =	vmin.f32 v21, v17;
	v17 =	vmax.f32 v21, v17  }
0x8ba: {  	p0 =	slt.s32 s13, s12;
	v24 =	vmin.f32 v23, v22;
	v22 =	vmax.f32 v23, v22;
	v61 =	vmin.f32 v25, v17  }
.Ltmp78:
0x8bb: {  	[tilespmem:v58+s8+$0x0] =	vst.idx.msk $0xffff, v24;
	v62 =	vmin.f32 v61, v22;
	(pc) =	sbr.rel @p0 .LBB2_95-.Ltmp78, $4  }
0x8bc: {  	v63 =	vmax.f32 v61, v22;
	[tilespmem:v59+s8+$0x0] =	vst.idx.msk $0xffff, v62  }
0x8bd: {  	v17 =	vmax.f32 v25, v17;
	[tilespmem:v60+s8+$0x0] =	vst.idx.msk $0xffff, v63  }
0x8be: {  	v2 =	vmax.f32 v16, v2;
	[tilespmem:v26+s8+$0x0] =	vst.idx.msk $0xffff, v17  }
0x8bf: {  	s14 =	sadd.s32 $0x5, s14;
	[tilespmem:v19+s8+$0x0] =	vst.idx.msk $0xffff, v2  }
.Ltmp79:
0x8c0: {  	_ = 	snop;
	(pc) =	sbr.rel .LBB2_96-.Ltmp79, $1  }
0x8c1: {  	_ =	sdelay $0x3  }
.LBB2_98:
0x8c2: {  	_ =	sfence.sel $0x180000  }
0x8c3: {  	[bflag:$0x0] =	sbarrier.arrive $0xFFFF  }
0x8c4: {  	_ =	strace $0x90000047  }
0x8c5: {  	s0 =	stileid.u32;
	[bflag:$0x2] =	sbarrier.arrive $0xFFFF  }
0x8c6: {  	p0 =	sne.s32 s0, $0x0;
	s0 =	rddreg [dreg:$0x2]  }
0x8c7: {  	s0 =	sadd.s32 @!p0 $0x100000, s0  }
0x8c8: {  	[sflag:s0] =	ssyncadd.tile.s32 @!p0 $0x1;
	_ =	shalt  }
.Lfunc_end2:
_tile_overlayer_lowered:
.L_overlay_start_2:
0x8c9: {  	(tag) =	ssettag $0x2  }
0x8ca: {  	s0 =	rddreg [dreg:$0x0];
	s2 =	stileid.u32  }
0x8cb: {  	s1 =	rddreg [dreg:$0x1];
	p0 =	sne.s32 s2, $0x0  }
0x8cc: {  	s3 =	rddreg [dreg:$0x2];
	[bflag:$0x3] =	sbarrier.arrive $0xFFFF;
	s2 =	simm.s32 @!p0 $0x1C01  }
0x8cd: {  	[timem:s3], [sflag:s2] =	dma.local @!p0 [hbm:s0], s1  }
0x8ce: {  	s0 =	simm.s32 @!p0 $0x1  }
0x8cf: {  	_ =	swait.ge @!p0 [sflag:s0], s1  }
0x8d0: {  	s1 =	ssub.s32 @!p0 $0x0, s1;
	[sflag:s0] =	ssyncset.done @!p0 $0x0  }
0x8d1: {  	[sflag:s0] =	ssyncadd.s32 @!p0 s1  }
0x8d2: {  	[bflag:$0x3] =	sbarrier.arrive $0xFFFF  }
0x8d3: {  	_ =	shalt  }

</sc_bundles>
